<compile_context>
chip_gen: v7x
topology: tpu7x:2x2x1
jax: 0.10.2.dev20260603
libtpu: 0.0.44.dev20260713+nightly
codegen_flags: <defaults>
</compile_context>

<pallas_src>
import functools

import numpy as np
import jax
import jax.numpy as jnp
from jax import lax
from jax.experimental import pallas as pl
from jax.experimental.pallas import tpu as pltpu
from jax.experimental.pallas import tpu_sc as plsc

N = 10000
E = 160000
D = 256
H = 128
NS = 16
NC = 2
K = 128
EPAD = 163840
CPT = 80
NB = 2
NGRP = CPT // NB
PADID = 10008
NPAD = 10240
STRIPE = NPAD // NS

_mesh = plsc.VectorSubcoreMesh(core_axis_name="c", subcore_axis_name="s")


def _stage_idx(src2d, j, dstb):
    for u in range(8):
        dstb[pl.ds(16 * u, 16)] = src2d[j, pl.ds(16 * u, 16)]


@functools.partial(
    pl.kernel,
    out_type=[
        jax.ShapeDtypeStruct((NPAD, H), jnp.float32),
        jax.ShapeDtypeStruct((NPAD, H), jnp.float32),
    ],
    mesh=_mesh,
    scratch_types=[
        pltpu.VMEM_SHARED((NPAD, H), jnp.float32),
        pltpu.VMEM((CPT, K), jnp.int32),
        pltpu.VMEM((K,), jnp.int32),
        pltpu.VMEM((K,), jnp.int32),
        pltpu.VMEM((K, H), jnp.float32),
        pltpu.SemaphoreType.DMA,
        pltpu.SemaphoreType.DMA,
    ],
)
def _deg_kernel(src_hbm, dst_hbm, zrow, ones_hbm, deg_out, deg_in,
                dacc, idx_all, ib0, ib1, onesb, s0, s1):
    c = lax.axis_index("c")
    s = lax.axis_index("s")
    ibs = (ib0, ib1)
    sems = (s0, s1)
    stripe = s * jnp.int32(STRIPE)
    pltpu.sync_copy(zrow, dacc.at[pl.ds(stripe, STRIPE)])
    pltpu.sync_copy(ones_hbm, onesb)

    @pl.when(c == 0)
    def _():
        pltpu.sync_copy(src_hbm.at[s], idx_all)

    @pl.when(c == 1)
    def _():
        pltpu.sync_copy(dst_hbm.at[s], idx_all)

    plsc.subcore_barrier()

    for b in range(NB):
        _stage_idx(idx_all, jnp.int32(b), ibs[b])
        pltpu.async_copy(onesb, dacc.at[ibs[b]], sems[b], add=True)

    @pl.loop(jnp.int32(0), jnp.int32(NGRP))
    def grp(g):
        for b in range(NB):
            pltpu.make_async_copy(onesb, dacc.at[pl.ds(0, K)], sems[b]).wait()

            @pl.when(g < jnp.int32(NGRP - 1))
            def _():
                jn = g * jnp.int32(NB) + jnp.int32(b + NB)
                _stage_idx(idx_all, jn, ibs[b])
                pltpu.async_copy(onesb, dacc.at[ibs[b]], sems[b], add=True)

    plsc.subcore_barrier()

    @pl.when(c == 0)
    def _():
        pltpu.sync_copy(dacc.at[pl.ds(stripe, STRIPE)],
                        deg_out.at[pl.ds(stripe, STRIPE)])

    @pl.when(c == 1)
    def _():
        pltpu.sync_copy(dacc.at[pl.ds(stripe, STRIPE)],
                        deg_in.at[pl.ds(stripe, STRIPE)])


@functools.partial(
    pl.kernel,
    out_type=[
        jax.ShapeDtypeStruct((NPAD, H), jnp.float32),
        jax.ShapeDtypeStruct((NPAD, H), jnp.float32),
    ],
    mesh=_mesh,
    scratch_types=[
        pltpu.VMEM_SHARED((NPAD, H), jnp.float32),
        pltpu.VMEM((CPT, K), jnp.int32),
        pltpu.VMEM((K,), jnp.int32),
        pltpu.VMEM((K,), jnp.int32),
        pltpu.VMEM((K,), jnp.int32),
        pltpu.VMEM((K,), jnp.int32),
        pltpu.VMEM((K, H), jnp.float32),
        pltpu.VMEM((K, H), jnp.float32),
        pltpu.SemaphoreType.DMA,
        pltpu.SemaphoreType.DMA,
        pltpu.SemaphoreType.DMA,
        pltpu.SemaphoreType.DMA,
        pltpu.SemaphoreType.DMA,
        pltpu.SemaphoreType.DMA,
    ],
)
def _agg_kernel(hna, hnb, src_hbm, dst_hbm, zrow, agga, aggb,
                acc, idxd_all, ib0, ib1, sb0, sb1,
                r0, r1, g0, g1, t0, t1, i0, i1):
    c = lax.axis_index("c")
    s = lax.axis_index("s")
    ibs = (ib0, ib1)
    sbs = (sb0, sb1)
    rows = (r0, r1)
    gs = (g0, g1)
    ss = (t0, t1)
    isems = (i0, i1)
    stripe = s * jnp.int32(STRIPE)
    ebase = s * jnp.int32(CPT * K)
    pltpu.sync_copy(zrow, acc.at[pl.ds(stripe, STRIPE)])
    pltpu.sync_copy(dst_hbm.at[s], idxd_all)
    plsc.subcore_barrier()

    def pipe(hn):
        for b in range(NB):
            pltpu.async_copy(src_hbm.at[pl.ds(ebase + jnp.int32(b * K), K)],
                             sbs[b], isems[b])
        for b in range(NB):
            pltpu.make_async_copy(src_hbm.at[pl.ds(0, K)], sbs[b], isems[b]).wait()
            pltpu.async_copy(hn.at[sbs[b]], rows[b], gs[b])

        @pl.loop(jnp.int32(0), jnp.int32(NGRP))
        def grp(g):
            for b in range(NB):
                j = g * jnp.int32(NB) + jnp.int32(b)
                pltpu.make_async_copy(hn.at[pl.ds(0, K)], rows[b], gs[b]).wait()
                _stage_idx(idxd_all, j, ibs[b])
                pltpu.async_copy(rows[b], acc.at[ibs[b]], ss[b], add=True)

                @pl.when(g < jnp.int32(NGRP - 1))
                def _():
                    pltpu.async_copy(
                        src_hbm.at[pl.ds(ebase + (j + jnp.int32(NB)) * jnp.int32(K), K)],
                        sbs[b], isems[b])
            for b in range(NB):
                pltpu.make_async_copy(rows[b], acc.at[pl.ds(0, K)], ss[b]).wait()

                @pl.when(g < jnp.int32(NGRP - 1))
                def _():
                    pltpu.make_async_copy(src_hbm.at[pl.ds(0, K)], sbs[b], isems[b]).wait()
                    pltpu.async_copy(hn.at[sbs[b]], rows[b], gs[b])

    @pl.when(c == 0)
    def _():
        pipe(hna)

    @pl.when(c == 1)
    def _():
        pipe(hnb)

    plsc.subcore_barrier()

    @pl.when(c == 0)
    def _():
        pltpu.sync_copy(acc.at[pl.ds(stripe, STRIPE)],
                        agga.at[pl.ds(stripe, STRIPE)])

    @pl.when(c == 1)
    def _():
        pltpu.sync_copy(acc.at[pl.ds(stripe, STRIPE)],
                        aggb.at[pl.ds(stripe, STRIPE)])


_RB = 1000
_I0 = np.int32(0)


def _t1_body(x_ref, dego_ref, ha_ref, hb_ref):
    d = dego_ref[:, 0:1]
    sc = lax.rsqrt(jnp.maximum(d, 1.0))
    xv = x_ref[...]
    ha_ref[...] = xv[:, :H] * sc
    hb_ref[...] = xv[:, H:] * sc


_t1 = pl.pallas_call(
    _t1_body,
    grid=(N // _RB,),
    in_specs=[
        pl.BlockSpec((_RB, D), lambda i: (i, _I0)),
        pl.BlockSpec((_RB, H), lambda i: (i, _I0)),
    ],
    out_specs=[
        pl.BlockSpec((_RB, H), lambda i: (i, _I0)),
        pl.BlockSpec((_RB, H), lambda i: (i, _I0)),
    ],
    out_shape=[
        jax.ShapeDtypeStruct((N, H), jnp.float32),
        jax.ShapeDtypeStruct((N, H), jnp.float32),
    ],
)


def _t2_body(aa_ref, ab_ref, degi_ref, dego_ref, w_ref, b_ref, oa_ref, ob_ref):
    si = lax.rsqrt(jnp.maximum(degi_ref[:, 0:1], 1.0))
    so = lax.rsqrt(jnp.maximum(dego_ref[:, 0:1], 1.0))
    h = (jnp.dot(aa_ref[...] * si, w_ref[:H, :],
                 preferred_element_type=jnp.float32)
         + jnp.dot(ab_ref[...] * si, w_ref[H:, :],
                   preferred_element_type=jnp.float32)
         + b_ref[...])
    h = jnp.maximum(h, 0.0) * so
    oa_ref[...] = h[:, :H]
    ob_ref[...] = h[:, H:]


_t2 = pl.pallas_call(
    _t2_body,
    grid=(N // _RB,),
    in_specs=[
        pl.BlockSpec((_RB, H), lambda i: (i, _I0)),
        pl.BlockSpec((_RB, H), lambda i: (i, _I0)),
        pl.BlockSpec((_RB, H), lambda i: (i, _I0)),
        pl.BlockSpec((_RB, H), lambda i: (i, _I0)),
        pl.BlockSpec((D, D), lambda i: (_I0, _I0)),
        pl.BlockSpec((1, D), lambda i: (_I0, _I0)),
    ],
    out_specs=[
        pl.BlockSpec((_RB, H), lambda i: (i, _I0)),
        pl.BlockSpec((_RB, H), lambda i: (i, _I0)),
    ],
    out_shape=[
        jax.ShapeDtypeStruct((N, H), jnp.float32),
        jax.ShapeDtypeStruct((N, H), jnp.float32),
    ],
)


def _t3_body(aa_ref, ab_ref, degi_ref, w_ref, b_ref, o_ref):
    si = lax.rsqrt(jnp.maximum(degi_ref[:, 0:1], 1.0))
    o_ref[...] = (jnp.dot(aa_ref[...] * si, w_ref[:H, :],
                          preferred_element_type=jnp.float32)
                  + jnp.dot(ab_ref[...] * si, w_ref[H:, :],
                            preferred_element_type=jnp.float32)
                  + b_ref[...])


_t3 = pl.pallas_call(
    _t3_body,
    grid=(N // _RB,),
    in_specs=[
        pl.BlockSpec((_RB, H), lambda i: (i, _I0)),
        pl.BlockSpec((_RB, H), lambda i: (i, _I0)),
        pl.BlockSpec((_RB, H), lambda i: (i, _I0)),
        pl.BlockSpec((D, D), lambda i: (_I0, _I0)),
        pl.BlockSpec((1, D), lambda i: (_I0, _I0)),
    ],
    out_specs=pl.BlockSpec((_RB, D), lambda i: (i, _I0)),
    out_shape=jax.ShapeDtypeStruct((N, D), jnp.float32),
)


def kernel(x, edge_index, W1, b1, W2, b2):
    src = edge_index[0].astype(jnp.int32)
    dst = edge_index[1].astype(jnp.int32)
    x = x.astype(jnp.float32)
    W1 = W1.astype(jnp.float32)
    W2 = W2.astype(jnp.float32)
    b1r = b1.astype(jnp.float32).reshape(1, D)
    b2r = b2.astype(jnp.float32).reshape(1, D)

    npadE = EPAD - E
    padv = jnp.full((npadE,), PADID, jnp.int32)
    src_a = jnp.concatenate([src, jnp.zeros((npadE,), jnp.int32)])
    dst_p = jnp.concatenate([dst, padv]).reshape(NS, CPT, K)
    src_p = jnp.concatenate([src, padv]).reshape(NS, CPT, K)

    zrow = jnp.zeros((STRIPE, H), jnp.float32)
    ones128 = jnp.ones((K, H), jnp.float32)

    deg_out, deg_in = _deg_kernel(src_p, dst_p, zrow, ones128)

    hna, hnb = _t1(x, deg_out)
    agga, aggb = _agg_kernel(hna, hnb, src_a, dst_p, zrow)
    hna2, hnb2 = _t2(agga, aggb, deg_in, deg_out, W1, b1r)
    agga2, aggb2 = _agg_kernel(hna2, hnb2, src_a, dst_p, zrow)
    return _t3(agga2, aggb2, deg_in, W2, b2r).astype(jnp.float64)

# --- scband reference (transcript-rebuilt; emitter-appended) ---
"""Pipeline reference for scband-gcn-89129161326901 (READ-ONLY COPY).

The authoritative reference and input builder live on the scoring server;
editing this copy changes nothing except your own understanding.
"""

import jax
jax.config.update("jax_enable_x64", True)
import jax.numpy as jnp
import numpy as np

N = 10000
E = 160000
D_IN = 256
D_HID = 256
D_OUT = 256


def setup_inputs(seed: int = 0) -> dict:
    key = jax.random.key(seed)
    k1, k2, k3, k4, k5, k6 = jax.random.split(key, 6)
    x = jax.random.normal(k1, (N, D_IN), dtype=jnp.float32)
    edge_index = jax.random.randint(k2, (2, E), 0, N, dtype=jnp.int64)
    # DGL GraphConv params: weight [in, out], bias [out]
    W1 = jax.random.normal(k3, (D_IN, D_HID), dtype=jnp.float32) * (1.0 / np.sqrt(D_IN))
    b1 = jnp.zeros((D_HID,), dtype=jnp.float32)
    W2 = jax.random.normal(k4, (D_HID, D_OUT), dtype=jnp.float32) * (1.0 / np.sqrt(D_HID))
    b2 = jnp.zeros((D_OUT,), dtype=jnp.float32)
    return {"x": x, "edge_index": edge_index, "W1": W1, "b1": b1, "W2": W2, "b2": b2}


def _graph_conv(h, src, dst, W, b):
    # DGL GraphConv, norm='both', allow_zero_in_degree=True.
    # in_feats == out_feats so aggregation happens before the matmul
    # (DGL multiplies weight first only when in_feats > out_feats).
    ones = jnp.ones(src.shape[0], dtype=h.dtype)
    deg_out = jax.ops.segment_sum(ones, src, num_segments=N)
    deg_out = jnp.maximum(deg_out, 1.0)  # clamp(min=1), norm='both'
    h = h * (deg_out ** -0.5)[:, None]
    msg = jnp.take(h, src, axis=0)                      # gather (copy_u)
    agg = jax.ops.segment_sum(msg, dst, num_segments=N)  # scatter-add (sum reduce)
    deg_in = jax.ops.segment_sum(ones, dst, num_segments=N)
    deg_in = jnp.maximum(deg_in, 1.0)
    agg = agg * (deg_in ** -0.5)[:, None]
    return agg @ W + b


def reference(x, edge_index, W1, b1, W2, b2):
    src = edge_index[0]
    dst = edge_index[1]
    h = _graph_conv(x, src, dst, W1, b1)
    h = jax.nn.relu(h)
    # dropout is identity in eval mode
    h = _graph_conv(h, src, dst, W2, b2)
    return h

if __name__ == "__main__":
    import jax
    _d = setup_inputs()
    print(jax.jit(kernel)(*tuple(_d.values())))

</pallas_src>

<mosaic_0001>
#map = affine_map<(d0, d1) -> (0, 0, 0)>
#map1 = affine_map<(d0, d1) -> (0, 0)>
module attributes {stable_mosaic.version = 14 : i64} {
  func.func @_deg_kernel(%arg0: i32, %arg1: i32, %arg2: memref<16x80x128xi32, #tpu.memory_space<hbm>>, %arg3: memref<16x80x128xi32, #tpu.memory_space<hbm>>, %arg4: memref<640x128xf32, #tpu.memory_space<hbm>>, %arg5: memref<128x128xf32, #tpu.memory_space<hbm>>, %arg6: memref<10240x128xf32, #tpu.memory_space<hbm>>, %arg7: memref<10240x128xf32, #tpu.memory_space<hbm>>, %arg8: memref<10240x128xf32, #tpu.memory_space<vmem_shared>>, %arg9: memref<80x128xi32, #tpu.memory_space<vmem>>, %arg10: memref<128xi32, #tpu.memory_space<vmem>>, %arg11: memref<128xi32, #tpu.memory_space<vmem>>, %arg12: memref<128x128xf32, #tpu.memory_space<vmem>>, %arg13: memref<!tpu.dma_semaphore, #tpu.memory_space<semaphore_mem>>, %arg14: memref<!tpu.dma_semaphore, #tpu.memory_space<semaphore_mem>>) attributes {dimension_semantics = [#tpu.dimension_semantics<core_parallel>, #tpu.dimension_semantics<subcore_parallel>], iteration_bounds = array<i64: 2, 16>, scalar_prefetch = 0 : i64, scratch_operands = 7 : i64, tpu.core_type = #tpu.core_type<sc_vector_subcore>, window_params = [{transform_indices = #map}, {transform_indices = #map}, {transform_indices = #map1}, {transform_indices = #map1}, {transform_indices = #map1}, {transform_indices = #map1}]} {
    %mul3A = arith.constant 640 : i32
    %mul3A_0 = arith.muli %arg1, %mul3A : i32
    "tpu.region"() ({
      %run_scoped3A = tpu.sem_alloc : memref<!tpu.dma_semaphore, #tpu.memory_space<semaphore_mem>>
      %dma_start3A_182 = arith.constant 0 : i32
      %dma_start3A_183 = tpu.memref_slice %arg8[%mul3A_0, %dma_start3A_182] : memref<10240x128xf32, #tpu.memory_space<vmem_shared>> -> memref<640x128xf32, #tpu.memory_space<vmem_shared>>
      tpu.enqueue_dma source(%arg4 : memref<640x128xf32, #tpu.memory_space<hbm>>) target(%dma_start3A_183 : memref<640x128xf32, #tpu.memory_space<vmem_shared>>) target_semaphore(%run_scoped3A : memref<!tpu.dma_semaphore, #tpu.memory_space<semaphore_mem>>)
      %dma_wait3A = arith.constant 0 : i32
      %dma_wait3A_184 = tpu.memref_slice %arg8[%mul3A_0, %dma_wait3A] : memref<10240x128xf32, #tpu.memory_space<vmem_shared>> -> memref<640x128xf32, #tpu.memory_space<vmem_shared>>
      tpu.wait_dma2 semaphore(%run_scoped3A : memref<!tpu.dma_semaphore, #tpu.memory_space<semaphore_mem>>) src(%arg4 : memref<640x128xf32, #tpu.memory_space<hbm>>) dst(%dma_wait3A_184 : memref<640x128xf32, #tpu.memory_space<vmem_shared>>)
      tpu.yield
    }) : () -> ()
    "tpu.region"() ({
      %run_scoped3A = tpu.sem_alloc : memref<!tpu.dma_semaphore, #tpu.memory_space<semaphore_mem>>
      tpu.enqueue_dma source(%arg5 : memref<128x128xf32, #tpu.memory_space<hbm>>) target(%arg12 : memref<128x128xf32, #tpu.memory_space<vmem>>) target_semaphore(%run_scoped3A : memref<!tpu.dma_semaphore, #tpu.memory_space<semaphore_mem>>)
      tpu.wait_dma2 semaphore(%run_scoped3A : memref<!tpu.dma_semaphore, #tpu.memory_space<semaphore_mem>>) src(%arg5 : memref<128x128xf32, #tpu.memory_space<hbm>>) dst(%arg12 : memref<128x128xf32, #tpu.memory_space<vmem>>)
      tpu.yield
    }) : () -> ()
    %eq3A = arith.constant 0 : i32
    %eq3A_1 = arith.cmpi eq, %arg0, %eq3A : i32
    %convert_element_type3A = arith.extui %eq3A_1 : i1 to i32
    %cond3A = arith.constant 0 : i32
    %cond3A_2 = arith.cmpi ne, %convert_element_type3A, %cond3A : i32
    scf.if %cond3A_2 {
      "tpu.region"() ({
        %run_scoped3A = tpu.sem_alloc : memref<!tpu.dma_semaphore, #tpu.memory_space<semaphore_mem>>
        %dma_start3A_182 = arith.constant 0 : i32
        %dma_start3A_183 = arith.constant 0 : i32
        %dma_start3A_184 = tpu.memref_slice %arg2[%arg1, %dma_start3A_182, %dma_start3A_183] : memref<16x80x128xi32, #tpu.memory_space<hbm>> -> memref<1x80x128xi32, #tpu.memory_space<hbm>>
        %dma_start3A_185 = tpu.memref_squeeze %dma_start3A_184 : memref<1x80x128xi32, #tpu.memory_space<hbm>> -> memref<80x128xi32, #tpu.memory_space<hbm>>
        %dma_start3A_186 = arith.constant 0 : i32
        %dma_start3A_187 = arith.constant 0 : i32
        %dma_start3A_188 = tpu.memref_slice %arg2[%arg1, %dma_start3A_186, %dma_start3A_187] : memref<16x80x128xi32, #tpu.memory_space<hbm>> -> memref<1x80x128xi32, #tpu.memory_space<hbm>>
        %dma_start3A_189 = tpu.memref_squeeze %dma_start3A_188 : memref<1x80x128xi32, #tpu.memory_space<hbm>> -> memref<80x128xi32, #tpu.memory_space<hbm>>
        tpu.enqueue_dma source(%dma_start3A_189 : memref<80x128xi32, #tpu.memory_space<hbm>>) target(%arg9 : memref<80x128xi32, #tpu.memory_space<vmem>>) target_semaphore(%run_scoped3A : memref<!tpu.dma_semaphore, #tpu.memory_space<semaphore_mem>>)
        %dma_wait3A = arith.constant 0 : i32
        %dma_wait3A_190 = arith.constant 0 : i32
        %dma_wait3A_191 = tpu.memref_slice %arg2[%arg1, %dma_wait3A, %dma_wait3A_190] : memref<16x80x128xi32, #tpu.memory_space<hbm>> -> memref<1x80x128xi32, #tpu.memory_space<hbm>>
        %dma_wait3A_192 = tpu.memref_squeeze %dma_wait3A_191 : memref<1x80x128xi32, #tpu.memory_space<hbm>> -> memref<80x128xi32, #tpu.memory_space<hbm>>
        %dma_wait3A_193 = arith.constant 0 : i32
        %dma_wait3A_194 = arith.constant 0 : i32
        %dma_wait3A_195 = tpu.memref_slice %arg2[%arg1, %dma_wait3A_193, %dma_wait3A_194] : memref<16x80x128xi32, #tpu.memory_space<hbm>> -> memref<1x80x128xi32, #tpu.memory_space<hbm>>
        %dma_wait3A_196 = tpu.memref_squeeze %dma_wait3A_195 : memref<1x80x128xi32, #tpu.memory_space<hbm>> -> memref<80x128xi32, #tpu.memory_space<hbm>>
        tpu.wait_dma2 semaphore(%run_scoped3A : memref<!tpu.dma_semaphore, #tpu.memory_space<semaphore_mem>>) src(%dma_wait3A_196 : memref<80x128xi32, #tpu.memory_space<hbm>>) dst(%arg9 : memref<80x128xi32, #tpu.memory_space<vmem>>)
        tpu.yield
      }) : () -> ()
    } else {
    }
    %eq3A_3 = arith.constant 1 : i32
    %eq3A_4 = arith.cmpi eq, %arg0, %eq3A_3 : i32
    %convert_element_type3A_5 = arith.extui %eq3A_4 : i1 to i32
    %cond3A_6 = arith.constant 0 : i32
    %cond3A_7 = arith.cmpi ne, %convert_element_type3A_5, %cond3A_6 : i32
    scf.if %cond3A_7 {
      "tpu.region"() ({
        %run_scoped3A = tpu.sem_alloc : memref<!tpu.dma_semaphore, #tpu.memory_space<semaphore_mem>>
        %dma_start3A_182 = arith.constant 0 : i32
        %dma_start3A_183 = arith.constant 0 : i32
        %dma_start3A_184 = tpu.memref_slice %arg3[%arg1, %dma_start3A_182, %dma_start3A_183] : memref<16x80x128xi32, #tpu.memory_space<hbm>> -> memref<1x80x128xi32, #tpu.memory_space<hbm>>
        %dma_start3A_185 = tpu.memref_squeeze %dma_start3A_184 : memref<1x80x128xi32, #tpu.memory_space<hbm>> -> memref<80x128xi32, #tpu.memory_space<hbm>>
        %dma_start3A_186 = arith.constant 0 : i32
        %dma_start3A_187 = arith.constant 0 : i32
        %dma_start3A_188 = tpu.memref_slice %arg3[%arg1, %dma_start3A_186, %dma_start3A_187] : memref<16x80x128xi32, #tpu.memory_space<hbm>> -> memref<1x80x128xi32, #tpu.memory_space<hbm>>
        %dma_start3A_189 = tpu.memref_squeeze %dma_start3A_188 : memref<1x80x128xi32, #tpu.memory_space<hbm>> -> memref<80x128xi32, #tpu.memory_space<hbm>>
        tpu.enqueue_dma source(%dma_start3A_189 : memref<80x128xi32, #tpu.memory_space<hbm>>) target(%arg9 : memref<80x128xi32, #tpu.memory_space<vmem>>) target_semaphore(%run_scoped3A : memref<!tpu.dma_semaphore, #tpu.memory_space<semaphore_mem>>)
        %dma_wait3A = arith.constant 0 : i32
        %dma_wait3A_190 = arith.constant 0 : i32
        %dma_wait3A_191 = tpu.memref_slice %arg3[%arg1, %dma_wait3A, %dma_wait3A_190] : memref<16x80x128xi32, #tpu.memory_space<hbm>> -> memref<1x80x128xi32, #tpu.memory_space<hbm>>
        %dma_wait3A_192 = tpu.memref_squeeze %dma_wait3A_191 : memref<1x80x128xi32, #tpu.memory_space<hbm>> -> memref<80x128xi32, #tpu.memory_space<hbm>>
        %dma_wait3A_193 = arith.constant 0 : i32
        %dma_wait3A_194 = arith.constant 0 : i32
        %dma_wait3A_195 = tpu.memref_slice %arg3[%arg1, %dma_wait3A_193, %dma_wait3A_194] : memref<16x80x128xi32, #tpu.memory_space<hbm>> -> memref<1x80x128xi32, #tpu.memory_space<hbm>>
        %dma_wait3A_196 = tpu.memref_squeeze %dma_wait3A_195 : memref<1x80x128xi32, #tpu.memory_space<hbm>> -> memref<80x128xi32, #tpu.memory_space<hbm>>
        tpu.wait_dma2 semaphore(%run_scoped3A : memref<!tpu.dma_semaphore, #tpu.memory_space<semaphore_mem>>) src(%dma_wait3A_196 : memref<80x128xi32, #tpu.memory_space<hbm>>) dst(%arg9 : memref<80x128xi32, #tpu.memory_space<vmem>>)
        tpu.yield
      }) : () -> ()
    } else {
    }
    %barrier3A = arith.constant 0 : index
    tpu.barrier barrier_id(%barrier3A)
    %get3A = arith.constant 0 : i32
    %get3A_8 = arith.index_cast %get3A : i32 to index
    %get3A_9 = arith.constant 0 : index
    %get3A_10 = tpu.vector_load %arg9[%get3A_8, %get3A_9] {strides = array<i32>} : memref<80x128xi32, #tpu.memory_space<vmem>>, vector<1x16xi32>,
    %get3A_11 = vector.shape_cast %get3A_10 : vector<1x16xi32> to vector<16xi32>
    %swap3A = arith.constant 0 : index
    %swap3A_12 = tpu.vector_load %arg10[%swap3A] {strides = array<i32>} : memref<128xi32, #tpu.memory_space<vmem>>, vector<16xi32>,
    %swap3A_13 = vector.shape_cast %swap3A_12 : vector<16xi32> to vector<16xi32>
    %swap3A_14 = vector.shape_cast %get3A_11 : vector<16xi32> to vector<16xi32>
    tpu.vector_store %arg10[%swap3A], %swap3A_14 {strides = array<i32>} : memref<128xi32, #tpu.memory_space<vmem>>, vector<16xi32>,
    %get3A_15 = arith.constant 0 : i32
    %get3A_16 = arith.index_cast %get3A_15 : i32 to index
    %get3A_17 = arith.constant 16 : index
    %get3A_18 = tpu.vector_load %arg9[%get3A_16, %get3A_17] {strides = array<i32>} : memref<80x128xi32, #tpu.memory_space<vmem>>, vector<1x16xi32>,
    %get3A_19 = vector.shape_cast %get3A_18 : vector<1x16xi32> to vector<16xi32>
    %swap3A_20 = arith.constant 16 : index
    %swap3A_21 = tpu.vector_load %arg10[%swap3A_20] {strides = array<i32>} : memref<128xi32, #tpu.memory_space<vmem>>, vector<16xi32>,
    %swap3A_22 = vector.shape_cast %swap3A_21 : vector<16xi32> to vector<16xi32>
    %swap3A_23 = vector.shape_cast %get3A_19 : vector<16xi32> to vector<16xi32>
    tpu.vector_store %arg10[%swap3A_20], %swap3A_23 {strides = array<i32>} : memref<128xi32, #tpu.memory_space<vmem>>, vector<16xi32>,
    %get3A_24 = arith.constant 0 : i32
    %get3A_25 = arith.index_cast %get3A_24 : i32 to index
    %get3A_26 = arith.constant 32 : index
    %get3A_27 = tpu.vector_load %arg9[%get3A_25, %get3A_26] {strides = array<i32>} : memref<80x128xi32, #tpu.memory_space<vmem>>, vector<1x16xi32>,
    %get3A_28 = vector.shape_cast %get3A_27 : vector<1x16xi32> to vector<16xi32>
    %swap3A_29 = arith.constant 32 : index
    %swap3A_30 = tpu.vector_load %arg10[%swap3A_29] {strides = array<i32>} : memref<128xi32, #tpu.memory_space<vmem>>, vector<16xi32>,
    %swap3A_31 = vector.shape_cast %swap3A_30 : vector<16xi32> to vector<16xi32>
    %swap3A_32 = vector.shape_cast %get3A_28 : vector<16xi32> to vector<16xi32>
    tpu.vector_store %arg10[%swap3A_29], %swap3A_32 {strides = array<i32>} : memref<128xi32, #tpu.memory_space<vmem>>, vector<16xi32>,
    %get3A_33 = arith.constant 0 : i32
    %get3A_34 = arith.index_cast %get3A_33 : i32 to index
    %get3A_35 = arith.constant 48 : index
    %get3A_36 = tpu.vector_load %arg9[%get3A_34, %get3A_35] {strides = array<i32>} : memref<80x128xi32, #tpu.memory_space<vmem>>, vector<1x16xi32>,
    %get3A_37 = vector.shape_cast %get3A_36 : vector<1x16xi32> to vector<16xi32>
    %swap3A_38 = arith.constant 48 : index
    %swap3A_39 = tpu.vector_load %arg10[%swap3A_38] {strides = array<i32>} : memref<128xi32, #tpu.memory_space<vmem>>, vector<16xi32>,
    %swap3A_40 = vector.shape_cast %swap3A_39 : vector<16xi32> to vector<16xi32>
    %swap3A_41 = vector.shape_cast %get3A_37 : vector<16xi32> to vector<16xi32>
    tpu.vector_store %arg10[%swap3A_38], %swap3A_41 {strides = array<i32>} : memref<128xi32, #tpu.memory_space<vmem>>, vector<16xi32>,
    %get3A_42 = arith.constant 0 : i32
    %get3A_43 = arith.index_cast %get3A_42 : i32 to index
    %get3A_44 = arith.constant 64 : index
    %get3A_45 = tpu.vector_load %arg9[%get3A_43, %get3A_44] {strides = array<i32>} : memref<80x128xi32, #tpu.memory_space<vmem>>, vector<1x16xi32>,
    %get3A_46 = vector.shape_cast %get3A_45 : vector<1x16xi32> to vector<16xi32>
    %swap3A_47 = arith.constant 64 : index
    %swap3A_48 = tpu.vector_load %arg10[%swap3A_47] {strides = array<i32>} : memref<128xi32, #tpu.memory_space<vmem>>, vector<16xi32>,
    %swap3A_49 = vector.shape_cast %swap3A_48 : vector<16xi32> to vector<16xi32>
    %swap3A_50 = vector.shape_cast %get3A_46 : vector<16xi32> to vector<16xi32>
    tpu.vector_store %arg10[%swap3A_47], %swap3A_50 {strides = array<i32>} : memref<128xi32, #tpu.memory_space<vmem>>, vector<16xi32>,
    %get3A_51 = arith.constant 0 : i32
    %get3A_52 = arith.index_cast %get3A_51 : i32 to index
    %get3A_53 = arith.constant 80 : index
    %get3A_54 = tpu.vector_load %arg9[%get3A_52, %get3A_53] {strides = array<i32>} : memref<80x128xi32, #tpu.memory_space<vmem>>, vector<1x16xi32>,
    %get3A_55 = vector.shape_cast %get3A_54 : vector<1x16xi32> to vector<16xi32>
    %swap3A_56 = arith.constant 80 : index
    %swap3A_57 = tpu.vector_load %arg10[%swap3A_56] {strides = array<i32>} : memref<128xi32, #tpu.memory_space<vmem>>, vector<16xi32>,
    %swap3A_58 = vector.shape_cast %swap3A_57 : vector<16xi32> to vector<16xi32>
    %swap3A_59 = vector.shape_cast %get3A_55 : vector<16xi32> to vector<16xi32>
    tpu.vector_store %arg10[%swap3A_56], %swap3A_59 {strides = array<i32>} : memref<128xi32, #tpu.memory_space<vmem>>, vector<16xi32>,
    %get3A_60 = arith.constant 0 : i32
    %get3A_61 = arith.index_cast %get3A_60 : i32 to index
    %get3A_62 = arith.constant 96 : index
    %get3A_63 = tpu.vector_load %arg9[%get3A_61, %get3A_62] {strides = array<i32>} : memref<80x128xi32, #tpu.memory_space<vmem>>, vector<1x16xi32>,
    %get3A_64 = vector.shape_cast %get3A_63 : vector<1x16xi32> to vector<16xi32>
    %swap3A_65 = arith.constant 96 : index
    %swap3A_66 = tpu.vector_load %arg10[%swap3A_65] {strides = array<i32>} : memref<128xi32, #tpu.memory_space<vmem>>, vector<16xi32>,
    %swap3A_67 = vector.shape_cast %swap3A_66 : vector<16xi32> to vector<16xi32>
    %swap3A_68 = vector.shape_cast %get3A_64 : vector<16xi32> to vector<16xi32>
    tpu.vector_store %arg10[%swap3A_65], %swap3A_68 {strides = array<i32>} : memref<128xi32, #tpu.memory_space<vmem>>, vector<16xi32>,
    %get3A_69 = arith.constant 0 : i32
    %get3A_70 = arith.index_cast %get3A_69 : i32 to index
    %get3A_71 = arith.constant 112 : index
    %get3A_72 = tpu.vector_load %arg9[%get3A_70, %get3A_71] {strides = array<i32>} : memref<80x128xi32, #tpu.memory_space<vmem>>, vector<1x16xi32>,
    %get3A_73 = vector.shape_cast %get3A_72 : vector<1x16xi32> to vector<16xi32>
    %swap3A_74 = arith.constant 112 : index
    %swap3A_75 = tpu.vector_load %arg10[%swap3A_74] {strides = array<i32>} : memref<128xi32, #tpu.memory_space<vmem>>, vector<16xi32>,
    %swap3A_76 = vector.shape_cast %swap3A_75 : vector<16xi32> to vector<16xi32>
    %swap3A_77 = vector.shape_cast %get3A_73 : vector<16xi32> to vector<16xi32>
    tpu.vector_store %arg10[%swap3A_74], %swap3A_77 {strides = array<i32>} : memref<128xi32, #tpu.memory_space<vmem>>, vector<16xi32>,
    %dma_start3A = arith.constant 0 : i32
    %dma_start3A_78 = arith.constant 0 : i32
    %dma_start3A_79 = tpu.memref_slice %arg8[%dma_start3A, %dma_start3A_78] : memref<10240x128xf32, #tpu.memory_space<vmem_shared>> -> memref<10240x128xf32, #tpu.memory_space<vmem_shared>>
    tpu.enqueue_indirect_dma source(%arg12 : memref<128x128xf32, #tpu.memory_space<vmem>>) target(%dma_start3A_79 : memref<10240x128xf32, #tpu.memory_space<vmem_shared>>) offsets(%arg10 : memref<128xi32, #tpu.memory_space<vmem>>) semaphore(%arg13 : memref<!tpu.dma_semaphore, #tpu.memory_space<semaphore_mem>>) {add = true}
    %get3A_80 = arith.constant 1 : i32
    %get3A_81 = arith.index_cast %get3A_80 : i32 to index
    %get3A_82 = arith.constant 0 : index
    %get3A_83 = tpu.vector_load %arg9[%get3A_81, %get3A_82] {strides = array<i32>} : memref<80x128xi32, #tpu.memory_space<vmem>>, vector<1x16xi32>,
    %get3A_84 = vector.shape_cast %get3A_83 : vector<1x16xi32> to vector<16xi32>
    %swap3A_85 = arith.constant 0 : index
    %swap3A_86 = tpu.vector_load %arg11[%swap3A_85] {strides = array<i32>} : memref<128xi32, #tpu.memory_space<vmem>>, vector<16xi32>,
    %swap3A_87 = vector.shape_cast %swap3A_86 : vector<16xi32> to vector<16xi32>
    %swap3A_88 = vector.shape_cast %get3A_84 : vector<16xi32> to vector<16xi32>
    tpu.vector_store %arg11[%swap3A_85], %swap3A_88 {strides = array<i32>} : memref<128xi32, #tpu.memory_space<vmem>>, vector<16xi32>,
    %get3A_89 = arith.constant 1 : i32
    %get3A_90 = arith.index_cast %get3A_89 : i32 to index
    %get3A_91 = arith.constant 16 : index
    %get3A_92 = tpu.vector_load %arg9[%get3A_90, %get3A_91] {strides = array<i32>} : memref<80x128xi32, #tpu.memory_space<vmem>>, vector<1x16xi32>,
    %get3A_93 = vector.shape_cast %get3A_92 : vector<1x16xi32> to vector<16xi32>
    %swap3A_94 = arith.constant 16 : index
    %swap3A_95 = tpu.vector_load %arg11[%swap3A_94] {strides = array<i32>} : memref<128xi32, #tpu.memory_space<vmem>>, vector<16xi32>,
    %swap3A_96 = vector.shape_cast %swap3A_95 : vector<16xi32> to vector<16xi32>
    %swap3A_97 = vector.shape_cast %get3A_93 : vector<16xi32> to vector<16xi32>
    tpu.vector_store %arg11[%swap3A_94], %swap3A_97 {strides = array<i32>} : memref<128xi32, #tpu.memory_space<vmem>>, vector<16xi32>,
    %get3A_98 = arith.constant 1 : i32
    %get3A_99 = arith.index_cast %get3A_98 : i32 to index
    %get3A_100 = arith.constant 32 : index
    %get3A_101 = tpu.vector_load %arg9[%get3A_99, %get3A_100] {strides = array<i32>} : memref<80x128xi32, #tpu.memory_space<vmem>>, vector<1x16xi32>,
    %get3A_102 = vector.shape_cast %get3A_101 : vector<1x16xi32> to vector<16xi32>
    %swap3A_103 = arith.constant 32 : index
    %swap3A_104 = tpu.vector_load %arg11[%swap3A_103] {strides = array<i32>} : memref<128xi32, #tpu.memory_space<vmem>>, vector<16xi32>,
    %swap3A_105 = vector.shape_cast %swap3A_104 : vector<16xi32> to vector<16xi32>
    %swap3A_106 = vector.shape_cast %get3A_102 : vector<16xi32> to vector<16xi32>
    tpu.vector_store %arg11[%swap3A_103], %swap3A_106 {strides = array<i32>} : memref<128xi32, #tpu.memory_space<vmem>>, vector<16xi32>,
    %get3A_107 = arith.constant 1 : i32
    %get3A_108 = arith.index_cast %get3A_107 : i32 to index
    %get3A_109 = arith.constant 48 : index
    %get3A_110 = tpu.vector_load %arg9[%get3A_108, %get3A_109] {strides = array<i32>} : memref<80x128xi32, #tpu.memory_space<vmem>>, vector<1x16xi32>,
    %get3A_111 = vector.shape_cast %get3A_110 : vector<1x16xi32> to vector<16xi32>
    %swap3A_112 = arith.constant 48 : index
    %swap3A_113 = tpu.vector_load %arg11[%swap3A_112] {strides = array<i32>} : memref<128xi32, #tpu.memory_space<vmem>>, vector<16xi32>,
    %swap3A_114 = vector.shape_cast %swap3A_113 : vector<16xi32> to vector<16xi32>
    %swap3A_115 = vector.shape_cast %get3A_111 : vector<16xi32> to vector<16xi32>
    tpu.vector_store %arg11[%swap3A_112], %swap3A_115 {strides = array<i32>} : memref<128xi32, #tpu.memory_space<vmem>>, vector<16xi32>,
    %get3A_116 = arith.constant 1 : i32
    %get3A_117 = arith.index_cast %get3A_116 : i32 to index
    %get3A_118 = arith.constant 64 : index
    %get3A_119 = tpu.vector_load %arg9[%get3A_117, %get3A_118] {strides = array<i32>} : memref<80x128xi32, #tpu.memory_space<vmem>>, vector<1x16xi32>,
    %get3A_120 = vector.shape_cast %get3A_119 : vector<1x16xi32> to vector<16xi32>
    %swap3A_121 = arith.constant 64 : index
    %swap3A_122 = tpu.vector_load %arg11[%swap3A_121] {strides = array<i32>} : memref<128xi32, #tpu.memory_space<vmem>>, vector<16xi32>,
    %swap3A_123 = vector.shape_cast %swap3A_122 : vector<16xi32> to vector<16xi32>
    %swap3A_124 = vector.shape_cast %get3A_120 : vector<16xi32> to vector<16xi32>
    tpu.vector_store %arg11[%swap3A_121], %swap3A_124 {strides = array<i32>} : memref<128xi32, #tpu.memory_space<vmem>>, vector<16xi32>,
    %get3A_125 = arith.constant 1 : i32
    %get3A_126 = arith.index_cast %get3A_125 : i32 to index
    %get3A_127 = arith.constant 80 : index
    %get3A_128 = tpu.vector_load %arg9[%get3A_126, %get3A_127] {strides = array<i32>} : memref<80x128xi32, #tpu.memory_space<vmem>>, vector<1x16xi32>,
    %get3A_129 = vector.shape_cast %get3A_128 : vector<1x16xi32> to vector<16xi32>
    %swap3A_130 = arith.constant 80 : index
    %swap3A_131 = tpu.vector_load %arg11[%swap3A_130] {strides = array<i32>} : memref<128xi32, #tpu.memory_space<vmem>>, vector<16xi32>,
    %swap3A_132 = vector.shape_cast %swap3A_131 : vector<16xi32> to vector<16xi32>
    %swap3A_133 = vector.shape_cast %get3A_129 : vector<16xi32> to vector<16xi32>
    tpu.vector_store %arg11[%swap3A_130], %swap3A_133 {strides = array<i32>} : memref<128xi32, #tpu.memory_space<vmem>>, vector<16xi32>,
    %get3A_134 = arith.constant 1 : i32
    %get3A_135 = arith.index_cast %get3A_134 : i32 to index
    %get3A_136 = arith.constant 96 : index
    %get3A_137 = tpu.vector_load %arg9[%get3A_135, %get3A_136] {strides = array<i32>} : memref<80x128xi32, #tpu.memory_space<vmem>>, vector<1x16xi32>,
    %get3A_138 = vector.shape_cast %get3A_137 : vector<1x16xi32> to vector<16xi32>
    %swap3A_139 = arith.constant 96 : index
    %swap3A_140 = tpu.vector_load %arg11[%swap3A_139] {strides = array<i32>} : memref<128xi32, #tpu.memory_space<vmem>>, vector<16xi32>,
    %swap3A_141 = vector.shape_cast %swap3A_140 : vector<16xi32> to vector<16xi32>
    %swap3A_142 = vector.shape_cast %get3A_138 : vector<16xi32> to vector<16xi32>
    tpu.vector_store %arg11[%swap3A_139], %swap3A_142 {strides = array<i32>} : memref<128xi32, #tpu.memory_space<vmem>>, vector<16xi32>,
    %get3A_143 = arith.constant 1 : i32
    %get3A_144 = arith.index_cast %get3A_143 : i32 to index
    %get3A_145 = arith.constant 112 : index
    %get3A_146 = tpu.vector_load %arg9[%get3A_144, %get3A_145] {strides = array<i32>} : memref<80x128xi32, #tpu.memory_space<vmem>>, vector<1x16xi32>,
    %get3A_147 = vector.shape_cast %get3A_146 : vector<1x16xi32> to vector<16xi32>
    %swap3A_148 = arith.constant 112 : index
    %swap3A_149 = tpu.vector_load %arg11[%swap3A_148] {strides = array<i32>} : memref<128xi32, #tpu.memory_space<vmem>>, vector<16xi32>,
    %swap3A_150 = vector.shape_cast %swap3A_149 : vector<16xi32> to vector<16xi32>
    %swap3A_151 = vector.shape_cast %get3A_147 : vector<16xi32> to vector<16xi32>
    tpu.vector_store %arg11[%swap3A_148], %swap3A_151 {strides = array<i32>} : memref<128xi32, #tpu.memory_space<vmem>>, vector<16xi32>,
    %dma_start3A_152 = arith.constant 0 : i32
    %dma_start3A_153 = arith.constant 0 : i32
    %dma_start3A_154 = tpu.memref_slice %arg8[%dma_start3A_152, %dma_start3A_153] : memref<10240x128xf32, #tpu.memory_space<vmem_shared>> -> memref<10240x128xf32, #tpu.memory_space<vmem_shared>>
    tpu.enqueue_indirect_dma source(%arg12 : memref<128x128xf32, #tpu.memory_space<vmem>>) target(%dma_start3A_154 : memref<10240x128xf32, #tpu.memory_space<vmem_shared>>) offsets(%arg11 : memref<128xi32, #tpu.memory_space<vmem>>) semaphore(%arg14 : memref<!tpu.dma_semaphore, #tpu.memory_space<semaphore_mem>>) {add = true}
    %sub3A = arith.constant 40 : i32
    %sub3A_155 = arith.constant 0 : i32
    %sub3A_156 = arith.subi %sub3A, %sub3A_155 : i32
    %sub3A_157 = arith.constant 1 : i32
    %sub3A_158 = arith.constant 1 : i32
    %sub3A_159 = arith.subi %sub3A_157, %sub3A_158 : i32
    %add3A = arith.addi %sub3A_156, %sub3A_159 : i32
    %div3A = arith.constant 1 : i32
    %div3A_160 = arith.divsi %add3A, %div3A : i32
    %while3A = arith.constant 1 : i32
    %while3A_161 = arith.constant 0 : i32
    %while3A_162 = arith.constant 0 : i32
    %while3A_163 = arith.subi %div3A_160, %while3A_162 : i32
    %while3A_164 = arith.addi %while3A_162, %while3A_163 : i32
    %while3A_165 = arith.constant 1 : i32
    %while3A_166 = arith.divsi %while3A_163, %while3A_165 : i32
    %while3A_167 = arith.muli %while3A_166, %while3A_165 : i32
    %while3A_168 = arith.addi %while3A_162, %while3A_167 : i32
    %while3A_169 = arith.constant 1 : i32
    scf.for %while3A_182 = %while3A_162 to %while3A_168 step %while3A_169  : i32 {
      %mul3A_183 = arith.muli %while3A_182, %while3A : i32
      %add3A_184 = arith.addi %while3A_161, %mul3A_183 : i32
      %dma_wait3A = arith.constant 0 : i32
      %dma_wait3A_185 = arith.constant 0 : i32
      %dma_wait3A_186 = tpu.memref_slice %arg8[%dma_wait3A, %dma_wait3A_185] : memref<10240x128xf32, #tpu.memory_space<vmem_shared>> -> memref<128x128xf32, #tpu.memory_space<vmem_shared>>
      %dma_wait3A_187 = arith.constant 0 : i32
      %dma_wait3A_188 = arith.constant 0 : i32
      %dma_wait3A_189 = tpu.memref_slice %arg8[%dma_wait3A_187, %dma_wait3A_188] : memref<10240x128xf32, #tpu.memory_space<vmem_shared>> -> memref<128x128xf32, #tpu.memory_space<vmem_shared>>
      tpu.wait_dma2 semaphore(%arg13 : memref<!tpu.dma_semaphore, #tpu.memory_space<semaphore_mem>>) src(%arg12 : memref<128x128xf32, #tpu.memory_space<vmem>>) dst(%dma_wait3A_189 : memref<128x128xf32, #tpu.memory_space<vmem_shared>>)
      %lt3A = arith.constant 39 : i32
      %lt3A_190 = arith.cmpi slt, %add3A_184, %lt3A : i32
      %convert_element_type3A_191 = arith.extui %lt3A_190 : i1 to i32
      %cond3A_192 = arith.constant 0 : i32
      %cond3A_193 = arith.cmpi ne, %convert_element_type3A_191, %cond3A_192 : i32
      scf.if %cond3A_193 {
        %mul3A_205 = arith.constant 2 : i32
        %mul3A_206 = arith.muli %add3A_184, %mul3A_205 : i32
        %add3A_207 = arith.constant 2 : i32
        %add3A_208 = arith.addi %mul3A_206, %add3A_207 : i32
        %get3A_209 = arith.index_cast %add3A_208 : i32 to index
        %get3A_210 = arith.constant 0 : index
        %get3A_211 = tpu.vector_load %arg9[%get3A_209, %get3A_210] {strides = array<i32>} : memref<80x128xi32, #tpu.memory_space<vmem>>, vector<1x16xi32>,
        %get3A_212 = vector.shape_cast %get3A_211 : vector<1x16xi32> to vector<16xi32>
        %swap3A_213 = arith.constant 0 : index
        %swap3A_214 = tpu.vector_load %arg10[%swap3A_213] {strides = array<i32>} : memref<128xi32, #tpu.memory_space<vmem>>, vector<16xi32>,
        %swap3A_215 = vector.shape_cast %swap3A_214 : vector<16xi32> to vector<16xi32>
        %swap3A_216 = vector.shape_cast %get3A_212 : vector<16xi32> to vector<16xi32>
        tpu.vector_store %arg10[%swap3A_213], %swap3A_216 {strides = array<i32>} : memref<128xi32, #tpu.memory_space<vmem>>, vector<16xi32>,
        %get3A_217 = arith.index_cast %add3A_208 : i32 to index
        %get3A_218 = arith.constant 16 : index
        %get3A_219 = tpu.vector_load %arg9[%get3A_217, %get3A_218] {strides = array<i32>} : memref<80x128xi32, #tpu.memory_space<vmem>>, vector<1x16xi32>,
        %get3A_220 = vector.shape_cast %get3A_219 : vector<1x16xi32> to vector<16xi32>
        %swap3A_221 = arith.constant 16 : index
        %swap3A_222 = tpu.vector_load %arg10[%swap3A_221] {strides = array<i32>} : memref<128xi32, #tpu.memory_space<vmem>>, vector<16xi32>,
        %swap3A_223 = vector.shape_cast %swap3A_222 : vector<16xi32> to vector<16xi32>
        %swap3A_224 = vector.shape_cast %get3A_220 : vector<16xi32> to vector<16xi32>
        tpu.vector_store %arg10[%swap3A_221], %swap3A_224 {strides = array<i32>} : memref<128xi32, #tpu.memory_space<vmem>>, vector<16xi32>,
        %get3A_225 = arith.index_cast %add3A_208 : i32 to index
        %get3A_226 = arith.constant 32 : index
        %get3A_227 = tpu.vector_load %arg9[%get3A_225, %get3A_226] {strides = array<i32>} : memref<80x128xi32, #tpu.memory_space<vmem>>, vector<1x16xi32>,
        %get3A_228 = vector.shape_cast %get3A_227 : vector<1x16xi32> to vector<16xi32>
        %swap3A_229 = arith.constant 32 : index
        %swap3A_230 = tpu.vector_load %arg10[%swap3A_229] {strides = array<i32>} : memref<128xi32, #tpu.memory_space<vmem>>, vector<16xi32>,
        %swap3A_231 = vector.shape_cast %swap3A_230 : vector<16xi32> to vector<16xi32>
        %swap3A_232 = vector.shape_cast %get3A_228 : vector<16xi32> to vector<16xi32>
        tpu.vector_store %arg10[%swap3A_229], %swap3A_232 {strides = array<i32>} : memref<128xi32, #tpu.memory_space<vmem>>, vector<16xi32>,
        %get3A_233 = arith.index_cast %add3A_208 : i32 to index
        %get3A_234 = arith.constant 48 : index
        %get3A_235 = tpu.vector_load %arg9[%get3A_233, %get3A_234] {strides = array<i32>} : memref<80x128xi32, #tpu.memory_space<vmem>>, vector<1x16xi32>,
        %get3A_236 = vector.shape_cast %get3A_235 : vector<1x16xi32> to vector<16xi32>
        %swap3A_237 = arith.constant 48 : index
        %swap3A_238 = tpu.vector_load %arg10[%swap3A_237] {strides = array<i32>} : memref<128xi32, #tpu.memory_space<vmem>>, vector<16xi32>,
        %swap3A_239 = vector.shape_cast %swap3A_238 : vector<16xi32> to vector<16xi32>
        %swap3A_240 = vector.shape_cast %get3A_236 : vector<16xi32> to vector<16xi32>
        tpu.vector_store %arg10[%swap3A_237], %swap3A_240 {strides = array<i32>} : memref<128xi32, #tpu.memory_space<vmem>>, vector<16xi32>,
        %get3A_241 = arith.index_cast %add3A_208 : i32 to index
        %get3A_242 = arith.constant 64 : index
        %get3A_243 = tpu.vector_load %arg9[%get3A_241, %get3A_242] {strides = array<i32>} : memref<80x128xi32, #tpu.memory_space<vmem>>, vector<1x16xi32>,
        %get3A_244 = vector.shape_cast %get3A_243 : vector<1x16xi32> to vector<16xi32>
        %swap3A_245 = arith.constant 64 : index
        %swap3A_246 = tpu.vector_load %arg10[%swap3A_245] {strides = array<i32>} : memref<128xi32, #tpu.memory_space<vmem>>, vector<16xi32>,
        %swap3A_247 = vector.shape_cast %swap3A_246 : vector<16xi32> to vector<16xi32>
        %swap3A_248 = vector.shape_cast %get3A_244 : vector<16xi32> to vector<16xi32>
        tpu.vector_store %arg10[%swap3A_245], %swap3A_248 {strides = array<i32>} : memref<128xi32, #tpu.memory_space<vmem>>, vector<16xi32>,
        %get3A_249 = arith.index_cast %add3A_208 : i32 to index
        %get3A_250 = arith.constant 80 : index
        %get3A_251 = tpu.vector_load %arg9[%get3A_249, %get3A_250] {strides = array<i32>} : memref<80x128xi32, #tpu.memory_space<vmem>>, vector<1x16xi32>,
        %get3A_252 = vector.shape_cast %get3A_251 : vector<1x16xi32> to vector<16xi32>
        %swap3A_253 = arith.constant 80 : index
        %swap3A_254 = tpu.vector_load %arg10[%swap3A_253] {strides = array<i32>} : memref<128xi32, #tpu.memory_space<vmem>>, vector<16xi32>,
        %swap3A_255 = vector.shape_cast %swap3A_254 : vector<16xi32> to vector<16xi32>
        %swap3A_256 = vector.shape_cast %get3A_252 : vector<16xi32> to vector<16xi32>
        tpu.vector_store %arg10[%swap3A_253], %swap3A_256 {strides = array<i32>} : memref<128xi32, #tpu.memory_space<vmem>>, vector<16xi32>,
        %get3A_257 = arith.index_cast %add3A_208 : i32 to index
        %get3A_258 = arith.constant 96 : index
        %get3A_259 = tpu.vector_load %arg9[%get3A_257, %get3A_258] {strides = array<i32>} : memref<80x128xi32, #tpu.memory_space<vmem>>, vector<1x16xi32>,
        %get3A_260 = vector.shape_cast %get3A_259 : vector<1x16xi32> to vector<16xi32>
        %swap3A_261 = arith.constant 96 : index
        %swap3A_262 = tpu.vector_load %arg10[%swap3A_261] {strides = array<i32>} : memref<128xi32, #tpu.memory_space<vmem>>, vector<16xi32>,
        %swap3A_263 = vector.shape_cast %swap3A_262 : vector<16xi32> to vector<16xi32>
        %swap3A_264 = vector.shape_cast %get3A_260 : vector<16xi32> to vector<16xi32>
        tpu.vector_store %arg10[%swap3A_261], %swap3A_264 {strides = array<i32>} : memref<128xi32, #tpu.memory_space<vmem>>, vector<16xi32>,
        %get3A_265 = arith.index_cast %add3A_208 : i32 to index
        %get3A_266 = arith.constant 112 : index
        %get3A_267 = tpu.vector_load %arg9[%get3A_265, %get3A_266] {strides = array<i32>} : memref<80x128xi32, #tpu.memory_space<vmem>>, vector<1x16xi32>,
        %get3A_268 = vector.shape_cast %get3A_267 : vector<1x16xi32> to vector<16xi32>
        %swap3A_269 = arith.constant 112 : index
        %swap3A_270 = tpu.vector_load %arg10[%swap3A_269] {strides = array<i32>} : memref<128xi32, #tpu.memory_space<vmem>>, vector<16xi32>,
        %swap3A_271 = vector.shape_cast %swap3A_270 : vector<16xi32> to vector<16xi32>
        %swap3A_272 = vector.shape_cast %get3A_268 : vector<16xi32> to vector<16xi32>
        tpu.vector_store %arg10[%swap3A_269], %swap3A_272 {strides = array<i32>} : memref<128xi32, #tpu.memory_space<vmem>>, vector<16xi32>,
        %dma_start3A_273 = arith.constant 0 : i32
        %dma_start3A_274 = arith.constant 0 : i32
        %dma_start3A_275 = tpu.memref_slice %arg8[%dma_start3A_273, %dma_start3A_274] : memref<10240x128xf32, #tpu.memory_space<vmem_shared>> -> memref<10240x128xf32, #tpu.memory_space<vmem_shared>>
        tpu.enqueue_indirect_dma source(%arg12 : memref<128x128xf32, #tpu.memory_space<vmem>>) target(%dma_start3A_275 : memref<10240x128xf32, #tpu.memory_space<vmem_shared>>) offsets(%arg10 : memref<128xi32, #tpu.memory_space<vmem>>) semaphore(%arg13 : memref<!tpu.dma_semaphore, #tpu.memory_space<semaphore_mem>>) {add = true}
      } else {
      }
      %dma_wait3A_194 = arith.constant 0 : i32
      %dma_wait3A_195 = arith.constant 0 : i32
      %dma_wait3A_196 = tpu.memref_slice %arg8[%dma_wait3A_194, %dma_wait3A_195] : memref<10240x128xf32, #tpu.memory_space<vmem_shared>> -> memref<128x128xf32, #tpu.memory_space<vmem_shared>>
      %dma_wait3A_197 = arith.constant 0 : i32
      %dma_wait3A_198 = arith.constant 0 : i32
      %dma_wait3A_199 = tpu.memref_slice %arg8[%dma_wait3A_197, %dma_wait3A_198] : memref<10240x128xf32, #tpu.memory_space<vmem_shared>> -> memref<128x128xf32, #tpu.memory_space<vmem_shared>>
      tpu.wait_dma2 semaphore(%arg14 : memref<!tpu.dma_semaphore, #tpu.memory_space<semaphore_mem>>) src(%arg12 : memref<128x128xf32, #tpu.memory_space<vmem>>) dst(%dma_wait3A_199 : memref<128x128xf32, #tpu.memory_space<vmem_shared>>)
      %lt3A_200 = arith.constant 39 : i32
      %lt3A_201 = arith.cmpi slt, %add3A_184, %lt3A_200 : i32
      %convert_element_type3A_202 = arith.extui %lt3A_201 : i1 to i32
      %cond3A_203 = arith.constant 0 : i32
      %cond3A_204 = arith.cmpi ne, %convert_element_type3A_202, %cond3A_203 : i32
      scf.if %cond3A_204 {
        %mul3A_205 = arith.constant 2 : i32
        %mul3A_206 = arith.muli %add3A_184, %mul3A_205 : i32
        %add3A_207 = arith.constant 3 : i32
        %add3A_208 = arith.addi %mul3A_206, %add3A_207 : i32
        %get3A_209 = arith.index_cast %add3A_208 : i32 to index
        %get3A_210 = arith.constant 0 : index
        %get3A_211 = tpu.vector_load %arg9[%get3A_209, %get3A_210] {strides = array<i32>} : memref<80x128xi32, #tpu.memory_space<vmem>>, vector<1x16xi32>,
        %get3A_212 = vector.shape_cast %get3A_211 : vector<1x16xi32> to vector<16xi32>
        %swap3A_213 = arith.constant 0 : index
        %swap3A_214 = tpu.vector_load %arg11[%swap3A_213] {strides = array<i32>} : memref<128xi32, #tpu.memory_space<vmem>>, vector<16xi32>,
        %swap3A_215 = vector.shape_cast %swap3A_214 : vector<16xi32> to vector<16xi32>
        %swap3A_216 = vector.shape_cast %get3A_212 : vector<16xi32> to vector<16xi32>
        tpu.vector_store %arg11[%swap3A_213], %swap3A_216 {strides = array<i32>} : memref<128xi32, #tpu.memory_space<vmem>>, vector<16xi32>,
        %get3A_217 = arith.index_cast %add3A_208 : i32 to index
        %get3A_218 = arith.constant 16 : index
        %get3A_219 = tpu.vector_load %arg9[%get3A_217, %get3A_218] {strides = array<i32>} : memref<80x128xi32, #tpu.memory_space<vmem>>, vector<1x16xi32>,
        %get3A_220 = vector.shape_cast %get3A_219 : vector<1x16xi32> to vector<16xi32>
        %swap3A_221 = arith.constant 16 : index
        %swap3A_222 = tpu.vector_load %arg11[%swap3A_221] {strides = array<i32>} : memref<128xi32, #tpu.memory_space<vmem>>, vector<16xi32>,
        %swap3A_223 = vector.shape_cast %swap3A_222 : vector<16xi32> to vector<16xi32>
        %swap3A_224 = vector.shape_cast %get3A_220 : vector<16xi32> to vector<16xi32>
        tpu.vector_store %arg11[%swap3A_221], %swap3A_224 {strides = array<i32>} : memref<128xi32, #tpu.memory_space<vmem>>, vector<16xi32>,
        %get3A_225 = arith.index_cast %add3A_208 : i32 to index
        %get3A_226 = arith.constant 32 : index
        %get3A_227 = tpu.vector_load %arg9[%get3A_225, %get3A_226] {strides = array<i32>} : memref<80x128xi32, #tpu.memory_space<vmem>>, vector<1x16xi32>,
        %get3A_228 = vector.shape_cast %get3A_227 : vector<1x16xi32> to vector<16xi32>
        %swap3A_229 = arith.constant 32 : index
        %swap3A_230 = tpu.vector_load %arg11[%swap3A_229] {strides = array<i32>} : memref<128xi32, #tpu.memory_space<vmem>>, vector<16xi32>,
        %swap3A_231 = vector.shape_cast %swap3A_230 : vector<16xi32> to vector<16xi32>
        %swap3A_232 = vector.shape_cast %get3A_228 : vector<16xi32> to vector<16xi32>
        tpu.vector_store %arg11[%swap3A_229], %swap3A_232 {strides = array<i32>} : memref<128xi32, #tpu.memory_space<vmem>>, vector<16xi32>,
        %get3A_233 = arith.index_cast %add3A_208 : i32 to index
        %get3A_234 = arith.constant 48 : index
        %get3A_235 = tpu.vector_load %arg9[%get3A_233, %get3A_234] {strides = array<i32>} : memref<80x128xi32, #tpu.memory_space<vmem>>, vector<1x16xi32>,
        %get3A_236 = vector.shape_cast %get3A_235 : vector<1x16xi32> to vector<16xi32>
        %swap3A_237 = arith.constant 48 : index
        %swap3A_238 = tpu.vector_load %arg11[%swap3A_237] {strides = array<i32>} : memref<128xi32, #tpu.memory_space<vmem>>, vector<16xi32>,
        %swap3A_239 = vector.shape_cast %swap3A_238 : vector<16xi32> to vector<16xi32>
        %swap3A_240 = vector.shape_cast %get3A_236 : vector<16xi32> to vector<16xi32>
        tpu.vector_store %arg11[%swap3A_237], %swap3A_240 {strides = array<i32>} : memref<128xi32, #tpu.memory_space<vmem>>, vector<16xi32>,
        %get3A_241 = arith.index_cast %add3A_208 : i32 to index
        %get3A_242 = arith.constant 64 : index
        %get3A_243 = tpu.vector_load %arg9[%get3A_241, %get3A_242] {strides = array<i32>} : memref<80x128xi32, #tpu.memory_space<vmem>>, vector<1x16xi32>,
        %get3A_244 = vector.shape_cast %get3A_243 : vector<1x16xi32> to vector<16xi32>
        %swap3A_245 = arith.constant 64 : index
        %swap3A_246 = tpu.vector_load %arg11[%swap3A_245] {strides = array<i32>} : memref<128xi32, #tpu.memory_space<vmem>>, vector<16xi32>,
        %swap3A_247 = vector.shape_cast %swap3A_246 : vector<16xi32> to vector<16xi32>
        %swap3A_248 = vector.shape_cast %get3A_244 : vector<16xi32> to vector<16xi32>
        tpu.vector_store %arg11[%swap3A_245], %swap3A_248 {strides = array<i32>} : memref<128xi32, #tpu.memory_space<vmem>>, vector<16xi32>,
        %get3A_249 = arith.index_cast %add3A_208 : i32 to index
        %get3A_250 = arith.constant 80 : index
        %get3A_251 = tpu.vector_load %arg9[%get3A_249, %get3A_250] {strides = array<i32>} : memref<80x128xi32, #tpu.memory_space<vmem>>, vector<1x16xi32>,
        %get3A_252 = vector.shape_cast %get3A_251 : vector<1x16xi32> to vector<16xi32>
        %swap3A_253 = arith.constant 80 : index
        %swap3A_254 = tpu.vector_load %arg11[%swap3A_253] {strides = array<i32>} : memref<128xi32, #tpu.memory_space<vmem>>, vector<16xi32>,
        %swap3A_255 = vector.shape_cast %swap3A_254 : vector<16xi32> to vector<16xi32>
        %swap3A_256 = vector.shape_cast %get3A_252 : vector<16xi32> to vector<16xi32>
        tpu.vector_store %arg11[%swap3A_253], %swap3A_256 {strides = array<i32>} : memref<128xi32, #tpu.memory_space<vmem>>, vector<16xi32>,
        %get3A_257 = arith.index_cast %add3A_208 : i32 to index
        %get3A_258 = arith.constant 96 : index
        %get3A_259 = tpu.vector_load %arg9[%get3A_257, %get3A_258] {strides = array<i32>} : memref<80x128xi32, #tpu.memory_space<vmem>>, vector<1x16xi32>,
        %get3A_260 = vector.shape_cast %get3A_259 : vector<1x16xi32> to vector<16xi32>
        %swap3A_261 = arith.constant 96 : index
        %swap3A_262 = tpu.vector_load %arg11[%swap3A_261] {strides = array<i32>} : memref<128xi32, #tpu.memory_space<vmem>>, vector<16xi32>,
        %swap3A_263 = vector.shape_cast %swap3A_262 : vector<16xi32> to vector<16xi32>
        %swap3A_264 = vector.shape_cast %get3A_260 : vector<16xi32> to vector<16xi32>
        tpu.vector_store %arg11[%swap3A_261], %swap3A_264 {strides = array<i32>} : memref<128xi32, #tpu.memory_space<vmem>>, vector<16xi32>,
        %get3A_265 = arith.index_cast %add3A_208 : i32 to index
        %get3A_266 = arith.constant 112 : index
        %get3A_267 = tpu.vector_load %arg9[%get3A_265, %get3A_266] {strides = array<i32>} : memref<80x128xi32, #tpu.memory_space<vmem>>, vector<1x16xi32>,
        %get3A_268 = vector.shape_cast %get3A_267 : vector<1x16xi32> to vector<16xi32>
        %swap3A_269 = arith.constant 112 : index
        %swap3A_270 = tpu.vector_load %arg11[%swap3A_269] {strides = array<i32>} : memref<128xi32, #tpu.memory_space<vmem>>, vector<16xi32>,
        %swap3A_271 = vector.shape_cast %swap3A_270 : vector<16xi32> to vector<16xi32>
        %swap3A_272 = vector.shape_cast %get3A_268 : vector<16xi32> to vector<16xi32>
        tpu.vector_store %arg11[%swap3A_269], %swap3A_272 {strides = array<i32>} : memref<128xi32, #tpu.memory_space<vmem>>, vector<16xi32>,
        %dma_start3A_273 = arith.constant 0 : i32
        %dma_start3A_274 = arith.constant 0 : i32
        %dma_start3A_275 = tpu.memref_slice %arg8[%dma_start3A_273, %dma_start3A_274] : memref<10240x128xf32, #tpu.memory_space<vmem_shared>> -> memref<10240x128xf32, #tpu.memory_space<vmem_shared>>
        tpu.enqueue_indirect_dma source(%arg12 : memref<128x128xf32, #tpu.memory_space<vmem>>) target(%dma_start3A_275 : memref<10240x128xf32, #tpu.memory_space<vmem_shared>>) offsets(%arg11 : memref<128xi32, #tpu.memory_space<vmem>>) semaphore(%arg14 : memref<!tpu.dma_semaphore, #tpu.memory_space<semaphore_mem>>) {add = true}
      } else {
      }
    }
    %while3A_170 = arith.constant 1 : i32
    scf.for %while3A_182 = %while3A_168 to %while3A_164 step %while3A_170  : i32 {
      %mul3A_183 = arith.muli %while3A_182, %while3A : i32
      %add3A_184 = arith.addi %while3A_161, %mul3A_183 : i32
      %dma_wait3A = arith.constant 0 : i32
      %dma_wait3A_185 = arith.constant 0 : i32
      %dma_wait3A_186 = tpu.memref_slice %arg8[%dma_wait3A, %dma_wait3A_185] : memref<10240x128xf32, #tpu.memory_space<vmem_shared>> -> memref<128x128xf32, #tpu.memory_space<vmem_shared>>
      %dma_wait3A_187 = arith.constant 0 : i32
      %dma_wait3A_188 = arith.constant 0 : i32
      %dma_wait3A_189 = tpu.memref_slice %arg8[%dma_wait3A_187, %dma_wait3A_188] : memref<10240x128xf32, #tpu.memory_space<vmem_shared>> -> memref<128x128xf32, #tpu.memory_space<vmem_shared>>
      tpu.wait_dma2 semaphore(%arg13 : memref<!tpu.dma_semaphore, #tpu.memory_space<semaphore_mem>>) src(%arg12 : memref<128x128xf32, #tpu.memory_space<vmem>>) dst(%dma_wait3A_189 : memref<128x128xf32, #tpu.memory_space<vmem_shared>>)
      %lt3A = arith.constant 39 : i32
      %lt3A_190 = arith.cmpi slt, %add3A_184, %lt3A : i32
      %convert_element_type3A_191 = arith.extui %lt3A_190 : i1 to i32
      %cond3A_192 = arith.constant 0 : i32
      %cond3A_193 = arith.cmpi ne, %convert_element_type3A_191, %cond3A_192 : i32
      scf.if %cond3A_193 {
        %mul3A_205 = arith.constant 2 : i32
        %mul3A_206 = arith.muli %add3A_184, %mul3A_205 : i32
        %add3A_207 = arith.constant 2 : i32
        %add3A_208 = arith.addi %mul3A_206, %add3A_207 : i32
        %get3A_209 = arith.index_cast %add3A_208 : i32 to index
        %get3A_210 = arith.constant 0 : index
        %get3A_211 = tpu.vector_load %arg9[%get3A_209, %get3A_210] {strides = array<i32>} : memref<80x128xi32, #tpu.memory_space<vmem>>, vector<1x16xi32>,
        %get3A_212 = vector.shape_cast %get3A_211 : vector<1x16xi32> to vector<16xi32>
        %swap3A_213 = arith.constant 0 : index
        %swap3A_214 = tpu.vector_load %arg10[%swap3A_213] {strides = array<i32>} : memref<128xi32, #tpu.memory_space<vmem>>, vector<16xi32>,
        %swap3A_215 = vector.shape_cast %swap3A_214 : vector<16xi32> to vector<16xi32>
        %swap3A_216 = vector.shape_cast %get3A_212 : vector<16xi32> to vector<16xi32>
        tpu.vector_store %arg10[%swap3A_213], %swap3A_216 {strides = array<i32>} : memref<128xi32, #tpu.memory_space<vmem>>, vector<16xi32>,
        %get3A_217 = arith.index_cast %add3A_208 : i32 to index
        %get3A_218 = arith.constant 16 : index
        %get3A_219 = tpu.vector_load %arg9[%get3A_217, %get3A_218] {strides = array<i32>} : memref<80x128xi32, #tpu.memory_space<vmem>>, vector<1x16xi32>,
        %get3A_220 = vector.shape_cast %get3A_219 : vector<1x16xi32> to vector<16xi32>
        %swap3A_221 = arith.constant 16 : index
        %swap3A_222 = tpu.vector_load %arg10[%swap3A_221] {strides = array<i32>} : memref<128xi32, #tpu.memory_space<vmem>>, vector<16xi32>,
        %swap3A_223 = vector.shape_cast %swap3A_222 : vector<16xi32> to vector<16xi32>
        %swap3A_224 = vector.shape_cast %get3A_220 : vector<16xi32> to vector<16xi32>
        tpu.vector_store %arg10[%swap3A_221], %swap3A_224 {strides = array<i32>} : memref<128xi32, #tpu.memory_space<vmem>>, vector<16xi32>,
        %get3A_225 = arith.index_cast %add3A_208 : i32 to index
        %get3A_226 = arith.constant 32 : index
        %get3A_227 = tpu.vector_load %arg9[%get3A_225, %get3A_226] {strides = array<i32>} : memref<80x128xi32, #tpu.memory_space<vmem>>, vector<1x16xi32>,
        %get3A_228 = vector.shape_cast %get3A_227 : vector<1x16xi32> to vector<16xi32>
        %swap3A_229 = arith.constant 32 : index
        %swap3A_230 = tpu.vector_load %arg10[%swap3A_229] {strides = array<i32>} : memref<128xi32, #tpu.memory_space<vmem>>, vector<16xi32>,
        %swap3A_231 = vector.shape_cast %swap3A_230 : vector<16xi32> to vector<16xi32>
        %swap3A_232 = vector.shape_cast %get3A_228 : vector<16xi32> to vector<16xi32>
        tpu.vector_store %arg10[%swap3A_229], %swap3A_232 {strides = array<i32>} : memref<128xi32, #tpu.memory_space<vmem>>, vector<16xi32>,
        %get3A_233 = arith.index_cast %add3A_208 : i32 to index
        %get3A_234 = arith.constant 48 : index
        %get3A_235 = tpu.vector_load %arg9[%get3A_233, %get3A_234] {strides = array<i32>} : memref<80x128xi32, #tpu.memory_space<vmem>>, vector<1x16xi32>,
        %get3A_236 = vector.shape_cast %get3A_235 : vector<1x16xi32> to vector<16xi32>
        %swap3A_237 = arith.constant 48 : index
        %swap3A_238 = tpu.vector_load %arg10[%swap3A_237] {strides = array<i32>} : memref<128xi32, #tpu.memory_space<vmem>>, vector<16xi32>,
        %swap3A_239 = vector.shape_cast %swap3A_238 : vector<16xi32> to vector<16xi32>
        %swap3A_240 = vector.shape_cast %get3A_236 : vector<16xi32> to vector<16xi32>
        tpu.vector_store %arg10[%swap3A_237], %swap3A_240 {strides = array<i32>} : memref<128xi32, #tpu.memory_space<vmem>>, vector<16xi32>,
        %get3A_241 = arith.index_cast %add3A_208 : i32 to index
        %get3A_242 = arith.constant 64 : index
        %get3A_243 = tpu.vector_load %arg9[%get3A_241, %get3A_242] {strides = array<i32>} : memref<80x128xi32, #tpu.memory_space<vmem>>, vector<1x16xi32>,
        %get3A_244 = vector.shape_cast %get3A_243 : vector<1x16xi32> to vector<16xi32>
        %swap3A_245 = arith.constant 64 : index
        %swap3A_246 = tpu.vector_load %arg10[%swap3A_245] {strides = array<i32>} : memref<128xi32, #tpu.memory_space<vmem>>, vector<16xi32>,
        %swap3A_247 = vector.shape_cast %swap3A_246 : vector<16xi32> to vector<16xi32>
        %swap3A_248 = vector.shape_cast %get3A_244 : vector<16xi32> to vector<16xi32>
        tpu.vector_store %arg10[%swap3A_245], %swap3A_248 {strides = array<i32>} : memref<128xi32, #tpu.memory_space<vmem>>, vector<16xi32>,
        %get3A_249 = arith.index_cast %add3A_208 : i32 to index
        %get3A_250 = arith.constant 80 : index
        %get3A_251 = tpu.vector_load %arg9[%get3A_249, %get3A_250] {strides = array<i32>} : memref<80x128xi32, #tpu.memory_space<vmem>>, vector<1x16xi32>,
        %get3A_252 = vector.shape_cast %get3A_251 : vector<1x16xi32> to vector<16xi32>
        %swap3A_253 = arith.constant 80 : index
        %swap3A_254 = tpu.vector_load %arg10[%swap3A_253] {strides = array<i32>} : memref<128xi32, #tpu.memory_space<vmem>>, vector<16xi32>,
        %swap3A_255 = vector.shape_cast %swap3A_254 : vector<16xi32> to vector<16xi32>
        %swap3A_256 = vector.shape_cast %get3A_252 : vector<16xi32> to vector<16xi32>
        tpu.vector_store %arg10[%swap3A_253], %swap3A_256 {strides = array<i32>} : memref<128xi32, #tpu.memory_space<vmem>>, vector<16xi32>,
        %get3A_257 = arith.index_cast %add3A_208 : i32 to index
        %get3A_258 = arith.constant 96 : index
        %get3A_259 = tpu.vector_load %arg9[%get3A_257, %get3A_258] {strides = array<i32>} : memref<80x128xi32, #tpu.memory_space<vmem>>, vector<1x16xi32>,
        %get3A_260 = vector.shape_cast %get3A_259 : vector<1x16xi32> to vector<16xi32>
        %swap3A_261 = arith.constant 96 : index
        %swap3A_262 = tpu.vector_load %arg10[%swap3A_261] {strides = array<i32>} : memref<128xi32, #tpu.memory_space<vmem>>, vector<16xi32>,
        %swap3A_263 = vector.shape_cast %swap3A_262 : vector<16xi32> to vector<16xi32>
        %swap3A_264 = vector.shape_cast %get3A_260 : vector<16xi32> to vector<16xi32>
        tpu.vector_store %arg10[%swap3A_261], %swap3A_264 {strides = array<i32>} : memref<128xi32, #tpu.memory_space<vmem>>, vector<16xi32>,
        %get3A_265 = arith.index_cast %add3A_208 : i32 to index
        %get3A_266 = arith.constant 112 : index
        %get3A_267 = tpu.vector_load %arg9[%get3A_265, %get3A_266] {strides = array<i32>} : memref<80x128xi32, #tpu.memory_space<vmem>>, vector<1x16xi32>,
        %get3A_268 = vector.shape_cast %get3A_267 : vector<1x16xi32> to vector<16xi32>
        %swap3A_269 = arith.constant 112 : index
        %swap3A_270 = tpu.vector_load %arg10[%swap3A_269] {strides = array<i32>} : memref<128xi32, #tpu.memory_space<vmem>>, vector<16xi32>,
        %swap3A_271 = vector.shape_cast %swap3A_270 : vector<16xi32> to vector<16xi32>
        %swap3A_272 = vector.shape_cast %get3A_268 : vector<16xi32> to vector<16xi32>
        tpu.vector_store %arg10[%swap3A_269], %swap3A_272 {strides = array<i32>} : memref<128xi32, #tpu.memory_space<vmem>>, vector<16xi32>,
        %dma_start3A_273 = arith.constant 0 : i32
        %dma_start3A_274 = arith.constant 0 : i32
        %dma_start3A_275 = tpu.memref_slice %arg8[%dma_start3A_273, %dma_start3A_274] : memref<10240x128xf32, #tpu.memory_space<vmem_shared>> -> memref<10240x128xf32, #tpu.memory_space<vmem_shared>>
        tpu.enqueue_indirect_dma source(%arg12 : memref<128x128xf32, #tpu.memory_space<vmem>>) target(%dma_start3A_275 : memref<10240x128xf32, #tpu.memory_space<vmem_shared>>) offsets(%arg10 : memref<128xi32, #tpu.memory_space<vmem>>) semaphore(%arg13 : memref<!tpu.dma_semaphore, #tpu.memory_space<semaphore_mem>>) {add = true}
      } else {
      }
      %dma_wait3A_194 = arith.constant 0 : i32
      %dma_wait3A_195 = arith.constant 0 : i32
      %dma_wait3A_196 = tpu.memref_slice %arg8[%dma_wait3A_194, %dma_wait3A_195] : memref<10240x128xf32, #tpu.memory_space<vmem_shared>> -> memref<128x128xf32, #tpu.memory_space<vmem_shared>>
      %dma_wait3A_197 = arith.constant 0 : i32
      %dma_wait3A_198 = arith.constant 0 : i32
      %dma_wait3A_199 = tpu.memref_slice %arg8[%dma_wait3A_197, %dma_wait3A_198] : memref<10240x128xf32, #tpu.memory_space<vmem_shared>> -> memref<128x128xf32, #tpu.memory_space<vmem_shared>>
      tpu.wait_dma2 semaphore(%arg14 : memref<!tpu.dma_semaphore, #tpu.memory_space<semaphore_mem>>) src(%arg12 : memref<128x128xf32, #tpu.memory_space<vmem>>) dst(%dma_wait3A_199 : memref<128x128xf32, #tpu.memory_space<vmem_shared>>)
      %lt3A_200 = arith.constant 39 : i32
      %lt3A_201 = arith.cmpi slt, %add3A_184, %lt3A_200 : i32
      %convert_element_type3A_202 = arith.extui %lt3A_201 : i1 to i32
      %cond3A_203 = arith.constant 0 : i32
      %cond3A_204 = arith.cmpi ne, %convert_element_type3A_202, %cond3A_203 : i32
      scf.if %cond3A_204 {
        %mul3A_205 = arith.constant 2 : i32
        %mul3A_206 = arith.muli %add3A_184, %mul3A_205 : i32
        %add3A_207 = arith.constant 3 : i32
        %add3A_208 = arith.addi %mul3A_206, %add3A_207 : i32
        %get3A_209 = arith.index_cast %add3A_208 : i32 to index
        %get3A_210 = arith.constant 0 : index
        %get3A_211 = tpu.vector_load %arg9[%get3A_209, %get3A_210] {strides = array<i32>} : memref<80x128xi32, #tpu.memory_space<vmem>>, vector<1x16xi32>,
        %get3A_212 = vector.shape_cast %get3A_211 : vector<1x16xi32> to vector<16xi32>
        %swap3A_213 = arith.constant 0 : index
        %swap3A_214 = tpu.vector_load %arg11[%swap3A_213] {strides = array<i32>} : memref<128xi32, #tpu.memory_space<vmem>>, vector<16xi32>,
        %swap3A_215 = vector.shape_cast %swap3A_214 : vector<16xi32> to vector<16xi32>
        %swap3A_216 = vector.shape_cast %get3A_212 : vector<16xi32> to vector<16xi32>
        tpu.vector_store %arg11[%swap3A_213], %swap3A_216 {strides = array<i32>} : memref<128xi32, #tpu.memory_space<vmem>>, vector<16xi32>,
        %get3A_217 = arith.index_cast %add3A_208 : i32 to index
        %get3A_218 = arith.constant 16 : index
        %get3A_219 = tpu.vector_load %arg9[%get3A_217, %get3A_218] {strides = array<i32>} : memref<80x128xi32, #tpu.memory_space<vmem>>, vector<1x16xi32>,
        %get3A_220 = vector.shape_cast %get3A_219 : vector<1x16xi32> to vector<16xi32>
        %swap3A_221 = arith.constant 16 : index
        %swap3A_222 = tpu.vector_load %arg11[%swap3A_221] {strides = array<i32>} : memref<128xi32, #tpu.memory_space<vmem>>, vector<16xi32>,
        %swap3A_223 = vector.shape_cast %swap3A_222 : vector<16xi32> to vector<16xi32>
        %swap3A_224 = vector.shape_cast %get3A_220 : vector<16xi32> to vector<16xi32>
        tpu.vector_store %arg11[%swap3A_221], %swap3A_224 {strides = array<i32>} : memref<128xi32, #tpu.memory_space<vmem>>, vector<16xi32>,
        %get3A_225 = arith.index_cast %add3A_208 : i32 to index
        %get3A_226 = arith.constant 32 : index
        %get3A_227 = tpu.vector_load %arg9[%get3A_225, %get3A_226] {strides = array<i32>} : memref<80x128xi32, #tpu.memory_space<vmem>>, vector<1x16xi32>,
        %get3A_228 = vector.shape_cast %get3A_227 : vector<1x16xi32> to vector<16xi32>
        %swap3A_229 = arith.constant 32 : index
        %swap3A_230 = tpu.vector_load %arg11[%swap3A_229] {strides = array<i32>} : memref<128xi32, #tpu.memory_space<vmem>>, vector<16xi32>,
        %swap3A_231 = vector.shape_cast %swap3A_230 : vector<16xi32> to vector<16xi32>
        %swap3A_232 = vector.shape_cast %get3A_228 : vector<16xi32> to vector<16xi32>
        tpu.vector_store %arg11[%swap3A_229], %swap3A_232 {strides = array<i32>} : memref<128xi32, #tpu.memory_space<vmem>>, vector<16xi32>,
        %get3A_233 = arith.index_cast %add3A_208 : i32 to index
        %get3A_234 = arith.constant 48 : index
        %get3A_235 = tpu.vector_load %arg9[%get3A_233, %get3A_234] {strides = array<i32>} : memref<80x128xi32, #tpu.memory_space<vmem>>, vector<1x16xi32>,
        %get3A_236 = vector.shape_cast %get3A_235 : vector<1x16xi32> to vector<16xi32>
        %swap3A_237 = arith.constant 48 : index
        %swap3A_238 = tpu.vector_load %arg11[%swap3A_237] {strides = array<i32>} : memref<128xi32, #tpu.memory_space<vmem>>, vector<16xi32>,
        %swap3A_239 = vector.shape_cast %swap3A_238 : vector<16xi32> to vector<16xi32>
        %swap3A_240 = vector.shape_cast %get3A_236 : vector<16xi32> to vector<16xi32>
        tpu.vector_store %arg11[%swap3A_237], %swap3A_240 {strides = array<i32>} : memref<128xi32, #tpu.memory_space<vmem>>, vector<16xi32>,
        %get3A_241 = arith.index_cast %add3A_208 : i32 to index
        %get3A_242 = arith.constant 64 : index
        %get3A_243 = tpu.vector_load %arg9[%get3A_241, %get3A_242] {strides = array<i32>} : memref<80x128xi32, #tpu.memory_space<vmem>>, vector<1x16xi32>,
        %get3A_244 = vector.shape_cast %get3A_243 : vector<1x16xi32> to vector<16xi32>
        %swap3A_245 = arith.constant 64 : index
        %swap3A_246 = tpu.vector_load %arg11[%swap3A_245] {strides = array<i32>} : memref<128xi32, #tpu.memory_space<vmem>>, vector<16xi32>,
        %swap3A_247 = vector.shape_cast %swap3A_246 : vector<16xi32> to vector<16xi32>
        %swap3A_248 = vector.shape_cast %get3A_244 : vector<16xi32> to vector<16xi32>
        tpu.vector_store %arg11[%swap3A_245], %swap3A_248 {strides = array<i32>} : memref<128xi32, #tpu.memory_space<vmem>>, vector<16xi32>,
        %get3A_249 = arith.index_cast %add3A_208 : i32 to index
        %get3A_250 = arith.constant 80 : index
        %get3A_251 = tpu.vector_load %arg9[%get3A_249, %get3A_250] {strides = array<i32>} : memref<80x128xi32, #tpu.memory_space<vmem>>, vector<1x16xi32>,
        %get3A_252 = vector.shape_cast %get3A_251 : vector<1x16xi32> to vector<16xi32>
        %swap3A_253 = arith.constant 80 : index
        %swap3A_254 = tpu.vector_load %arg11[%swap3A_253] {strides = array<i32>} : memref<128xi32, #tpu.memory_space<vmem>>, vector<16xi32>,
        %swap3A_255 = vector.shape_cast %swap3A_254 : vector<16xi32> to vector<16xi32>
        %swap3A_256 = vector.shape_cast %get3A_252 : vector<16xi32> to vector<16xi32>
        tpu.vector_store %arg11[%swap3A_253], %swap3A_256 {strides = array<i32>} : memref<128xi32, #tpu.memory_space<vmem>>, vector<16xi32>,
        %get3A_257 = arith.index_cast %add3A_208 : i32 to index
        %get3A_258 = arith.constant 96 : index
        %get3A_259 = tpu.vector_load %arg9[%get3A_257, %get3A_258] {strides = array<i32>} : memref<80x128xi32, #tpu.memory_space<vmem>>, vector<1x16xi32>,
        %get3A_260 = vector.shape_cast %get3A_259 : vector<1x16xi32> to vector<16xi32>
        %swap3A_261 = arith.constant 96 : index
        %swap3A_262 = tpu.vector_load %arg11[%swap3A_261] {strides = array<i32>} : memref<128xi32, #tpu.memory_space<vmem>>, vector<16xi32>,
        %swap3A_263 = vector.shape_cast %swap3A_262 : vector<16xi32> to vector<16xi32>
        %swap3A_264 = vector.shape_cast %get3A_260 : vector<16xi32> to vector<16xi32>
        tpu.vector_store %arg11[%swap3A_261], %swap3A_264 {strides = array<i32>} : memref<128xi32, #tpu.memory_space<vmem>>, vector<16xi32>,
        %get3A_265 = arith.index_cast %add3A_208 : i32 to index
        %get3A_266 = arith.constant 112 : index
        %get3A_267 = tpu.vector_load %arg9[%get3A_265, %get3A_266] {strides = array<i32>} : memref<80x128xi32, #tpu.memory_space<vmem>>, vector<1x16xi32>,
        %get3A_268 = vector.shape_cast %get3A_267 : vector<1x16xi32> to vector<16xi32>
        %swap3A_269 = arith.constant 112 : index
        %swap3A_270 = tpu.vector_load %arg11[%swap3A_269] {strides = array<i32>} : memref<128xi32, #tpu.memory_space<vmem>>, vector<16xi32>,
        %swap3A_271 = vector.shape_cast %swap3A_270 : vector<16xi32> to vector<16xi32>
        %swap3A_272 = vector.shape_cast %get3A_268 : vector<16xi32> to vector<16xi32>
        tpu.vector_store %arg11[%swap3A_269], %swap3A_272 {strides = array<i32>} : memref<128xi32, #tpu.memory_space<vmem>>, vector<16xi32>,
        %dma_start3A_273 = arith.constant 0 : i32
        %dma_start3A_274 = arith.constant 0 : i32
        %dma_start3A_275 = tpu.memref_slice %arg8[%dma_start3A_273, %dma_start3A_274] : memref<10240x128xf32, #tpu.memory_space<vmem_shared>> -> memref<10240x128xf32, #tpu.memory_space<vmem_shared>>
        tpu.enqueue_indirect_dma source(%arg12 : memref<128x128xf32, #tpu.memory_space<vmem>>) target(%dma_start3A_275 : memref<10240x128xf32, #tpu.memory_space<vmem_shared>>) offsets(%arg11 : memref<128xi32, #tpu.memory_space<vmem>>) semaphore(%arg14 : memref<!tpu.dma_semaphore, #tpu.memory_space<semaphore_mem>>) {add = true}
      } else {
      }
    }
    %barrier3A_171 = arith.constant 0 : index
    tpu.barrier barrier_id(%barrier3A_171)
    %eq3A_172 = arith.constant 0 : i32
    %eq3A_173 = arith.cmpi eq, %arg0, %eq3A_172 : i32
    %convert_element_type3A_174 = arith.extui %eq3A_173 : i1 to i32
    %cond3A_175 = arith.constant 0 : i32
    %cond3A_176 = arith.cmpi ne, %convert_element_type3A_174, %cond3A_175 : i32
    scf.if %cond3A_176 {
      "tpu.region"() ({
        %run_scoped3A = tpu.sem_alloc : memref<!tpu.dma_semaphore, #tpu.memory_space<semaphore_mem>>
        %dma_start3A_182 = arith.constant 0 : i32
        %dma_start3A_183 = tpu.memref_slice %arg6[%mul3A_0, %dma_start3A_182] : memref<10240x128xf32, #tpu.memory_space<hbm>> -> memref<640x128xf32, #tpu.memory_space<hbm>>
        %dma_start3A_184 = arith.constant 0 : i32
        %dma_start3A_185 = tpu.memref_slice %arg8[%mul3A_0, %dma_start3A_184] : memref<10240x128xf32, #tpu.memory_space<vmem_shared>> -> memref<640x128xf32, #tpu.memory_space<vmem_shared>>
        tpu.enqueue_dma source(%dma_start3A_185 : memref<640x128xf32, #tpu.memory_space<vmem_shared>>) target(%dma_start3A_183 : memref<640x128xf32, #tpu.memory_space<hbm>>) target_semaphore(%run_scoped3A : memref<!tpu.dma_semaphore, #tpu.memory_space<semaphore_mem>>)
        %dma_wait3A = arith.constant 0 : i32
        %dma_wait3A_186 = tpu.memref_slice %arg6[%mul3A_0, %dma_wait3A] : memref<10240x128xf32, #tpu.memory_space<hbm>> -> memref<640x128xf32, #tpu.memory_space<hbm>>
        %dma_wait3A_187 = arith.constant 0 : i32
        %dma_wait3A_188 = tpu.memref_slice %arg8[%mul3A_0, %dma_wait3A_187] : memref<10240x128xf32, #tpu.memory_space<vmem_shared>> -> memref<640x128xf32, #tpu.memory_space<vmem_shared>>
        tpu.wait_dma2 semaphore(%run_scoped3A : memref<!tpu.dma_semaphore, #tpu.memory_space<semaphore_mem>>) src(%dma_wait3A_188 : memref<640x128xf32, #tpu.memory_space<vmem_shared>>) dst(%dma_wait3A_186 : memref<640x128xf32, #tpu.memory_space<hbm>>)
        tpu.yield
      }) : () -> ()
    } else {
    }
    %eq3A_177 = arith.constant 1 : i32
    %eq3A_178 = arith.cmpi eq, %arg0, %eq3A_177 : i32
    %convert_element_type3A_179 = arith.extui %eq3A_178 : i1 to i32
    %cond3A_180 = arith.constant 0 : i32
    %cond3A_181 = arith.cmpi ne, %convert_element_type3A_179, %cond3A_180 : i32
    scf.if %cond3A_181 {
      "tpu.region"() ({
        %run_scoped3A = tpu.sem_alloc : memref<!tpu.dma_semaphore, #tpu.memory_space<semaphore_mem>>
        %dma_start3A_182 = arith.constant 0 : i32
        %dma_start3A_183 = tpu.memref_slice %arg7[%mul3A_0, %dma_start3A_182] : memref<10240x128xf32, #tpu.memory_space<hbm>> -> memref<640x128xf32, #tpu.memory_space<hbm>>
        %dma_start3A_184 = arith.constant 0 : i32
        %dma_start3A_185 = tpu.memref_slice %arg8[%mul3A_0, %dma_start3A_184] : memref<10240x128xf32, #tpu.memory_space<vmem_shared>> -> memref<640x128xf32, #tpu.memory_space<vmem_shared>>
        tpu.enqueue_dma source(%dma_start3A_185 : memref<640x128xf32, #tpu.memory_space<vmem_shared>>) target(%dma_start3A_183 : memref<640x128xf32, #tpu.memory_space<hbm>>) target_semaphore(%run_scoped3A : memref<!tpu.dma_semaphore, #tpu.memory_space<semaphore_mem>>)
        %dma_wait3A = arith.constant 0 : i32
        %dma_wait3A_186 = tpu.memref_slice %arg7[%mul3A_0, %dma_wait3A] : memref<10240x128xf32, #tpu.memory_space<hbm>> -> memref<640x128xf32, #tpu.memory_space<hbm>>
        %dma_wait3A_187 = arith.constant 0 : i32
        %dma_wait3A_188 = tpu.memref_slice %arg8[%mul3A_0, %dma_wait3A_187] : memref<10240x128xf32, #tpu.memory_space<vmem_shared>> -> memref<640x128xf32, #tpu.memory_space<vmem_shared>>
        tpu.wait_dma2 semaphore(%run_scoped3A : memref<!tpu.dma_semaphore, #tpu.memory_space<semaphore_mem>>) src(%dma_wait3A_188 : memref<640x128xf32, #tpu.memory_space<vmem_shared>>) dst(%dma_wait3A_186 : memref<640x128xf32, #tpu.memory_space<hbm>>)
        tpu.yield
      }) : () -> ()
    } else {
    }
    return
  }
}

#map = affine_map<(d0, d1) -> (0, 0)>
#map1 = affine_map<(d0, d1) -> (0)>
#map2 = affine_map<(d0, d1) -> (0, 0, 0)>
module attributes {stable_mosaic.version = 14 : i64} {
  func.func @_agg_kernel(%arg0: i32, %arg1: i32, %arg2: memref<10000x128xf32, #tpu.memory_space<hbm>>, %arg3: memref<10000x128xf32, #tpu.memory_space<hbm>>, %arg4: memref<163840xi32, #tpu.memory_space<hbm>>, %arg5: memref<16x80x128xi32, #tpu.memory_space<hbm>>, %arg6: memref<640x128xf32, #tpu.memory_space<hbm>>, %arg7: memref<10240x128xf32, #tpu.memory_space<hbm>>, %arg8: memref<10240x128xf32, #tpu.memory_space<hbm>>, %arg9: memref<10240x128xf32, #tpu.memory_space<vmem_shared>>, %arg10: memref<80x128xi32, #tpu.memory_space<vmem>>, %arg11: memref<128xi32, #tpu.memory_space<vmem>>, %arg12: memref<128xi32, #tpu.memory_space<vmem>>, %arg13: memref<128xi32, #tpu.memory_space<vmem>>, %arg14: memref<128xi32, #tpu.memory_space<vmem>>, %arg15: memref<128x128xf32, #tpu.memory_space<vmem>>, %arg16: memref<128x128xf32, #tpu.memory_space<vmem>>, %arg17: memref<!tpu.dma_semaphore, #tpu.memory_space<semaphore_mem>>, %arg18: memref<!tpu.dma_semaphore, #tpu.memory_space<semaphore_mem>>, %arg19: memref<!tpu.dma_semaphore, #tpu.memory_space<semaphore_mem>>, %arg20: memref<!tpu.dma_semaphore, #tpu.memory_space<semaphore_mem>>, %arg21: memref<!tpu.dma_semaphore, #tpu.memory_space<semaphore_mem>>, %arg22: memref<!tpu.dma_semaphore, #tpu.memory_space<semaphore_mem>>) attributes {dimension_semantics = [#tpu.dimension_semantics<core_parallel>, #tpu.dimension_semantics<subcore_parallel>], iteration_bounds = array<i64: 2, 16>, scalar_prefetch = 0 : i64, scratch_operands = 14 : i64, tpu.core_type = #tpu.core_type<sc_vector_subcore>, window_params = [{transform_indices = #map}, {transform_indices = #map}, {transform_indices = #map1}, {transform_indices = #map2}, {transform_indices = #map}, {transform_indices = #map}, {transform_indices = #map}]} {
    %mul3A = arith.constant 640 : i32
    %mul3A_0 = arith.muli %arg1, %mul3A : i32
    %mul3A_1 = arith.constant 10240 : i32
    %mul3A_2 = arith.muli %arg1, %mul3A_1 : i32
    "tpu.region"() ({
      %run_scoped3A = tpu.sem_alloc : memref<!tpu.dma_semaphore, #tpu.memory_space<semaphore_mem>>
      %dma_start3A = arith.constant 0 : i32
      %dma_start3A_21 = tpu.memref_slice %arg9[%mul3A_0, %dma_start3A] : memref<10240x128xf32, #tpu.memory_space<vmem_shared>> -> memref<640x128xf32, #tpu.memory_space<vmem_shared>>
      tpu.enqueue_dma source(%arg6 : memref<640x128xf32, #tpu.memory_space<hbm>>) target(%dma_start3A_21 : memref<640x128xf32, #tpu.memory_space<vmem_shared>>) target_semaphore(%run_scoped3A : memref<!tpu.dma_semaphore, #tpu.memory_space<semaphore_mem>>)
      %dma_wait3A = arith.constant 0 : i32
      %dma_wait3A_22 = tpu.memref_slice %arg9[%mul3A_0, %dma_wait3A] : memref<10240x128xf32, #tpu.memory_space<vmem_shared>> -> memref<640x128xf32, #tpu.memory_space<vmem_shared>>
      tpu.wait_dma2 semaphore(%run_scoped3A : memref<!tpu.dma_semaphore, #tpu.memory_space<semaphore_mem>>) src(%arg6 : memref<640x128xf32, #tpu.memory_space<hbm>>) dst(%dma_wait3A_22 : memref<640x128xf32, #tpu.memory_space<vmem_shared>>)
      tpu.yield
    }) : () -> ()
    "tpu.region"() ({
      %run_scoped3A = tpu.sem_alloc : memref<!tpu.dma_semaphore, #tpu.memory_space<semaphore_mem>>
      %dma_start3A = arith.constant 0 : i32
      %dma_start3A_21 = arith.constant 0 : i32
      %dma_start3A_22 = tpu.memref_slice %arg5[%arg1, %dma_start3A, %dma_start3A_21] : memref<16x80x128xi32, #tpu.memory_space<hbm>> -> memref<1x80x128xi32, #tpu.memory_space<hbm>>
      %dma_start3A_23 = tpu.memref_squeeze %dma_start3A_22 : memref<1x80x128xi32, #tpu.memory_space<hbm>> -> memref<80x128xi32, #tpu.memory_space<hbm>>
      %dma_start3A_24 = arith.constant 0 : i32
      %dma_start3A_25 = arith.constant 0 : i32
      %dma_start3A_26 = tpu.memref_slice %arg5[%arg1, %dma_start3A_24, %dma_start3A_25] : memref<16x80x128xi32, #tpu.memory_space<hbm>> -> memref<1x80x128xi32, #tpu.memory_space<hbm>>
      %dma_start3A_27 = tpu.memref_squeeze %dma_start3A_26 : memref<1x80x128xi32, #tpu.memory_space<hbm>> -> memref<80x128xi32, #tpu.memory_space<hbm>>
      tpu.enqueue_dma source(%dma_start3A_27 : memref<80x128xi32, #tpu.memory_space<hbm>>) target(%arg10 : memref<80x128xi32, #tpu.memory_space<vmem>>) target_semaphore(%run_scoped3A : memref<!tpu.dma_semaphore, #tpu.memory_space<semaphore_mem>>)
      %dma_wait3A = arith.constant 0 : i32
      %dma_wait3A_28 = arith.constant 0 : i32
      %dma_wait3A_29 = tpu.memref_slice %arg5[%arg1, %dma_wait3A, %dma_wait3A_28] : memref<16x80x128xi32, #tpu.memory_space<hbm>> -> memref<1x80x128xi32, #tpu.memory_space<hbm>>
      %dma_wait3A_30 = tpu.memref_squeeze %dma_wait3A_29 : memref<1x80x128xi32, #tpu.memory_space<hbm>> -> memref<80x128xi32, #tpu.memory_space<hbm>>
      %dma_wait3A_31 = arith.constant 0 : i32
      %dma_wait3A_32 = arith.constant 0 : i32
      %dma_wait3A_33 = tpu.memref_slice %arg5[%arg1, %dma_wait3A_31, %dma_wait3A_32] : memref<16x80x128xi32, #tpu.memory_space<hbm>> -> memref<1x80x128xi32, #tpu.memory_space<hbm>>
      %dma_wait3A_34 = tpu.memref_squeeze %dma_wait3A_33 : memref<1x80x128xi32, #tpu.memory_space<hbm>> -> memref<80x128xi32, #tpu.memory_space<hbm>>
      tpu.wait_dma2 semaphore(%run_scoped3A : memref<!tpu.dma_semaphore, #tpu.memory_space<semaphore_mem>>) src(%dma_wait3A_34 : memref<80x128xi32, #tpu.memory_space<hbm>>) dst(%arg10 : memref<80x128xi32, #tpu.memory_space<vmem>>)
      tpu.yield
    }) : () -> ()
    %barrier3A = arith.constant 0 : index
    tpu.barrier barrier_id(%barrier3A)
    %eq3A = arith.constant 0 : i32
    %eq3A_3 = arith.cmpi eq, %arg0, %eq3A : i32
    %convert_element_type3A = arith.extui %eq3A_3 : i1 to i32
    %cond3A = arith.constant 0 : i32
    %cond3A_4 = arith.cmpi ne, %convert_element_type3A, %cond3A : i32
    scf.if %cond3A_4 {
      %add3A = arith.constant 0 : i32
      %add3A_21 = arith.addi %mul3A_2, %add3A : i32
      %dma_start3A = tpu.memref_slice %arg4[%add3A_21] : memref<163840xi32, #tpu.memory_space<hbm>> -> memref<128xi32, #tpu.memory_space<hbm>>
      %dma_start3A_22 = tpu.memref_slice %arg4[%add3A_21] : memref<163840xi32, #tpu.memory_space<hbm>> -> memref<128xi32, #tpu.memory_space<hbm>>
      tpu.enqueue_dma source(%dma_start3A_22 : memref<128xi32, #tpu.memory_space<hbm>>) target(%arg13 : memref<128xi32, #tpu.memory_space<vmem>>) target_semaphore(%arg21 : memref<!tpu.dma_semaphore, #tpu.memory_space<semaphore_mem>>)
      %add3A_23 = arith.constant 128 : i32
      %add3A_24 = arith.addi %mul3A_2, %add3A_23 : i32
      %dma_start3A_25 = tpu.memref_slice %arg4[%add3A_24] : memref<163840xi32, #tpu.memory_space<hbm>> -> memref<128xi32, #tpu.memory_space<hbm>>
      %dma_start3A_26 = tpu.memref_slice %arg4[%add3A_24] : memref<163840xi32, #tpu.memory_space<hbm>> -> memref<128xi32, #tpu.memory_space<hbm>>
      tpu.enqueue_dma source(%dma_start3A_26 : memref<128xi32, #tpu.memory_space<hbm>>) target(%arg14 : memref<128xi32, #tpu.memory_space<vmem>>) target_semaphore(%arg22 : memref<!tpu.dma_semaphore, #tpu.memory_space<semaphore_mem>>)
      %dma_wait3A = arith.constant 0 : i32
      %dma_wait3A_27 = tpu.memref_slice %arg4[%dma_wait3A] : memref<163840xi32, #tpu.memory_space<hbm>> -> memref<128xi32, #tpu.memory_space<hbm>>
      %dma_wait3A_28 = arith.constant 0 : i32
      %dma_wait3A_29 = tpu.memref_slice %arg4[%dma_wait3A_28] : memref<163840xi32, #tpu.memory_space<hbm>> -> memref<128xi32, #tpu.memory_space<hbm>>
      tpu.wait_dma2 semaphore(%arg21 : memref<!tpu.dma_semaphore, #tpu.memory_space<semaphore_mem>>) src(%dma_wait3A_29 : memref<128xi32, #tpu.memory_space<hbm>>) dst(%arg13 : memref<128xi32, #tpu.memory_space<vmem>>)
      %dma_start3A_30 = arith.constant 0 : i32
      %dma_start3A_31 = arith.constant 0 : i32
      %dma_start3A_32 = tpu.memref_slice %arg2[%dma_start3A_30, %dma_start3A_31] : memref<10000x128xf32, #tpu.memory_space<hbm>> -> memref<10000x128xf32, #tpu.memory_space<hbm>>
      tpu.enqueue_indirect_dma source(%dma_start3A_32 : memref<10000x128xf32, #tpu.memory_space<hbm>>) target(%arg15 : memref<128x128xf32, #tpu.memory_space<vmem>>) offsets(%arg13 : memref<128xi32, #tpu.memory_space<vmem>>) semaphore(%arg17 : memref<!tpu.dma_semaphore, #tpu.memory_space<semaphore_mem>>)
      %dma_wait3A_33 = arith.constant 0 : i32
      %dma_wait3A_34 = tpu.memref_slice %arg4[%dma_wait3A_33] : memref<163840xi32, #tpu.memory_space<hbm>> -> memref<128xi32, #tpu.memory_space<hbm>>
      %dma_wait3A_35 = arith.constant 0 : i32
      %dma_wait3A_36 = tpu.memref_slice %arg4[%dma_wait3A_35] : memref<163840xi32, #tpu.memory_space<hbm>> -> memref<128xi32, #tpu.memory_space<hbm>>
      tpu.wait_dma2 semaphore(%arg22 : memref<!tpu.dma_semaphore, #tpu.memory_space<semaphore_mem>>) src(%dma_wait3A_36 : memref<128xi32, #tpu.memory_space<hbm>>) dst(%arg14 : memref<128xi32, #tpu.memory_space<vmem>>)
      %dma_start3A_37 = arith.constant 0 : i32
      %dma_start3A_38 = arith.constant 0 : i32
      %dma_start3A_39 = tpu.memref_slice %arg2[%dma_start3A_37, %dma_start3A_38] : memref<10000x128xf32, #tpu.memory_space<hbm>> -> memref<10000x128xf32, #tpu.memory_space<hbm>>
      tpu.enqueue_indirect_dma source(%dma_start3A_39 : memref<10000x128xf32, #tpu.memory_space<hbm>>) target(%arg16 : memref<128x128xf32, #tpu.memory_space<vmem>>) offsets(%arg14 : memref<128xi32, #tpu.memory_space<vmem>>) semaphore(%arg18 : memref<!tpu.dma_semaphore, #tpu.memory_space<semaphore_mem>>)
      %sub3A = arith.constant 40 : i32
      %sub3A_40 = arith.constant 0 : i32
      %sub3A_41 = arith.subi %sub3A, %sub3A_40 : i32
      %sub3A_42 = arith.constant 1 : i32
      %sub3A_43 = arith.constant 1 : i32
      %sub3A_44 = arith.subi %sub3A_42, %sub3A_43 : i32
      %add3A_45 = arith.addi %sub3A_41, %sub3A_44 : i32
      %div3A = arith.constant 1 : i32
      %div3A_46 = arith.divsi %add3A_45, %div3A : i32
      %while3A = arith.constant 1 : i32
      %while3A_47 = arith.constant 0 : i32
      %while3A_48 = arith.constant 0 : i32
      %while3A_49 = arith.subi %div3A_46, %while3A_48 : i32
      %while3A_50 = arith.addi %while3A_48, %while3A_49 : i32
      %while3A_51 = arith.constant 1 : i32
      %while3A_52 = arith.divsi %while3A_49, %while3A_51 : i32
      %while3A_53 = arith.muli %while3A_52, %while3A_51 : i32
      %while3A_54 = arith.addi %while3A_48, %while3A_53 : i32
      %while3A_55 = arith.constant 1 : i32
      scf.for %while3A_57 = %while3A_48 to %while3A_54 step %while3A_55  : i32 {
        %mul3A_58 = arith.muli %while3A_57, %while3A : i32
        %add3A_59 = arith.addi %while3A_47, %mul3A_58 : i32
        %mul3A_60 = arith.constant 2 : i32
        %mul3A_61 = arith.muli %add3A_59, %mul3A_60 : i32
        %add3A_62 = arith.constant 0 : i32
        %add3A_63 = arith.addi %mul3A_61, %add3A_62 : i32
        %dma_wait3A_64 = arith.constant 0 : i32
        %dma_wait3A_65 = arith.constant 0 : i32
        %dma_wait3A_66 = tpu.memref_slice %arg2[%dma_wait3A_64, %dma_wait3A_65] : memref<10000x128xf32, #tpu.memory_space<hbm>> -> memref<128x128xf32, #tpu.memory_space<hbm>>
        %dma_wait3A_67 = arith.constant 0 : i32
        %dma_wait3A_68 = arith.constant 0 : i32
        %dma_wait3A_69 = tpu.memref_slice %arg2[%dma_wait3A_67, %dma_wait3A_68] : memref<10000x128xf32, #tpu.memory_space<hbm>> -> memref<128x128xf32, #tpu.memory_space<hbm>>
        tpu.wait_dma2 semaphore(%arg17 : memref<!tpu.dma_semaphore, #tpu.memory_space<semaphore_mem>>) src(%dma_wait3A_69 : memref<128x128xf32, #tpu.memory_space<hbm>>) dst(%arg15 : memref<128x128xf32, #tpu.memory_space<vmem>>)
        %get3A = arith.index_cast %add3A_63 : i32 to index
        %get3A_70 = arith.constant 0 : index
        %get3A_71 = tpu.vector_load %arg10[%get3A, %get3A_70] {strides = array<i32>} : memref<80x128xi32, #tpu.memory_space<vmem>>, vector<1x16xi32>,
        %get3A_72 = vector.shape_cast %get3A_71 : vector<1x16xi32> to vector<16xi32>
        %swap3A = arith.constant 0 : index
        %swap3A_73 = tpu.vector_load %arg11[%swap3A] {strides = array<i32>} : memref<128xi32, #tpu.memory_space<vmem>>, vector<16xi32>,
        %swap3A_74 = vector.shape_cast %swap3A_73 : vector<16xi32> to vector<16xi32>
        %swap3A_75 = vector.shape_cast %get3A_72 : vector<16xi32> to vector<16xi32>
        tpu.vector_store %arg11[%swap3A], %swap3A_75 {strides = array<i32>} : memref<128xi32, #tpu.memory_space<vmem>>, vector<16xi32>,
        %get3A_76 = arith.index_cast %add3A_63 : i32 to index
        %get3A_77 = arith.constant 16 : index
        %get3A_78 = tpu.vector_load %arg10[%get3A_76, %get3A_77] {strides = array<i32>} : memref<80x128xi32, #tpu.memory_space<vmem>>, vector<1x16xi32>,
        %get3A_79 = vector.shape_cast %get3A_78 : vector<1x16xi32> to vector<16xi32>
        %swap3A_80 = arith.constant 16 : index
        %swap3A_81 = tpu.vector_load %arg11[%swap3A_80] {strides = array<i32>} : memref<128xi32, #tpu.memory_space<vmem>>, vector<16xi32>,
        %swap3A_82 = vector.shape_cast %swap3A_81 : vector<16xi32> to vector<16xi32>
        %swap3A_83 = vector.shape_cast %get3A_79 : vector<16xi32> to vector<16xi32>
        tpu.vector_store %arg11[%swap3A_80], %swap3A_83 {strides = array<i32>} : memref<128xi32, #tpu.memory_space<vmem>>, vector<16xi32>,
        %get3A_84 = arith.index_cast %add3A_63 : i32 to index
        %get3A_85 = arith.constant 32 : index
        %get3A_86 = tpu.vector_load %arg10[%get3A_84, %get3A_85] {strides = array<i32>} : memref<80x128xi32, #tpu.memory_space<vmem>>, vector<1x16xi32>,
        %get3A_87 = vector.shape_cast %get3A_86 : vector<1x16xi32> to vector<16xi32>
        %swap3A_88 = arith.constant 32 : index
        %swap3A_89 = tpu.vector_load %arg11[%swap3A_88] {strides = array<i32>} : memref<128xi32, #tpu.memory_space<vmem>>, vector<16xi32>,
        %swap3A_90 = vector.shape_cast %swap3A_89 : vector<16xi32> to vector<16xi32>
        %swap3A_91 = vector.shape_cast %get3A_87 : vector<16xi32> to vector<16xi32>
        tpu.vector_store %arg11[%swap3A_88], %swap3A_91 {strides = array<i32>} : memref<128xi32, #tpu.memory_space<vmem>>, vector<16xi32>,
        %get3A_92 = arith.index_cast %add3A_63 : i32 to index
        %get3A_93 = arith.constant 48 : index
        %get3A_94 = tpu.vector_load %arg10[%get3A_92, %get3A_93] {strides = array<i32>} : memref<80x128xi32, #tpu.memory_space<vmem>>, vector<1x16xi32>,
        %get3A_95 = vector.shape_cast %get3A_94 : vector<1x16xi32> to vector<16xi32>
        %swap3A_96 = arith.constant 48 : index
        %swap3A_97 = tpu.vector_load %arg11[%swap3A_96] {strides = array<i32>} : memref<128xi32, #tpu.memory_space<vmem>>, vector<16xi32>,
        %swap3A_98 = vector.shape_cast %swap3A_97 : vector<16xi32> to vector<16xi32>
        %swap3A_99 = vector.shape_cast %get3A_95 : vector<16xi32> to vector<16xi32>
        tpu.vector_store %arg11[%swap3A_96], %swap3A_99 {strides = array<i32>} : memref<128xi32, #tpu.memory_space<vmem>>, vector<16xi32>,
        %get3A_100 = arith.index_cast %add3A_63 : i32 to index
        %get3A_101 = arith.constant 64 : index
        %get3A_102 = tpu.vector_load %arg10[%get3A_100, %get3A_101] {strides = array<i32>} : memref<80x128xi32, #tpu.memory_space<vmem>>, vector<1x16xi32>,
        %get3A_103 = vector.shape_cast %get3A_102 : vector<1x16xi32> to vector<16xi32>
        %swap3A_104 = arith.constant 64 : index
        %swap3A_105 = tpu.vector_load %arg11[%swap3A_104] {strides = array<i32>} : memref<128xi32, #tpu.memory_space<vmem>>, vector<16xi32>,
        %swap3A_106 = vector.shape_cast %swap3A_105 : vector<16xi32> to vector<16xi32>
        %swap3A_107 = vector.shape_cast %get3A_103 : vector<16xi32> to vector<16xi32>
        tpu.vector_store %arg11[%swap3A_104], %swap3A_107 {strides = array<i32>} : memref<128xi32, #tpu.memory_space<vmem>>, vector<16xi32>,
        %get3A_108 = arith.index_cast %add3A_63 : i32 to index
        %get3A_109 = arith.constant 80 : index
        %get3A_110 = tpu.vector_load %arg10[%get3A_108, %get3A_109] {strides = array<i32>} : memref<80x128xi32, #tpu.memory_space<vmem>>, vector<1x16xi32>,
        %get3A_111 = vector.shape_cast %get3A_110 : vector<1x16xi32> to vector<16xi32>
        %swap3A_112 = arith.constant 80 : index
        %swap3A_113 = tpu.vector_load %arg11[%swap3A_112] {strides = array<i32>} : memref<128xi32, #tpu.memory_space<vmem>>, vector<16xi32>,
        %swap3A_114 = vector.shape_cast %swap3A_113 : vector<16xi32> to vector<16xi32>
        %swap3A_115 = vector.shape_cast %get3A_111 : vector<16xi32> to vector<16xi32>
        tpu.vector_store %arg11[%swap3A_112], %swap3A_115 {strides = array<i32>} : memref<128xi32, #tpu.memory_space<vmem>>, vector<16xi32>,
        %get3A_116 = arith.index_cast %add3A_63 : i32 to index
        %get3A_117 = arith.constant 96 : index
        %get3A_118 = tpu.vector_load %arg10[%get3A_116, %get3A_117] {strides = array<i32>} : memref<80x128xi32, #tpu.memory_space<vmem>>, vector<1x16xi32>,
        %get3A_119 = vector.shape_cast %get3A_118 : vector<1x16xi32> to vector<16xi32>
        %swap3A_120 = arith.constant 96 : index
        %swap3A_121 = tpu.vector_load %arg11[%swap3A_120] {strides = array<i32>} : memref<128xi32, #tpu.memory_space<vmem>>, vector<16xi32>,
        %swap3A_122 = vector.shape_cast %swap3A_121 : vector<16xi32> to vector<16xi32>
        %swap3A_123 = vector.shape_cast %get3A_119 : vector<16xi32> to vector<16xi32>
        tpu.vector_store %arg11[%swap3A_120], %swap3A_123 {strides = array<i32>} : memref<128xi32, #tpu.memory_space<vmem>>, vector<16xi32>,
        %get3A_124 = arith.index_cast %add3A_63 : i32 to index
        %get3A_125 = arith.constant 112 : index
        %get3A_126 = tpu.vector_load %arg10[%get3A_124, %get3A_125] {strides = array<i32>} : memref<80x128xi32, #tpu.memory_space<vmem>>, vector<1x16xi32>,
        %get3A_127 = vector.shape_cast %get3A_126 : vector<1x16xi32> to vector<16xi32>
        %swap3A_128 = arith.constant 112 : index
        %swap3A_129 = tpu.vector_load %arg11[%swap3A_128] {strides = array<i32>} : memref<128xi32, #tpu.memory_space<vmem>>, vector<16xi32>,
        %swap3A_130 = vector.shape_cast %swap3A_129 : vector<16xi32> to vector<16xi32>
        %swap3A_131 = vector.shape_cast %get3A_127 : vector<16xi32> to vector<16xi32>
        tpu.vector_store %arg11[%swap3A_128], %swap3A_131 {strides = array<i32>} : memref<128xi32, #tpu.memory_space<vmem>>, vector<16xi32>,
        %dma_start3A_132 = arith.constant 0 : i32
        %dma_start3A_133 = arith.constant 0 : i32
        %dma_start3A_134 = tpu.memref_slice %arg9[%dma_start3A_132, %dma_start3A_133] : memref<10240x128xf32, #tpu.memory_space<vmem_shared>> -> memref<10240x128xf32, #tpu.memory_space<vmem_shared>>
        tpu.enqueue_indirect_dma source(%arg15 : memref<128x128xf32, #tpu.memory_space<vmem>>) target(%dma_start3A_134 : memref<10240x128xf32, #tpu.memory_space<vmem_shared>>) offsets(%arg11 : memref<128xi32, #tpu.memory_space<vmem>>) semaphore(%arg19 : memref<!tpu.dma_semaphore, #tpu.memory_space<semaphore_mem>>) {add = true}
        %lt3A = arith.constant 39 : i32
        %lt3A_135 = arith.cmpi slt, %add3A_59, %lt3A : i32
        %convert_element_type3A_136 = arith.extui %lt3A_135 : i1 to i32
        %cond3A_137 = arith.constant 0 : i32
        %cond3A_138 = arith.cmpi ne, %convert_element_type3A_136, %cond3A_137 : i32
        scf.if %cond3A_138 {
          %add3A_243 = arith.constant 2 : i32
          %add3A_244 = arith.addi %add3A_63, %add3A_243 : i32
          %mul3A_245 = arith.constant 128 : i32
          %mul3A_246 = arith.muli %add3A_244, %mul3A_245 : i32
          %add3A_247 = arith.addi %mul3A_2, %mul3A_246 : i32
          %dma_start3A_248 = tpu.memref_slice %arg4[%add3A_247] : memref<163840xi32, #tpu.memory_space<hbm>> -> memref<128xi32, #tpu.memory_space<hbm>>
          %dma_start3A_249 = tpu.memref_slice %arg4[%add3A_247] : memref<163840xi32, #tpu.memory_space<hbm>> -> memref<128xi32, #tpu.memory_space<hbm>>
          tpu.enqueue_dma source(%dma_start3A_249 : memref<128xi32, #tpu.memory_space<hbm>>) target(%arg13 : memref<128xi32, #tpu.memory_space<vmem>>) target_semaphore(%arg21 : memref<!tpu.dma_semaphore, #tpu.memory_space<semaphore_mem>>)
        } else {
        }
        %mul3A_139 = arith.constant 2 : i32
        %mul3A_140 = arith.muli %add3A_59, %mul3A_139 : i32
        %add3A_141 = arith.constant 1 : i32
        %add3A_142 = arith.addi %mul3A_140, %add3A_141 : i32
        %dma_wait3A_143 = arith.constant 0 : i32
        %dma_wait3A_144 = arith.constant 0 : i32
        %dma_wait3A_145 = tpu.memref_slice %arg2[%dma_wait3A_143, %dma_wait3A_144] : memref<10000x128xf32, #tpu.memory_space<hbm>> -> memref<128x128xf32, #tpu.memory_space<hbm>>
        %dma_wait3A_146 = arith.constant 0 : i32
        %dma_wait3A_147 = arith.constant 0 : i32
        %dma_wait3A_148 = tpu.memref_slice %arg2[%dma_wait3A_146, %dma_wait3A_147] : memref<10000x128xf32, #tpu.memory_space<hbm>> -> memref<128x128xf32, #tpu.memory_space<hbm>>
        tpu.wait_dma2 semaphore(%arg18 : memref<!tpu.dma_semaphore, #tpu.memory_space<semaphore_mem>>) src(%dma_wait3A_148 : memref<128x128xf32, #tpu.memory_space<hbm>>) dst(%arg16 : memref<128x128xf32, #tpu.memory_space<vmem>>)
        %get3A_149 = arith.index_cast %add3A_142 : i32 to index
        %get3A_150 = arith.constant 0 : index
        %get3A_151 = tpu.vector_load %arg10[%get3A_149, %get3A_150] {strides = array<i32>} : memref<80x128xi32, #tpu.memory_space<vmem>>, vector<1x16xi32>,
        %get3A_152 = vector.shape_cast %get3A_151 : vector<1x16xi32> to vector<16xi32>
        %swap3A_153 = arith.constant 0 : index
        %swap3A_154 = tpu.vector_load %arg12[%swap3A_153] {strides = array<i32>} : memref<128xi32, #tpu.memory_space<vmem>>, vector<16xi32>,
        %swap3A_155 = vector.shape_cast %swap3A_154 : vector<16xi32> to vector<16xi32>
        %swap3A_156 = vector.shape_cast %get3A_152 : vector<16xi32> to vector<16xi32>
        tpu.vector_store %arg12[%swap3A_153], %swap3A_156 {strides = array<i32>} : memref<128xi32, #tpu.memory_space<vmem>>, vector<16xi32>,
        %get3A_157 = arith.index_cast %add3A_142 : i32 to index
        %get3A_158 = arith.constant 16 : index
        %get3A_159 = tpu.vector_load %arg10[%get3A_157, %get3A_158] {strides = array<i32>} : memref<80x128xi32, #tpu.memory_space<vmem>>, vector<1x16xi32>,
        %get3A_160 = vector.shape_cast %get3A_159 : vector<1x16xi32> to vector<16xi32>
        %swap3A_161 = arith.constant 16 : index
        %swap3A_162 = tpu.vector_load %arg12[%swap3A_161] {strides = array<i32>} : memref<128xi32, #tpu.memory_space<vmem>>, vector<16xi32>,
        %swap3A_163 = vector.shape_cast %swap3A_162 : vector<16xi32> to vector<16xi32>
        %swap3A_164 = vector.shape_cast %get3A_160 : vector<16xi32> to vector<16xi32>
        tpu.vector_store %arg12[%swap3A_161], %swap3A_164 {strides = array<i32>} : memref<128xi32, #tpu.memory_space<vmem>>, vector<16xi32>,
        %get3A_165 = arith.index_cast %add3A_142 : i32 to index
        %get3A_166 = arith.constant 32 : index
        %get3A_167 = tpu.vector_load %arg10[%get3A_165, %get3A_166] {strides = array<i32>} : memref<80x128xi32, #tpu.memory_space<vmem>>, vector<1x16xi32>,
        %get3A_168 = vector.shape_cast %get3A_167 : vector<1x16xi32> to vector<16xi32>
        %swap3A_169 = arith.constant 32 : index
        %swap3A_170 = tpu.vector_load %arg12[%swap3A_169] {strides = array<i32>} : memref<128xi32, #tpu.memory_space<vmem>>, vector<16xi32>,
        %swap3A_171 = vector.shape_cast %swap3A_170 : vector<16xi32> to vector<16xi32>
        %swap3A_172 = vector.shape_cast %get3A_168 : vector<16xi32> to vector<16xi32>
        tpu.vector_store %arg12[%swap3A_169], %swap3A_172 {strides = array<i32>} : memref<128xi32, #tpu.memory_space<vmem>>, vector<16xi32>,
        %get3A_173 = arith.index_cast %add3A_142 : i32 to index
        %get3A_174 = arith.constant 48 : index
        %get3A_175 = tpu.vector_load %arg10[%get3A_173, %get3A_174] {strides = array<i32>} : memref<80x128xi32, #tpu.memory_space<vmem>>, vector<1x16xi32>,
        %get3A_176 = vector.shape_cast %get3A_175 : vector<1x16xi32> to vector<16xi32>
        %swap3A_177 = arith.constant 48 : index
        %swap3A_178 = tpu.vector_load %arg12[%swap3A_177] {strides = array<i32>} : memref<128xi32, #tpu.memory_space<vmem>>, vector<16xi32>,
        %swap3A_179 = vector.shape_cast %swap3A_178 : vector<16xi32> to vector<16xi32>
        %swap3A_180 = vector.shape_cast %get3A_176 : vector<16xi32> to vector<16xi32>
        tpu.vector_store %arg12[%swap3A_177], %swap3A_180 {strides = array<i32>} : memref<128xi32, #tpu.memory_space<vmem>>, vector<16xi32>,
        %get3A_181 = arith.index_cast %add3A_142 : i32 to index
        %get3A_182 = arith.constant 64 : index
        %get3A_183 = tpu.vector_load %arg10[%get3A_181, %get3A_182] {strides = array<i32>} : memref<80x128xi32, #tpu.memory_space<vmem>>, vector<1x16xi32>,
        %get3A_184 = vector.shape_cast %get3A_183 : vector<1x16xi32> to vector<16xi32>
        %swap3A_185 = arith.constant 64 : index
        %swap3A_186 = tpu.vector_load %arg12[%swap3A_185] {strides = array<i32>} : memref<128xi32, #tpu.memory_space<vmem>>, vector<16xi32>,
        %swap3A_187 = vector.shape_cast %swap3A_186 : vector<16xi32> to vector<16xi32>
        %swap3A_188 = vector.shape_cast %get3A_184 : vector<16xi32> to vector<16xi32>
        tpu.vector_store %arg12[%swap3A_185], %swap3A_188 {strides = array<i32>} : memref<128xi32, #tpu.memory_space<vmem>>, vector<16xi32>,
        %get3A_189 = arith.index_cast %add3A_142 : i32 to index
        %get3A_190 = arith.constant 80 : index
        %get3A_191 = tpu.vector_load %arg10[%get3A_189, %get3A_190] {strides = array<i32>} : memref<80x128xi32, #tpu.memory_space<vmem>>, vector<1x16xi32>,
        %get3A_192 = vector.shape_cast %get3A_191 : vector<1x16xi32> to vector<16xi32>
        %swap3A_193 = arith.constant 80 : index
        %swap3A_194 = tpu.vector_load %arg12[%swap3A_193] {strides = array<i32>} : memref<128xi32, #tpu.memory_space<vmem>>, vector<16xi32>,
        %swap3A_195 = vector.shape_cast %swap3A_194 : vector<16xi32> to vector<16xi32>
        %swap3A_196 = vector.shape_cast %get3A_192 : vector<16xi32> to vector<16xi32>
        tpu.vector_store %arg12[%swap3A_193], %swap3A_196 {strides = array<i32>} : memref<128xi32, #tpu.memory_space<vmem>>, vector<16xi32>,
        %get3A_197 = arith.index_cast %add3A_142 : i32 to index
        %get3A_198 = arith.constant 96 : index
        %get3A_199 = tpu.vector_load %arg10[%get3A_197, %get3A_198] {strides = array<i32>} : memref<80x128xi32, #tpu.memory_space<vmem>>, vector<1x16xi32>,
        %get3A_200 = vector.shape_cast %get3A_199 : vector<1x16xi32> to vector<16xi32>
        %swap3A_201 = arith.constant 96 : index
        %swap3A_202 = tpu.vector_load %arg12[%swap3A_201] {strides = array<i32>} : memref<128xi32, #tpu.memory_space<vmem>>, vector<16xi32>,
        %swap3A_203 = vector.shape_cast %swap3A_202 : vector<16xi32> to vector<16xi32>
        %swap3A_204 = vector.shape_cast %get3A_200 : vector<16xi32> to vector<16xi32>
        tpu.vector_store %arg12[%swap3A_201], %swap3A_204 {strides = array<i32>} : memref<128xi32, #tpu.memory_space<vmem>>, vector<16xi32>,
        %get3A_205 = arith.index_cast %add3A_142 : i32 to index
        %get3A_206 = arith.constant 112 : index
        %get3A_207 = tpu.vector_load %arg10[%get3A_205, %get3A_206] {strides = array<i32>} : memref<80x128xi32, #tpu.memory_space<vmem>>, vector<1x16xi32>,
        %get3A_208 = vector.shape_cast %get3A_207 : vector<1x16xi32> to vector<16xi32>
        %swap3A_209 = arith.constant 112 : index
        %swap3A_210 = tpu.vector_load %arg12[%swap3A_209] {strides = array<i32>} : memref<128xi32, #tpu.memory_space<vmem>>, vector<16xi32>,
        %swap3A_211 = vector.shape_cast %swap3A_210 : vector<16xi32> to vector<16xi32>
        %swap3A_212 = vector.shape_cast %get3A_208 : vector<16xi32> to vector<16xi32>
        tpu.vector_store %arg12[%swap3A_209], %swap3A_212 {strides = array<i32>} : memref<128xi32, #tpu.memory_space<vmem>>, vector<16xi32>,
        %dma_start3A_213 = arith.constant 0 : i32
        %dma_start3A_214 = arith.constant 0 : i32
        %dma_start3A_215 = tpu.memref_slice %arg9[%dma_start3A_213, %dma_start3A_214] : memref<10240x128xf32, #tpu.memory_space<vmem_shared>> -> memref<10240x128xf32, #tpu.memory_space<vmem_shared>>
        tpu.enqueue_indirect_dma source(%arg16 : memref<128x128xf32, #tpu.memory_space<vmem>>) target(%dma_start3A_215 : memref<10240x128xf32, #tpu.memory_space<vmem_shared>>) offsets(%arg12 : memref<128xi32, #tpu.memory_space<vmem>>) semaphore(%arg20 : memref<!tpu.dma_semaphore, #tpu.memory_space<semaphore_mem>>) {add = true}
        %lt3A_216 = arith.constant 39 : i32
        %lt3A_217 = arith.cmpi slt, %add3A_59, %lt3A_216 : i32
        %convert_element_type3A_218 = arith.extui %lt3A_217 : i1 to i32
        %cond3A_219 = arith.constant 0 : i32
        %cond3A_220 = arith.cmpi ne, %convert_element_type3A_218, %cond3A_219 : i32
        scf.if %cond3A_220 {
          %add3A_243 = arith.constant 2 : i32
          %add3A_244 = arith.addi %add3A_142, %add3A_243 : i32
          %mul3A_245 = arith.constant 128 : i32
          %mul3A_246 = arith.muli %add3A_244, %mul3A_245 : i32
          %add3A_247 = arith.addi %mul3A_2, %mul3A_246 : i32
          %dma_start3A_248 = tpu.memref_slice %arg4[%add3A_247] : memref<163840xi32, #tpu.memory_space<hbm>> -> memref<128xi32, #tpu.memory_space<hbm>>
          %dma_start3A_249 = tpu.memref_slice %arg4[%add3A_247] : memref<163840xi32, #tpu.memory_space<hbm>> -> memref<128xi32, #tpu.memory_space<hbm>>
          tpu.enqueue_dma source(%dma_start3A_249 : memref<128xi32, #tpu.memory_space<hbm>>) target(%arg14 : memref<128xi32, #tpu.memory_space<vmem>>) target_semaphore(%arg22 : memref<!tpu.dma_semaphore, #tpu.memory_space<semaphore_mem>>)
        } else {
        }
        %dma_wait3A_221 = arith.constant 0 : i32
        %dma_wait3A_222 = arith.constant 0 : i32
        %dma_wait3A_223 = tpu.memref_slice %arg9[%dma_wait3A_221, %dma_wait3A_222] : memref<10240x128xf32, #tpu.memory_space<vmem_shared>> -> memref<128x128xf32, #tpu.memory_space<vmem_shared>>
        %dma_wait3A_224 = arith.constant 0 : i32
        %dma_wait3A_225 = arith.constant 0 : i32
        %dma_wait3A_226 = tpu.memref_slice %arg9[%dma_wait3A_224, %dma_wait3A_225] : memref<10240x128xf32, #tpu.memory_space<vmem_shared>> -> memref<128x128xf32, #tpu.memory_space<vmem_shared>>
        tpu.wait_dma2 semaphore(%arg19 : memref<!tpu.dma_semaphore, #tpu.memory_space<semaphore_mem>>) src(%arg15 : memref<128x128xf32, #tpu.memory_space<vmem>>) dst(%dma_wait3A_226 : memref<128x128xf32, #tpu.memory_space<vmem_shared>>)
        %lt3A_227 = arith.constant 39 : i32
        %lt3A_228 = arith.cmpi slt, %add3A_59, %lt3A_227 : i32
        %convert_element_type3A_229 = arith.extui %lt3A_228 : i1 to i32
        %cond3A_230 = arith.constant 0 : i32
        %cond3A_231 = arith.cmpi ne, %convert_element_type3A_229, %cond3A_230 : i32
        scf.if %cond3A_231 {
          %dma_wait3A_243 = arith.constant 0 : i32
          %dma_wait3A_244 = tpu.memref_slice %arg4[%dma_wait3A_243] : memref<163840xi32, #tpu.memory_space<hbm>> -> memref<128xi32, #tpu.memory_space<hbm>>
          %dma_wait3A_245 = arith.constant 0 : i32
          %dma_wait3A_246 = tpu.memref_slice %arg4[%dma_wait3A_245] : memref<163840xi32, #tpu.memory_space<hbm>> -> memref<128xi32, #tpu.memory_space<hbm>>
          tpu.wait_dma2 semaphore(%arg21 : memref<!tpu.dma_semaphore, #tpu.memory_space<semaphore_mem>>) src(%dma_wait3A_246 : memref<128xi32, #tpu.memory_space<hbm>>) dst(%arg13 : memref<128xi32, #tpu.memory_space<vmem>>)
          %dma_start3A_247 = arith.constant 0 : i32
          %dma_start3A_248 = arith.constant 0 : i32
          %dma_start3A_249 = tpu.memref_slice %arg2[%dma_start3A_247, %dma_start3A_248] : memref<10000x128xf32, #tpu.memory_space<hbm>> -> memref<10000x128xf32, #tpu.memory_space<hbm>>
          tpu.enqueue_indirect_dma source(%dma_start3A_249 : memref<10000x128xf32, #tpu.memory_space<hbm>>) target(%arg15 : memref<128x128xf32, #tpu.memory_space<vmem>>) offsets(%arg13 : memref<128xi32, #tpu.memory_space<vmem>>) semaphore(%arg17 : memref<!tpu.dma_semaphore, #tpu.memory_space<semaphore_mem>>)
        } else {
        }
        %dma_wait3A_232 = arith.constant 0 : i32
        %dma_wait3A_233 = arith.constant 0 : i32
        %dma_wait3A_234 = tpu.memref_slice %arg9[%dma_wait3A_232, %dma_wait3A_233] : memref<10240x128xf32, #tpu.memory_space<vmem_shared>> -> memref<128x128xf32, #tpu.memory_space<vmem_shared>>
        %dma_wait3A_235 = arith.constant 0 : i32
        %dma_wait3A_236 = arith.constant 0 : i32
        %dma_wait3A_237 = tpu.memref_slice %arg9[%dma_wait3A_235, %dma_wait3A_236] : memref<10240x128xf32, #tpu.memory_space<vmem_shared>> -> memref<128x128xf32, #tpu.memory_space<vmem_shared>>
        tpu.wait_dma2 semaphore(%arg20 : memref<!tpu.dma_semaphore, #tpu.memory_space<semaphore_mem>>) src(%arg16 : memref<128x128xf32, #tpu.memory_space<vmem>>) dst(%dma_wait3A_237 : memref<128x128xf32, #tpu.memory_space<vmem_shared>>)
        %lt3A_238 = arith.constant 39 : i32
        %lt3A_239 = arith.cmpi slt, %add3A_59, %lt3A_238 : i32
        %convert_element_type3A_240 = arith.extui %lt3A_239 : i1 to i32
        %cond3A_241 = arith.constant 0 : i32
        %cond3A_242 = arith.cmpi ne, %convert_element_type3A_240, %cond3A_241 : i32
        scf.if %cond3A_242 {
          %dma_wait3A_243 = arith.constant 0 : i32
          %dma_wait3A_244 = tpu.memref_slice %arg4[%dma_wait3A_243] : memref<163840xi32, #tpu.memory_space<hbm>> -> memref<128xi32, #tpu.memory_space<hbm>>
          %dma_wait3A_245 = arith.constant 0 : i32
          %dma_wait3A_246 = tpu.memref_slice %arg4[%dma_wait3A_245] : memref<163840xi32, #tpu.memory_space<hbm>> -> memref<128xi32, #tpu.memory_space<hbm>>
          tpu.wait_dma2 semaphore(%arg22 : memref<!tpu.dma_semaphore, #tpu.memory_space<semaphore_mem>>) src(%dma_wait3A_246 : memref<128xi32, #tpu.memory_space<hbm>>) dst(%arg14 : memref<128xi32, #tpu.memory_space<vmem>>)
          %dma_start3A_247 = arith.constant 0 : i32
          %dma_start3A_248 = arith.constant 0 : i32
          %dma_start3A_249 = tpu.memref_slice %arg2[%dma_start3A_247, %dma_start3A_248] : memref<10000x128xf32, #tpu.memory_space<hbm>> -> memref<10000x128xf32, #tpu.memory_space<hbm>>
          tpu.enqueue_indirect_dma source(%dma_start3A_249 : memref<10000x128xf32, #tpu.memory_space<hbm>>) target(%arg16 : memref<128x128xf32, #tpu.memory_space<vmem>>) offsets(%arg14 : memref<128xi32, #tpu.memory_space<vmem>>) semaphore(%arg18 : memref<!tpu.dma_semaphore, #tpu.memory_space<semaphore_mem>>)
        } else {
        }
      }
      %while3A_56 = arith.constant 1 : i32
      scf.for %while3A_57 = %while3A_54 to %while3A_50 step %while3A_56  : i32 {
        %mul3A_58 = arith.muli %while3A_57, %while3A : i32
        %add3A_59 = arith.addi %while3A_47, %mul3A_58 : i32
        %mul3A_60 = arith.constant 2 : i32
        %mul3A_61 = arith.muli %add3A_59, %mul3A_60 : i32
        %add3A_62 = arith.constant 0 : i32
        %add3A_63 = arith.addi %mul3A_61, %add3A_62 : i32
        %dma_wait3A_64 = arith.constant 0 : i32
        %dma_wait3A_65 = arith.constant 0 : i32
        %dma_wait3A_66 = tpu.memref_slice %arg2[%dma_wait3A_64, %dma_wait3A_65] : memref<10000x128xf32, #tpu.memory_space<hbm>> -> memref<128x128xf32, #tpu.memory_space<hbm>>
        %dma_wait3A_67 = arith.constant 0 : i32
        %dma_wait3A_68 = arith.constant 0 : i32
        %dma_wait3A_69 = tpu.memref_slice %arg2[%dma_wait3A_67, %dma_wait3A_68] : memref<10000x128xf32, #tpu.memory_space<hbm>> -> memref<128x128xf32, #tpu.memory_space<hbm>>
        tpu.wait_dma2 semaphore(%arg17 : memref<!tpu.dma_semaphore, #tpu.memory_space<semaphore_mem>>) src(%dma_wait3A_69 : memref<128x128xf32, #tpu.memory_space<hbm>>) dst(%arg15 : memref<128x128xf32, #tpu.memory_space<vmem>>)
        %get3A = arith.index_cast %add3A_63 : i32 to index
        %get3A_70 = arith.constant 0 : index
        %get3A_71 = tpu.vector_load %arg10[%get3A, %get3A_70] {strides = array<i32>} : memref<80x128xi32, #tpu.memory_space<vmem>>, vector<1x16xi32>,
        %get3A_72 = vector.shape_cast %get3A_71 : vector<1x16xi32> to vector<16xi32>
        %swap3A = arith.constant 0 : index
        %swap3A_73 = tpu.vector_load %arg11[%swap3A] {strides = array<i32>} : memref<128xi32, #tpu.memory_space<vmem>>, vector<16xi32>,
        %swap3A_74 = vector.shape_cast %swap3A_73 : vector<16xi32> to vector<16xi32>
        %swap3A_75 = vector.shape_cast %get3A_72 : vector<16xi32> to vector<16xi32>
        tpu.vector_store %arg11[%swap3A], %swap3A_75 {strides = array<i32>} : memref<128xi32, #tpu.memory_space<vmem>>, vector<16xi32>,
        %get3A_76 = arith.index_cast %add3A_63 : i32 to index
        %get3A_77 = arith.constant 16 : index
        %get3A_78 = tpu.vector_load %arg10[%get3A_76, %get3A_77] {strides = array<i32>} : memref<80x128xi32, #tpu.memory_space<vmem>>, vector<1x16xi32>,
        %get3A_79 = vector.shape_cast %get3A_78 : vector<1x16xi32> to vector<16xi32>
        %swap3A_80 = arith.constant 16 : index
        %swap3A_81 = tpu.vector_load %arg11[%swap3A_80] {strides = array<i32>} : memref<128xi32, #tpu.memory_space<vmem>>, vector<16xi32>,
        %swap3A_82 = vector.shape_cast %swap3A_81 : vector<16xi32> to vector<16xi32>
        %swap3A_83 = vector.shape_cast %get3A_79 : vector<16xi32> to vector<16xi32>
        tpu.vector_store %arg11[%swap3A_80], %swap3A_83 {strides = array<i32>} : memref<128xi32, #tpu.memory_space<vmem>>, vector<16xi32>,
        %get3A_84 = arith.index_cast %add3A_63 : i32 to index
        %get3A_85 = arith.constant 32 : index
        %get3A_86 = tpu.vector_load %arg10[%get3A_84, %get3A_85] {strides = array<i32>} : memref<80x128xi32, #tpu.memory_space<vmem>>, vector<1x16xi32>,
        %get3A_87 = vector.shape_cast %get3A_86 : vector<1x16xi32> to vector<16xi32>
        %swap3A_88 = arith.constant 32 : index
        %swap3A_89 = tpu.vector_load %arg11[%swap3A_88] {strides = array<i32>} : memref<128xi32, #tpu.memory_space<vmem>>, vector<16xi32>,
        %swap3A_90 = vector.shape_cast %swap3A_89 : vector<16xi32> to vector<16xi32>
        %swap3A_91 = vector.shape_cast %get3A_87 : vector<16xi32> to vector<16xi32>
        tpu.vector_store %arg11[%swap3A_88], %swap3A_91 {strides = array<i32>} : memref<128xi32, #tpu.memory_space<vmem>>, vector<16xi32>,
        %get3A_92 = arith.index_cast %add3A_63 : i32 to index
        %get3A_93 = arith.constant 48 : index
        %get3A_94 = tpu.vector_load %arg10[%get3A_92, %get3A_93] {strides = array<i32>} : memref<80x128xi32, #tpu.memory_space<vmem>>, vector<1x16xi32>,
        %get3A_95 = vector.shape_cast %get3A_94 : vector<1x16xi32> to vector<16xi32>
        %swap3A_96 = arith.constant 48 : index
        %swap3A_97 = tpu.vector_load %arg11[%swap3A_96] {strides = array<i32>} : memref<128xi32, #tpu.memory_space<vmem>>, vector<16xi32>,
        %swap3A_98 = vector.shape_cast %swap3A_97 : vector<16xi32> to vector<16xi32>
        %swap3A_99 = vector.shape_cast %get3A_95 : vector<16xi32> to vector<16xi32>
        tpu.vector_store %arg11[%swap3A_96], %swap3A_99 {strides = array<i32>} : memref<128xi32, #tpu.memory_space<vmem>>, vector<16xi32>,
        %get3A_100 = arith.index_cast %add3A_63 : i32 to index
        %get3A_101 = arith.constant 64 : index
        %get3A_102 = tpu.vector_load %arg10[%get3A_100, %get3A_101] {strides = array<i32>} : memref<80x128xi32, #tpu.memory_space<vmem>>, vector<1x16xi32>,
        %get3A_103 = vector.shape_cast %get3A_102 : vector<1x16xi32> to vector<16xi32>
        %swap3A_104 = arith.constant 64 : index
        %swap3A_105 = tpu.vector_load %arg11[%swap3A_104] {strides = array<i32>} : memref<128xi32, #tpu.memory_space<vmem>>, vector<16xi32>,
        %swap3A_106 = vector.shape_cast %swap3A_105 : vector<16xi32> to vector<16xi32>
        %swap3A_107 = vector.shape_cast %get3A_103 : vector<16xi32> to vector<16xi32>
        tpu.vector_store %arg11[%swap3A_104], %swap3A_107 {strides = array<i32>} : memref<128xi32, #tpu.memory_space<vmem>>, vector<16xi32>,
        %get3A_108 = arith.index_cast %add3A_63 : i32 to index
        %get3A_109 = arith.constant 80 : index
        %get3A_110 = tpu.vector_load %arg10[%get3A_108, %get3A_109] {strides = array<i32>} : memref<80x128xi32, #tpu.memory_space<vmem>>, vector<1x16xi32>,
        %get3A_111 = vector.shape_cast %get3A_110 : vector<1x16xi32> to vector<16xi32>
        %swap3A_112 = arith.constant 80 : index
        %swap3A_113 = tpu.vector_load %arg11[%swap3A_112] {strides = array<i32>} : memref<128xi32, #tpu.memory_space<vmem>>, vector<16xi32>,
        %swap3A_114 = vector.shape_cast %swap3A_113 : vector<16xi32> to vector<16xi32>
        %swap3A_115 = vector.shape_cast %get3A_111 : vector<16xi32> to vector<16xi32>
        tpu.vector_store %arg11[%swap3A_112], %swap3A_115 {strides = array<i32>} : memref<128xi32, #tpu.memory_space<vmem>>, vector<16xi32>,
        %get3A_116 = arith.index_cast %add3A_63 : i32 to index
        %get3A_117 = arith.constant 96 : index
        %get3A_118 = tpu.vector_load %arg10[%get3A_116, %get3A_117] {strides = array<i32>} : memref<80x128xi32, #tpu.memory_space<vmem>>, vector<1x16xi32>,
        %get3A_119 = vector.shape_cast %get3A_118 : vector<1x16xi32> to vector<16xi32>
        %swap3A_120 = arith.constant 96 : index
        %swap3A_121 = tpu.vector_load %arg11[%swap3A_120] {strides = array<i32>} : memref<128xi32, #tpu.memory_space<vmem>>, vector<16xi32>,
        %swap3A_122 = vector.shape_cast %swap3A_121 : vector<16xi32> to vector<16xi32>
        %swap3A_123 = vector.shape_cast %get3A_119 : vector<16xi32> to vector<16xi32>
        tpu.vector_store %arg11[%swap3A_120], %swap3A_123 {strides = array<i32>} : memref<128xi32, #tpu.memory_space<vmem>>, vector<16xi32>,
        %get3A_124 = arith.index_cast %add3A_63 : i32 to index
        %get3A_125 = arith.constant 112 : index
        %get3A_126 = tpu.vector_load %arg10[%get3A_124, %get3A_125] {strides = array<i32>} : memref<80x128xi32, #tpu.memory_space<vmem>>, vector<1x16xi32>,
        %get3A_127 = vector.shape_cast %get3A_126 : vector<1x16xi32> to vector<16xi32>
        %swap3A_128 = arith.constant 112 : index
        %swap3A_129 = tpu.vector_load %arg11[%swap3A_128] {strides = array<i32>} : memref<128xi32, #tpu.memory_space<vmem>>, vector<16xi32>,
        %swap3A_130 = vector.shape_cast %swap3A_129 : vector<16xi32> to vector<16xi32>
        %swap3A_131 = vector.shape_cast %get3A_127 : vector<16xi32> to vector<16xi32>
        tpu.vector_store %arg11[%swap3A_128], %swap3A_131 {strides = array<i32>} : memref<128xi32, #tpu.memory_space<vmem>>, vector<16xi32>,
        %dma_start3A_132 = arith.constant 0 : i32
        %dma_start3A_133 = arith.constant 0 : i32
        %dma_start3A_134 = tpu.memref_slice %arg9[%dma_start3A_132, %dma_start3A_133] : memref<10240x128xf32, #tpu.memory_space<vmem_shared>> -> memref<10240x128xf32, #tpu.memory_space<vmem_shared>>
        tpu.enqueue_indirect_dma source(%arg15 : memref<128x128xf32, #tpu.memory_space<vmem>>) target(%dma_start3A_134 : memref<10240x128xf32, #tpu.memory_space<vmem_shared>>) offsets(%arg11 : memref<128xi32, #tpu.memory_space<vmem>>) semaphore(%arg19 : memref<!tpu.dma_semaphore, #tpu.memory_space<semaphore_mem>>) {add = true}
        %lt3A = arith.constant 39 : i32
        %lt3A_135 = arith.cmpi slt, %add3A_59, %lt3A : i32
        %convert_element_type3A_136 = arith.extui %lt3A_135 : i1 to i32
        %cond3A_137 = arith.constant 0 : i32
        %cond3A_138 = arith.cmpi ne, %convert_element_type3A_136, %cond3A_137 : i32
        scf.if %cond3A_138 {
          %add3A_243 = arith.constant 2 : i32
          %add3A_244 = arith.addi %add3A_63, %add3A_243 : i32
          %mul3A_245 = arith.constant 128 : i32
          %mul3A_246 = arith.muli %add3A_244, %mul3A_245 : i32
          %add3A_247 = arith.addi %mul3A_2, %mul3A_246 : i32
          %dma_start3A_248 = tpu.memref_slice %arg4[%add3A_247] : memref<163840xi32, #tpu.memory_space<hbm>> -> memref<128xi32, #tpu.memory_space<hbm>>
          %dma_start3A_249 = tpu.memref_slice %arg4[%add3A_247] : memref<163840xi32, #tpu.memory_space<hbm>> -> memref<128xi32, #tpu.memory_space<hbm>>
          tpu.enqueue_dma source(%dma_start3A_249 : memref<128xi32, #tpu.memory_space<hbm>>) target(%arg13 : memref<128xi32, #tpu.memory_space<vmem>>) target_semaphore(%arg21 : memref<!tpu.dma_semaphore, #tpu.memory_space<semaphore_mem>>)
        } else {
        }
        %mul3A_139 = arith.constant 2 : i32
        %mul3A_140 = arith.muli %add3A_59, %mul3A_139 : i32
        %add3A_141 = arith.constant 1 : i32
        %add3A_142 = arith.addi %mul3A_140, %add3A_141 : i32
        %dma_wait3A_143 = arith.constant 0 : i32
        %dma_wait3A_144 = arith.constant 0 : i32
        %dma_wait3A_145 = tpu.memref_slice %arg2[%dma_wait3A_143, %dma_wait3A_144] : memref<10000x128xf32, #tpu.memory_space<hbm>> -> memref<128x128xf32, #tpu.memory_space<hbm>>
        %dma_wait3A_146 = arith.constant 0 : i32
        %dma_wait3A_147 = arith.constant 0 : i32
        %dma_wait3A_148 = tpu.memref_slice %arg2[%dma_wait3A_146, %dma_wait3A_147] : memref<10000x128xf32, #tpu.memory_space<hbm>> -> memref<128x128xf32, #tpu.memory_space<hbm>>
        tpu.wait_dma2 semaphore(%arg18 : memref<!tpu.dma_semaphore, #tpu.memory_space<semaphore_mem>>) src(%dma_wait3A_148 : memref<128x128xf32, #tpu.memory_space<hbm>>) dst(%arg16 : memref<128x128xf32, #tpu.memory_space<vmem>>)
        %get3A_149 = arith.index_cast %add3A_142 : i32 to index
        %get3A_150 = arith.constant 0 : index
        %get3A_151 = tpu.vector_load %arg10[%get3A_149, %get3A_150] {strides = array<i32>} : memref<80x128xi32, #tpu.memory_space<vmem>>, vector<1x16xi32>,
        %get3A_152 = vector.shape_cast %get3A_151 : vector<1x16xi32> to vector<16xi32>
        %swap3A_153 = arith.constant 0 : index
        %swap3A_154 = tpu.vector_load %arg12[%swap3A_153] {strides = array<i32>} : memref<128xi32, #tpu.memory_space<vmem>>, vector<16xi32>,
        %swap3A_155 = vector.shape_cast %swap3A_154 : vector<16xi32> to vector<16xi32>
        %swap3A_156 = vector.shape_cast %get3A_152 : vector<16xi32> to vector<16xi32>
        tpu.vector_store %arg12[%swap3A_153], %swap3A_156 {strides = array<i32>} : memref<128xi32, #tpu.memory_space<vmem>>, vector<16xi32>,
        %get3A_157 = arith.index_cast %add3A_142 : i32 to index
        %get3A_158 = arith.constant 16 : index
        %get3A_159 = tpu.vector_load %arg10[%get3A_157, %get3A_158] {strides = array<i32>} : memref<80x128xi32, #tpu.memory_space<vmem>>, vector<1x16xi32>,
        %get3A_160 = vector.shape_cast %get3A_159 : vector<1x16xi32> to vector<16xi32>
        %swap3A_161 = arith.constant 16 : index
        %swap3A_162 = tpu.vector_load %arg12[%swap3A_161] {strides = array<i32>} : memref<128xi32, #tpu.memory_space<vmem>>, vector<16xi32>,
        %swap3A_163 = vector.shape_cast %swap3A_162 : vector<16xi32> to vector<16xi32>
        %swap3A_164 = vector.shape_cast %get3A_160 : vector<16xi32> to vector<16xi32>
        tpu.vector_store %arg12[%swap3A_161], %swap3A_164 {strides = array<i32>} : memref<128xi32, #tpu.memory_space<vmem>>, vector<16xi32>,
        %get3A_165 = arith.index_cast %add3A_142 : i32 to index
        %get3A_166 = arith.constant 32 : index
        %get3A_167 = tpu.vector_load %arg10[%get3A_165, %get3A_166] {strides = array<i32>} : memref<80x128xi32, #tpu.memory_space<vmem>>, vector<1x16xi32>,
        %get3A_168 = vector.shape_cast %get3A_167 : vector<1x16xi32> to vector<16xi32>
        %swap3A_169 = arith.constant 32 : index
        %swap3A_170 = tpu.vector_load %arg12[%swap3A_169] {strides = array<i32>} : memref<128xi32, #tpu.memory_space<vmem>>, vector<16xi32>,
        %swap3A_171 = vector.shape_cast %swap3A_170 : vector<16xi32> to vector<16xi32>
        %swap3A_172 = vector.shape_cast %get3A_168 : vector<16xi32> to vector<16xi32>
        tpu.vector_store %arg12[%swap3A_169], %swap3A_172 {strides = array<i32>} : memref<128xi32, #tpu.memory_space<vmem>>, vector<16xi32>,
        %get3A_173 = arith.index_cast %add3A_142 : i32 to index
        %get3A_174 = arith.constant 48 : index
        %get3A_175 = tpu.vector_load %arg10[%get3A_173, %get3A_174] {strides = array<i32>} : memref<80x128xi32, #tpu.memory_space<vmem>>, vector<1x16xi32>,
        %get3A_176 = vector.shape_cast %get3A_175 : vector<1x16xi32> to vector<16xi32>
        %swap3A_177 = arith.constant 48 : index
        %swap3A_178 = tpu.vector_load %arg12[%swap3A_177] {strides = array<i32>} : memref<128xi32, #tpu.memory_space<vmem>>, vector<16xi32>,
        %swap3A_179 = vector.shape_cast %swap3A_178 : vector<16xi32> to vector<16xi32>
        %swap3A_180 = vector.shape_cast %get3A_176 : vector<16xi32> to vector<16xi32>
        tpu.vector_store %arg12[%swap3A_177], %swap3A_180 {strides = array<i32>} : memref<128xi32, #tpu.memory_space<vmem>>, vector<16xi32>,
        %get3A_181 = arith.index_cast %add3A_142 : i32 to index
        %get3A_182 = arith.constant 64 : index
        %get3A_183 = tpu.vector_load %arg10[%get3A_181, %get3A_182] {strides = array<i32>} : memref<80x128xi32, #tpu.memory_space<vmem>>, vector<1x16xi32>,
        %get3A_184 = vector.shape_cast %get3A_183 : vector<1x16xi32> to vector<16xi32>
        %swap3A_185 = arith.constant 64 : index
        %swap3A_186 = tpu.vector_load %arg12[%swap3A_185] {strides = array<i32>} : memref<128xi32, #tpu.memory_space<vmem>>, vector<16xi32>,
        %swap3A_187 = vector.shape_cast %swap3A_186 : vector<16xi32> to vector<16xi32>
        %swap3A_188 = vector.shape_cast %get3A_184 : vector<16xi32> to vector<16xi32>
        tpu.vector_store %arg12[%swap3A_185], %swap3A_188 {strides = array<i32>} : memref<128xi32, #tpu.memory_space<vmem>>, vector<16xi32>,
        %get3A_189 = arith.index_cast %add3A_142 : i32 to index
        %get3A_190 = arith.constant 80 : index
        %get3A_191 = tpu.vector_load %arg10[%get3A_189, %get3A_190] {strides = array<i32>} : memref<80x128xi32, #tpu.memory_space<vmem>>, vector<1x16xi32>,
        %get3A_192 = vector.shape_cast %get3A_191 : vector<1x16xi32> to vector<16xi32>
        %swap3A_193 = arith.constant 80 : index
        %swap3A_194 = tpu.vector_load %arg12[%swap3A_193] {strides = array<i32>} : memref<128xi32, #tpu.memory_space<vmem>>, vector<16xi32>,
        %swap3A_195 = vector.shape_cast %swap3A_194 : vector<16xi32> to vector<16xi32>
        %swap3A_196 = vector.shape_cast %get3A_192 : vector<16xi32> to vector<16xi32>
        tpu.vector_store %arg12[%swap3A_193], %swap3A_196 {strides = array<i32>} : memref<128xi32, #tpu.memory_space<vmem>>, vector<16xi32>,
        %get3A_197 = arith.index_cast %add3A_142 : i32 to index
        %get3A_198 = arith.constant 96 : index
        %get3A_199 = tpu.vector_load %arg10[%get3A_197, %get3A_198] {strides = array<i32>} : memref<80x128xi32, #tpu.memory_space<vmem>>, vector<1x16xi32>,
        %get3A_200 = vector.shape_cast %get3A_199 : vector<1x16xi32> to vector<16xi32>
        %swap3A_201 = arith.constant 96 : index
        %swap3A_202 = tpu.vector_load %arg12[%swap3A_201] {strides = array<i32>} : memref<128xi32, #tpu.memory_space<vmem>>, vector<16xi32>,
        %swap3A_203 = vector.shape_cast %swap3A_202 : vector<16xi32> to vector<16xi32>
        %swap3A_204 = vector.shape_cast %get3A_200 : vector<16xi32> to vector<16xi32>
        tpu.vector_store %arg12[%swap3A_201], %swap3A_204 {strides = array<i32>} : memref<128xi32, #tpu.memory_space<vmem>>, vector<16xi32>,
        %get3A_205 = arith.index_cast %add3A_142 : i32 to index
        %get3A_206 = arith.constant 112 : index
        %get3A_207 = tpu.vector_load %arg10[%get3A_205, %get3A_206] {strides = array<i32>} : memref<80x128xi32, #tpu.memory_space<vmem>>, vector<1x16xi32>,
        %get3A_208 = vector.shape_cast %get3A_207 : vector<1x16xi32> to vector<16xi32>
        %swap3A_209 = arith.constant 112 : index
        %swap3A_210 = tpu.vector_load %arg12[%swap3A_209] {strides = array<i32>} : memref<128xi32, #tpu.memory_space<vmem>>, vector<16xi32>,
        %swap3A_211 = vector.shape_cast %swap3A_210 : vector<16xi32> to vector<16xi32>
        %swap3A_212 = vector.shape_cast %get3A_208 : vector<16xi32> to vector<16xi32>
        tpu.vector_store %arg12[%swap3A_209], %swap3A_212 {strides = array<i32>} : memref<128xi32, #tpu.memory_space<vmem>>, vector<16xi32>,
        %dma_start3A_213 = arith.constant 0 : i32
        %dma_start3A_214 = arith.constant 0 : i32
        %dma_start3A_215 = tpu.memref_slice %arg9[%dma_start3A_213, %dma_start3A_214] : memref<10240x128xf32, #tpu.memory_space<vmem_shared>> -> memref<10240x128xf32, #tpu.memory_space<vmem_shared>>
        tpu.enqueue_indirect_dma source(%arg16 : memref<128x128xf32, #tpu.memory_space<vmem>>) target(%dma_start3A_215 : memref<10240x128xf32, #tpu.memory_space<vmem_shared>>) offsets(%arg12 : memref<128xi32, #tpu.memory_space<vmem>>) semaphore(%arg20 : memref<!tpu.dma_semaphore, #tpu.memory_space<semaphore_mem>>) {add = true}
        %lt3A_216 = arith.constant 39 : i32
        %lt3A_217 = arith.cmpi slt, %add3A_59, %lt3A_216 : i32
        %convert_element_type3A_218 = arith.extui %lt3A_217 : i1 to i32
        %cond3A_219 = arith.constant 0 : i32
        %cond3A_220 = arith.cmpi ne, %convert_element_type3A_218, %cond3A_219 : i32
        scf.if %cond3A_220 {
          %add3A_243 = arith.constant 2 : i32
          %add3A_244 = arith.addi %add3A_142, %add3A_243 : i32
          %mul3A_245 = arith.constant 128 : i32
          %mul3A_246 = arith.muli %add3A_244, %mul3A_245 : i32
          %add3A_247 = arith.addi %mul3A_2, %mul3A_246 : i32
          %dma_start3A_248 = tpu.memref_slice %arg4[%add3A_247] : memref<163840xi32, #tpu.memory_space<hbm>> -> memref<128xi32, #tpu.memory_space<hbm>>
          %dma_start3A_249 = tpu.memref_slice %arg4[%add3A_247] : memref<163840xi32, #tpu.memory_space<hbm>> -> memref<128xi32, #tpu.memory_space<hbm>>
          tpu.enqueue_dma source(%dma_start3A_249 : memref<128xi32, #tpu.memory_space<hbm>>) target(%arg14 : memref<128xi32, #tpu.memory_space<vmem>>) target_semaphore(%arg22 : memref<!tpu.dma_semaphore, #tpu.memory_space<semaphore_mem>>)
        } else {
        }
        %dma_wait3A_221 = arith.constant 0 : i32
        %dma_wait3A_222 = arith.constant 0 : i32
        %dma_wait3A_223 = tpu.memref_slice %arg9[%dma_wait3A_221, %dma_wait3A_222] : memref<10240x128xf32, #tpu.memory_space<vmem_shared>> -> memref<128x128xf32, #tpu.memory_space<vmem_shared>>
        %dma_wait3A_224 = arith.constant 0 : i32
        %dma_wait3A_225 = arith.constant 0 : i32
        %dma_wait3A_226 = tpu.memref_slice %arg9[%dma_wait3A_224, %dma_wait3A_225] : memref<10240x128xf32, #tpu.memory_space<vmem_shared>> -> memref<128x128xf32, #tpu.memory_space<vmem_shared>>
        tpu.wait_dma2 semaphore(%arg19 : memref<!tpu.dma_semaphore, #tpu.memory_space<semaphore_mem>>) src(%arg15 : memref<128x128xf32, #tpu.memory_space<vmem>>) dst(%dma_wait3A_226 : memref<128x128xf32, #tpu.memory_space<vmem_shared>>)
        %lt3A_227 = arith.constant 39 : i32
        %lt3A_228 = arith.cmpi slt, %add3A_59, %lt3A_227 : i32
        %convert_element_type3A_229 = arith.extui %lt3A_228 : i1 to i32
        %cond3A_230 = arith.constant 0 : i32
        %cond3A_231 = arith.cmpi ne, %convert_element_type3A_229, %cond3A_230 : i32
        scf.if %cond3A_231 {
          %dma_wait3A_243 = arith.constant 0 : i32
          %dma_wait3A_244 = tpu.memref_slice %arg4[%dma_wait3A_243] : memref<163840xi32, #tpu.memory_space<hbm>> -> memref<128xi32, #tpu.memory_space<hbm>>
          %dma_wait3A_245 = arith.constant 0 : i32
          %dma_wait3A_246 = tpu.memref_slice %arg4[%dma_wait3A_245] : memref<163840xi32, #tpu.memory_space<hbm>> -> memref<128xi32, #tpu.memory_space<hbm>>
          tpu.wait_dma2 semaphore(%arg21 : memref<!tpu.dma_semaphore, #tpu.memory_space<semaphore_mem>>) src(%dma_wait3A_246 : memref<128xi32, #tpu.memory_space<hbm>>) dst(%arg13 : memref<128xi32, #tpu.memory_space<vmem>>)
          %dma_start3A_247 = arith.constant 0 : i32
          %dma_start3A_248 = arith.constant 0 : i32
          %dma_start3A_249 = tpu.memref_slice %arg2[%dma_start3A_247, %dma_start3A_248] : memref<10000x128xf32, #tpu.memory_space<hbm>> -> memref<10000x128xf32, #tpu.memory_space<hbm>>
          tpu.enqueue_indirect_dma source(%dma_start3A_249 : memref<10000x128xf32, #tpu.memory_space<hbm>>) target(%arg15 : memref<128x128xf32, #tpu.memory_space<vmem>>) offsets(%arg13 : memref<128xi32, #tpu.memory_space<vmem>>) semaphore(%arg17 : memref<!tpu.dma_semaphore, #tpu.memory_space<semaphore_mem>>)
        } else {
        }
        %dma_wait3A_232 = arith.constant 0 : i32
        %dma_wait3A_233 = arith.constant 0 : i32
        %dma_wait3A_234 = tpu.memref_slice %arg9[%dma_wait3A_232, %dma_wait3A_233] : memref<10240x128xf32, #tpu.memory_space<vmem_shared>> -> memref<128x128xf32, #tpu.memory_space<vmem_shared>>
        %dma_wait3A_235 = arith.constant 0 : i32
        %dma_wait3A_236 = arith.constant 0 : i32
        %dma_wait3A_237 = tpu.memref_slice %arg9[%dma_wait3A_235, %dma_wait3A_236] : memref<10240x128xf32, #tpu.memory_space<vmem_shared>> -> memref<128x128xf32, #tpu.memory_space<vmem_shared>>
        tpu.wait_dma2 semaphore(%arg20 : memref<!tpu.dma_semaphore, #tpu.memory_space<semaphore_mem>>) src(%arg16 : memref<128x128xf32, #tpu.memory_space<vmem>>) dst(%dma_wait3A_237 : memref<128x128xf32, #tpu.memory_space<vmem_shared>>)
        %lt3A_238 = arith.constant 39 : i32
        %lt3A_239 = arith.cmpi slt, %add3A_59, %lt3A_238 : i32
        %convert_element_type3A_240 = arith.extui %lt3A_239 : i1 to i32
        %cond3A_241 = arith.constant 0 : i32
        %cond3A_242 = arith.cmpi ne, %convert_element_type3A_240, %cond3A_241 : i32
        scf.if %cond3A_242 {
          %dma_wait3A_243 = arith.constant 0 : i32
          %dma_wait3A_244 = tpu.memref_slice %arg4[%dma_wait3A_243] : memref<163840xi32, #tpu.memory_space<hbm>> -> memref<128xi32, #tpu.memory_space<hbm>>
          %dma_wait3A_245 = arith.constant 0 : i32
          %dma_wait3A_246 = tpu.memref_slice %arg4[%dma_wait3A_245] : memref<163840xi32, #tpu.memory_space<hbm>> -> memref<128xi32, #tpu.memory_space<hbm>>
          tpu.wait_dma2 semaphore(%arg22 : memref<!tpu.dma_semaphore, #tpu.memory_space<semaphore_mem>>) src(%dma_wait3A_246 : memref<128xi32, #tpu.memory_space<hbm>>) dst(%arg14 : memref<128xi32, #tpu.memory_space<vmem>>)
          %dma_start3A_247 = arith.constant 0 : i32
          %dma_start3A_248 = arith.constant 0 : i32
          %dma_start3A_249 = tpu.memref_slice %arg2[%dma_start3A_247, %dma_start3A_248] : memref<10000x128xf32, #tpu.memory_space<hbm>> -> memref<10000x128xf32, #tpu.memory_space<hbm>>
          tpu.enqueue_indirect_dma source(%dma_start3A_249 : memref<10000x128xf32, #tpu.memory_space<hbm>>) target(%arg16 : memref<128x128xf32, #tpu.memory_space<vmem>>) offsets(%arg14 : memref<128xi32, #tpu.memory_space<vmem>>) semaphore(%arg18 : memref<!tpu.dma_semaphore, #tpu.memory_space<semaphore_mem>>)
        } else {
        }
      }
    } else {
    }
    %eq3A_5 = arith.constant 1 : i32
    %eq3A_6 = arith.cmpi eq, %arg0, %eq3A_5 : i32
    %convert_element_type3A_7 = arith.extui %eq3A_6 : i1 to i32
    %cond3A_8 = arith.constant 0 : i32
    %cond3A_9 = arith.cmpi ne, %convert_element_type3A_7, %cond3A_8 : i32
    scf.if %cond3A_9 {
      %add3A = arith.constant 0 : i32
      %add3A_21 = arith.addi %mul3A_2, %add3A : i32
      %dma_start3A = tpu.memref_slice %arg4[%add3A_21] : memref<163840xi32, #tpu.memory_space<hbm>> -> memref<128xi32, #tpu.memory_space<hbm>>
      %dma_start3A_22 = tpu.memref_slice %arg4[%add3A_21] : memref<163840xi32, #tpu.memory_space<hbm>> -> memref<128xi32, #tpu.memory_space<hbm>>
      tpu.enqueue_dma source(%dma_start3A_22 : memref<128xi32, #tpu.memory_space<hbm>>) target(%arg13 : memref<128xi32, #tpu.memory_space<vmem>>) target_semaphore(%arg21 : memref<!tpu.dma_semaphore, #tpu.memory_space<semaphore_mem>>)
      %add3A_23 = arith.constant 128 : i32
      %add3A_24 = arith.addi %mul3A_2, %add3A_23 : i32
      %dma_start3A_25 = tpu.memref_slice %arg4[%add3A_24] : memref<163840xi32, #tpu.memory_space<hbm>> -> memref<128xi32, #tpu.memory_space<hbm>>
      %dma_start3A_26 = tpu.memref_slice %arg4[%add3A_24] : memref<163840xi32, #tpu.memory_space<hbm>> -> memref<128xi32, #tpu.memory_space<hbm>>
      tpu.enqueue_dma source(%dma_start3A_26 : memref<128xi32, #tpu.memory_space<hbm>>) target(%arg14 : memref<128xi32, #tpu.memory_space<vmem>>) target_semaphore(%arg22 : memref<!tpu.dma_semaphore, #tpu.memory_space<semaphore_mem>>)
      %dma_wait3A = arith.constant 0 : i32
      %dma_wait3A_27 = tpu.memref_slice %arg4[%dma_wait3A] : memref<163840xi32, #tpu.memory_space<hbm>> -> memref<128xi32, #tpu.memory_space<hbm>>
      %dma_wait3A_28 = arith.constant 0 : i32
      %dma_wait3A_29 = tpu.memref_slice %arg4[%dma_wait3A_28] : memref<163840xi32, #tpu.memory_space<hbm>> -> memref<128xi32, #tpu.memory_space<hbm>>
      tpu.wait_dma2 semaphore(%arg21 : memref<!tpu.dma_semaphore, #tpu.memory_space<semaphore_mem>>) src(%dma_wait3A_29 : memref<128xi32, #tpu.memory_space<hbm>>) dst(%arg13 : memref<128xi32, #tpu.memory_space<vmem>>)
      %dma_start3A_30 = arith.constant 0 : i32
      %dma_start3A_31 = arith.constant 0 : i32
      %dma_start3A_32 = tpu.memref_slice %arg3[%dma_start3A_30, %dma_start3A_31] : memref<10000x128xf32, #tpu.memory_space<hbm>> -> memref<10000x128xf32, #tpu.memory_space<hbm>>
      tpu.enqueue_indirect_dma source(%dma_start3A_32 : memref<10000x128xf32, #tpu.memory_space<hbm>>) target(%arg15 : memref<128x128xf32, #tpu.memory_space<vmem>>) offsets(%arg13 : memref<128xi32, #tpu.memory_space<vmem>>) semaphore(%arg17 : memref<!tpu.dma_semaphore, #tpu.memory_space<semaphore_mem>>)
      %dma_wait3A_33 = arith.constant 0 : i32
      %dma_wait3A_34 = tpu.memref_slice %arg4[%dma_wait3A_33] : memref<163840xi32, #tpu.memory_space<hbm>> -> memref<128xi32, #tpu.memory_space<hbm>>
      %dma_wait3A_35 = arith.constant 0 : i32
      %dma_wait3A_36 = tpu.memref_slice %arg4[%dma_wait3A_35] : memref<163840xi32, #tpu.memory_space<hbm>> -> memref<128xi32, #tpu.memory_space<hbm>>
      tpu.wait_dma2 semaphore(%arg22 : memref<!tpu.dma_semaphore, #tpu.memory_space<semaphore_mem>>) src(%dma_wait3A_36 : memref<128xi32, #tpu.memory_space<hbm>>) dst(%arg14 : memref<128xi32, #tpu.memory_space<vmem>>)
      %dma_start3A_37 = arith.constant 0 : i32
      %dma_start3A_38 = arith.constant 0 : i32
      %dma_start3A_39 = tpu.memref_slice %arg3[%dma_start3A_37, %dma_start3A_38] : memref<10000x128xf32, #tpu.memory_space<hbm>> -> memref<10000x128xf32, #tpu.memory_space<hbm>>
      tpu.enqueue_indirect_dma source(%dma_start3A_39 : memref<10000x128xf32, #tpu.memory_space<hbm>>) target(%arg16 : memref<128x128xf32, #tpu.memory_space<vmem>>) offsets(%arg14 : memref<128xi32, #tpu.memory_space<vmem>>) semaphore(%arg18 : memref<!tpu.dma_semaphore, #tpu.memory_space<semaphore_mem>>)
      %sub3A = arith.constant 40 : i32
      %sub3A_40 = arith.constant 0 : i32
      %sub3A_41 = arith.subi %sub3A, %sub3A_40 : i32
      %sub3A_42 = arith.constant 1 : i32
      %sub3A_43 = arith.constant 1 : i32
      %sub3A_44 = arith.subi %sub3A_42, %sub3A_43 : i32
      %add3A_45 = arith.addi %sub3A_41, %sub3A_44 : i32
      %div3A = arith.constant 1 : i32
      %div3A_46 = arith.divsi %add3A_45, %div3A : i32
      %while3A = arith.constant 1 : i32
      %while3A_47 = arith.constant 0 : i32
      %while3A_48 = arith.constant 0 : i32
      %while3A_49 = arith.subi %div3A_46, %while3A_48 : i32
      %while3A_50 = arith.addi %while3A_48, %while3A_49 : i32
      %while3A_51 = arith.constant 1 : i32
      %while3A_52 = arith.divsi %while3A_49, %while3A_51 : i32
      %while3A_53 = arith.muli %while3A_52, %while3A_51 : i32
      %while3A_54 = arith.addi %while3A_48, %while3A_53 : i32
      %while3A_55 = arith.constant 1 : i32
      scf.for %while3A_57 = %while3A_48 to %while3A_54 step %while3A_55  : i32 {
        %mul3A_58 = arith.muli %while3A_57, %while3A : i32
        %add3A_59 = arith.addi %while3A_47, %mul3A_58 : i32
        %mul3A_60 = arith.constant 2 : i32
        %mul3A_61 = arith.muli %add3A_59, %mul3A_60 : i32
        %add3A_62 = arith.constant 0 : i32
        %add3A_63 = arith.addi %mul3A_61, %add3A_62 : i32
        %dma_wait3A_64 = arith.constant 0 : i32
        %dma_wait3A_65 = arith.constant 0 : i32
        %dma_wait3A_66 = tpu.memref_slice %arg3[%dma_wait3A_64, %dma_wait3A_65] : memref<10000x128xf32, #tpu.memory_space<hbm>> -> memref<128x128xf32, #tpu.memory_space<hbm>>
        %dma_wait3A_67 = arith.constant 0 : i32
        %dma_wait3A_68 = arith.constant 0 : i32
        %dma_wait3A_69 = tpu.memref_slice %arg3[%dma_wait3A_67, %dma_wait3A_68] : memref<10000x128xf32, #tpu.memory_space<hbm>> -> memref<128x128xf32, #tpu.memory_space<hbm>>
        tpu.wait_dma2 semaphore(%arg17 : memref<!tpu.dma_semaphore, #tpu.memory_space<semaphore_mem>>) src(%dma_wait3A_69 : memref<128x128xf32, #tpu.memory_space<hbm>>) dst(%arg15 : memref<128x128xf32, #tpu.memory_space<vmem>>)
        %get3A = arith.index_cast %add3A_63 : i32 to index
        %get3A_70 = arith.constant 0 : index
        %get3A_71 = tpu.vector_load %arg10[%get3A, %get3A_70] {strides = array<i32>} : memref<80x128xi32, #tpu.memory_space<vmem>>, vector<1x16xi32>,
        %get3A_72 = vector.shape_cast %get3A_71 : vector<1x16xi32> to vector<16xi32>
        %swap3A = arith.constant 0 : index
        %swap3A_73 = tpu.vector_load %arg11[%swap3A] {strides = array<i32>} : memref<128xi32, #tpu.memory_space<vmem>>, vector<16xi32>,
        %swap3A_74 = vector.shape_cast %swap3A_73 : vector<16xi32> to vector<16xi32>
        %swap3A_75 = vector.shape_cast %get3A_72 : vector<16xi32> to vector<16xi32>
        tpu.vector_store %arg11[%swap3A], %swap3A_75 {strides = array<i32>} : memref<128xi32, #tpu.memory_space<vmem>>, vector<16xi32>,
        %get3A_76 = arith.index_cast %add3A_63 : i32 to index
        %get3A_77 = arith.constant 16 : index
        %get3A_78 = tpu.vector_load %arg10[%get3A_76, %get3A_77] {strides = array<i32>} : memref<80x128xi32, #tpu.memory_space<vmem>>, vector<1x16xi32>,
        %get3A_79 = vector.shape_cast %get3A_78 : vector<1x16xi32> to vector<16xi32>
        %swap3A_80 = arith.constant 16 : index
        %swap3A_81 = tpu.vector_load %arg11[%swap3A_80] {strides = array<i32>} : memref<128xi32, #tpu.memory_space<vmem>>, vector<16xi32>,
        %swap3A_82 = vector.shape_cast %swap3A_81 : vector<16xi32> to vector<16xi32>
        %swap3A_83 = vector.shape_cast %get3A_79 : vector<16xi32> to vector<16xi32>
        tpu.vector_store %arg11[%swap3A_80], %swap3A_83 {strides = array<i32>} : memref<128xi32, #tpu.memory_space<vmem>>, vector<16xi32>,
        %get3A_84 = arith.index_cast %add3A_63 : i32 to index
        %get3A_85 = arith.constant 32 : index
        %get3A_86 = tpu.vector_load %arg10[%get3A_84, %get3A_85] {strides = array<i32>} : memref<80x128xi32, #tpu.memory_space<vmem>>, vector<1x16xi32>,
        %get3A_87 = vector.shape_cast %get3A_86 : vector<1x16xi32> to vector<16xi32>
        %swap3A_88 = arith.constant 32 : index
        %swap3A_89 = tpu.vector_load %arg11[%swap3A_88] {strides = array<i32>} : memref<128xi32, #tpu.memory_space<vmem>>, vector<16xi32>,
        %swap3A_90 = vector.shape_cast %swap3A_89 : vector<16xi32> to vector<16xi32>
        %swap3A_91 = vector.shape_cast %get3A_87 : vector<16xi32> to vector<16xi32>
        tpu.vector_store %arg11[%swap3A_88], %swap3A_91 {strides = array<i32>} : memref<128xi32, #tpu.memory_space<vmem>>, vector<16xi32>,
        %get3A_92 = arith.index_cast %add3A_63 : i32 to index
        %get3A_93 = arith.constant 48 : index
        %get3A_94 = tpu.vector_load %arg10[%get3A_92, %get3A_93] {strides = array<i32>} : memref<80x128xi32, #tpu.memory_space<vmem>>, vector<1x16xi32>,
        %get3A_95 = vector.shape_cast %get3A_94 : vector<1x16xi32> to vector<16xi32>
        %swap3A_96 = arith.constant 48 : index
        %swap3A_97 = tpu.vector_load %arg11[%swap3A_96] {strides = array<i32>} : memref<128xi32, #tpu.memory_space<vmem>>, vector<16xi32>,
        %swap3A_98 = vector.shape_cast %swap3A_97 : vector<16xi32> to vector<16xi32>
        %swap3A_99 = vector.shape_cast %get3A_95 : vector<16xi32> to vector<16xi32>
        tpu.vector_store %arg11[%swap3A_96], %swap3A_99 {strides = array<i32>} : memref<128xi32, #tpu.memory_space<vmem>>, vector<16xi32>,
        %get3A_100 = arith.index_cast %add3A_63 : i32 to index
        %get3A_101 = arith.constant 64 : index
        %get3A_102 = tpu.vector_load %arg10[%get3A_100, %get3A_101] {strides = array<i32>} : memref<80x128xi32, #tpu.memory_space<vmem>>, vector<1x16xi32>,
        %get3A_103 = vector.shape_cast %get3A_102 : vector<1x16xi32> to vector<16xi32>
        %swap3A_104 = arith.constant 64 : index
        %swap3A_105 = tpu.vector_load %arg11[%swap3A_104] {strides = array<i32>} : memref<128xi32, #tpu.memory_space<vmem>>, vector<16xi32>,
        %swap3A_106 = vector.shape_cast %swap3A_105 : vector<16xi32> to vector<16xi32>
        %swap3A_107 = vector.shape_cast %get3A_103 : vector<16xi32> to vector<16xi32>
        tpu.vector_store %arg11[%swap3A_104], %swap3A_107 {strides = array<i32>} : memref<128xi32, #tpu.memory_space<vmem>>, vector<16xi32>,
        %get3A_108 = arith.index_cast %add3A_63 : i32 to index
        %get3A_109 = arith.constant 80 : index
        %get3A_110 = tpu.vector_load %arg10[%get3A_108, %get3A_109] {strides = array<i32>} : memref<80x128xi32, #tpu.memory_space<vmem>>, vector<1x16xi32>,
        %get3A_111 = vector.shape_cast %get3A_110 : vector<1x16xi32> to vector<16xi32>
        %swap3A_112 = arith.constant 80 : index
        %swap3A_113 = tpu.vector_load %arg11[%swap3A_112] {strides = array<i32>} : memref<128xi32, #tpu.memory_space<vmem>>, vector<16xi32>,
        %swap3A_114 = vector.shape_cast %swap3A_113 : vector<16xi32> to vector<16xi32>
        %swap3A_115 = vector.shape_cast %get3A_111 : vector<16xi32> to vector<16xi32>
        tpu.vector_store %arg11[%swap3A_112], %swap3A_115 {strides = array<i32>} : memref<128xi32, #tpu.memory_space<vmem>>, vector<16xi32>,
        %get3A_116 = arith.index_cast %add3A_63 : i32 to index
        %get3A_117 = arith.constant 96 : index
        %get3A_118 = tpu.vector_load %arg10[%get3A_116, %get3A_117] {strides = array<i32>} : memref<80x128xi32, #tpu.memory_space<vmem>>, vector<1x16xi32>,
        %get3A_119 = vector.shape_cast %get3A_118 : vector<1x16xi32> to vector<16xi32>
        %swap3A_120 = arith.constant 96 : index
        %swap3A_121 = tpu.vector_load %arg11[%swap3A_120] {strides = array<i32>} : memref<128xi32, #tpu.memory_space<vmem>>, vector<16xi32>,
        %swap3A_122 = vector.shape_cast %swap3A_121 : vector<16xi32> to vector<16xi32>
        %swap3A_123 = vector.shape_cast %get3A_119 : vector<16xi32> to vector<16xi32>
        tpu.vector_store %arg11[%swap3A_120], %swap3A_123 {strides = array<i32>} : memref<128xi32, #tpu.memory_space<vmem>>, vector<16xi32>,
        %get3A_124 = arith.index_cast %add3A_63 : i32 to index
        %get3A_125 = arith.constant 112 : index
        %get3A_126 = tpu.vector_load %arg10[%get3A_124, %get3A_125] {strides = array<i32>} : memref<80x128xi32, #tpu.memory_space<vmem>>, vector<1x16xi32>,
        %get3A_127 = vector.shape_cast %get3A_126 : vector<1x16xi32> to vector<16xi32>
        %swap3A_128 = arith.constant 112 : index
        %swap3A_129 = tpu.vector_load %arg11[%swap3A_128] {strides = array<i32>} : memref<128xi32, #tpu.memory_space<vmem>>, vector<16xi32>,
        %swap3A_130 = vector.shape_cast %swap3A_129 : vector<16xi32> to vector<16xi32>
        %swap3A_131 = vector.shape_cast %get3A_127 : vector<16xi32> to vector<16xi32>
        tpu.vector_store %arg11[%swap3A_128], %swap3A_131 {strides = array<i32>} : memref<128xi32, #tpu.memory_space<vmem>>, vector<16xi32>,
        %dma_start3A_132 = arith.constant 0 : i32
        %dma_start3A_133 = arith.constant 0 : i32
        %dma_start3A_134 = tpu.memref_slice %arg9[%dma_start3A_132, %dma_start3A_133] : memref<10240x128xf32, #tpu.memory_space<vmem_shared>> -> memref<10240x128xf32, #tpu.memory_space<vmem_shared>>
        tpu.enqueue_indirect_dma source(%arg15 : memref<128x128xf32, #tpu.memory_space<vmem>>) target(%dma_start3A_134 : memref<10240x128xf32, #tpu.memory_space<vmem_shared>>) offsets(%arg11 : memref<128xi32, #tpu.memory_space<vmem>>) semaphore(%arg19 : memref<!tpu.dma_semaphore, #tpu.memory_space<semaphore_mem>>) {add = true}
        %lt3A = arith.constant 39 : i32
        %lt3A_135 = arith.cmpi slt, %add3A_59, %lt3A : i32
        %convert_element_type3A_136 = arith.extui %lt3A_135 : i1 to i32
        %cond3A_137 = arith.constant 0 : i32
        %cond3A_138 = arith.cmpi ne, %convert_element_type3A_136, %cond3A_137 : i32
        scf.if %cond3A_138 {
          %add3A_243 = arith.constant 2 : i32
          %add3A_244 = arith.addi %add3A_63, %add3A_243 : i32
          %mul3A_245 = arith.constant 128 : i32
          %mul3A_246 = arith.muli %add3A_244, %mul3A_245 : i32
          %add3A_247 = arith.addi %mul3A_2, %mul3A_246 : i32
          %dma_start3A_248 = tpu.memref_slice %arg4[%add3A_247] : memref<163840xi32, #tpu.memory_space<hbm>> -> memref<128xi32, #tpu.memory_space<hbm>>
          %dma_start3A_249 = tpu.memref_slice %arg4[%add3A_247] : memref<163840xi32, #tpu.memory_space<hbm>> -> memref<128xi32, #tpu.memory_space<hbm>>
          tpu.enqueue_dma source(%dma_start3A_249 : memref<128xi32, #tpu.memory_space<hbm>>) target(%arg13 : memref<128xi32, #tpu.memory_space<vmem>>) target_semaphore(%arg21 : memref<!tpu.dma_semaphore, #tpu.memory_space<semaphore_mem>>)
        } else {
        }
        %mul3A_139 = arith.constant 2 : i32
        %mul3A_140 = arith.muli %add3A_59, %mul3A_139 : i32
        %add3A_141 = arith.constant 1 : i32
        %add3A_142 = arith.addi %mul3A_140, %add3A_141 : i32
        %dma_wait3A_143 = arith.constant 0 : i32
        %dma_wait3A_144 = arith.constant 0 : i32
        %dma_wait3A_145 = tpu.memref_slice %arg3[%dma_wait3A_143, %dma_wait3A_144] : memref<10000x128xf32, #tpu.memory_space<hbm>> -> memref<128x128xf32, #tpu.memory_space<hbm>>
        %dma_wait3A_146 = arith.constant 0 : i32
        %dma_wait3A_147 = arith.constant 0 : i32
        %dma_wait3A_148 = tpu.memref_slice %arg3[%dma_wait3A_146, %dma_wait3A_147] : memref<10000x128xf32, #tpu.memory_space<hbm>> -> memref<128x128xf32, #tpu.memory_space<hbm>>
        tpu.wait_dma2 semaphore(%arg18 : memref<!tpu.dma_semaphore, #tpu.memory_space<semaphore_mem>>) src(%dma_wait3A_148 : memref<128x128xf32, #tpu.memory_space<hbm>>) dst(%arg16 : memref<128x128xf32, #tpu.memory_space<vmem>>)
        %get3A_149 = arith.index_cast %add3A_142 : i32 to index
        %get3A_150 = arith.constant 0 : index
        %get3A_151 = tpu.vector_load %arg10[%get3A_149, %get3A_150] {strides = array<i32>} : memref<80x128xi32, #tpu.memory_space<vmem>>, vector<1x16xi32>,
        %get3A_152 = vector.shape_cast %get3A_151 : vector<1x16xi32> to vector<16xi32>
        %swap3A_153 = arith.constant 0 : index
        %swap3A_154 = tpu.vector_load %arg12[%swap3A_153] {strides = array<i32>} : memref<128xi32, #tpu.memory_space<vmem>>, vector<16xi32>,
        %swap3A_155 = vector.shape_cast %swap3A_154 : vector<16xi32> to vector<16xi32>
        %swap3A_156 = vector.shape_cast %get3A_152 : vector<16xi32> to vector<16xi32>
        tpu.vector_store %arg12[%swap3A_153], %swap3A_156 {strides = array<i32>} : memref<128xi32, #tpu.memory_space<vmem>>, vector<16xi32>,
        %get3A_157 = arith.index_cast %add3A_142 : i32 to index
        %get3A_158 = arith.constant 16 : index
        %get3A_159 = tpu.vector_load %arg10[%get3A_157, %get3A_158] {strides = array<i32>} : memref<80x128xi32, #tpu.memory_space<vmem>>, vector<1x16xi32>,
        %get3A_160 = vector.shape_cast %get3A_159 : vector<1x16xi32> to vector<16xi32>
        %swap3A_161 = arith.constant 16 : index
        %swap3A_162 = tpu.vector_load %arg12[%swap3A_161] {strides = array<i32>} : memref<128xi32, #tpu.memory_space<vmem>>, vector<16xi32>,
        %swap3A_163 = vector.shape_cast %swap3A_162 : vector<16xi32> to vector<16xi32>
        %swap3A_164 = vector.shape_cast %get3A_160 : vector<16xi32> to vector<16xi32>
        tpu.vector_store %arg12[%swap3A_161], %swap3A_164 {strides = array<i32>} : memref<128xi32, #tpu.memory_space<vmem>>, vector<16xi32>,
        %get3A_165 = arith.index_cast %add3A_142 : i32 to index
        %get3A_166 = arith.constant 32 : index
        %get3A_167 = tpu.vector_load %arg10[%get3A_165, %get3A_166] {strides = array<i32>} : memref<80x128xi32, #tpu.memory_space<vmem>>, vector<1x16xi32>,
        %get3A_168 = vector.shape_cast %get3A_167 : vector<1x16xi32> to vector<16xi32>
        %swap3A_169 = arith.constant 32 : index
        %swap3A_170 = tpu.vector_load %arg12[%swap3A_169] {strides = array<i32>} : memref<128xi32, #tpu.memory_space<vmem>>, vector<16xi32>,
        %swap3A_171 = vector.shape_cast %swap3A_170 : vector<16xi32> to vector<16xi32>
        %swap3A_172 = vector.shape_cast %get3A_168 : vector<16xi32> to vector<16xi32>
        tpu.vector_store %arg12[%swap3A_169], %swap3A_172 {strides = array<i32>} : memref<128xi32, #tpu.memory_space<vmem>>, vector<16xi32>,
        %get3A_173 = arith.index_cast %add3A_142 : i32 to index
        %get3A_174 = arith.constant 48 : index
        %get3A_175 = tpu.vector_load %arg10[%get3A_173, %get3A_174] {strides = array<i32>} : memref<80x128xi32, #tpu.memory_space<vmem>>, vector<1x16xi32>,
        %get3A_176 = vector.shape_cast %get3A_175 : vector<1x16xi32> to vector<16xi32>
        %swap3A_177 = arith.constant 48 : index
        %swap3A_178 = tpu.vector_load %arg12[%swap3A_177] {strides = array<i32>} : memref<128xi32, #tpu.memory_space<vmem>>, vector<16xi32>,
        %swap3A_179 = vector.shape_cast %swap3A_178 : vector<16xi32> to vector<16xi32>
        %swap3A_180 = vector.shape_cast %get3A_176 : vector<16xi32> to vector<16xi32>
        tpu.vector_store %arg12[%swap3A_177], %swap3A_180 {strides = array<i32>} : memref<128xi32, #tpu.memory_space<vmem>>, vector<16xi32>,
        %get3A_181 = arith.index_cast %add3A_142 : i32 to index
        %get3A_182 = arith.constant 64 : index
        %get3A_183 = tpu.vector_load %arg10[%get3A_181, %get3A_182] {strides = array<i32>} : memref<80x128xi32, #tpu.memory_space<vmem>>, vector<1x16xi32>,
        %get3A_184 = vector.shape_cast %get3A_183 : vector<1x16xi32> to vector<16xi32>
        %swap3A_185 = arith.constant 64 : index
        %swap3A_186 = tpu.vector_load %arg12[%swap3A_185] {strides = array<i32>} : memref<128xi32, #tpu.memory_space<vmem>>, vector<16xi32>,
        %swap3A_187 = vector.shape_cast %swap3A_186 : vector<16xi32> to vector<16xi32>
        %swap3A_188 = vector.shape_cast %get3A_184 : vector<16xi32> to vector<16xi32>
        tpu.vector_store %arg12[%swap3A_185], %swap3A_188 {strides = array<i32>} : memref<128xi32, #tpu.memory_space<vmem>>, vector<16xi32>,
        %get3A_189 = arith.index_cast %add3A_142 : i32 to index
        %get3A_190 = arith.constant 80 : index
        %get3A_191 = tpu.vector_load %arg10[%get3A_189, %get3A_190] {strides = array<i32>} : memref<80x128xi32, #tpu.memory_space<vmem>>, vector<1x16xi32>,
        %get3A_192 = vector.shape_cast %get3A_191 : vector<1x16xi32> to vector<16xi32>
        %swap3A_193 = arith.constant 80 : index
        %swap3A_194 = tpu.vector_load %arg12[%swap3A_193] {strides = array<i32>} : memref<128xi32, #tpu.memory_space<vmem>>, vector<16xi32>,
        %swap3A_195 = vector.shape_cast %swap3A_194 : vector<16xi32> to vector<16xi32>
        %swap3A_196 = vector.shape_cast %get3A_192 : vector<16xi32> to vector<16xi32>
        tpu.vector_store %arg12[%swap3A_193], %swap3A_196 {strides = array<i32>} : memref<128xi32, #tpu.memory_space<vmem>>, vector<16xi32>,
        %get3A_197 = arith.index_cast %add3A_142 : i32 to index
        %get3A_198 = arith.constant 96 : index
        %get3A_199 = tpu.vector_load %arg10[%get3A_197, %get3A_198] {strides = array<i32>} : memref<80x128xi32, #tpu.memory_space<vmem>>, vector<1x16xi32>,
        %get3A_200 = vector.shape_cast %get3A_199 : vector<1x16xi32> to vector<16xi32>
        %swap3A_201 = arith.constant 96 : index
        %swap3A_202 = tpu.vector_load %arg12[%swap3A_201] {strides = array<i32>} : memref<128xi32, #tpu.memory_space<vmem>>, vector<16xi32>,
        %swap3A_203 = vector.shape_cast %swap3A_202 : vector<16xi32> to vector<16xi32>
        %swap3A_204 = vector.shape_cast %get3A_200 : vector<16xi32> to vector<16xi32>
        tpu.vector_store %arg12[%swap3A_201], %swap3A_204 {strides = array<i32>} : memref<128xi32, #tpu.memory_space<vmem>>, vector<16xi32>,
        %get3A_205 = arith.index_cast %add3A_142 : i32 to index
        %get3A_206 = arith.constant 112 : index
        %get3A_207 = tpu.vector_load %arg10[%get3A_205, %get3A_206] {strides = array<i32>} : memref<80x128xi32, #tpu.memory_space<vmem>>, vector<1x16xi32>,
        %get3A_208 = vector.shape_cast %get3A_207 : vector<1x16xi32> to vector<16xi32>
        %swap3A_209 = arith.constant 112 : index
        %swap3A_210 = tpu.vector_load %arg12[%swap3A_209] {strides = array<i32>} : memref<128xi32, #tpu.memory_space<vmem>>, vector<16xi32>,
        %swap3A_211 = vector.shape_cast %swap3A_210 : vector<16xi32> to vector<16xi32>
        %swap3A_212 = vector.shape_cast %get3A_208 : vector<16xi32> to vector<16xi32>
        tpu.vector_store %arg12[%swap3A_209], %swap3A_212 {strides = array<i32>} : memref<128xi32, #tpu.memory_space<vmem>>, vector<16xi32>,
        %dma_start3A_213 = arith.constant 0 : i32
        %dma_start3A_214 = arith.constant 0 : i32
        %dma_start3A_215 = tpu.memref_slice %arg9[%dma_start3A_213, %dma_start3A_214] : memref<10240x128xf32, #tpu.memory_space<vmem_shared>> -> memref<10240x128xf32, #tpu.memory_space<vmem_shared>>
        tpu.enqueue_indirect_dma source(%arg16 : memref<128x128xf32, #tpu.memory_space<vmem>>) target(%dma_start3A_215 : memref<10240x128xf32, #tpu.memory_space<vmem_shared>>) offsets(%arg12 : memref<128xi32, #tpu.memory_space<vmem>>) semaphore(%arg20 : memref<!tpu.dma_semaphore, #tpu.memory_space<semaphore_mem>>) {add = true}
        %lt3A_216 = arith.constant 39 : i32
        %lt3A_217 = arith.cmpi slt, %add3A_59, %lt3A_216 : i32
        %convert_element_type3A_218 = arith.extui %lt3A_217 : i1 to i32
        %cond3A_219 = arith.constant 0 : i32
        %cond3A_220 = arith.cmpi ne, %convert_element_type3A_218, %cond3A_219 : i32
        scf.if %cond3A_220 {
          %add3A_243 = arith.constant 2 : i32
          %add3A_244 = arith.addi %add3A_142, %add3A_243 : i32
          %mul3A_245 = arith.constant 128 : i32
          %mul3A_246 = arith.muli %add3A_244, %mul3A_245 : i32
          %add3A_247 = arith.addi %mul3A_2, %mul3A_246 : i32
          %dma_start3A_248 = tpu.memref_slice %arg4[%add3A_247] : memref<163840xi32, #tpu.memory_space<hbm>> -> memref<128xi32, #tpu.memory_space<hbm>>
          %dma_start3A_249 = tpu.memref_slice %arg4[%add3A_247] : memref<163840xi32, #tpu.memory_space<hbm>> -> memref<128xi32, #tpu.memory_space<hbm>>
          tpu.enqueue_dma source(%dma_start3A_249 : memref<128xi32, #tpu.memory_space<hbm>>) target(%arg14 : memref<128xi32, #tpu.memory_space<vmem>>) target_semaphore(%arg22 : memref<!tpu.dma_semaphore, #tpu.memory_space<semaphore_mem>>)
        } else {
        }
        %dma_wait3A_221 = arith.constant 0 : i32
        %dma_wait3A_222 = arith.constant 0 : i32
        %dma_wait3A_223 = tpu.memref_slice %arg9[%dma_wait3A_221, %dma_wait3A_222] : memref<10240x128xf32, #tpu.memory_space<vmem_shared>> -> memref<128x128xf32, #tpu.memory_space<vmem_shared>>
        %dma_wait3A_224 = arith.constant 0 : i32
        %dma_wait3A_225 = arith.constant 0 : i32
        %dma_wait3A_226 = tpu.memref_slice %arg9[%dma_wait3A_224, %dma_wait3A_225] : memref<10240x128xf32, #tpu.memory_space<vmem_shared>> -> memref<128x128xf32, #tpu.memory_space<vmem_shared>>
        tpu.wait_dma2 semaphore(%arg19 : memref<!tpu.dma_semaphore, #tpu.memory_space<semaphore_mem>>) src(%arg15 : memref<128x128xf32, #tpu.memory_space<vmem>>) dst(%dma_wait3A_226 : memref<128x128xf32, #tpu.memory_space<vmem_shared>>)
        %lt3A_227 = arith.constant 39 : i32
        %lt3A_228 = arith.cmpi slt, %add3A_59, %lt3A_227 : i32
        %convert_element_type3A_229 = arith.extui %lt3A_228 : i1 to i32
        %cond3A_230 = arith.constant 0 : i32
        %cond3A_231 = arith.cmpi ne, %convert_element_type3A_229, %cond3A_230 : i32
        scf.if %cond3A_231 {
          %dma_wait3A_243 = arith.constant 0 : i32
          %dma_wait3A_244 = tpu.memref_slice %arg4[%dma_wait3A_243] : memref<163840xi32, #tpu.memory_space<hbm>> -> memref<128xi32, #tpu.memory_space<hbm>>
          %dma_wait3A_245 = arith.constant 0 : i32
          %dma_wait3A_246 = tpu.memref_slice %arg4[%dma_wait3A_245] : memref<163840xi32, #tpu.memory_space<hbm>> -> memref<128xi32, #tpu.memory_space<hbm>>
          tpu.wait_dma2 semaphore(%arg21 : memref<!tpu.dma_semaphore, #tpu.memory_space<semaphore_mem>>) src(%dma_wait3A_246 : memref<128xi32, #tpu.memory_space<hbm>>) dst(%arg13 : memref<128xi32, #tpu.memory_space<vmem>>)
          %dma_start3A_247 = arith.constant 0 : i32
          %dma_start3A_248 = arith.constant 0 : i32
          %dma_start3A_249 = tpu.memref_slice %arg3[%dma_start3A_247, %dma_start3A_248] : memref<10000x128xf32, #tpu.memory_space<hbm>> -> memref<10000x128xf32, #tpu.memory_space<hbm>>
          tpu.enqueue_indirect_dma source(%dma_start3A_249 : memref<10000x128xf32, #tpu.memory_space<hbm>>) target(%arg15 : memref<128x128xf32, #tpu.memory_space<vmem>>) offsets(%arg13 : memref<128xi32, #tpu.memory_space<vmem>>) semaphore(%arg17 : memref<!tpu.dma_semaphore, #tpu.memory_space<semaphore_mem>>)
        } else {
        }
        %dma_wait3A_232 = arith.constant 0 : i32
        %dma_wait3A_233 = arith.constant 0 : i32
        %dma_wait3A_234 = tpu.memref_slice %arg9[%dma_wait3A_232, %dma_wait3A_233] : memref<10240x128xf32, #tpu.memory_space<vmem_shared>> -> memref<128x128xf32, #tpu.memory_space<vmem_shared>>
        %dma_wait3A_235 = arith.constant 0 : i32
        %dma_wait3A_236 = arith.constant 0 : i32
        %dma_wait3A_237 = tpu.memref_slice %arg9[%dma_wait3A_235, %dma_wait3A_236] : memref<10240x128xf32, #tpu.memory_space<vmem_shared>> -> memref<128x128xf32, #tpu.memory_space<vmem_shared>>
        tpu.wait_dma2 semaphore(%arg20 : memref<!tpu.dma_semaphore, #tpu.memory_space<semaphore_mem>>) src(%arg16 : memref<128x128xf32, #tpu.memory_space<vmem>>) dst(%dma_wait3A_237 : memref<128x128xf32, #tpu.memory_space<vmem_shared>>)
        %lt3A_238 = arith.constant 39 : i32
        %lt3A_239 = arith.cmpi slt, %add3A_59, %lt3A_238 : i32
        %convert_element_type3A_240 = arith.extui %lt3A_239 : i1 to i32
        %cond3A_241 = arith.constant 0 : i32
        %cond3A_242 = arith.cmpi ne, %convert_element_type3A_240, %cond3A_241 : i32
        scf.if %cond3A_242 {
          %dma_wait3A_243 = arith.constant 0 : i32
          %dma_wait3A_244 = tpu.memref_slice %arg4[%dma_wait3A_243] : memref<163840xi32, #tpu.memory_space<hbm>> -> memref<128xi32, #tpu.memory_space<hbm>>
          %dma_wait3A_245 = arith.constant 0 : i32
          %dma_wait3A_246 = tpu.memref_slice %arg4[%dma_wait3A_245] : memref<163840xi32, #tpu.memory_space<hbm>> -> memref<128xi32, #tpu.memory_space<hbm>>
          tpu.wait_dma2 semaphore(%arg22 : memref<!tpu.dma_semaphore, #tpu.memory_space<semaphore_mem>>) src(%dma_wait3A_246 : memref<128xi32, #tpu.memory_space<hbm>>) dst(%arg14 : memref<128xi32, #tpu.memory_space<vmem>>)
          %dma_start3A_247 = arith.constant 0 : i32
          %dma_start3A_248 = arith.constant 0 : i32
          %dma_start3A_249 = tpu.memref_slice %arg3[%dma_start3A_247, %dma_start3A_248] : memref<10000x128xf32, #tpu.memory_space<hbm>> -> memref<10000x128xf32, #tpu.memory_space<hbm>>
          tpu.enqueue_indirect_dma source(%dma_start3A_249 : memref<10000x128xf32, #tpu.memory_space<hbm>>) target(%arg16 : memref<128x128xf32, #tpu.memory_space<vmem>>) offsets(%arg14 : memref<128xi32, #tpu.memory_space<vmem>>) semaphore(%arg18 : memref<!tpu.dma_semaphore, #tpu.memory_space<semaphore_mem>>)
        } else {
        }
      }
      %while3A_56 = arith.constant 1 : i32
      scf.for %while3A_57 = %while3A_54 to %while3A_50 step %while3A_56  : i32 {
        %mul3A_58 = arith.muli %while3A_57, %while3A : i32
        %add3A_59 = arith.addi %while3A_47, %mul3A_58 : i32
        %mul3A_60 = arith.constant 2 : i32
        %mul3A_61 = arith.muli %add3A_59, %mul3A_60 : i32
        %add3A_62 = arith.constant 0 : i32
        %add3A_63 = arith.addi %mul3A_61, %add3A_62 : i32
        %dma_wait3A_64 = arith.constant 0 : i32
        %dma_wait3A_65 = arith.constant 0 : i32
        %dma_wait3A_66 = tpu.memref_slice %arg3[%dma_wait3A_64, %dma_wait3A_65] : memref<10000x128xf32, #tpu.memory_space<hbm>> -> memref<128x128xf32, #tpu.memory_space<hbm>>
        %dma_wait3A_67 = arith.constant 0 : i32
        %dma_wait3A_68 = arith.constant 0 : i32
        %dma_wait3A_69 = tpu.memref_slice %arg3[%dma_wait3A_67, %dma_wait3A_68] : memref<10000x128xf32, #tpu.memory_space<hbm>> -> memref<128x128xf32, #tpu.memory_space<hbm>>
        tpu.wait_dma2 semaphore(%arg17 : memref<!tpu.dma_semaphore, #tpu.memory_space<semaphore_mem>>) src(%dma_wait3A_69 : memref<128x128xf32, #tpu.memory_space<hbm>>) dst(%arg15 : memref<128x128xf32, #tpu.memory_space<vmem>>)
        %get3A = arith.index_cast %add3A_63 : i32 to index
        %get3A_70 = arith.constant 0 : index
        %get3A_71 = tpu.vector_load %arg10[%get3A, %get3A_70] {strides = array<i32>} : memref<80x128xi32, #tpu.memory_space<vmem>>, vector<1x16xi32>,
        %get3A_72 = vector.shape_cast %get3A_71 : vector<1x16xi32> to vector<16xi32>
        %swap3A = arith.constant 0 : index
        %swap3A_73 = tpu.vector_load %arg11[%swap3A] {strides = array<i32>} : memref<128xi32, #tpu.memory_space<vmem>>, vector<16xi32>,
        %swap3A_74 = vector.shape_cast %swap3A_73 : vector<16xi32> to vector<16xi32>
        %swap3A_75 = vector.shape_cast %get3A_72 : vector<16xi32> to vector<16xi32>
        tpu.vector_store %arg11[%swap3A], %swap3A_75 {strides = array<i32>} : memref<128xi32, #tpu.memory_space<vmem>>, vector<16xi32>,
        %get3A_76 = arith.index_cast %add3A_63 : i32 to index
        %get3A_77 = arith.constant 16 : index
        %get3A_78 = tpu.vector_load %arg10[%get3A_76, %get3A_77] {strides = array<i32>} : memref<80x128xi32, #tpu.memory_space<vmem>>, vector<1x16xi32>,
        %get3A_79 = vector.shape_cast %get3A_78 : vector<1x16xi32> to vector<16xi32>
        %swap3A_80 = arith.constant 16 : index
        %swap3A_81 = tpu.vector_load %arg11[%swap3A_80] {strides = array<i32>} : memref<128xi32, #tpu.memory_space<vmem>>, vector<16xi32>,
        %swap3A_82 = vector.shape_cast %swap3A_81 : vector<16xi32> to vector<16xi32>
        %swap3A_83 = vector.shape_cast %get3A_79 : vector<16xi32> to vector<16xi32>
        tpu.vector_store %arg11[%swap3A_80], %swap3A_83 {strides = array<i32>} : memref<128xi32, #tpu.memory_space<vmem>>, vector<16xi32>,
        %get3A_84 = arith.index_cast %add3A_63 : i32 to index
        %get3A_85 = arith.constant 32 : index
        %get3A_86 = tpu.vector_load %arg10[%get3A_84, %get3A_85] {strides = array<i32>} : memref<80x128xi32, #tpu.memory_space<vmem>>, vector<1x16xi32>,
        %get3A_87 = vector.shape_cast %get3A_86 : vector<1x16xi32> to vector<16xi32>
        %swap3A_88 = arith.constant 32 : index
        %swap3A_89 = tpu.vector_load %arg11[%swap3A_88] {strides = array<i32>} : memref<128xi32, #tpu.memory_space<vmem>>, vector<16xi32>,
        %swap3A_90 = vector.shape_cast %swap3A_89 : vector<16xi32> to vector<16xi32>
        %swap3A_91 = vector.shape_cast %get3A_87 : vector<16xi32> to vector<16xi32>
        tpu.vector_store %arg11[%swap3A_88], %swap3A_91 {strides = array<i32>} : memref<128xi32, #tpu.memory_space<vmem>>, vector<16xi32>,
        %get3A_92 = arith.index_cast %add3A_63 : i32 to index
        %get3A_93 = arith.constant 48 : index
        %get3A_94 = tpu.vector_load %arg10[%get3A_92, %get3A_93] {strides = array<i32>} : memref<80x128xi32, #tpu.memory_space<vmem>>, vector<1x16xi32>,
        %get3A_95 = vector.shape_cast %get3A_94 : vector<1x16xi32> to vector<16xi32>
        %swap3A_96 = arith.constant 48 : index
        %swap3A_97 = tpu.vector_load %arg11[%swap3A_96] {strides = array<i32>} : memref<128xi32, #tpu.memory_space<vmem>>, vector<16xi32>,
        %swap3A_98 = vector.shape_cast %swap3A_97 : vector<16xi32> to vector<16xi32>
        %swap3A_99 = vector.shape_cast %get3A_95 : vector<16xi32> to vector<16xi32>
        tpu.vector_store %arg11[%swap3A_96], %swap3A_99 {strides = array<i32>} : memref<128xi32, #tpu.memory_space<vmem>>, vector<16xi32>,
        %get3A_100 = arith.index_cast %add3A_63 : i32 to index
        %get3A_101 = arith.constant 64 : index
        %get3A_102 = tpu.vector_load %arg10[%get3A_100, %get3A_101] {strides = array<i32>} : memref<80x128xi32, #tpu.memory_space<vmem>>, vector<1x16xi32>,
        %get3A_103 = vector.shape_cast %get3A_102 : vector<1x16xi32> to vector<16xi32>
        %swap3A_104 = arith.constant 64 : index
        %swap3A_105 = tpu.vector_load %arg11[%swap3A_104] {strides = array<i32>} : memref<128xi32, #tpu.memory_space<vmem>>, vector<16xi32>,
        %swap3A_106 = vector.shape_cast %swap3A_105 : vector<16xi32> to vector<16xi32>
        %swap3A_107 = vector.shape_cast %get3A_103 : vector<16xi32> to vector<16xi32>
        tpu.vector_store %arg11[%swap3A_104], %swap3A_107 {strides = array<i32>} : memref<128xi32, #tpu.memory_space<vmem>>, vector<16xi32>,
        %get3A_108 = arith.index_cast %add3A_63 : i32 to index
        %get3A_109 = arith.constant 80 : index
        %get3A_110 = tpu.vector_load %arg10[%get3A_108, %get3A_109] {strides = array<i32>} : memref<80x128xi32, #tpu.memory_space<vmem>>, vector<1x16xi32>,
        %get3A_111 = vector.shape_cast %get3A_110 : vector<1x16xi32> to vector<16xi32>
        %swap3A_112 = arith.constant 80 : index
        %swap3A_113 = tpu.vector_load %arg11[%swap3A_112] {strides = array<i32>} : memref<128xi32, #tpu.memory_space<vmem>>, vector<16xi32>,
        %swap3A_114 = vector.shape_cast %swap3A_113 : vector<16xi32> to vector<16xi32>
        %swap3A_115 = vector.shape_cast %get3A_111 : vector<16xi32> to vector<16xi32>
        tpu.vector_store %arg11[%swap3A_112], %swap3A_115 {strides = array<i32>} : memref<128xi32, #tpu.memory_space<vmem>>, vector<16xi32>,
        %get3A_116 = arith.index_cast %add3A_63 : i32 to index
        %get3A_117 = arith.constant 96 : index
        %get3A_118 = tpu.vector_load %arg10[%get3A_116, %get3A_117] {strides = array<i32>} : memref<80x128xi32, #tpu.memory_space<vmem>>, vector<1x16xi32>,
        %get3A_119 = vector.shape_cast %get3A_118 : vector<1x16xi32> to vector<16xi32>
        %swap3A_120 = arith.constant 96 : index
        %swap3A_121 = tpu.vector_load %arg11[%swap3A_120] {strides = array<i32>} : memref<128xi32, #tpu.memory_space<vmem>>, vector<16xi32>,
        %swap3A_122 = vector.shape_cast %swap3A_121 : vector<16xi32> to vector<16xi32>
        %swap3A_123 = vector.shape_cast %get3A_119 : vector<16xi32> to vector<16xi32>
        tpu.vector_store %arg11[%swap3A_120], %swap3A_123 {strides = array<i32>} : memref<128xi32, #tpu.memory_space<vmem>>, vector<16xi32>,
        %get3A_124 = arith.index_cast %add3A_63 : i32 to index
        %get3A_125 = arith.constant 112 : index
        %get3A_126 = tpu.vector_load %arg10[%get3A_124, %get3A_125] {strides = array<i32>} : memref<80x128xi32, #tpu.memory_space<vmem>>, vector<1x16xi32>,
        %get3A_127 = vector.shape_cast %get3A_126 : vector<1x16xi32> to vector<16xi32>
        %swap3A_128 = arith.constant 112 : index
        %swap3A_129 = tpu.vector_load %arg11[%swap3A_128] {strides = array<i32>} : memref<128xi32, #tpu.memory_space<vmem>>, vector<16xi32>,
        %swap3A_130 = vector.shape_cast %swap3A_129 : vector<16xi32> to vector<16xi32>
        %swap3A_131 = vector.shape_cast %get3A_127 : vector<16xi32> to vector<16xi32>
        tpu.vector_store %arg11[%swap3A_128], %swap3A_131 {strides = array<i32>} : memref<128xi32, #tpu.memory_space<vmem>>, vector<16xi32>,
        %dma_start3A_132 = arith.constant 0 : i32
        %dma_start3A_133 = arith.constant 0 : i32
        %dma_start3A_134 = tpu.memref_slice %arg9[%dma_start3A_132, %dma_start3A_133] : memref<10240x128xf32, #tpu.memory_space<vmem_shared>> -> memref<10240x128xf32, #tpu.memory_space<vmem_shared>>
        tpu.enqueue_indirect_dma source(%arg15 : memref<128x128xf32, #tpu.memory_space<vmem>>) target(%dma_start3A_134 : memref<10240x128xf32, #tpu.memory_space<vmem_shared>>) offsets(%arg11 : memref<128xi32, #tpu.memory_space<vmem>>) semaphore(%arg19 : memref<!tpu.dma_semaphore, #tpu.memory_space<semaphore_mem>>) {add = true}
        %lt3A = arith.constant 39 : i32
        %lt3A_135 = arith.cmpi slt, %add3A_59, %lt3A : i32
        %convert_element_type3A_136 = arith.extui %lt3A_135 : i1 to i32
        %cond3A_137 = arith.constant 0 : i32
        %cond3A_138 = arith.cmpi ne, %convert_element_type3A_136, %cond3A_137 : i32
        scf.if %cond3A_138 {
          %add3A_243 = arith.constant 2 : i32
          %add3A_244 = arith.addi %add3A_63, %add3A_243 : i32
          %mul3A_245 = arith.constant 128 : i32
          %mul3A_246 = arith.muli %add3A_244, %mul3A_245 : i32
          %add3A_247 = arith.addi %mul3A_2, %mul3A_246 : i32
          %dma_start3A_248 = tpu.memref_slice %arg4[%add3A_247] : memref<163840xi32, #tpu.memory_space<hbm>> -> memref<128xi32, #tpu.memory_space<hbm>>
          %dma_start3A_249 = tpu.memref_slice %arg4[%add3A_247] : memref<163840xi32, #tpu.memory_space<hbm>> -> memref<128xi32, #tpu.memory_space<hbm>>
          tpu.enqueue_dma source(%dma_start3A_249 : memref<128xi32, #tpu.memory_space<hbm>>) target(%arg13 : memref<128xi32, #tpu.memory_space<vmem>>) target_semaphore(%arg21 : memref<!tpu.dma_semaphore, #tpu.memory_space<semaphore_mem>>)
        } else {
        }
        %mul3A_139 = arith.constant 2 : i32
        %mul3A_140 = arith.muli %add3A_59, %mul3A_139 : i32
        %add3A_141 = arith.constant 1 : i32
        %add3A_142 = arith.addi %mul3A_140, %add3A_141 : i32
        %dma_wait3A_143 = arith.constant 0 : i32
        %dma_wait3A_144 = arith.constant 0 : i32
        %dma_wait3A_145 = tpu.memref_slice %arg3[%dma_wait3A_143, %dma_wait3A_144] : memref<10000x128xf32, #tpu.memory_space<hbm>> -> memref<128x128xf32, #tpu.memory_space<hbm>>
        %dma_wait3A_146 = arith.constant 0 : i32
        %dma_wait3A_147 = arith.constant 0 : i32
        %dma_wait3A_148 = tpu.memref_slice %arg3[%dma_wait3A_146, %dma_wait3A_147] : memref<10000x128xf32, #tpu.memory_space<hbm>> -> memref<128x128xf32, #tpu.memory_space<hbm>>
        tpu.wait_dma2 semaphore(%arg18 : memref<!tpu.dma_semaphore, #tpu.memory_space<semaphore_mem>>) src(%dma_wait3A_148 : memref<128x128xf32, #tpu.memory_space<hbm>>) dst(%arg16 : memref<128x128xf32, #tpu.memory_space<vmem>>)
        %get3A_149 = arith.index_cast %add3A_142 : i32 to index
        %get3A_150 = arith.constant 0 : index
        %get3A_151 = tpu.vector_load %arg10[%get3A_149, %get3A_150] {strides = array<i32>} : memref<80x128xi32, #tpu.memory_space<vmem>>, vector<1x16xi32>,
        %get3A_152 = vector.shape_cast %get3A_151 : vector<1x16xi32> to vector<16xi32>
        %swap3A_153 = arith.constant 0 : index
        %swap3A_154 = tpu.vector_load %arg12[%swap3A_153] {strides = array<i32>} : memref<128xi32, #tpu.memory_space<vmem>>, vector<16xi32>,
        %swap3A_155 = vector.shape_cast %swap3A_154 : vector<16xi32> to vector<16xi32>
        %swap3A_156 = vector.shape_cast %get3A_152 : vector<16xi32> to vector<16xi32>
        tpu.vector_store %arg12[%swap3A_153], %swap3A_156 {strides = array<i32>} : memref<128xi32, #tpu.memory_space<vmem>>, vector<16xi32>,
        %get3A_157 = arith.index_cast %add3A_142 : i32 to index
        %get3A_158 = arith.constant 16 : index
        %get3A_159 = tpu.vector_load %arg10[%get3A_157, %get3A_158] {strides = array<i32>} : memref<80x128xi32, #tpu.memory_space<vmem>>, vector<1x16xi32>,
        %get3A_160 = vector.shape_cast %get3A_159 : vector<1x16xi32> to vector<16xi32>
        %swap3A_161 = arith.constant 16 : index
        %swap3A_162 = tpu.vector_load %arg12[%swap3A_161] {strides = array<i32>} : memref<128xi32, #tpu.memory_space<vmem>>, vector<16xi32>,
        %swap3A_163 = vector.shape_cast %swap3A_162 : vector<16xi32> to vector<16xi32>
        %swap3A_164 = vector.shape_cast %get3A_160 : vector<16xi32> to vector<16xi32>
        tpu.vector_store %arg12[%swap3A_161], %swap3A_164 {strides = array<i32>} : memref<128xi32, #tpu.memory_space<vmem>>, vector<16xi32>,
        %get3A_165 = arith.index_cast %add3A_142 : i32 to index
        %get3A_166 = arith.constant 32 : index
        %get3A_167 = tpu.vector_load %arg10[%get3A_165, %get3A_166] {strides = array<i32>} : memref<80x128xi32, #tpu.memory_space<vmem>>, vector<1x16xi32>,
        %get3A_168 = vector.shape_cast %get3A_167 : vector<1x16xi32> to vector<16xi32>
        %swap3A_169 = arith.constant 32 : index
        %swap3A_170 = tpu.vector_load %arg12[%swap3A_169] {strides = array<i32>} : memref<128xi32, #tpu.memory_space<vmem>>, vector<16xi32>,
        %swap3A_171 = vector.shape_cast %swap3A_170 : vector<16xi32> to vector<16xi32>
        %swap3A_172 = vector.shape_cast %get3A_168 : vector<16xi32> to vector<16xi32>
        tpu.vector_store %arg12[%swap3A_169], %swap3A_172 {strides = array<i32>} : memref<128xi32, #tpu.memory_space<vmem>>, vector<16xi32>,
        %get3A_173 = arith.index_cast %add3A_142 : i32 to index
        %get3A_174 = arith.constant 48 : index
        %get3A_175 = tpu.vector_load %arg10[%get3A_173, %get3A_174] {strides = array<i32>} : memref<80x128xi32, #tpu.memory_space<vmem>>, vector<1x16xi32>,
        %get3A_176 = vector.shape_cast %get3A_175 : vector<1x16xi32> to vector<16xi32>
        %swap3A_177 = arith.constant 48 : index
        %swap3A_178 = tpu.vector_load %arg12[%swap3A_177] {strides = array<i32>} : memref<128xi32, #tpu.memory_space<vmem>>, vector<16xi32>,
        %swap3A_179 = vector.shape_cast %swap3A_178 : vector<16xi32> to vector<16xi32>
        %swap3A_180 = vector.shape_cast %get3A_176 : vector<16xi32> to vector<16xi32>
        tpu.vector_store %arg12[%swap3A_177], %swap3A_180 {strides = array<i32>} : memref<128xi32, #tpu.memory_space<vmem>>, vector<16xi32>,
        %get3A_181 = arith.index_cast %add3A_142 : i32 to index
        %get3A_182 = arith.constant 64 : index
        %get3A_183 = tpu.vector_load %arg10[%get3A_181, %get3A_182] {strides = array<i32>} : memref<80x128xi32, #tpu.memory_space<vmem>>, vector<1x16xi32>,
        %get3A_184 = vector.shape_cast %get3A_183 : vector<1x16xi32> to vector<16xi32>
        %swap3A_185 = arith.constant 64 : index
        %swap3A_186 = tpu.vector_load %arg12[%swap3A_185] {strides = array<i32>} : memref<128xi32, #tpu.memory_space<vmem>>, vector<16xi32>,
        %swap3A_187 = vector.shape_cast %swap3A_186 : vector<16xi32> to vector<16xi32>
        %swap3A_188 = vector.shape_cast %get3A_184 : vector<16xi32> to vector<16xi32>
        tpu.vector_store %arg12[%swap3A_185], %swap3A_188 {strides = array<i32>} : memref<128xi32, #tpu.memory_space<vmem>>, vector<16xi32>,
        %get3A_189 = arith.index_cast %add3A_142 : i32 to index
        %get3A_190 = arith.constant 80 : index
        %get3A_191 = tpu.vector_load %arg10[%get3A_189, %get3A_190] {strides = array<i32>} : memref<80x128xi32, #tpu.memory_space<vmem>>, vector<1x16xi32>,
        %get3A_192 = vector.shape_cast %get3A_191 : vector<1x16xi32> to vector<16xi32>
        %swap3A_193 = arith.constant 80 : index
        %swap3A_194 = tpu.vector_load %arg12[%swap3A_193] {strides = array<i32>} : memref<128xi32, #tpu.memory_space<vmem>>, vector<16xi32>,
        %swap3A_195 = vector.shape_cast %swap3A_194 : vector<16xi32> to vector<16xi32>
        %swap3A_196 = vector.shape_cast %get3A_192 : vector<16xi32> to vector<16xi32>
        tpu.vector_store %arg12[%swap3A_193], %swap3A_196 {strides = array<i32>} : memref<128xi32, #tpu.memory_space<vmem>>, vector<16xi32>,
        %get3A_197 = arith.index_cast %add3A_142 : i32 to index
        %get3A_198 = arith.constant 96 : index
        %get3A_199 = tpu.vector_load %arg10[%get3A_197, %get3A_198] {strides = array<i32>} : memref<80x128xi32, #tpu.memory_space<vmem>>, vector<1x16xi32>,
        %get3A_200 = vector.shape_cast %get3A_199 : vector<1x16xi32> to vector<16xi32>
        %swap3A_201 = arith.constant 96 : index
        %swap3A_202 = tpu.vector_load %arg12[%swap3A_201] {strides = array<i32>} : memref<128xi32, #tpu.memory_space<vmem>>, vector<16xi32>,
        %swap3A_203 = vector.shape_cast %swap3A_202 : vector<16xi32> to vector<16xi32>
        %swap3A_204 = vector.shape_cast %get3A_200 : vector<16xi32> to vector<16xi32>
        tpu.vector_store %arg12[%swap3A_201], %swap3A_204 {strides = array<i32>} : memref<128xi32, #tpu.memory_space<vmem>>, vector<16xi32>,
        %get3A_205 = arith.index_cast %add3A_142 : i32 to index
        %get3A_206 = arith.constant 112 : index
        %get3A_207 = tpu.vector_load %arg10[%get3A_205, %get3A_206] {strides = array<i32>} : memref<80x128xi32, #tpu.memory_space<vmem>>, vector<1x16xi32>,
        %get3A_208 = vector.shape_cast %get3A_207 : vector<1x16xi32> to vector<16xi32>
        %swap3A_209 = arith.constant 112 : index
        %swap3A_210 = tpu.vector_load %arg12[%swap3A_209] {strides = array<i32>} : memref<128xi32, #tpu.memory_space<vmem>>, vector<16xi32>,
        %swap3A_211 = vector.shape_cast %swap3A_210 : vector<16xi32> to vector<16xi32>
        %swap3A_212 = vector.shape_cast %get3A_208 : vector<16xi32> to vector<16xi32>
        tpu.vector_store %arg12[%swap3A_209], %swap3A_212 {strides = array<i32>} : memref<128xi32, #tpu.memory_space<vmem>>, vector<16xi32>,
        %dma_start3A_213 = arith.constant 0 : i32
        %dma_start3A_214 = arith.constant 0 : i32
        %dma_start3A_215 = tpu.memref_slice %arg9[%dma_start3A_213, %dma_start3A_214] : memref<10240x128xf32, #tpu.memory_space<vmem_shared>> -> memref<10240x128xf32, #tpu.memory_space<vmem_shared>>
        tpu.enqueue_indirect_dma source(%arg16 : memref<128x128xf32, #tpu.memory_space<vmem>>) target(%dma_start3A_215 : memref<10240x128xf32, #tpu.memory_space<vmem_shared>>) offsets(%arg12 : memref<128xi32, #tpu.memory_space<vmem>>) semaphore(%arg20 : memref<!tpu.dma_semaphore, #tpu.memory_space<semaphore_mem>>) {add = true}
        %lt3A_216 = arith.constant 39 : i32
        %lt3A_217 = arith.cmpi slt, %add3A_59, %lt3A_216 : i32
        %convert_element_type3A_218 = arith.extui %lt3A_217 : i1 to i32
        %cond3A_219 = arith.constant 0 : i32
        %cond3A_220 = arith.cmpi ne, %convert_element_type3A_218, %cond3A_219 : i32
        scf.if %cond3A_220 {
          %add3A_243 = arith.constant 2 : i32
          %add3A_244 = arith.addi %add3A_142, %add3A_243 : i32
          %mul3A_245 = arith.constant 128 : i32
          %mul3A_246 = arith.muli %add3A_244, %mul3A_245 : i32
          %add3A_247 = arith.addi %mul3A_2, %mul3A_246 : i32
          %dma_start3A_248 = tpu.memref_slice %arg4[%add3A_247] : memref<163840xi32, #tpu.memory_space<hbm>> -> memref<128xi32, #tpu.memory_space<hbm>>
          %dma_start3A_249 = tpu.memref_slice %arg4[%add3A_247] : memref<163840xi32, #tpu.memory_space<hbm>> -> memref<128xi32, #tpu.memory_space<hbm>>
          tpu.enqueue_dma source(%dma_start3A_249 : memref<128xi32, #tpu.memory_space<hbm>>) target(%arg14 : memref<128xi32, #tpu.memory_space<vmem>>) target_semaphore(%arg22 : memref<!tpu.dma_semaphore, #tpu.memory_space<semaphore_mem>>)
        } else {
        }
        %dma_wait3A_221 = arith.constant 0 : i32
        %dma_wait3A_222 = arith.constant 0 : i32
        %dma_wait3A_223 = tpu.memref_slice %arg9[%dma_wait3A_221, %dma_wait3A_222] : memref<10240x128xf32, #tpu.memory_space<vmem_shared>> -> memref<128x128xf32, #tpu.memory_space<vmem_shared>>
        %dma_wait3A_224 = arith.constant 0 : i32
        %dma_wait3A_225 = arith.constant 0 : i32
        %dma_wait3A_226 = tpu.memref_slice %arg9[%dma_wait3A_224, %dma_wait3A_225] : memref<10240x128xf32, #tpu.memory_space<vmem_shared>> -> memref<128x128xf32, #tpu.memory_space<vmem_shared>>
        tpu.wait_dma2 semaphore(%arg19 : memref<!tpu.dma_semaphore, #tpu.memory_space<semaphore_mem>>) src(%arg15 : memref<128x128xf32, #tpu.memory_space<vmem>>) dst(%dma_wait3A_226 : memref<128x128xf32, #tpu.memory_space<vmem_shared>>)
        %lt3A_227 = arith.constant 39 : i32
        %lt3A_228 = arith.cmpi slt, %add3A_59, %lt3A_227 : i32
        %convert_element_type3A_229 = arith.extui %lt3A_228 : i1 to i32
        %cond3A_230 = arith.constant 0 : i32
        %cond3A_231 = arith.cmpi ne, %convert_element_type3A_229, %cond3A_230 : i32
        scf.if %cond3A_231 {
          %dma_wait3A_243 = arith.constant 0 : i32
          %dma_wait3A_244 = tpu.memref_slice %arg4[%dma_wait3A_243] : memref<163840xi32, #tpu.memory_space<hbm>> -> memref<128xi32, #tpu.memory_space<hbm>>
          %dma_wait3A_245 = arith.constant 0 : i32
          %dma_wait3A_246 = tpu.memref_slice %arg4[%dma_wait3A_245] : memref<163840xi32, #tpu.memory_space<hbm>> -> memref<128xi32, #tpu.memory_space<hbm>>
          tpu.wait_dma2 semaphore(%arg21 : memref<!tpu.dma_semaphore, #tpu.memory_space<semaphore_mem>>) src(%dma_wait3A_246 : memref<128xi32, #tpu.memory_space<hbm>>) dst(%arg13 : memref<128xi32, #tpu.memory_space<vmem>>)
          %dma_start3A_247 = arith.constant 0 : i32
          %dma_start3A_248 = arith.constant 0 : i32
          %dma_start3A_249 = tpu.memref_slice %arg3[%dma_start3A_247, %dma_start3A_248] : memref<10000x128xf32, #tpu.memory_space<hbm>> -> memref<10000x128xf32, #tpu.memory_space<hbm>>
          tpu.enqueue_indirect_dma source(%dma_start3A_249 : memref<10000x128xf32, #tpu.memory_space<hbm>>) target(%arg15 : memref<128x128xf32, #tpu.memory_space<vmem>>) offsets(%arg13 : memref<128xi32, #tpu.memory_space<vmem>>) semaphore(%arg17 : memref<!tpu.dma_semaphore, #tpu.memory_space<semaphore_mem>>)
        } else {
        }
        %dma_wait3A_232 = arith.constant 0 : i32
        %dma_wait3A_233 = arith.constant 0 : i32
        %dma_wait3A_234 = tpu.memref_slice %arg9[%dma_wait3A_232, %dma_wait3A_233] : memref<10240x128xf32, #tpu.memory_space<vmem_shared>> -> memref<128x128xf32, #tpu.memory_space<vmem_shared>>
        %dma_wait3A_235 = arith.constant 0 : i32
        %dma_wait3A_236 = arith.constant 0 : i32
        %dma_wait3A_237 = tpu.memref_slice %arg9[%dma_wait3A_235, %dma_wait3A_236] : memref<10240x128xf32, #tpu.memory_space<vmem_shared>> -> memref<128x128xf32, #tpu.memory_space<vmem_shared>>
        tpu.wait_dma2 semaphore(%arg20 : memref<!tpu.dma_semaphore, #tpu.memory_space<semaphore_mem>>) src(%arg16 : memref<128x128xf32, #tpu.memory_space<vmem>>) dst(%dma_wait3A_237 : memref<128x128xf32, #tpu.memory_space<vmem_shared>>)
        %lt3A_238 = arith.constant 39 : i32
        %lt3A_239 = arith.cmpi slt, %add3A_59, %lt3A_238 : i32
        %convert_element_type3A_240 = arith.extui %lt3A_239 : i1 to i32
        %cond3A_241 = arith.constant 0 : i32
        %cond3A_242 = arith.cmpi ne, %convert_element_type3A_240, %cond3A_241 : i32
        scf.if %cond3A_242 {
          %dma_wait3A_243 = arith.constant 0 : i32
          %dma_wait3A_244 = tpu.memref_slice %arg4[%dma_wait3A_243] : memref<163840xi32, #tpu.memory_space<hbm>> -> memref<128xi32, #tpu.memory_space<hbm>>
          %dma_wait3A_245 = arith.constant 0 : i32
          %dma_wait3A_246 = tpu.memref_slice %arg4[%dma_wait3A_245] : memref<163840xi32, #tpu.memory_space<hbm>> -> memref<128xi32, #tpu.memory_space<hbm>>
          tpu.wait_dma2 semaphore(%arg22 : memref<!tpu.dma_semaphore, #tpu.memory_space<semaphore_mem>>) src(%dma_wait3A_246 : memref<128xi32, #tpu.memory_space<hbm>>) dst(%arg14 : memref<128xi32, #tpu.memory_space<vmem>>)
          %dma_start3A_247 = arith.constant 0 : i32
          %dma_start3A_248 = arith.constant 0 : i32
          %dma_start3A_249 = tpu.memref_slice %arg3[%dma_start3A_247, %dma_start3A_248] : memref<10000x128xf32, #tpu.memory_space<hbm>> -> memref<10000x128xf32, #tpu.memory_space<hbm>>
          tpu.enqueue_indirect_dma source(%dma_start3A_249 : memref<10000x128xf32, #tpu.memory_space<hbm>>) target(%arg16 : memref<128x128xf32, #tpu.memory_space<vmem>>) offsets(%arg14 : memref<128xi32, #tpu.memory_space<vmem>>) semaphore(%arg18 : memref<!tpu.dma_semaphore, #tpu.memory_space<semaphore_mem>>)
        } else {
        }
      }
    } else {
    }
    %barrier3A_10 = arith.constant 0 : index
    tpu.barrier barrier_id(%barrier3A_10)
    %eq3A_11 = arith.constant 0 : i32
    %eq3A_12 = arith.cmpi eq, %arg0, %eq3A_11 : i32
    %convert_element_type3A_13 = arith.extui %eq3A_12 : i1 to i32
    %cond3A_14 = arith.constant 0 : i32
    %cond3A_15 = arith.cmpi ne, %convert_element_type3A_13, %cond3A_14 : i32
    scf.if %cond3A_15 {
      "tpu.region"() ({
        %run_scoped3A = tpu.sem_alloc : memref<!tpu.dma_semaphore, #tpu.memory_space<semaphore_mem>>
        %dma_start3A = arith.constant 0 : i32
        %dma_start3A_21 = tpu.memref_slice %arg7[%mul3A_0, %dma_start3A] : memref<10240x128xf32, #tpu.memory_space<hbm>> -> memref<640x128xf32, #tpu.memory_space<hbm>>
        %dma_start3A_22 = arith.constant 0 : i32
        %dma_start3A_23 = tpu.memref_slice %arg9[%mul3A_0, %dma_start3A_22] : memref<10240x128xf32, #tpu.memory_space<vmem_shared>> -> memref<640x128xf32, #tpu.memory_space<vmem_shared>>
        tpu.enqueue_dma source(%dma_start3A_23 : memref<640x128xf32, #tpu.memory_space<vmem_shared>>) target(%dma_start3A_21 : memref<640x128xf32, #tpu.memory_space<hbm>>) target_semaphore(%run_scoped3A : memref<!tpu.dma_semaphore, #tpu.memory_space<semaphore_mem>>)
        %dma_wait3A = arith.constant 0 : i32
        %dma_wait3A_24 = tpu.memref_slice %arg7[%mul3A_0, %dma_wait3A] : memref<10240x128xf32, #tpu.memory_space<hbm>> -> memref<640x128xf32, #tpu.memory_space<hbm>>
        %dma_wait3A_25 = arith.constant 0 : i32
        %dma_wait3A_26 = tpu.memref_slice %arg9[%mul3A_0, %dma_wait3A_25] : memref<10240x128xf32, #tpu.memory_space<vmem_shared>> -> memref<640x128xf32, #tpu.memory_space<vmem_shared>>
        tpu.wait_dma2 semaphore(%run_scoped3A : memref<!tpu.dma_semaphore, #tpu.memory_space<semaphore_mem>>) src(%dma_wait3A_26 : memref<640x128xf32, #tpu.memory_space<vmem_shared>>) dst(%dma_wait3A_24 : memref<640x128xf32, #tpu.memory_space<hbm>>)
        tpu.yield
      }) : () -> ()
    } else {
    }
    %eq3A_16 = arith.constant 1 : i32
    %eq3A_17 = arith.cmpi eq, %arg0, %eq3A_16 : i32
    %convert_element_type3A_18 = arith.extui %eq3A_17 : i1 to i32
    %cond3A_19 = arith.constant 0 : i32
    %cond3A_20 = arith.cmpi ne, %convert_element_type3A_18, %cond3A_19 : i32
    scf.if %cond3A_20 {
      "tpu.region"() ({
        %run_scoped3A = tpu.sem_alloc : memref<!tpu.dma_semaphore, #tpu.memory_space<semaphore_mem>>
        %dma_start3A = arith.constant 0 : i32
        %dma_start3A_21 = tpu.memref_slice %arg8[%mul3A_0, %dma_start3A] : memref<10240x128xf32, #tpu.memory_space<hbm>> -> memref<640x128xf32, #tpu.memory_space<hbm>>
        %dma_start3A_22 = arith.constant 0 : i32
        %dma_start3A_23 = tpu.memref_slice %arg9[%mul3A_0, %dma_start3A_22] : memref<10240x128xf32, #tpu.memory_space<vmem_shared>> -> memref<640x128xf32, #tpu.memory_space<vmem_shared>>
        tpu.enqueue_dma source(%dma_start3A_23 : memref<640x128xf32, #tpu.memory_space<vmem_shared>>) target(%dma_start3A_21 : memref<640x128xf32, #tpu.memory_space<hbm>>) target_semaphore(%run_scoped3A : memref<!tpu.dma_semaphore, #tpu.memory_space<semaphore_mem>>)
        %dma_wait3A = arith.constant 0 : i32
        %dma_wait3A_24 = tpu.memref_slice %arg8[%mul3A_0, %dma_wait3A] : memref<10240x128xf32, #tpu.memory_space<hbm>> -> memref<640x128xf32, #tpu.memory_space<hbm>>
        %dma_wait3A_25 = arith.constant 0 : i32
        %dma_wait3A_26 = tpu.memref_slice %arg9[%mul3A_0, %dma_wait3A_25] : memref<10240x128xf32, #tpu.memory_space<vmem_shared>> -> memref<640x128xf32, #tpu.memory_space<vmem_shared>>
        tpu.wait_dma2 semaphore(%run_scoped3A : memref<!tpu.dma_semaphore, #tpu.memory_space<semaphore_mem>>) src(%dma_wait3A_26 : memref<640x128xf32, #tpu.memory_space<vmem_shared>>) dst(%dma_wait3A_24 : memref<640x128xf32, #tpu.memory_space<hbm>>)
        tpu.yield
      }) : () -> ()
    } else {
    }
    return
  }
}

#map = affine_map<(d0, d1) -> (0, 0)>
#map1 = affine_map<(d0, d1) -> (0)>
#map2 = affine_map<(d0, d1) -> (0, 0, 0)>
module attributes {stable_mosaic.version = 14 : i64} {
  func.func @_agg_kernel(%arg0: i32, %arg1: i32, %arg2: memref<10000x128xf32, #tpu.memory_space<hbm>>, %arg3: memref<10000x128xf32, #tpu.memory_space<hbm>>, %arg4: memref<163840xi32, #tpu.memory_space<hbm>>, %arg5: memref<16x80x128xi32, #tpu.memory_space<hbm>>, %arg6: memref<640x128xf32, #tpu.memory_space<hbm>>, %arg7: memref<10240x128xf32, #tpu.memory_space<hbm>>, %arg8: memref<10240x128xf32, #tpu.memory_space<hbm>>, %arg9: memref<10240x128xf32, #tpu.memory_space<vmem_shared>>, %arg10: memref<80x128xi32, #tpu.memory_space<vmem>>, %arg11: memref<128xi32, #tpu.memory_space<vmem>>, %arg12: memref<128xi32, #tpu.memory_space<vmem>>, %arg13: memref<128xi32, #tpu.memory_space<vmem>>, %arg14: memref<128xi32, #tpu.memory_space<vmem>>, %arg15: memref<128x128xf32, #tpu.memory_space<vmem>>, %arg16: memref<128x128xf32, #tpu.memory_space<vmem>>, %arg17: memref<!tpu.dma_semaphore, #tpu.memory_space<semaphore_mem>>, %arg18: memref<!tpu.dma_semaphore, #tpu.memory_space<semaphore_mem>>, %arg19: memref<!tpu.dma_semaphore, #tpu.memory_space<semaphore_mem>>, %arg20: memref<!tpu.dma_semaphore, #tpu.memory_space<semaphore_mem>>, %arg21: memref<!tpu.dma_semaphore, #tpu.memory_space<semaphore_mem>>, %arg22: memref<!tpu.dma_semaphore, #tpu.memory_space<semaphore_mem>>) attributes {dimension_semantics = [#tpu.dimension_semantics<core_parallel>, #tpu.dimension_semantics<subcore_parallel>], iteration_bounds = array<i64: 2, 16>, scalar_prefetch = 0 : i64, scratch_operands = 14 : i64, tpu.core_type = #tpu.core_type<sc_vector_subcore>, window_params = [{transform_indices = #map}, {transform_indices = #map}, {transform_indices = #map1}, {transform_indices = #map2}, {transform_indices = #map}, {transform_indices = #map}, {transform_indices = #map}]} {
    %mul3A = arith.constant 640 : i32
    %mul3A_0 = arith.muli %arg1, %mul3A : i32
    %mul3A_1 = arith.constant 10240 : i32
    %mul3A_2 = arith.muli %arg1, %mul3A_1 : i32
    "tpu.region"() ({
      %run_scoped3A = tpu.sem_alloc : memref<!tpu.dma_semaphore, #tpu.memory_space<semaphore_mem>>
      %dma_start3A = arith.constant 0 : i32
      %dma_start3A_21 = tpu.memref_slice %arg9[%mul3A_0, %dma_start3A] : memref<10240x128xf32, #tpu.memory_space<vmem_shared>> -> memref<640x128xf32, #tpu.memory_space<vmem_shared>>
      tpu.enqueue_dma source(%arg6 : memref<640x128xf32, #tpu.memory_space<hbm>>) target(%dma_start3A_21 : memref<640x128xf32, #tpu.memory_space<vmem_shared>>) target_semaphore(%run_scoped3A : memref<!tpu.dma_semaphore, #tpu.memory_space<semaphore_mem>>)
      %dma_wait3A = arith.constant 0 : i32
      %dma_wait3A_22 = tpu.memref_slice %arg9[%mul3A_0, %dma_wait3A] : memref<10240x128xf32, #tpu.memory_space<vmem_shared>> -> memref<640x128xf32, #tpu.memory_space<vmem_shared>>
      tpu.wait_dma2 semaphore(%run_scoped3A : memref<!tpu.dma_semaphore, #tpu.memory_space<semaphore_mem>>) src(%arg6 : memref<640x128xf32, #tpu.memory_space<hbm>>) dst(%dma_wait3A_22 : memref<640x128xf32, #tpu.memory_space<vmem_shared>>)
      tpu.yield
    }) : () -> ()
    "tpu.region"() ({
      %run_scoped3A = tpu.sem_alloc : memref<!tpu.dma_semaphore, #tpu.memory_space<semaphore_mem>>
      %dma_start3A = arith.constant 0 : i32
      %dma_start3A_21 = arith.constant 0 : i32
      %dma_start3A_22 = tpu.memref_slice %arg5[%arg1, %dma_start3A, %dma_start3A_21] : memref<16x80x128xi32, #tpu.memory_space<hbm>> -> memref<1x80x128xi32, #tpu.memory_space<hbm>>
      %dma_start3A_23 = tpu.memref_squeeze %dma_start3A_22 : memref<1x80x128xi32, #tpu.memory_space<hbm>> -> memref<80x128xi32, #tpu.memory_space<hbm>>
      %dma_start3A_24 = arith.constant 0 : i32
      %dma_start3A_25 = arith.constant 0 : i32
      %dma_start3A_26 = tpu.memref_slice %arg5[%arg1, %dma_start3A_24, %dma_start3A_25] : memref<16x80x128xi32, #tpu.memory_space<hbm>> -> memref<1x80x128xi32, #tpu.memory_space<hbm>>
      %dma_start3A_27 = tpu.memref_squeeze %dma_start3A_26 : memref<1x80x128xi32, #tpu.memory_space<hbm>> -> memref<80x128xi32, #tpu.memory_space<hbm>>
      tpu.enqueue_dma source(%dma_start3A_27 : memref<80x128xi32, #tpu.memory_space<hbm>>) target(%arg10 : memref<80x128xi32, #tpu.memory_space<vmem>>) target_semaphore(%run_scoped3A : memref<!tpu.dma_semaphore, #tpu.memory_space<semaphore_mem>>)
      %dma_wait3A = arith.constant 0 : i32
      %dma_wait3A_28 = arith.constant 0 : i32
      %dma_wait3A_29 = tpu.memref_slice %arg5[%arg1, %dma_wait3A, %dma_wait3A_28] : memref<16x80x128xi32, #tpu.memory_space<hbm>> -> memref<1x80x128xi32, #tpu.memory_space<hbm>>
      %dma_wait3A_30 = tpu.memref_squeeze %dma_wait3A_29 : memref<1x80x128xi32, #tpu.memory_space<hbm>> -> memref<80x128xi32, #tpu.memory_space<hbm>>
      %dma_wait3A_31 = arith.constant 0 : i32
      %dma_wait3A_32 = arith.constant 0 : i32
      %dma_wait3A_33 = tpu.memref_slice %arg5[%arg1, %dma_wait3A_31, %dma_wait3A_32] : memref<16x80x128xi32, #tpu.memory_space<hbm>> -> memref<1x80x128xi32, #tpu.memory_space<hbm>>
      %dma_wait3A_34 = tpu.memref_squeeze %dma_wait3A_33 : memref<1x80x128xi32, #tpu.memory_space<hbm>> -> memref<80x128xi32, #tpu.memory_space<hbm>>
      tpu.wait_dma2 semaphore(%run_scoped3A : memref<!tpu.dma_semaphore, #tpu.memory_space<semaphore_mem>>) src(%dma_wait3A_34 : memref<80x128xi32, #tpu.memory_space<hbm>>) dst(%arg10 : memref<80x128xi32, #tpu.memory_space<vmem>>)
      tpu.yield
    }) : () -> ()
    %barrier3A = arith.constant 0 : index
    tpu.barrier barrier_id(%barrier3A)
    %eq3A = arith.constant 0 : i32
    %eq3A_3 = arith.cmpi eq, %arg0, %eq3A : i32
    %convert_element_type3A = arith.extui %eq3A_3 : i1 to i32
    %cond3A = arith.constant 0 : i32
    %cond3A_4 = arith.cmpi ne, %convert_element_type3A, %cond3A : i32
    scf.if %cond3A_4 {
      %add3A = arith.constant 0 : i32
      %add3A_21 = arith.addi %mul3A_2, %add3A : i32
      %dma_start3A = tpu.memref_slice %arg4[%add3A_21] : memref<163840xi32, #tpu.memory_space<hbm>> -> memref<128xi32, #tpu.memory_space<hbm>>
      %dma_start3A_22 = tpu.memref_slice %arg4[%add3A_21] : memref<163840xi32, #tpu.memory_space<hbm>> -> memref<128xi32, #tpu.memory_space<hbm>>
      tpu.enqueue_dma source(%dma_start3A_22 : memref<128xi32, #tpu.memory_space<hbm>>) target(%arg13 : memref<128xi32, #tpu.memory_space<vmem>>) target_semaphore(%arg21 : memref<!tpu.dma_semaphore, #tpu.memory_space<semaphore_mem>>)
      %add3A_23 = arith.constant 128 : i32
      %add3A_24 = arith.addi %mul3A_2, %add3A_23 : i32
      %dma_start3A_25 = tpu.memref_slice %arg4[%add3A_24] : memref<163840xi32, #tpu.memory_space<hbm>> -> memref<128xi32, #tpu.memory_space<hbm>>
      %dma_start3A_26 = tpu.memref_slice %arg4[%add3A_24] : memref<163840xi32, #tpu.memory_space<hbm>> -> memref<128xi32, #tpu.memory_space<hbm>>
      tpu.enqueue_dma source(%dma_start3A_26 : memref<128xi32, #tpu.memory_space<hbm>>) target(%arg14 : memref<128xi32, #tpu.memory_space<vmem>>) target_semaphore(%arg22 : memref<!tpu.dma_semaphore, #tpu.memory_space<semaphore_mem>>)
      %dma_wait3A = arith.constant 0 : i32
      %dma_wait3A_27 = tpu.memref_slice %arg4[%dma_wait3A] : memref<163840xi32, #tpu.memory_space<hbm>> -> memref<128xi32, #tpu.memory_space<hbm>>
      %dma_wait3A_28 = arith.constant 0 : i32
      %dma_wait3A_29 = tpu.memref_slice %arg4[%dma_wait3A_28] : memref<163840xi32, #tpu.memory_space<hbm>> -> memref<128xi32, #tpu.memory_space<hbm>>
      tpu.wait_dma2 semaphore(%arg21 : memref<!tpu.dma_semaphore, #tpu.memory_space<semaphore_mem>>) src(%dma_wait3A_29 : memref<128xi32, #tpu.memory_space<hbm>>) dst(%arg13 : memref<128xi32, #tpu.memory_space<vmem>>)
      %dma_start3A_30 = arith.constant 0 : i32
      %dma_start3A_31 = arith.constant 0 : i32
      %dma_start3A_32 = tpu.memref_slice %arg2[%dma_start3A_30, %dma_start3A_31] : memref<10000x128xf32, #tpu.memory_space<hbm>> -> memref<10000x128xf32, #tpu.memory_space<hbm>>
      tpu.enqueue_indirect_dma source(%dma_start3A_32 : memref<10000x128xf32, #tpu.memory_space<hbm>>) target(%arg15 : memref<128x128xf32, #tpu.memory_space<vmem>>) offsets(%arg13 : memref<128xi32, #tpu.memory_space<vmem>>) semaphore(%arg17 : memref<!tpu.dma_semaphore, #tpu.memory_space<semaphore_mem>>)
      %dma_wait3A_33 = arith.constant 0 : i32
      %dma_wait3A_34 = tpu.memref_slice %arg4[%dma_wait3A_33] : memref<163840xi32, #tpu.memory_space<hbm>> -> memref<128xi32, #tpu.memory_space<hbm>>
      %dma_wait3A_35 = arith.constant 0 : i32
      %dma_wait3A_36 = tpu.memref_slice %arg4[%dma_wait3A_35] : memref<163840xi32, #tpu.memory_space<hbm>> -> memref<128xi32, #tpu.memory_space<hbm>>
      tpu.wait_dma2 semaphore(%arg22 : memref<!tpu.dma_semaphore, #tpu.memory_space<semaphore_mem>>) src(%dma_wait3A_36 : memref<128xi32, #tpu.memory_space<hbm>>) dst(%arg14 : memref<128xi32, #tpu.memory_space<vmem>>)
      %dma_start3A_37 = arith.constant 0 : i32
      %dma_start3A_38 = arith.constant 0 : i32
      %dma_start3A_39 = tpu.memref_slice %arg2[%dma_start3A_37, %dma_start3A_38] : memref<10000x128xf32, #tpu.memory_space<hbm>> -> memref<10000x128xf32, #tpu.memory_space<hbm>>
      tpu.enqueue_indirect_dma source(%dma_start3A_39 : memref<10000x128xf32, #tpu.memory_space<hbm>>) target(%arg16 : memref<128x128xf32, #tpu.memory_space<vmem>>) offsets(%arg14 : memref<128xi32, #tpu.memory_space<vmem>>) semaphore(%arg18 : memref<!tpu.dma_semaphore, #tpu.memory_space<semaphore_mem>>)
      %sub3A = arith.constant 40 : i32
      %sub3A_40 = arith.constant 0 : i32
      %sub3A_41 = arith.subi %sub3A, %sub3A_40 : i32
      %sub3A_42 = arith.constant 1 : i32
      %sub3A_43 = arith.constant 1 : i32
      %sub3A_44 = arith.subi %sub3A_42, %sub3A_43 : i32
      %add3A_45 = arith.addi %sub3A_41, %sub3A_44 : i32
      %div3A = arith.constant 1 : i32
      %div3A_46 = arith.divsi %add3A_45, %div3A : i32
      %while3A = arith.constant 1 : i32
      %while3A_47 = arith.constant 0 : i32
      %while3A_48 = arith.constant 0 : i32
      %while3A_49 = arith.subi %div3A_46, %while3A_48 : i32
      %while3A_50 = arith.addi %while3A_48, %while3A_49 : i32
      %while3A_51 = arith.constant 1 : i32
      %while3A_52 = arith.divsi %while3A_49, %while3A_51 : i32
      %while3A_53 = arith.muli %while3A_52, %while3A_51 : i32
      %while3A_54 = arith.addi %while3A_48, %while3A_53 : i32
      %while3A_55 = arith.constant 1 : i32
      scf.for %while3A_57 = %while3A_48 to %while3A_54 step %while3A_55  : i32 {
        %mul3A_58 = arith.muli %while3A_57, %while3A : i32
        %add3A_59 = arith.addi %while3A_47, %mul3A_58 : i32
        %mul3A_60 = arith.constant 2 : i32
        %mul3A_61 = arith.muli %add3A_59, %mul3A_60 : i32
        %add3A_62 = arith.constant 0 : i32
        %add3A_63 = arith.addi %mul3A_61, %add3A_62 : i32
        %dma_wait3A_64 = arith.constant 0 : i32
        %dma_wait3A_65 = arith.constant 0 : i32
        %dma_wait3A_66 = tpu.memref_slice %arg2[%dma_wait3A_64, %dma_wait3A_65] : memref<10000x128xf32, #tpu.memory_space<hbm>> -> memref<128x128xf32, #tpu.memory_space<hbm>>
        %dma_wait3A_67 = arith.constant 0 : i32
        %dma_wait3A_68 = arith.constant 0 : i32
        %dma_wait3A_69 = tpu.memref_slice %arg2[%dma_wait3A_67, %dma_wait3A_68] : memref<10000x128xf32, #tpu.memory_space<hbm>> -> memref<128x128xf32, #tpu.memory_space<hbm>>
        tpu.wait_dma2 semaphore(%arg17 : memref<!tpu.dma_semaphore, #tpu.memory_space<semaphore_mem>>) src(%dma_wait3A_69 : memref<128x128xf32, #tpu.memory_space<hbm>>) dst(%arg15 : memref<128x128xf32, #tpu.memory_space<vmem>>)
        %get3A = arith.index_cast %add3A_63 : i32 to index
        %get3A_70 = arith.constant 0 : index
        %get3A_71 = tpu.vector_load %arg10[%get3A, %get3A_70] {strides = array<i32>} : memref<80x128xi32, #tpu.memory_space<vmem>>, vector<1x16xi32>,
        %get3A_72 = vector.shape_cast %get3A_71 : vector<1x16xi32> to vector<16xi32>
        %swap3A = arith.constant 0 : index
        %swap3A_73 = tpu.vector_load %arg11[%swap3A] {strides = array<i32>} : memref<128xi32, #tpu.memory_space<vmem>>, vector<16xi32>,
        %swap3A_74 = vector.shape_cast %swap3A_73 : vector<16xi32> to vector<16xi32>
        %swap3A_75 = vector.shape_cast %get3A_72 : vector<16xi32> to vector<16xi32>
        tpu.vector_store %arg11[%swap3A], %swap3A_75 {strides = array<i32>} : memref<128xi32, #tpu.memory_space<vmem>>, vector<16xi32>,
        %get3A_76 = arith.index_cast %add3A_63 : i32 to index
        %get3A_77 = arith.constant 16 : index
        %get3A_78 = tpu.vector_load %arg10[%get3A_76, %get3A_77] {strides = array<i32>} : memref<80x128xi32, #tpu.memory_space<vmem>>, vector<1x16xi32>,
        %get3A_79 = vector.shape_cast %get3A_78 : vector<1x16xi32> to vector<16xi32>
        %swap3A_80 = arith.constant 16 : index
        %swap3A_81 = tpu.vector_load %arg11[%swap3A_80] {strides = array<i32>} : memref<128xi32, #tpu.memory_space<vmem>>, vector<16xi32>,
        %swap3A_82 = vector.shape_cast %swap3A_81 : vector<16xi32> to vector<16xi32>
        %swap3A_83 = vector.shape_cast %get3A_79 : vector<16xi32> to vector<16xi32>
        tpu.vector_store %arg11[%swap3A_80], %swap3A_83 {strides = array<i32>} : memref<128xi32, #tpu.memory_space<vmem>>, vector<16xi32>,
        %get3A_84 = arith.index_cast %add3A_63 : i32 to index
        %get3A_85 = arith.constant 32 : index
        %get3A_86 = tpu.vector_load %arg10[%get3A_84, %get3A_85] {strides = array<i32>} : memref<80x128xi32, #tpu.memory_space<vmem>>, vector<1x16xi32>,
        %get3A_87 = vector.shape_cast %get3A_86 : vector<1x16xi32> to vector<16xi32>
        %swap3A_88 = arith.constant 32 : index
        %swap3A_89 = tpu.vector_load %arg11[%swap3A_88] {strides = array<i32>} : memref<128xi32, #tpu.memory_space<vmem>>, vector<16xi32>,
        %swap3A_90 = vector.shape_cast %swap3A_89 : vector<16xi32> to vector<16xi32>
        %swap3A_91 = vector.shape_cast %get3A_87 : vector<16xi32> to vector<16xi32>
        tpu.vector_store %arg11[%swap3A_88], %swap3A_91 {strides = array<i32>} : memref<128xi32, #tpu.memory_space<vmem>>, vector<16xi32>,
        %get3A_92 = arith.index_cast %add3A_63 : i32 to index
        %get3A_93 = arith.constant 48 : index
        %get3A_94 = tpu.vector_load %arg10[%get3A_92, %get3A_93] {strides = array<i32>} : memref<80x128xi32, #tpu.memory_space<vmem>>, vector<1x16xi32>,
        %get3A_95 = vector.shape_cast %get3A_94 : vector<1x16xi32> to vector<16xi32>
        %swap3A_96 = arith.constant 48 : index
        %swap3A_97 = tpu.vector_load %arg11[%swap3A_96] {strides = array<i32>} : memref<128xi32, #tpu.memory_space<vmem>>, vector<16xi32>,
        %swap3A_98 = vector.shape_cast %swap3A_97 : vector<16xi32> to vector<16xi32>
        %swap3A_99 = vector.shape_cast %get3A_95 : vector<16xi32> to vector<16xi32>
        tpu.vector_store %arg11[%swap3A_96], %swap3A_99 {strides = array<i32>} : memref<128xi32, #tpu.memory_space<vmem>>, vector<16xi32>,
        %get3A_100 = arith.index_cast %add3A_63 : i32 to index
        %get3A_101 = arith.constant 64 : index
        %get3A_102 = tpu.vector_load %arg10[%get3A_100, %get3A_101] {strides = array<i32>} : memref<80x128xi32, #tpu.memory_space<vmem>>, vector<1x16xi32>,
        %get3A_103 = vector.shape_cast %get3A_102 : vector<1x16xi32> to vector<16xi32>
        %swap3A_104 = arith.constant 64 : index
        %swap3A_105 = tpu.vector_load %arg11[%swap3A_104] {strides = array<i32>} : memref<128xi32, #tpu.memory_space<vmem>>, vector<16xi32>,
        %swap3A_106 = vector.shape_cast %swap3A_105 : vector<16xi32> to vector<16xi32>
        %swap3A_107 = vector.shape_cast %get3A_103 : vector<16xi32> to vector<16xi32>
        tpu.vector_store %arg11[%swap3A_104], %swap3A_107 {strides = array<i32>} : memref<128xi32, #tpu.memory_space<vmem>>, vector<16xi32>,
        %get3A_108 = arith.index_cast %add3A_63 : i32 to index
        %get3A_109 = arith.constant 80 : index
        %get3A_110 = tpu.vector_load %arg10[%get3A_108, %get3A_109] {strides = array<i32>} : memref<80x128xi32, #tpu.memory_space<vmem>>, vector<1x16xi32>,
        %get3A_111 = vector.shape_cast %get3A_110 : vector<1x16xi32> to vector<16xi32>
        %swap3A_112 = arith.constant 80 : index
        %swap3A_113 = tpu.vector_load %arg11[%swap3A_112] {strides = array<i32>} : memref<128xi32, #tpu.memory_space<vmem>>, vector<16xi32>,
        %swap3A_114 = vector.shape_cast %swap3A_113 : vector<16xi32> to vector<16xi32>
        %swap3A_115 = vector.shape_cast %get3A_111 : vector<16xi32> to vector<16xi32>
        tpu.vector_store %arg11[%swap3A_112], %swap3A_115 {strides = array<i32>} : memref<128xi32, #tpu.memory_space<vmem>>, vector<16xi32>,
        %get3A_116 = arith.index_cast %add3A_63 : i32 to index
        %get3A_117 = arith.constant 96 : index
        %get3A_118 = tpu.vector_load %arg10[%get3A_116, %get3A_117] {strides = array<i32>} : memref<80x128xi32, #tpu.memory_space<vmem>>, vector<1x16xi32>,
        %get3A_119 = vector.shape_cast %get3A_118 : vector<1x16xi32> to vector<16xi32>
        %swap3A_120 = arith.constant 96 : index
        %swap3A_121 = tpu.vector_load %arg11[%swap3A_120] {strides = array<i32>} : memref<128xi32, #tpu.memory_space<vmem>>, vector<16xi32>,
        %swap3A_122 = vector.shape_cast %swap3A_121 : vector<16xi32> to vector<16xi32>
        %swap3A_123 = vector.shape_cast %get3A_119 : vector<16xi32> to vector<16xi32>
        tpu.vector_store %arg11[%swap3A_120], %swap3A_123 {strides = array<i32>} : memref<128xi32, #tpu.memory_space<vmem>>, vector<16xi32>,
        %get3A_124 = arith.index_cast %add3A_63 : i32 to index
        %get3A_125 = arith.constant 112 : index
        %get3A_126 = tpu.vector_load %arg10[%get3A_124, %get3A_125] {strides = array<i32>} : memref<80x128xi32, #tpu.memory_space<vmem>>, vector<1x16xi32>,
        %get3A_127 = vector.shape_cast %get3A_126 : vector<1x16xi32> to vector<16xi32>
        %swap3A_128 = arith.constant 112 : index
        %swap3A_129 = tpu.vector_load %arg11[%swap3A_128] {strides = array<i32>} : memref<128xi32, #tpu.memory_space<vmem>>, vector<16xi32>,
        %swap3A_130 = vector.shape_cast %swap3A_129 : vector<16xi32> to vector<16xi32>
        %swap3A_131 = vector.shape_cast %get3A_127 : vector<16xi32> to vector<16xi32>
        tpu.vector_store %arg11[%swap3A_128], %swap3A_131 {strides = array<i32>} : memref<128xi32, #tpu.memory_space<vmem>>, vector<16xi32>,
        %dma_start3A_132 = arith.constant 0 : i32
        %dma_start3A_133 = arith.constant 0 : i32
        %dma_start3A_134 = tpu.memref_slice %arg9[%dma_start3A_132, %dma_start3A_133] : memref<10240x128xf32, #tpu.memory_space<vmem_shared>> -> memref<10240x128xf32, #tpu.memory_space<vmem_shared>>
        tpu.enqueue_indirect_dma source(%arg15 : memref<128x128xf32, #tpu.memory_space<vmem>>) target(%dma_start3A_134 : memref<10240x128xf32, #tpu.memory_space<vmem_shared>>) offsets(%arg11 : memref<128xi32, #tpu.memory_space<vmem>>) semaphore(%arg19 : memref<!tpu.dma_semaphore, #tpu.memory_space<semaphore_mem>>) {add = true}
        %lt3A = arith.constant 39 : i32
        %lt3A_135 = arith.cmpi slt, %add3A_59, %lt3A : i32
        %convert_element_type3A_136 = arith.extui %lt3A_135 : i1 to i32
        %cond3A_137 = arith.constant 0 : i32
        %cond3A_138 = arith.cmpi ne, %convert_element_type3A_136, %cond3A_137 : i32
        scf.if %cond3A_138 {
          %add3A_243 = arith.constant 2 : i32
          %add3A_244 = arith.addi %add3A_63, %add3A_243 : i32
          %mul3A_245 = arith.constant 128 : i32
          %mul3A_246 = arith.muli %add3A_244, %mul3A_245 : i32
          %add3A_247 = arith.addi %mul3A_2, %mul3A_246 : i32
          %dma_start3A_248 = tpu.memref_slice %arg4[%add3A_247] : memref<163840xi32, #tpu.memory_space<hbm>> -> memref<128xi32, #tpu.memory_space<hbm>>
          %dma_start3A_249 = tpu.memref_slice %arg4[%add3A_247] : memref<163840xi32, #tpu.memory_space<hbm>> -> memref<128xi32, #tpu.memory_space<hbm>>
          tpu.enqueue_dma source(%dma_start3A_249 : memref<128xi32, #tpu.memory_space<hbm>>) target(%arg13 : memref<128xi32, #tpu.memory_space<vmem>>) target_semaphore(%arg21 : memref<!tpu.dma_semaphore, #tpu.memory_space<semaphore_mem>>)
        } else {
        }
        %mul3A_139 = arith.constant 2 : i32
        %mul3A_140 = arith.muli %add3A_59, %mul3A_139 : i32
        %add3A_141 = arith.constant 1 : i32
        %add3A_142 = arith.addi %mul3A_140, %add3A_141 : i32
        %dma_wait3A_143 = arith.constant 0 : i32
        %dma_wait3A_144 = arith.constant 0 : i32
        %dma_wait3A_145 = tpu.memref_slice %arg2[%dma_wait3A_143, %dma_wait3A_144] : memref<10000x128xf32, #tpu.memory_space<hbm>> -> memref<128x128xf32, #tpu.memory_space<hbm>>
        %dma_wait3A_146 = arith.constant 0 : i32
        %dma_wait3A_147 = arith.constant 0 : i32
        %dma_wait3A_148 = tpu.memref_slice %arg2[%dma_wait3A_146, %dma_wait3A_147] : memref<10000x128xf32, #tpu.memory_space<hbm>> -> memref<128x128xf32, #tpu.memory_space<hbm>>
        tpu.wait_dma2 semaphore(%arg18 : memref<!tpu.dma_semaphore, #tpu.memory_space<semaphore_mem>>) src(%dma_wait3A_148 : memref<128x128xf32, #tpu.memory_space<hbm>>) dst(%arg16 : memref<128x128xf32, #tpu.memory_space<vmem>>)
        %get3A_149 = arith.index_cast %add3A_142 : i32 to index
        %get3A_150 = arith.constant 0 : index
        %get3A_151 = tpu.vector_load %arg10[%get3A_149, %get3A_150] {strides = array<i32>} : memref<80x128xi32, #tpu.memory_space<vmem>>, vector<1x16xi32>,
        %get3A_152 = vector.shape_cast %get3A_151 : vector<1x16xi32> to vector<16xi32>
        %swap3A_153 = arith.constant 0 : index
        %swap3A_154 = tpu.vector_load %arg12[%swap3A_153] {strides = array<i32>} : memref<128xi32, #tpu.memory_space<vmem>>, vector<16xi32>,
        %swap3A_155 = vector.shape_cast %swap3A_154 : vector<16xi32> to vector<16xi32>
        %swap3A_156 = vector.shape_cast %get3A_152 : vector<16xi32> to vector<16xi32>
        tpu.vector_store %arg12[%swap3A_153], %swap3A_156 {strides = array<i32>} : memref<128xi32, #tpu.memory_space<vmem>>, vector<16xi32>,
        %get3A_157 = arith.index_cast %add3A_142 : i32 to index
        %get3A_158 = arith.constant 16 : index
        %get3A_159 = tpu.vector_load %arg10[%get3A_157, %get3A_158] {strides = array<i32>} : memref<80x128xi32, #tpu.memory_space<vmem>>, vector<1x16xi32>,
        %get3A_160 = vector.shape_cast %get3A_159 : vector<1x16xi32> to vector<16xi32>
        %swap3A_161 = arith.constant 16 : index
        %swap3A_162 = tpu.vector_load %arg12[%swap3A_161] {strides = array<i32>} : memref<128xi32, #tpu.memory_space<vmem>>, vector<16xi32>,
        %swap3A_163 = vector.shape_cast %swap3A_162 : vector<16xi32> to vector<16xi32>
        %swap3A_164 = vector.shape_cast %get3A_160 : vector<16xi32> to vector<16xi32>
        tpu.vector_store %arg12[%swap3A_161], %swap3A_164 {strides = array<i32>} : memref<128xi32, #tpu.memory_space<vmem>>, vector<16xi32>,
        %get3A_165 = arith.index_cast %add3A_142 : i32 to index
        %get3A_166 = arith.constant 32 : index
        %get3A_167 = tpu.vector_load %arg10[%get3A_165, %get3A_166] {strides = array<i32>} : memref<80x128xi32, #tpu.memory_space<vmem>>, vector<1x16xi32>,
        %get3A_168 = vector.shape_cast %get3A_167 : vector<1x16xi32> to vector<16xi32>
        %swap3A_169 = arith.constant 32 : index
        %swap3A_170 = tpu.vector_load %arg12[%swap3A_169] {strides = array<i32>} : memref<128xi32, #tpu.memory_space<vmem>>, vector<16xi32>,
        %swap3A_171 = vector.shape_cast %swap3A_170 : vector<16xi32> to vector<16xi32>
        %swap3A_172 = vector.shape_cast %get3A_168 : vector<16xi32> to vector<16xi32>
        tpu.vector_store %arg12[%swap3A_169], %swap3A_172 {strides = array<i32>} : memref<128xi32, #tpu.memory_space<vmem>>, vector<16xi32>,
        %get3A_173 = arith.index_cast %add3A_142 : i32 to index
        %get3A_174 = arith.constant 48 : index
        %get3A_175 = tpu.vector_load %arg10[%get3A_173, %get3A_174] {strides = array<i32>} : memref<80x128xi32, #tpu.memory_space<vmem>>, vector<1x16xi32>,
        %get3A_176 = vector.shape_cast %get3A_175 : vector<1x16xi32> to vector<16xi32>
        %swap3A_177 = arith.constant 48 : index
        %swap3A_178 = tpu.vector_load %arg12[%swap3A_177] {strides = array<i32>} : memref<128xi32, #tpu.memory_space<vmem>>, vector<16xi32>,
        %swap3A_179 = vector.shape_cast %swap3A_178 : vector<16xi32> to vector<16xi32>
        %swap3A_180 = vector.shape_cast %get3A_176 : vector<16xi32> to vector<16xi32>
        tpu.vector_store %arg12[%swap3A_177], %swap3A_180 {strides = array<i32>} : memref<128xi32, #tpu.memory_space<vmem>>, vector<16xi32>,
        %get3A_181 = arith.index_cast %add3A_142 : i32 to index
        %get3A_182 = arith.constant 64 : index
        %get3A_183 = tpu.vector_load %arg10[%get3A_181, %get3A_182] {strides = array<i32>} : memref<80x128xi32, #tpu.memory_space<vmem>>, vector<1x16xi32>,
        %get3A_184 = vector.shape_cast %get3A_183 : vector<1x16xi32> to vector<16xi32>
        %swap3A_185 = arith.constant 64 : index
        %swap3A_186 = tpu.vector_load %arg12[%swap3A_185] {strides = array<i32>} : memref<128xi32, #tpu.memory_space<vmem>>, vector<16xi32>,
        %swap3A_187 = vector.shape_cast %swap3A_186 : vector<16xi32> to vector<16xi32>
        %swap3A_188 = vector.shape_cast %get3A_184 : vector<16xi32> to vector<16xi32>
        tpu.vector_store %arg12[%swap3A_185], %swap3A_188 {strides = array<i32>} : memref<128xi32, #tpu.memory_space<vmem>>, vector<16xi32>,
        %get3A_189 = arith.index_cast %add3A_142 : i32 to index
        %get3A_190 = arith.constant 80 : index
        %get3A_191 = tpu.vector_load %arg10[%get3A_189, %get3A_190] {strides = array<i32>} : memref<80x128xi32, #tpu.memory_space<vmem>>, vector<1x16xi32>,
        %get3A_192 = vector.shape_cast %get3A_191 : vector<1x16xi32> to vector<16xi32>
        %swap3A_193 = arith.constant 80 : index
        %swap3A_194 = tpu.vector_load %arg12[%swap3A_193] {strides = array<i32>} : memref<128xi32, #tpu.memory_space<vmem>>, vector<16xi32>,
        %swap3A_195 = vector.shape_cast %swap3A_194 : vector<16xi32> to vector<16xi32>
        %swap3A_196 = vector.shape_cast %get3A_192 : vector<16xi32> to vector<16xi32>
        tpu.vector_store %arg12[%swap3A_193], %swap3A_196 {strides = array<i32>} : memref<128xi32, #tpu.memory_space<vmem>>, vector<16xi32>,
        %get3A_197 = arith.index_cast %add3A_142 : i32 to index
        %get3A_198 = arith.constant 96 : index
        %get3A_199 = tpu.vector_load %arg10[%get3A_197, %get3A_198] {strides = array<i32>} : memref<80x128xi32, #tpu.memory_space<vmem>>, vector<1x16xi32>,
        %get3A_200 = vector.shape_cast %get3A_199 : vector<1x16xi32> to vector<16xi32>
        %swap3A_201 = arith.constant 96 : index
        %swap3A_202 = tpu.vector_load %arg12[%swap3A_201] {strides = array<i32>} : memref<128xi32, #tpu.memory_space<vmem>>, vector<16xi32>,
        %swap3A_203 = vector.shape_cast %swap3A_202 : vector<16xi32> to vector<16xi32>
        %swap3A_204 = vector.shape_cast %get3A_200 : vector<16xi32> to vector<16xi32>
        tpu.vector_store %arg12[%swap3A_201], %swap3A_204 {strides = array<i32>} : memref<128xi32, #tpu.memory_space<vmem>>, vector<16xi32>,
        %get3A_205 = arith.index_cast %add3A_142 : i32 to index
        %get3A_206 = arith.constant 112 : index
        %get3A_207 = tpu.vector_load %arg10[%get3A_205, %get3A_206] {strides = array<i32>} : memref<80x128xi32, #tpu.memory_space<vmem>>, vector<1x16xi32>,
        %get3A_208 = vector.shape_cast %get3A_207 : vector<1x16xi32> to vector<16xi32>
        %swap3A_209 = arith.constant 112 : index
        %swap3A_210 = tpu.vector_load %arg12[%swap3A_209] {strides = array<i32>} : memref<128xi32, #tpu.memory_space<vmem>>, vector<16xi32>,
        %swap3A_211 = vector.shape_cast %swap3A_210 : vector<16xi32> to vector<16xi32>
        %swap3A_212 = vector.shape_cast %get3A_208 : vector<16xi32> to vector<16xi32>
        tpu.vector_store %arg12[%swap3A_209], %swap3A_212 {strides = array<i32>} : memref<128xi32, #tpu.memory_space<vmem>>, vector<16xi32>,
        %dma_start3A_213 = arith.constant 0 : i32
        %dma_start3A_214 = arith.constant 0 : i32
        %dma_start3A_215 = tpu.memref_slice %arg9[%dma_start3A_213, %dma_start3A_214] : memref<10240x128xf32, #tpu.memory_space<vmem_shared>> -> memref<10240x128xf32, #tpu.memory_space<vmem_shared>>
        tpu.enqueue_indirect_dma source(%arg16 : memref<128x128xf32, #tpu.memory_space<vmem>>) target(%dma_start3A_215 : memref<10240x128xf32, #tpu.memory_space<vmem_shared>>) offsets(%arg12 : memref<128xi32, #tpu.memory_space<vmem>>) semaphore(%arg20 : memref<!tpu.dma_semaphore, #tpu.memory_space<semaphore_mem>>) {add = true}
        %lt3A_216 = arith.constant 39 : i32
        %lt3A_217 = arith.cmpi slt, %add3A_59, %lt3A_216 : i32
        %convert_element_type3A_218 = arith.extui %lt3A_217 : i1 to i32
        %cond3A_219 = arith.constant 0 : i32
        %cond3A_220 = arith.cmpi ne, %convert_element_type3A_218, %cond3A_219 : i32
        scf.if %cond3A_220 {
          %add3A_243 = arith.constant 2 : i32
          %add3A_244 = arith.addi %add3A_142, %add3A_243 : i32
          %mul3A_245 = arith.constant 128 : i32
          %mul3A_246 = arith.muli %add3A_244, %mul3A_245 : i32
          %add3A_247 = arith.addi %mul3A_2, %mul3A_246 : i32
          %dma_start3A_248 = tpu.memref_slice %arg4[%add3A_247] : memref<163840xi32, #tpu.memory_space<hbm>> -> memref<128xi32, #tpu.memory_space<hbm>>
          %dma_start3A_249 = tpu.memref_slice %arg4[%add3A_247] : memref<163840xi32, #tpu.memory_space<hbm>> -> memref<128xi32, #tpu.memory_space<hbm>>
          tpu.enqueue_dma source(%dma_start3A_249 : memref<128xi32, #tpu.memory_space<hbm>>) target(%arg14 : memref<128xi32, #tpu.memory_space<vmem>>) target_semaphore(%arg22 : memref<!tpu.dma_semaphore, #tpu.memory_space<semaphore_mem>>)
        } else {
        }
        %dma_wait3A_221 = arith.constant 0 : i32
        %dma_wait3A_222 = arith.constant 0 : i32
        %dma_wait3A_223 = tpu.memref_slice %arg9[%dma_wait3A_221, %dma_wait3A_222] : memref<10240x128xf32, #tpu.memory_space<vmem_shared>> -> memref<128x128xf32, #tpu.memory_space<vmem_shared>>
        %dma_wait3A_224 = arith.constant 0 : i32
        %dma_wait3A_225 = arith.constant 0 : i32
        %dma_wait3A_226 = tpu.memref_slice %arg9[%dma_wait3A_224, %dma_wait3A_225] : memref<10240x128xf32, #tpu.memory_space<vmem_shared>> -> memref<128x128xf32, #tpu.memory_space<vmem_shared>>
        tpu.wait_dma2 semaphore(%arg19 : memref<!tpu.dma_semaphore, #tpu.memory_space<semaphore_mem>>) src(%arg15 : memref<128x128xf32, #tpu.memory_space<vmem>>) dst(%dma_wait3A_226 : memref<128x128xf32, #tpu.memory_space<vmem_shared>>)
        %lt3A_227 = arith.constant 39 : i32
        %lt3A_228 = arith.cmpi slt, %add3A_59, %lt3A_227 : i32
        %convert_element_type3A_229 = arith.extui %lt3A_228 : i1 to i32
        %cond3A_230 = arith.constant 0 : i32
        %cond3A_231 = arith.cmpi ne, %convert_element_type3A_229, %cond3A_230 : i32
        scf.if %cond3A_231 {
          %dma_wait3A_243 = arith.constant 0 : i32
          %dma_wait3A_244 = tpu.memref_slice %arg4[%dma_wait3A_243] : memref<163840xi32, #tpu.memory_space<hbm>> -> memref<128xi32, #tpu.memory_space<hbm>>
          %dma_wait3A_245 = arith.constant 0 : i32
          %dma_wait3A_246 = tpu.memref_slice %arg4[%dma_wait3A_245] : memref<163840xi32, #tpu.memory_space<hbm>> -> memref<128xi32, #tpu.memory_space<hbm>>
          tpu.wait_dma2 semaphore(%arg21 : memref<!tpu.dma_semaphore, #tpu.memory_space<semaphore_mem>>) src(%dma_wait3A_246 : memref<128xi32, #tpu.memory_space<hbm>>) dst(%arg13 : memref<128xi32, #tpu.memory_space<vmem>>)
          %dma_start3A_247 = arith.constant 0 : i32
          %dma_start3A_248 = arith.constant 0 : i32
          %dma_start3A_249 = tpu.memref_slice %arg2[%dma_start3A_247, %dma_start3A_248] : memref<10000x128xf32, #tpu.memory_space<hbm>> -> memref<10000x128xf32, #tpu.memory_space<hbm>>
          tpu.enqueue_indirect_dma source(%dma_start3A_249 : memref<10000x128xf32, #tpu.memory_space<hbm>>) target(%arg15 : memref<128x128xf32, #tpu.memory_space<vmem>>) offsets(%arg13 : memref<128xi32, #tpu.memory_space<vmem>>) semaphore(%arg17 : memref<!tpu.dma_semaphore, #tpu.memory_space<semaphore_mem>>)
        } else {
        }
        %dma_wait3A_232 = arith.constant 0 : i32
        %dma_wait3A_233 = arith.constant 0 : i32
        %dma_wait3A_234 = tpu.memref_slice %arg9[%dma_wait3A_232, %dma_wait3A_233] : memref<10240x128xf32, #tpu.memory_space<vmem_shared>> -> memref<128x128xf32, #tpu.memory_space<vmem_shared>>
        %dma_wait3A_235 = arith.constant 0 : i32
        %dma_wait3A_236 = arith.constant 0 : i32
        %dma_wait3A_237 = tpu.memref_slice %arg9[%dma_wait3A_235, %dma_wait3A_236] : memref<10240x128xf32, #tpu.memory_space<vmem_shared>> -> memref<128x128xf32, #tpu.memory_space<vmem_shared>>
        tpu.wait_dma2 semaphore(%arg20 : memref<!tpu.dma_semaphore, #tpu.memory_space<semaphore_mem>>) src(%arg16 : memref<128x128xf32, #tpu.memory_space<vmem>>) dst(%dma_wait3A_237 : memref<128x128xf32, #tpu.memory_space<vmem_shared>>)
        %lt3A_238 = arith.constant 39 : i32
        %lt3A_239 = arith.cmpi slt, %add3A_59, %lt3A_238 : i32
        %convert_element_type3A_240 = arith.extui %lt3A_239 : i1 to i32
        %cond3A_241 = arith.constant 0 : i32
        %cond3A_242 = arith.cmpi ne, %convert_element_type3A_240, %cond3A_241 : i32
        scf.if %cond3A_242 {
          %dma_wait3A_243 = arith.constant 0 : i32
          %dma_wait3A_244 = tpu.memref_slice %arg4[%dma_wait3A_243] : memref<163840xi32, #tpu.memory_space<hbm>> -> memref<128xi32, #tpu.memory_space<hbm>>
          %dma_wait3A_245 = arith.constant 0 : i32
          %dma_wait3A_246 = tpu.memref_slice %arg4[%dma_wait3A_245] : memref<163840xi32, #tpu.memory_space<hbm>> -> memref<128xi32, #tpu.memory_space<hbm>>
          tpu.wait_dma2 semaphore(%arg22 : memref<!tpu.dma_semaphore, #tpu.memory_space<semaphore_mem>>) src(%dma_wait3A_246 : memref<128xi32, #tpu.memory_space<hbm>>) dst(%arg14 : memref<128xi32, #tpu.memory_space<vmem>>)
          %dma_start3A_247 = arith.constant 0 : i32
          %dma_start3A_248 = arith.constant 0 : i32
          %dma_start3A_249 = tpu.memref_slice %arg2[%dma_start3A_247, %dma_start3A_248] : memref<10000x128xf32, #tpu.memory_space<hbm>> -> memref<10000x128xf32, #tpu.memory_space<hbm>>
          tpu.enqueue_indirect_dma source(%dma_start3A_249 : memref<10000x128xf32, #tpu.memory_space<hbm>>) target(%arg16 : memref<128x128xf32, #tpu.memory_space<vmem>>) offsets(%arg14 : memref<128xi32, #tpu.memory_space<vmem>>) semaphore(%arg18 : memref<!tpu.dma_semaphore, #tpu.memory_space<semaphore_mem>>)
        } else {
        }
      }
      %while3A_56 = arith.constant 1 : i32
      scf.for %while3A_57 = %while3A_54 to %while3A_50 step %while3A_56  : i32 {
        %mul3A_58 = arith.muli %while3A_57, %while3A : i32
        %add3A_59 = arith.addi %while3A_47, %mul3A_58 : i32
        %mul3A_60 = arith.constant 2 : i32
        %mul3A_61 = arith.muli %add3A_59, %mul3A_60 : i32
        %add3A_62 = arith.constant 0 : i32
        %add3A_63 = arith.addi %mul3A_61, %add3A_62 : i32
        %dma_wait3A_64 = arith.constant 0 : i32
        %dma_wait3A_65 = arith.constant 0 : i32
        %dma_wait3A_66 = tpu.memref_slice %arg2[%dma_wait3A_64, %dma_wait3A_65] : memref<10000x128xf32, #tpu.memory_space<hbm>> -> memref<128x128xf32, #tpu.memory_space<hbm>>
        %dma_wait3A_67 = arith.constant 0 : i32
        %dma_wait3A_68 = arith.constant 0 : i32
        %dma_wait3A_69 = tpu.memref_slice %arg2[%dma_wait3A_67, %dma_wait3A_68] : memref<10000x128xf32, #tpu.memory_space<hbm>> -> memref<128x128xf32, #tpu.memory_space<hbm>>
        tpu.wait_dma2 semaphore(%arg17 : memref<!tpu.dma_semaphore, #tpu.memory_space<semaphore_mem>>) src(%dma_wait3A_69 : memref<128x128xf32, #tpu.memory_space<hbm>>) dst(%arg15 : memref<128x128xf32, #tpu.memory_space<vmem>>)
        %get3A = arith.index_cast %add3A_63 : i32 to index
        %get3A_70 = arith.constant 0 : index
        %get3A_71 = tpu.vector_load %arg10[%get3A, %get3A_70] {strides = array<i32>} : memref<80x128xi32, #tpu.memory_space<vmem>>, vector<1x16xi32>,
        %get3A_72 = vector.shape_cast %get3A_71 : vector<1x16xi32> to vector<16xi32>
        %swap3A = arith.constant 0 : index
        %swap3A_73 = tpu.vector_load %arg11[%swap3A] {strides = array<i32>} : memref<128xi32, #tpu.memory_space<vmem>>, vector<16xi32>,
        %swap3A_74 = vector.shape_cast %swap3A_73 : vector<16xi32> to vector<16xi32>
        %swap3A_75 = vector.shape_cast %get3A_72 : vector<16xi32> to vector<16xi32>
        tpu.vector_store %arg11[%swap3A], %swap3A_75 {strides = array<i32>} : memref<128xi32, #tpu.memory_space<vmem>>, vector<16xi32>,
        %get3A_76 = arith.index_cast %add3A_63 : i32 to index
        %get3A_77 = arith.constant 16 : index
        %get3A_78 = tpu.vector_load %arg10[%get3A_76, %get3A_77] {strides = array<i32>} : memref<80x128xi32, #tpu.memory_space<vmem>>, vector<1x16xi32>,
        %get3A_79 = vector.shape_cast %get3A_78 : vector<1x16xi32> to vector<16xi32>
        %swap3A_80 = arith.constant 16 : index
        %swap3A_81 = tpu.vector_load %arg11[%swap3A_80] {strides = array<i32>} : memref<128xi32, #tpu.memory_space<vmem>>, vector<16xi32>,
        %swap3A_82 = vector.shape_cast %swap3A_81 : vector<16xi32> to vector<16xi32>
        %swap3A_83 = vector.shape_cast %get3A_79 : vector<16xi32> to vector<16xi32>
        tpu.vector_store %arg11[%swap3A_80], %swap3A_83 {strides = array<i32>} : memref<128xi32, #tpu.memory_space<vmem>>, vector<16xi32>,
        %get3A_84 = arith.index_cast %add3A_63 : i32 to index
        %get3A_85 = arith.constant 32 : index
        %get3A_86 = tpu.vector_load %arg10[%get3A_84, %get3A_85] {strides = array<i32>} : memref<80x128xi32, #tpu.memory_space<vmem>>, vector<1x16xi32>,
        %get3A_87 = vector.shape_cast %get3A_86 : vector<1x16xi32> to vector<16xi32>
        %swap3A_88 = arith.constant 32 : index
        %swap3A_89 = tpu.vector_load %arg11[%swap3A_88] {strides = array<i32>} : memref<128xi32, #tpu.memory_space<vmem>>, vector<16xi32>,
        %swap3A_90 = vector.shape_cast %swap3A_89 : vector<16xi32> to vector<16xi32>
        %swap3A_91 = vector.shape_cast %get3A_87 : vector<16xi32> to vector<16xi32>
        tpu.vector_store %arg11[%swap3A_88], %swap3A_91 {strides = array<i32>} : memref<128xi32, #tpu.memory_space<vmem>>, vector<16xi32>,
        %get3A_92 = arith.index_cast %add3A_63 : i32 to index
        %get3A_93 = arith.constant 48 : index
        %get3A_94 = tpu.vector_load %arg10[%get3A_92, %get3A_93] {strides = array<i32>} : memref<80x128xi32, #tpu.memory_space<vmem>>, vector<1x16xi32>,
        %get3A_95 = vector.shape_cast %get3A_94 : vector<1x16xi32> to vector<16xi32>
        %swap3A_96 = arith.constant 48 : index
        %swap3A_97 = tpu.vector_load %arg11[%swap3A_96] {strides = array<i32>} : memref<128xi32, #tpu.memory_space<vmem>>, vector<16xi32>,
        %swap3A_98 = vector.shape_cast %swap3A_97 : vector<16xi32> to vector<16xi32>
        %swap3A_99 = vector.shape_cast %get3A_95 : vector<16xi32> to vector<16xi32>
        tpu.vector_store %arg11[%swap3A_96], %swap3A_99 {strides = array<i32>} : memref<128xi32, #tpu.memory_space<vmem>>, vector<16xi32>,
        %get3A_100 = arith.index_cast %add3A_63 : i32 to index
        %get3A_101 = arith.constant 64 : index
        %get3A_102 = tpu.vector_load %arg10[%get3A_100, %get3A_101] {strides = array<i32>} : memref<80x128xi32, #tpu.memory_space<vmem>>, vector<1x16xi32>,
        %get3A_103 = vector.shape_cast %get3A_102 : vector<1x16xi32> to vector<16xi32>
        %swap3A_104 = arith.constant 64 : index
        %swap3A_105 = tpu.vector_load %arg11[%swap3A_104] {strides = array<i32>} : memref<128xi32, #tpu.memory_space<vmem>>, vector<16xi32>,
        %swap3A_106 = vector.shape_cast %swap3A_105 : vector<16xi32> to vector<16xi32>
        %swap3A_107 = vector.shape_cast %get3A_103 : vector<16xi32> to vector<16xi32>
        tpu.vector_store %arg11[%swap3A_104], %swap3A_107 {strides = array<i32>} : memref<128xi32, #tpu.memory_space<vmem>>, vector<16xi32>,
        %get3A_108 = arith.index_cast %add3A_63 : i32 to index
        %get3A_109 = arith.constant 80 : index
        %get3A_110 = tpu.vector_load %arg10[%get3A_108, %get3A_109] {strides = array<i32>} : memref<80x128xi32, #tpu.memory_space<vmem>>, vector<1x16xi32>,
        %get3A_111 = vector.shape_cast %get3A_110 : vector<1x16xi32> to vector<16xi32>
        %swap3A_112 = arith.constant 80 : index
        %swap3A_113 = tpu.vector_load %arg11[%swap3A_112] {strides = array<i32>} : memref<128xi32, #tpu.memory_space<vmem>>, vector<16xi32>,
        %swap3A_114 = vector.shape_cast %swap3A_113 : vector<16xi32> to vector<16xi32>
        %swap3A_115 = vector.shape_cast %get3A_111 : vector<16xi32> to vector<16xi32>
        tpu.vector_store %arg11[%swap3A_112], %swap3A_115 {strides = array<i32>} : memref<128xi32, #tpu.memory_space<vmem>>, vector<16xi32>,
        %get3A_116 = arith.index_cast %add3A_63 : i32 to index
        %get3A_117 = arith.constant 96 : index
        %get3A_118 = tpu.vector_load %arg10[%get3A_116, %get3A_117] {strides = array<i32>} : memref<80x128xi32, #tpu.memory_space<vmem>>, vector<1x16xi32>,
        %get3A_119 = vector.shape_cast %get3A_118 : vector<1x16xi32> to vector<16xi32>
        %swap3A_120 = arith.constant 96 : index
        %swap3A_121 = tpu.vector_load %arg11[%swap3A_120] {strides = array<i32>} : memref<128xi32, #tpu.memory_space<vmem>>, vector<16xi32>,
        %swap3A_122 = vector.shape_cast %swap3A_121 : vector<16xi32> to vector<16xi32>
        %swap3A_123 = vector.shape_cast %get3A_119 : vector<16xi32> to vector<16xi32>
        tpu.vector_store %arg11[%swap3A_120], %swap3A_123 {strides = array<i32>} : memref<128xi32, #tpu.memory_space<vmem>>, vector<16xi32>,
        %get3A_124 = arith.index_cast %add3A_63 : i32 to index
        %get3A_125 = arith.constant 112 : index
        %get3A_126 = tpu.vector_load %arg10[%get3A_124, %get3A_125] {strides = array<i32>} : memref<80x128xi32, #tpu.memory_space<vmem>>, vector<1x16xi32>,
        %get3A_127 = vector.shape_cast %get3A_126 : vector<1x16xi32> to vector<16xi32>
        %swap3A_128 = arith.constant 112 : index
        %swap3A_129 = tpu.vector_load %arg11[%swap3A_128] {strides = array<i32>} : memref<128xi32, #tpu.memory_space<vmem>>, vector<16xi32>,
        %swap3A_130 = vector.shape_cast %swap3A_129 : vector<16xi32> to vector<16xi32>
        %swap3A_131 = vector.shape_cast %get3A_127 : vector<16xi32> to vector<16xi32>
        tpu.vector_store %arg11[%swap3A_128], %swap3A_131 {strides = array<i32>} : memref<128xi32, #tpu.memory_space<vmem>>, vector<16xi32>,
        %dma_start3A_132 = arith.constant 0 : i32
        %dma_start3A_133 = arith.constant 0 : i32
        %dma_start3A_134 = tpu.memref_slice %arg9[%dma_start3A_132, %dma_start3A_133] : memref<10240x128xf32, #tpu.memory_space<vmem_shared>> -> memref<10240x128xf32, #tpu.memory_space<vmem_shared>>
        tpu.enqueue_indirect_dma source(%arg15 : memref<128x128xf32, #tpu.memory_space<vmem>>) target(%dma_start3A_134 : memref<10240x128xf32, #tpu.memory_space<vmem_shared>>) offsets(%arg11 : memref<128xi32, #tpu.memory_space<vmem>>) semaphore(%arg19 : memref<!tpu.dma_semaphore, #tpu.memory_space<semaphore_mem>>) {add = true}
        %lt3A = arith.constant 39 : i32
        %lt3A_135 = arith.cmpi slt, %add3A_59, %lt3A : i32
        %convert_element_type3A_136 = arith.extui %lt3A_135 : i1 to i32
        %cond3A_137 = arith.constant 0 : i32
        %cond3A_138 = arith.cmpi ne, %convert_element_type3A_136, %cond3A_137 : i32
        scf.if %cond3A_138 {
          %add3A_243 = arith.constant 2 : i32
          %add3A_244 = arith.addi %add3A_63, %add3A_243 : i32
          %mul3A_245 = arith.constant 128 : i32
          %mul3A_246 = arith.muli %add3A_244, %mul3A_245 : i32
          %add3A_247 = arith.addi %mul3A_2, %mul3A_246 : i32
          %dma_start3A_248 = tpu.memref_slice %arg4[%add3A_247] : memref<163840xi32, #tpu.memory_space<hbm>> -> memref<128xi32, #tpu.memory_space<hbm>>
          %dma_start3A_249 = tpu.memref_slice %arg4[%add3A_247] : memref<163840xi32, #tpu.memory_space<hbm>> -> memref<128xi32, #tpu.memory_space<hbm>>
          tpu.enqueue_dma source(%dma_start3A_249 : memref<128xi32, #tpu.memory_space<hbm>>) target(%arg13 : memref<128xi32, #tpu.memory_space<vmem>>) target_semaphore(%arg21 : memref<!tpu.dma_semaphore, #tpu.memory_space<semaphore_mem>>)
        } else {
        }
        %mul3A_139 = arith.constant 2 : i32
        %mul3A_140 = arith.muli %add3A_59, %mul3A_139 : i32
        %add3A_141 = arith.constant 1 : i32
        %add3A_142 = arith.addi %mul3A_140, %add3A_141 : i32
        %dma_wait3A_143 = arith.constant 0 : i32
        %dma_wait3A_144 = arith.constant 0 : i32
        %dma_wait3A_145 = tpu.memref_slice %arg2[%dma_wait3A_143, %dma_wait3A_144] : memref<10000x128xf32, #tpu.memory_space<hbm>> -> memref<128x128xf32, #tpu.memory_space<hbm>>
        %dma_wait3A_146 = arith.constant 0 : i32
        %dma_wait3A_147 = arith.constant 0 : i32
        %dma_wait3A_148 = tpu.memref_slice %arg2[%dma_wait3A_146, %dma_wait3A_147] : memref<10000x128xf32, #tpu.memory_space<hbm>> -> memref<128x128xf32, #tpu.memory_space<hbm>>
        tpu.wait_dma2 semaphore(%arg18 : memref<!tpu.dma_semaphore, #tpu.memory_space<semaphore_mem>>) src(%dma_wait3A_148 : memref<128x128xf32, #tpu.memory_space<hbm>>) dst(%arg16 : memref<128x128xf32, #tpu.memory_space<vmem>>)
        %get3A_149 = arith.index_cast %add3A_142 : i32 to index
        %get3A_150 = arith.constant 0 : index
        %get3A_151 = tpu.vector_load %arg10[%get3A_149, %get3A_150] {strides = array<i32>} : memref<80x128xi32, #tpu.memory_space<vmem>>, vector<1x16xi32>,
        %get3A_152 = vector.shape_cast %get3A_151 : vector<1x16xi32> to vector<16xi32>
        %swap3A_153 = arith.constant 0 : index
        %swap3A_154 = tpu.vector_load %arg12[%swap3A_153] {strides = array<i32>} : memref<128xi32, #tpu.memory_space<vmem>>, vector<16xi32>,
        %swap3A_155 = vector.shape_cast %swap3A_154 : vector<16xi32> to vector<16xi32>
        %swap3A_156 = vector.shape_cast %get3A_152 : vector<16xi32> to vector<16xi32>
        tpu.vector_store %arg12[%swap3A_153], %swap3A_156 {strides = array<i32>} : memref<128xi32, #tpu.memory_space<vmem>>, vector<16xi32>,
        %get3A_157 = arith.index_cast %add3A_142 : i32 to index
        %get3A_158 = arith.constant 16 : index
        %get3A_159 = tpu.vector_load %arg10[%get3A_157, %get3A_158] {strides = array<i32>} : memref<80x128xi32, #tpu.memory_space<vmem>>, vector<1x16xi32>,
        %get3A_160 = vector.shape_cast %get3A_159 : vector<1x16xi32> to vector<16xi32>
        %swap3A_161 = arith.constant 16 : index
        %swap3A_162 = tpu.vector_load %arg12[%swap3A_161] {strides = array<i32>} : memref<128xi32, #tpu.memory_space<vmem>>, vector<16xi32>,
        %swap3A_163 = vector.shape_cast %swap3A_162 : vector<16xi32> to vector<16xi32>
        %swap3A_164 = vector.shape_cast %get3A_160 : vector<16xi32> to vector<16xi32>
        tpu.vector_store %arg12[%swap3A_161], %swap3A_164 {strides = array<i32>} : memref<128xi32, #tpu.memory_space<vmem>>, vector<16xi32>,
        %get3A_165 = arith.index_cast %add3A_142 : i32 to index
        %get3A_166 = arith.constant 32 : index
        %get3A_167 = tpu.vector_load %arg10[%get3A_165, %get3A_166] {strides = array<i32>} : memref<80x128xi32, #tpu.memory_space<vmem>>, vector<1x16xi32>,
        %get3A_168 = vector.shape_cast %get3A_167 : vector<1x16xi32> to vector<16xi32>
        %swap3A_169 = arith.constant 32 : index
        %swap3A_170 = tpu.vector_load %arg12[%swap3A_169] {strides = array<i32>} : memref<128xi32, #tpu.memory_space<vmem>>, vector<16xi32>,
        %swap3A_171 = vector.shape_cast %swap3A_170 : vector<16xi32> to vector<16xi32>
        %swap3A_172 = vector.shape_cast %get3A_168 : vector<16xi32> to vector<16xi32>
        tpu.vector_store %arg12[%swap3A_169], %swap3A_172 {strides = array<i32>} : memref<128xi32, #tpu.memory_space<vmem>>, vector<16xi32>,
        %get3A_173 = arith.index_cast %add3A_142 : i32 to index
        %get3A_174 = arith.constant 48 : index
        %get3A_175 = tpu.vector_load %arg10[%get3A_173, %get3A_174] {strides = array<i32>} : memref<80x128xi32, #tpu.memory_space<vmem>>, vector<1x16xi32>,
        %get3A_176 = vector.shape_cast %get3A_175 : vector<1x16xi32> to vector<16xi32>
        %swap3A_177 = arith.constant 48 : index
        %swap3A_178 = tpu.vector_load %arg12[%swap3A_177] {strides = array<i32>} : memref<128xi32, #tpu.memory_space<vmem>>, vector<16xi32>,
        %swap3A_179 = vector.shape_cast %swap3A_178 : vector<16xi32> to vector<16xi32>
        %swap3A_180 = vector.shape_cast %get3A_176 : vector<16xi32> to vector<16xi32>
        tpu.vector_store %arg12[%swap3A_177], %swap3A_180 {strides = array<i32>} : memref<128xi32, #tpu.memory_space<vmem>>, vector<16xi32>,
        %get3A_181 = arith.index_cast %add3A_142 : i32 to index
        %get3A_182 = arith.constant 64 : index
        %get3A_183 = tpu.vector_load %arg10[%get3A_181, %get3A_182] {strides = array<i32>} : memref<80x128xi32, #tpu.memory_space<vmem>>, vector<1x16xi32>,
        %get3A_184 = vector.shape_cast %get3A_183 : vector<1x16xi32> to vector<16xi32>
        %swap3A_185 = arith.constant 64 : index
        %swap3A_186 = tpu.vector_load %arg12[%swap3A_185] {strides = array<i32>} : memref<128xi32, #tpu.memory_space<vmem>>, vector<16xi32>,
        %swap3A_187 = vector.shape_cast %swap3A_186 : vector<16xi32> to vector<16xi32>
        %swap3A_188 = vector.shape_cast %get3A_184 : vector<16xi32> to vector<16xi32>
        tpu.vector_store %arg12[%swap3A_185], %swap3A_188 {strides = array<i32>} : memref<128xi32, #tpu.memory_space<vmem>>, vector<16xi32>,
        %get3A_189 = arith.index_cast %add3A_142 : i32 to index
        %get3A_190 = arith.constant 80 : index
        %get3A_191 = tpu.vector_load %arg10[%get3A_189, %get3A_190] {strides = array<i32>} : memref<80x128xi32, #tpu.memory_space<vmem>>, vector<1x16xi32>,
        %get3A_192 = vector.shape_cast %get3A_191 : vector<1x16xi32> to vector<16xi32>
        %swap3A_193 = arith.constant 80 : index
        %swap3A_194 = tpu.vector_load %arg12[%swap3A_193] {strides = array<i32>} : memref<128xi32, #tpu.memory_space<vmem>>, vector<16xi32>,
        %swap3A_195 = vector.shape_cast %swap3A_194 : vector<16xi32> to vector<16xi32>
        %swap3A_196 = vector.shape_cast %get3A_192 : vector<16xi32> to vector<16xi32>
        tpu.vector_store %arg12[%swap3A_193], %swap3A_196 {strides = array<i32>} : memref<128xi32, #tpu.memory_space<vmem>>, vector<16xi32>,
        %get3A_197 = arith.index_cast %add3A_142 : i32 to index
        %get3A_198 = arith.constant 96 : index
        %get3A_199 = tpu.vector_load %arg10[%get3A_197, %get3A_198] {strides = array<i32>} : memref<80x128xi32, #tpu.memory_space<vmem>>, vector<1x16xi32>,
        %get3A_200 = vector.shape_cast %get3A_199 : vector<1x16xi32> to vector<16xi32>
        %swap3A_201 = arith.constant 96 : index
        %swap3A_202 = tpu.vector_load %arg12[%swap3A_201] {strides = array<i32>} : memref<128xi32, #tpu.memory_space<vmem>>, vector<16xi32>,
        %swap3A_203 = vector.shape_cast %swap3A_202 : vector<16xi32> to vector<16xi32>
        %swap3A_204 = vector.shape_cast %get3A_200 : vector<16xi32> to vector<16xi32>
        tpu.vector_store %arg12[%swap3A_201], %swap3A_204 {strides = array<i32>} : memref<128xi32, #tpu.memory_space<vmem>>, vector<16xi32>,
        %get3A_205 = arith.index_cast %add3A_142 : i32 to index
        %get3A_206 = arith.constant 112 : index
        %get3A_207 = tpu.vector_load %arg10[%get3A_205, %get3A_206] {strides = array<i32>} : memref<80x128xi32, #tpu.memory_space<vmem>>, vector<1x16xi32>,
        %get3A_208 = vector.shape_cast %get3A_207 : vector<1x16xi32> to vector<16xi32>
        %swap3A_209 = arith.constant 112 : index
        %swap3A_210 = tpu.vector_load %arg12[%swap3A_209] {strides = array<i32>} : memref<128xi32, #tpu.memory_space<vmem>>, vector<16xi32>,
        %swap3A_211 = vector.shape_cast %swap3A_210 : vector<16xi32> to vector<16xi32>
        %swap3A_212 = vector.shape_cast %get3A_208 : vector<16xi32> to vector<16xi32>
        tpu.vector_store %arg12[%swap3A_209], %swap3A_212 {strides = array<i32>} : memref<128xi32, #tpu.memory_space<vmem>>, vector<16xi32>,
        %dma_start3A_213 = arith.constant 0 : i32
        %dma_start3A_214 = arith.constant 0 : i32
        %dma_start3A_215 = tpu.memref_slice %arg9[%dma_start3A_213, %dma_start3A_214] : memref<10240x128xf32, #tpu.memory_space<vmem_shared>> -> memref<10240x128xf32, #tpu.memory_space<vmem_shared>>
        tpu.enqueue_indirect_dma source(%arg16 : memref<128x128xf32, #tpu.memory_space<vmem>>) target(%dma_start3A_215 : memref<10240x128xf32, #tpu.memory_space<vmem_shared>>) offsets(%arg12 : memref<128xi32, #tpu.memory_space<vmem>>) semaphore(%arg20 : memref<!tpu.dma_semaphore, #tpu.memory_space<semaphore_mem>>) {add = true}
        %lt3A_216 = arith.constant 39 : i32
        %lt3A_217 = arith.cmpi slt, %add3A_59, %lt3A_216 : i32
        %convert_element_type3A_218 = arith.extui %lt3A_217 : i1 to i32
        %cond3A_219 = arith.constant 0 : i32
        %cond3A_220 = arith.cmpi ne, %convert_element_type3A_218, %cond3A_219 : i32
        scf.if %cond3A_220 {
          %add3A_243 = arith.constant 2 : i32
          %add3A_244 = arith.addi %add3A_142, %add3A_243 : i32
          %mul3A_245 = arith.constant 128 : i32
          %mul3A_246 = arith.muli %add3A_244, %mul3A_245 : i32
          %add3A_247 = arith.addi %mul3A_2, %mul3A_246 : i32
          %dma_start3A_248 = tpu.memref_slice %arg4[%add3A_247] : memref<163840xi32, #tpu.memory_space<hbm>> -> memref<128xi32, #tpu.memory_space<hbm>>
          %dma_start3A_249 = tpu.memref_slice %arg4[%add3A_247] : memref<163840xi32, #tpu.memory_space<hbm>> -> memref<128xi32, #tpu.memory_space<hbm>>
          tpu.enqueue_dma source(%dma_start3A_249 : memref<128xi32, #tpu.memory_space<hbm>>) target(%arg14 : memref<128xi32, #tpu.memory_space<vmem>>) target_semaphore(%arg22 : memref<!tpu.dma_semaphore, #tpu.memory_space<semaphore_mem>>)
        } else {
        }
        %dma_wait3A_221 = arith.constant 0 : i32
        %dma_wait3A_222 = arith.constant 0 : i32
        %dma_wait3A_223 = tpu.memref_slice %arg9[%dma_wait3A_221, %dma_wait3A_222] : memref<10240x128xf32, #tpu.memory_space<vmem_shared>> -> memref<128x128xf32, #tpu.memory_space<vmem_shared>>
        %dma_wait3A_224 = arith.constant 0 : i32
        %dma_wait3A_225 = arith.constant 0 : i32
        %dma_wait3A_226 = tpu.memref_slice %arg9[%dma_wait3A_224, %dma_wait3A_225] : memref<10240x128xf32, #tpu.memory_space<vmem_shared>> -> memref<128x128xf32, #tpu.memory_space<vmem_shared>>
        tpu.wait_dma2 semaphore(%arg19 : memref<!tpu.dma_semaphore, #tpu.memory_space<semaphore_mem>>) src(%arg15 : memref<128x128xf32, #tpu.memory_space<vmem>>) dst(%dma_wait3A_226 : memref<128x128xf32, #tpu.memory_space<vmem_shared>>)
        %lt3A_227 = arith.constant 39 : i32
        %lt3A_228 = arith.cmpi slt, %add3A_59, %lt3A_227 : i32
        %convert_element_type3A_229 = arith.extui %lt3A_228 : i1 to i32
        %cond3A_230 = arith.constant 0 : i32
        %cond3A_231 = arith.cmpi ne, %convert_element_type3A_229, %cond3A_230 : i32
        scf.if %cond3A_231 {
          %dma_wait3A_243 = arith.constant 0 : i32
          %dma_wait3A_244 = tpu.memref_slice %arg4[%dma_wait3A_243] : memref<163840xi32, #tpu.memory_space<hbm>> -> memref<128xi32, #tpu.memory_space<hbm>>
          %dma_wait3A_245 = arith.constant 0 : i32
          %dma_wait3A_246 = tpu.memref_slice %arg4[%dma_wait3A_245] : memref<163840xi32, #tpu.memory_space<hbm>> -> memref<128xi32, #tpu.memory_space<hbm>>
          tpu.wait_dma2 semaphore(%arg21 : memref<!tpu.dma_semaphore, #tpu.memory_space<semaphore_mem>>) src(%dma_wait3A_246 : memref<128xi32, #tpu.memory_space<hbm>>) dst(%arg13 : memref<128xi32, #tpu.memory_space<vmem>>)
          %dma_start3A_247 = arith.constant 0 : i32
          %dma_start3A_248 = arith.constant 0 : i32
          %dma_start3A_249 = tpu.memref_slice %arg2[%dma_start3A_247, %dma_start3A_248] : memref<10000x128xf32, #tpu.memory_space<hbm>> -> memref<10000x128xf32, #tpu.memory_space<hbm>>
          tpu.enqueue_indirect_dma source(%dma_start3A_249 : memref<10000x128xf32, #tpu.memory_space<hbm>>) target(%arg15 : memref<128x128xf32, #tpu.memory_space<vmem>>) offsets(%arg13 : memref<128xi32, #tpu.memory_space<vmem>>) semaphore(%arg17 : memref<!tpu.dma_semaphore, #tpu.memory_space<semaphore_mem>>)
        } else {
        }
        %dma_wait3A_232 = arith.constant 0 : i32
        %dma_wait3A_233 = arith.constant 0 : i32
        %dma_wait3A_234 = tpu.memref_slice %arg9[%dma_wait3A_232, %dma_wait3A_233] : memref<10240x128xf32, #tpu.memory_space<vmem_shared>> -> memref<128x128xf32, #tpu.memory_space<vmem_shared>>
        %dma_wait3A_235 = arith.constant 0 : i32
        %dma_wait3A_236 = arith.constant 0 : i32
        %dma_wait3A_237 = tpu.memref_slice %arg9[%dma_wait3A_235, %dma_wait3A_236] : memref<10240x128xf32, #tpu.memory_space<vmem_shared>> -> memref<128x128xf32, #tpu.memory_space<vmem_shared>>
        tpu.wait_dma2 semaphore(%arg20 : memref<!tpu.dma_semaphore, #tpu.memory_space<semaphore_mem>>) src(%arg16 : memref<128x128xf32, #tpu.memory_space<vmem>>) dst(%dma_wait3A_237 : memref<128x128xf32, #tpu.memory_space<vmem_shared>>)
        %lt3A_238 = arith.constant 39 : i32
        %lt3A_239 = arith.cmpi slt, %add3A_59, %lt3A_238 : i32
        %convert_element_type3A_240 = arith.extui %lt3A_239 : i1 to i32
        %cond3A_241 = arith.constant 0 : i32
        %cond3A_242 = arith.cmpi ne, %convert_element_type3A_240, %cond3A_241 : i32
        scf.if %cond3A_242 {
          %dma_wait3A_243 = arith.constant 0 : i32
          %dma_wait3A_244 = tpu.memref_slice %arg4[%dma_wait3A_243] : memref<163840xi32, #tpu.memory_space<hbm>> -> memref<128xi32, #tpu.memory_space<hbm>>
          %dma_wait3A_245 = arith.constant 0 : i32
          %dma_wait3A_246 = tpu.memref_slice %arg4[%dma_wait3A_245] : memref<163840xi32, #tpu.memory_space<hbm>> -> memref<128xi32, #tpu.memory_space<hbm>>
          tpu.wait_dma2 semaphore(%arg22 : memref<!tpu.dma_semaphore, #tpu.memory_space<semaphore_mem>>) src(%dma_wait3A_246 : memref<128xi32, #tpu.memory_space<hbm>>) dst(%arg14 : memref<128xi32, #tpu.memory_space<vmem>>)
          %dma_start3A_247 = arith.constant 0 : i32
          %dma_start3A_248 = arith.constant 0 : i32
          %dma_start3A_249 = tpu.memref_slice %arg2[%dma_start3A_247, %dma_start3A_248] : memref<10000x128xf32, #tpu.memory_space<hbm>> -> memref<10000x128xf32, #tpu.memory_space<hbm>>
          tpu.enqueue_indirect_dma source(%dma_start3A_249 : memref<10000x128xf32, #tpu.memory_space<hbm>>) target(%arg16 : memref<128x128xf32, #tpu.memory_space<vmem>>) offsets(%arg14 : memref<128xi32, #tpu.memory_space<vmem>>) semaphore(%arg18 : memref<!tpu.dma_semaphore, #tpu.memory_space<semaphore_mem>>)
        } else {
        }
      }
    } else {
    }
    %eq3A_5 = arith.constant 1 : i32
    %eq3A_6 = arith.cmpi eq, %arg0, %eq3A_5 : i32
    %convert_element_type3A_7 = arith.extui %eq3A_6 : i1 to i32
    %cond3A_8 = arith.constant 0 : i32
    %cond3A_9 = arith.cmpi ne, %convert_element_type3A_7, %cond3A_8 : i32
    scf.if %cond3A_9 {
      %add3A = arith.constant 0 : i32
      %add3A_21 = arith.addi %mul3A_2, %add3A : i32
      %dma_start3A = tpu.memref_slice %arg4[%add3A_21] : memref<163840xi32, #tpu.memory_space<hbm>> -> memref<128xi32, #tpu.memory_space<hbm>>
      %dma_start3A_22 = tpu.memref_slice %arg4[%add3A_21] : memref<163840xi32, #tpu.memory_space<hbm>> -> memref<128xi32, #tpu.memory_space<hbm>>
      tpu.enqueue_dma source(%dma_start3A_22 : memref<128xi32, #tpu.memory_space<hbm>>) target(%arg13 : memref<128xi32, #tpu.memory_space<vmem>>) target_semaphore(%arg21 : memref<!tpu.dma_semaphore, #tpu.memory_space<semaphore_mem>>)
      %add3A_23 = arith.constant 128 : i32
      %add3A_24 = arith.addi %mul3A_2, %add3A_23 : i32
      %dma_start3A_25 = tpu.memref_slice %arg4[%add3A_24] : memref<163840xi32, #tpu.memory_space<hbm>> -> memref<128xi32, #tpu.memory_space<hbm>>
      %dma_start3A_26 = tpu.memref_slice %arg4[%add3A_24] : memref<163840xi32, #tpu.memory_space<hbm>> -> memref<128xi32, #tpu.memory_space<hbm>>
      tpu.enqueue_dma source(%dma_start3A_26 : memref<128xi32, #tpu.memory_space<hbm>>) target(%arg14 : memref<128xi32, #tpu.memory_space<vmem>>) target_semaphore(%arg22 : memref<!tpu.dma_semaphore, #tpu.memory_space<semaphore_mem>>)
      %dma_wait3A = arith.constant 0 : i32
      %dma_wait3A_27 = tpu.memref_slice %arg4[%dma_wait3A] : memref<163840xi32, #tpu.memory_space<hbm>> -> memref<128xi32, #tpu.memory_space<hbm>>
      %dma_wait3A_28 = arith.constant 0 : i32
      %dma_wait3A_29 = tpu.memref_slice %arg4[%dma_wait3A_28] : memref<163840xi32, #tpu.memory_space<hbm>> -> memref<128xi32, #tpu.memory_space<hbm>>
      tpu.wait_dma2 semaphore(%arg21 : memref<!tpu.dma_semaphore, #tpu.memory_space<semaphore_mem>>) src(%dma_wait3A_29 : memref<128xi32, #tpu.memory_space<hbm>>) dst(%arg13 : memref<128xi32, #tpu.memory_space<vmem>>)
      %dma_start3A_30 = arith.constant 0 : i32
      %dma_start3A_31 = arith.constant 0 : i32
      %dma_start3A_32 = tpu.memref_slice %arg3[%dma_start3A_30, %dma_start3A_31] : memref<10000x128xf32, #tpu.memory_space<hbm>> -> memref<10000x128xf32, #tpu.memory_space<hbm>>
      tpu.enqueue_indirect_dma source(%dma_start3A_32 : memref<10000x128xf32, #tpu.memory_space<hbm>>) target(%arg15 : memref<128x128xf32, #tpu.memory_space<vmem>>) offsets(%arg13 : memref<128xi32, #tpu.memory_space<vmem>>) semaphore(%arg17 : memref<!tpu.dma_semaphore, #tpu.memory_space<semaphore_mem>>)
      %dma_wait3A_33 = arith.constant 0 : i32
      %dma_wait3A_34 = tpu.memref_slice %arg4[%dma_wait3A_33] : memref<163840xi32, #tpu.memory_space<hbm>> -> memref<128xi32, #tpu.memory_space<hbm>>
      %dma_wait3A_35 = arith.constant 0 : i32
      %dma_wait3A_36 = tpu.memref_slice %arg4[%dma_wait3A_35] : memref<163840xi32, #tpu.memory_space<hbm>> -> memref<128xi32, #tpu.memory_space<hbm>>
      tpu.wait_dma2 semaphore(%arg22 : memref<!tpu.dma_semaphore, #tpu.memory_space<semaphore_mem>>) src(%dma_wait3A_36 : memref<128xi32, #tpu.memory_space<hbm>>) dst(%arg14 : memref<128xi32, #tpu.memory_space<vmem>>)
      %dma_start3A_37 = arith.constant 0 : i32
      %dma_start3A_38 = arith.constant 0 : i32
      %dma_start3A_39 = tpu.memref_slice %arg3[%dma_start3A_37, %dma_start3A_38] : memref<10000x128xf32, #tpu.memory_space<hbm>> -> memref<10000x128xf32, #tpu.memory_space<hbm>>
      tpu.enqueue_indirect_dma source(%dma_start3A_39 : memref<10000x128xf32, #tpu.memory_space<hbm>>) target(%arg16 : memref<128x128xf32, #tpu.memory_space<vmem>>) offsets(%arg14 : memref<128xi32, #tpu.memory_space<vmem>>) semaphore(%arg18 : memref<!tpu.dma_semaphore, #tpu.memory_space<semaphore_mem>>)
      %sub3A = arith.constant 40 : i32
      %sub3A_40 = arith.constant 0 : i32
      %sub3A_41 = arith.subi %sub3A, %sub3A_40 : i32
      %sub3A_42 = arith.constant 1 : i32
      %sub3A_43 = arith.constant 1 : i32
      %sub3A_44 = arith.subi %sub3A_42, %sub3A_43 : i32
      %add3A_45 = arith.addi %sub3A_41, %sub3A_44 : i32
      %div3A = arith.constant 1 : i32
      %div3A_46 = arith.divsi %add3A_45, %div3A : i32
      %while3A = arith.constant 1 : i32
      %while3A_47 = arith.constant 0 : i32
      %while3A_48 = arith.constant 0 : i32
      %while3A_49 = arith.subi %div3A_46, %while3A_48 : i32
      %while3A_50 = arith.addi %while3A_48, %while3A_49 : i32
      %while3A_51 = arith.constant 1 : i32
      %while3A_52 = arith.divsi %while3A_49, %while3A_51 : i32
      %while3A_53 = arith.muli %while3A_52, %while3A_51 : i32
      %while3A_54 = arith.addi %while3A_48, %while3A_53 : i32
      %while3A_55 = arith.constant 1 : i32
      scf.for %while3A_57 = %while3A_48 to %while3A_54 step %while3A_55  : i32 {
        %mul3A_58 = arith.muli %while3A_57, %while3A : i32
        %add3A_59 = arith.addi %while3A_47, %mul3A_58 : i32
        %mul3A_60 = arith.constant 2 : i32
        %mul3A_61 = arith.muli %add3A_59, %mul3A_60 : i32
        %add3A_62 = arith.constant 0 : i32
        %add3A_63 = arith.addi %mul3A_61, %add3A_62 : i32
        %dma_wait3A_64 = arith.constant 0 : i32
        %dma_wait3A_65 = arith.constant 0 : i32
        %dma_wait3A_66 = tpu.memref_slice %arg3[%dma_wait3A_64, %dma_wait3A_65] : memref<10000x128xf32, #tpu.memory_space<hbm>> -> memref<128x128xf32, #tpu.memory_space<hbm>>
        %dma_wait3A_67 = arith.constant 0 : i32
        %dma_wait3A_68 = arith.constant 0 : i32
        %dma_wait3A_69 = tpu.memref_slice %arg3[%dma_wait3A_67, %dma_wait3A_68] : memref<10000x128xf32, #tpu.memory_space<hbm>> -> memref<128x128xf32, #tpu.memory_space<hbm>>
        tpu.wait_dma2 semaphore(%arg17 : memref<!tpu.dma_semaphore, #tpu.memory_space<semaphore_mem>>) src(%dma_wait3A_69 : memref<128x128xf32, #tpu.memory_space<hbm>>) dst(%arg15 : memref<128x128xf32, #tpu.memory_space<vmem>>)
        %get3A = arith.index_cast %add3A_63 : i32 to index
        %get3A_70 = arith.constant 0 : index
        %get3A_71 = tpu.vector_load %arg10[%get3A, %get3A_70] {strides = array<i32>} : memref<80x128xi32, #tpu.memory_space<vmem>>, vector<1x16xi32>,
        %get3A_72 = vector.shape_cast %get3A_71 : vector<1x16xi32> to vector<16xi32>
        %swap3A = arith.constant 0 : index
        %swap3A_73 = tpu.vector_load %arg11[%swap3A] {strides = array<i32>} : memref<128xi32, #tpu.memory_space<vmem>>, vector<16xi32>,
        %swap3A_74 = vector.shape_cast %swap3A_73 : vector<16xi32> to vector<16xi32>
        %swap3A_75 = vector.shape_cast %get3A_72 : vector<16xi32> to vector<16xi32>
        tpu.vector_store %arg11[%swap3A], %swap3A_75 {strides = array<i32>} : memref<128xi32, #tpu.memory_space<vmem>>, vector<16xi32>,
        %get3A_76 = arith.index_cast %add3A_63 : i32 to index
        %get3A_77 = arith.constant 16 : index
        %get3A_78 = tpu.vector_load %arg10[%get3A_76, %get3A_77] {strides = array<i32>} : memref<80x128xi32, #tpu.memory_space<vmem>>, vector<1x16xi32>,
        %get3A_79 = vector.shape_cast %get3A_78 : vector<1x16xi32> to vector<16xi32>
        %swap3A_80 = arith.constant 16 : index
        %swap3A_81 = tpu.vector_load %arg11[%swap3A_80] {strides = array<i32>} : memref<128xi32, #tpu.memory_space<vmem>>, vector<16xi32>,
        %swap3A_82 = vector.shape_cast %swap3A_81 : vector<16xi32> to vector<16xi32>
        %swap3A_83 = vector.shape_cast %get3A_79 : vector<16xi32> to vector<16xi32>
        tpu.vector_store %arg11[%swap3A_80], %swap3A_83 {strides = array<i32>} : memref<128xi32, #tpu.memory_space<vmem>>, vector<16xi32>,
        %get3A_84 = arith.index_cast %add3A_63 : i32 to index
        %get3A_85 = arith.constant 32 : index
        %get3A_86 = tpu.vector_load %arg10[%get3A_84, %get3A_85] {strides = array<i32>} : memref<80x128xi32, #tpu.memory_space<vmem>>, vector<1x16xi32>,
        %get3A_87 = vector.shape_cast %get3A_86 : vector<1x16xi32> to vector<16xi32>
        %swap3A_88 = arith.constant 32 : index
        %swap3A_89 = tpu.vector_load %arg11[%swap3A_88] {strides = array<i32>} : memref<128xi32, #tpu.memory_space<vmem>>, vector<16xi32>,
        %swap3A_90 = vector.shape_cast %swap3A_89 : vector<16xi32> to vector<16xi32>
        %swap3A_91 = vector.shape_cast %get3A_87 : vector<16xi32> to vector<16xi32>
        tpu.vector_store %arg11[%swap3A_88], %swap3A_91 {strides = array<i32>} : memref<128xi32, #tpu.memory_space<vmem>>, vector<16xi32>,
        %get3A_92 = arith.index_cast %add3A_63 : i32 to index
        %get3A_93 = arith.constant 48 : index
        %get3A_94 = tpu.vector_load %arg10[%get3A_92, %get3A_93] {strides = array<i32>} : memref<80x128xi32, #tpu.memory_space<vmem>>, vector<1x16xi32>,
        %get3A_95 = vector.shape_cast %get3A_94 : vector<1x16xi32> to vector<16xi32>
        %swap3A_96 = arith.constant 48 : index
        %swap3A_97 = tpu.vector_load %arg11[%swap3A_96] {strides = array<i32>} : memref<128xi32, #tpu.memory_space<vmem>>, vector<16xi32>,
        %swap3A_98 = vector.shape_cast %swap3A_97 : vector<16xi32> to vector<16xi32>
        %swap3A_99 = vector.shape_cast %get3A_95 : vector<16xi32> to vector<16xi32>
        tpu.vector_store %arg11[%swap3A_96], %swap3A_99 {strides = array<i32>} : memref<128xi32, #tpu.memory_space<vmem>>, vector<16xi32>,
        %get3A_100 = arith.index_cast %add3A_63 : i32 to index
        %get3A_101 = arith.constant 64 : index
        %get3A_102 = tpu.vector_load %arg10[%get3A_100, %get3A_101] {strides = array<i32>} : memref<80x128xi32, #tpu.memory_space<vmem>>, vector<1x16xi32>,
        %get3A_103 = vector.shape_cast %get3A_102 : vector<1x16xi32> to vector<16xi32>
        %swap3A_104 = arith.constant 64 : index
        %swap3A_105 = tpu.vector_load %arg11[%swap3A_104] {strides = array<i32>} : memref<128xi32, #tpu.memory_space<vmem>>, vector<16xi32>,
        %swap3A_106 = vector.shape_cast %swap3A_105 : vector<16xi32> to vector<16xi32>
        %swap3A_107 = vector.shape_cast %get3A_103 : vector<16xi32> to vector<16xi32>
        tpu.vector_store %arg11[%swap3A_104], %swap3A_107 {strides = array<i32>} : memref<128xi32, #tpu.memory_space<vmem>>, vector<16xi32>,
        %get3A_108 = arith.index_cast %add3A_63 : i32 to index
        %get3A_109 = arith.constant 80 : index
        %get3A_110 = tpu.vector_load %arg10[%get3A_108, %get3A_109] {strides = array<i32>} : memref<80x128xi32, #tpu.memory_space<vmem>>, vector<1x16xi32>,
        %get3A_111 = vector.shape_cast %get3A_110 : vector<1x16xi32> to vector<16xi32>
        %swap3A_112 = arith.constant 80 : index
        %swap3A_113 = tpu.vector_load %arg11[%swap3A_112] {strides = array<i32>} : memref<128xi32, #tpu.memory_space<vmem>>, vector<16xi32>,
        %swap3A_114 = vector.shape_cast %swap3A_113 : vector<16xi32> to vector<16xi32>
        %swap3A_115 = vector.shape_cast %get3A_111 : vector<16xi32> to vector<16xi32>
        tpu.vector_store %arg11[%swap3A_112], %swap3A_115 {strides = array<i32>} : memref<128xi32, #tpu.memory_space<vmem>>, vector<16xi32>,
        %get3A_116 = arith.index_cast %add3A_63 : i32 to index
        %get3A_117 = arith.constant 96 : index
        %get3A_118 = tpu.vector_load %arg10[%get3A_116, %get3A_117] {strides = array<i32>} : memref<80x128xi32, #tpu.memory_space<vmem>>, vector<1x16xi32>,
        %get3A_119 = vector.shape_cast %get3A_118 : vector<1x16xi32> to vector<16xi32>
        %swap3A_120 = arith.constant 96 : index
        %swap3A_121 = tpu.vector_load %arg11[%swap3A_120] {strides = array<i32>} : memref<128xi32, #tpu.memory_space<vmem>>, vector<16xi32>,
        %swap3A_122 = vector.shape_cast %swap3A_121 : vector<16xi32> to vector<16xi32>
        %swap3A_123 = vector.shape_cast %get3A_119 : vector<16xi32> to vector<16xi32>
        tpu.vector_store %arg11[%swap3A_120], %swap3A_123 {strides = array<i32>} : memref<128xi32, #tpu.memory_space<vmem>>, vector<16xi32>,
        %get3A_124 = arith.index_cast %add3A_63 : i32 to index
        %get3A_125 = arith.constant 112 : index
        %get3A_126 = tpu.vector_load %arg10[%get3A_124, %get3A_125] {strides = array<i32>} : memref<80x128xi32, #tpu.memory_space<vmem>>, vector<1x16xi32>,
        %get3A_127 = vector.shape_cast %get3A_126 : vector<1x16xi32> to vector<16xi32>
        %swap3A_128 = arith.constant 112 : index
        %swap3A_129 = tpu.vector_load %arg11[%swap3A_128] {strides = array<i32>} : memref<128xi32, #tpu.memory_space<vmem>>, vector<16xi32>,
        %swap3A_130 = vector.shape_cast %swap3A_129 : vector<16xi32> to vector<16xi32>
        %swap3A_131 = vector.shape_cast %get3A_127 : vector<16xi32> to vector<16xi32>
        tpu.vector_store %arg11[%swap3A_128], %swap3A_131 {strides = array<i32>} : memref<128xi32, #tpu.memory_space<vmem>>, vector<16xi32>,
        %dma_start3A_132 = arith.constant 0 : i32
        %dma_start3A_133 = arith.constant 0 : i32
        %dma_start3A_134 = tpu.memref_slice %arg9[%dma_start3A_132, %dma_start3A_133] : memref<10240x128xf32, #tpu.memory_space<vmem_shared>> -> memref<10240x128xf32, #tpu.memory_space<vmem_shared>>
        tpu.enqueue_indirect_dma source(%arg15 : memref<128x128xf32, #tpu.memory_space<vmem>>) target(%dma_start3A_134 : memref<10240x128xf32, #tpu.memory_space<vmem_shared>>) offsets(%arg11 : memref<128xi32, #tpu.memory_space<vmem>>) semaphore(%arg19 : memref<!tpu.dma_semaphore, #tpu.memory_space<semaphore_mem>>) {add = true}
        %lt3A = arith.constant 39 : i32
        %lt3A_135 = arith.cmpi slt, %add3A_59, %lt3A : i32
        %convert_element_type3A_136 = arith.extui %lt3A_135 : i1 to i32
        %cond3A_137 = arith.constant 0 : i32
        %cond3A_138 = arith.cmpi ne, %convert_element_type3A_136, %cond3A_137 : i32
        scf.if %cond3A_138 {
          %add3A_243 = arith.constant 2 : i32
          %add3A_244 = arith.addi %add3A_63, %add3A_243 : i32
          %mul3A_245 = arith.constant 128 : i32
          %mul3A_246 = arith.muli %add3A_244, %mul3A_245 : i32
          %add3A_247 = arith.addi %mul3A_2, %mul3A_246 : i32
          %dma_start3A_248 = tpu.memref_slice %arg4[%add3A_247] : memref<163840xi32, #tpu.memory_space<hbm>> -> memref<128xi32, #tpu.memory_space<hbm>>
          %dma_start3A_249 = tpu.memref_slice %arg4[%add3A_247] : memref<163840xi32, #tpu.memory_space<hbm>> -> memref<128xi32, #tpu.memory_space<hbm>>
          tpu.enqueue_dma source(%dma_start3A_249 : memref<128xi32, #tpu.memory_space<hbm>>) target(%arg13 : memref<128xi32, #tpu.memory_space<vmem>>) target_semaphore(%arg21 : memref<!tpu.dma_semaphore, #tpu.memory_space<semaphore_mem>>)
        } else {
        }
        %mul3A_139 = arith.constant 2 : i32
        %mul3A_140 = arith.muli %add3A_59, %mul3A_139 : i32
        %add3A_141 = arith.constant 1 : i32
        %add3A_142 = arith.addi %mul3A_140, %add3A_141 : i32
        %dma_wait3A_143 = arith.constant 0 : i32
        %dma_wait3A_144 = arith.constant 0 : i32
        %dma_wait3A_145 = tpu.memref_slice %arg3[%dma_wait3A_143, %dma_wait3A_144] : memref<10000x128xf32, #tpu.memory_space<hbm>> -> memref<128x128xf32, #tpu.memory_space<hbm>>
        %dma_wait3A_146 = arith.constant 0 : i32
        %dma_wait3A_147 = arith.constant 0 : i32
        %dma_wait3A_148 = tpu.memref_slice %arg3[%dma_wait3A_146, %dma_wait3A_147] : memref<10000x128xf32, #tpu.memory_space<hbm>> -> memref<128x128xf32, #tpu.memory_space<hbm>>
        tpu.wait_dma2 semaphore(%arg18 : memref<!tpu.dma_semaphore, #tpu.memory_space<semaphore_mem>>) src(%dma_wait3A_148 : memref<128x128xf32, #tpu.memory_space<hbm>>) dst(%arg16 : memref<128x128xf32, #tpu.memory_space<vmem>>)
        %get3A_149 = arith.index_cast %add3A_142 : i32 to index
        %get3A_150 = arith.constant 0 : index
        %get3A_151 = tpu.vector_load %arg10[%get3A_149, %get3A_150] {strides = array<i32>} : memref<80x128xi32, #tpu.memory_space<vmem>>, vector<1x16xi32>,
        %get3A_152 = vector.shape_cast %get3A_151 : vector<1x16xi32> to vector<16xi32>
        %swap3A_153 = arith.constant 0 : index
        %swap3A_154 = tpu.vector_load %arg12[%swap3A_153] {strides = array<i32>} : memref<128xi32, #tpu.memory_space<vmem>>, vector<16xi32>,
        %swap3A_155 = vector.shape_cast %swap3A_154 : vector<16xi32> to vector<16xi32>
        %swap3A_156 = vector.shape_cast %get3A_152 : vector<16xi32> to vector<16xi32>
        tpu.vector_store %arg12[%swap3A_153], %swap3A_156 {strides = array<i32>} : memref<128xi32, #tpu.memory_space<vmem>>, vector<16xi32>,
        %get3A_157 = arith.index_cast %add3A_142 : i32 to index
        %get3A_158 = arith.constant 16 : index
        %get3A_159 = tpu.vector_load %arg10[%get3A_157, %get3A_158] {strides = array<i32>} : memref<80x128xi32, #tpu.memory_space<vmem>>, vector<1x16xi32>,
        %get3A_160 = vector.shape_cast %get3A_159 : vector<1x16xi32> to vector<16xi32>
        %swap3A_161 = arith.constant 16 : index
        %swap3A_162 = tpu.vector_load %arg12[%swap3A_161] {strides = array<i32>} : memref<128xi32, #tpu.memory_space<vmem>>, vector<16xi32>,
        %swap3A_163 = vector.shape_cast %swap3A_162 : vector<16xi32> to vector<16xi32>
        %swap3A_164 = vector.shape_cast %get3A_160 : vector<16xi32> to vector<16xi32>
        tpu.vector_store %arg12[%swap3A_161], %swap3A_164 {strides = array<i32>} : memref<128xi32, #tpu.memory_space<vmem>>, vector<16xi32>,
        %get3A_165 = arith.index_cast %add3A_142 : i32 to index
        %get3A_166 = arith.constant 32 : index
        %get3A_167 = tpu.vector_load %arg10[%get3A_165, %get3A_166] {strides = array<i32>} : memref<80x128xi32, #tpu.memory_space<vmem>>, vector<1x16xi32>,
        %get3A_168 = vector.shape_cast %get3A_167 : vector<1x16xi32> to vector<16xi32>
        %swap3A_169 = arith.constant 32 : index
        %swap3A_170 = tpu.vector_load %arg12[%swap3A_169] {strides = array<i32>} : memref<128xi32, #tpu.memory_space<vmem>>, vector<16xi32>,
        %swap3A_171 = vector.shape_cast %swap3A_170 : vector<16xi32> to vector<16xi32>
        %swap3A_172 = vector.shape_cast %get3A_168 : vector<16xi32> to vector<16xi32>
        tpu.vector_store %arg12[%swap3A_169], %swap3A_172 {strides = array<i32>} : memref<128xi32, #tpu.memory_space<vmem>>, vector<16xi32>,
        %get3A_173 = arith.index_cast %add3A_142 : i32 to index
        %get3A_174 = arith.constant 48 : index
        %get3A_175 = tpu.vector_load %arg10[%get3A_173, %get3A_174] {strides = array<i32>} : memref<80x128xi32, #tpu.memory_space<vmem>>, vector<1x16xi32>,
        %get3A_176 = vector.shape_cast %get3A_175 : vector<1x16xi32> to vector<16xi32>
        %swap3A_177 = arith.constant 48 : index
        %swap3A_178 = tpu.vector_load %arg12[%swap3A_177] {strides = array<i32>} : memref<128xi32, #tpu.memory_space<vmem>>, vector<16xi32>,
        %swap3A_179 = vector.shape_cast %swap3A_178 : vector<16xi32> to vector<16xi32>
        %swap3A_180 = vector.shape_cast %get3A_176 : vector<16xi32> to vector<16xi32>
        tpu.vector_store %arg12[%swap3A_177], %swap3A_180 {strides = array<i32>} : memref<128xi32, #tpu.memory_space<vmem>>, vector<16xi32>,
        %get3A_181 = arith.index_cast %add3A_142 : i32 to index
        %get3A_182 = arith.constant 64 : index
        %get3A_183 = tpu.vector_load %arg10[%get3A_181, %get3A_182] {strides = array<i32>} : memref<80x128xi32, #tpu.memory_space<vmem>>, vector<1x16xi32>,
        %get3A_184 = vector.shape_cast %get3A_183 : vector<1x16xi32> to vector<16xi32>
        %swap3A_185 = arith.constant 64 : index
        %swap3A_186 = tpu.vector_load %arg12[%swap3A_185] {strides = array<i32>} : memref<128xi32, #tpu.memory_space<vmem>>, vector<16xi32>,
        %swap3A_187 = vector.shape_cast %swap3A_186 : vector<16xi32> to vector<16xi32>
        %swap3A_188 = vector.shape_cast %get3A_184 : vector<16xi32> to vector<16xi32>
        tpu.vector_store %arg12[%swap3A_185], %swap3A_188 {strides = array<i32>} : memref<128xi32, #tpu.memory_space<vmem>>, vector<16xi32>,
        %get3A_189 = arith.index_cast %add3A_142 : i32 to index
        %get3A_190 = arith.constant 80 : index
        %get3A_191 = tpu.vector_load %arg10[%get3A_189, %get3A_190] {strides = array<i32>} : memref<80x128xi32, #tpu.memory_space<vmem>>, vector<1x16xi32>,
        %get3A_192 = vector.shape_cast %get3A_191 : vector<1x16xi32> to vector<16xi32>
        %swap3A_193 = arith.constant 80 : index
        %swap3A_194 = tpu.vector_load %arg12[%swap3A_193] {strides = array<i32>} : memref<128xi32, #tpu.memory_space<vmem>>, vector<16xi32>,
        %swap3A_195 = vector.shape_cast %swap3A_194 : vector<16xi32> to vector<16xi32>
        %swap3A_196 = vector.shape_cast %get3A_192 : vector<16xi32> to vector<16xi32>
        tpu.vector_store %arg12[%swap3A_193], %swap3A_196 {strides = array<i32>} : memref<128xi32, #tpu.memory_space<vmem>>, vector<16xi32>,
        %get3A_197 = arith.index_cast %add3A_142 : i32 to index
        %get3A_198 = arith.constant 96 : index
        %get3A_199 = tpu.vector_load %arg10[%get3A_197, %get3A_198] {strides = array<i32>} : memref<80x128xi32, #tpu.memory_space<vmem>>, vector<1x16xi32>,
        %get3A_200 = vector.shape_cast %get3A_199 : vector<1x16xi32> to vector<16xi32>
        %swap3A_201 = arith.constant 96 : index
        %swap3A_202 = tpu.vector_load %arg12[%swap3A_201] {strides = array<i32>} : memref<128xi32, #tpu.memory_space<vmem>>, vector<16xi32>,
        %swap3A_203 = vector.shape_cast %swap3A_202 : vector<16xi32> to vector<16xi32>
        %swap3A_204 = vector.shape_cast %get3A_200 : vector<16xi32> to vector<16xi32>
        tpu.vector_store %arg12[%swap3A_201], %swap3A_204 {strides = array<i32>} : memref<128xi32, #tpu.memory_space<vmem>>, vector<16xi32>,
        %get3A_205 = arith.index_cast %add3A_142 : i32 to index
        %get3A_206 = arith.constant 112 : index
        %get3A_207 = tpu.vector_load %arg10[%get3A_205, %get3A_206] {strides = array<i32>} : memref<80x128xi32, #tpu.memory_space<vmem>>, vector<1x16xi32>,
        %get3A_208 = vector.shape_cast %get3A_207 : vector<1x16xi32> to vector<16xi32>
        %swap3A_209 = arith.constant 112 : index
        %swap3A_210 = tpu.vector_load %arg12[%swap3A_209] {strides = array<i32>} : memref<128xi32, #tpu.memory_space<vmem>>, vector<16xi32>,
        %swap3A_211 = vector.shape_cast %swap3A_210 : vector<16xi32> to vector<16xi32>
        %swap3A_212 = vector.shape_cast %get3A_208 : vector<16xi32> to vector<16xi32>
        tpu.vector_store %arg12[%swap3A_209], %swap3A_212 {strides = array<i32>} : memref<128xi32, #tpu.memory_space<vmem>>, vector<16xi32>,
        %dma_start3A_213 = arith.constant 0 : i32
        %dma_start3A_214 = arith.constant 0 : i32
        %dma_start3A_215 = tpu.memref_slice %arg9[%dma_start3A_213, %dma_start3A_214] : memref<10240x128xf32, #tpu.memory_space<vmem_shared>> -> memref<10240x128xf32, #tpu.memory_space<vmem_shared>>
        tpu.enqueue_indirect_dma source(%arg16 : memref<128x128xf32, #tpu.memory_space<vmem>>) target(%dma_start3A_215 : memref<10240x128xf32, #tpu.memory_space<vmem_shared>>) offsets(%arg12 : memref<128xi32, #tpu.memory_space<vmem>>) semaphore(%arg20 : memref<!tpu.dma_semaphore, #tpu.memory_space<semaphore_mem>>) {add = true}
        %lt3A_216 = arith.constant 39 : i32
        %lt3A_217 = arith.cmpi slt, %add3A_59, %lt3A_216 : i32
        %convert_element_type3A_218 = arith.extui %lt3A_217 : i1 to i32
        %cond3A_219 = arith.constant 0 : i32
        %cond3A_220 = arith.cmpi ne, %convert_element_type3A_218, %cond3A_219 : i32
        scf.if %cond3A_220 {
          %add3A_243 = arith.constant 2 : i32
          %add3A_244 = arith.addi %add3A_142, %add3A_243 : i32
          %mul3A_245 = arith.constant 128 : i32
          %mul3A_246 = arith.muli %add3A_244, %mul3A_245 : i32
          %add3A_247 = arith.addi %mul3A_2, %mul3A_246 : i32
          %dma_start3A_248 = tpu.memref_slice %arg4[%add3A_247] : memref<163840xi32, #tpu.memory_space<hbm>> -> memref<128xi32, #tpu.memory_space<hbm>>
          %dma_start3A_249 = tpu.memref_slice %arg4[%add3A_247] : memref<163840xi32, #tpu.memory_space<hbm>> -> memref<128xi32, #tpu.memory_space<hbm>>
          tpu.enqueue_dma source(%dma_start3A_249 : memref<128xi32, #tpu.memory_space<hbm>>) target(%arg14 : memref<128xi32, #tpu.memory_space<vmem>>) target_semaphore(%arg22 : memref<!tpu.dma_semaphore, #tpu.memory_space<semaphore_mem>>)
        } else {
        }
        %dma_wait3A_221 = arith.constant 0 : i32
        %dma_wait3A_222 = arith.constant 0 : i32
        %dma_wait3A_223 = tpu.memref_slice %arg9[%dma_wait3A_221, %dma_wait3A_222] : memref<10240x128xf32, #tpu.memory_space<vmem_shared>> -> memref<128x128xf32, #tpu.memory_space<vmem_shared>>
        %dma_wait3A_224 = arith.constant 0 : i32
        %dma_wait3A_225 = arith.constant 0 : i32
        %dma_wait3A_226 = tpu.memref_slice %arg9[%dma_wait3A_224, %dma_wait3A_225] : memref<10240x128xf32, #tpu.memory_space<vmem_shared>> -> memref<128x128xf32, #tpu.memory_space<vmem_shared>>
        tpu.wait_dma2 semaphore(%arg19 : memref<!tpu.dma_semaphore, #tpu.memory_space<semaphore_mem>>) src(%arg15 : memref<128x128xf32, #tpu.memory_space<vmem>>) dst(%dma_wait3A_226 : memref<128x128xf32, #tpu.memory_space<vmem_shared>>)
        %lt3A_227 = arith.constant 39 : i32
        %lt3A_228 = arith.cmpi slt, %add3A_59, %lt3A_227 : i32
        %convert_element_type3A_229 = arith.extui %lt3A_228 : i1 to i32
        %cond3A_230 = arith.constant 0 : i32
        %cond3A_231 = arith.cmpi ne, %convert_element_type3A_229, %cond3A_230 : i32
        scf.if %cond3A_231 {
          %dma_wait3A_243 = arith.constant 0 : i32
          %dma_wait3A_244 = tpu.memref_slice %arg4[%dma_wait3A_243] : memref<163840xi32, #tpu.memory_space<hbm>> -> memref<128xi32, #tpu.memory_space<hbm>>
          %dma_wait3A_245 = arith.constant 0 : i32
          %dma_wait3A_246 = tpu.memref_slice %arg4[%dma_wait3A_245] : memref<163840xi32, #tpu.memory_space<hbm>> -> memref<128xi32, #tpu.memory_space<hbm>>
          tpu.wait_dma2 semaphore(%arg21 : memref<!tpu.dma_semaphore, #tpu.memory_space<semaphore_mem>>) src(%dma_wait3A_246 : memref<128xi32, #tpu.memory_space<hbm>>) dst(%arg13 : memref<128xi32, #tpu.memory_space<vmem>>)
          %dma_start3A_247 = arith.constant 0 : i32
          %dma_start3A_248 = arith.constant 0 : i32
          %dma_start3A_249 = tpu.memref_slice %arg3[%dma_start3A_247, %dma_start3A_248] : memref<10000x128xf32, #tpu.memory_space<hbm>> -> memref<10000x128xf32, #tpu.memory_space<hbm>>
          tpu.enqueue_indirect_dma source(%dma_start3A_249 : memref<10000x128xf32, #tpu.memory_space<hbm>>) target(%arg15 : memref<128x128xf32, #tpu.memory_space<vmem>>) offsets(%arg13 : memref<128xi32, #tpu.memory_space<vmem>>) semaphore(%arg17 : memref<!tpu.dma_semaphore, #tpu.memory_space<semaphore_mem>>)
        } else {
        }
        %dma_wait3A_232 = arith.constant 0 : i32
        %dma_wait3A_233 = arith.constant 0 : i32
        %dma_wait3A_234 = tpu.memref_slice %arg9[%dma_wait3A_232, %dma_wait3A_233] : memref<10240x128xf32, #tpu.memory_space<vmem_shared>> -> memref<128x128xf32, #tpu.memory_space<vmem_shared>>
        %dma_wait3A_235 = arith.constant 0 : i32
        %dma_wait3A_236 = arith.constant 0 : i32
        %dma_wait3A_237 = tpu.memref_slice %arg9[%dma_wait3A_235, %dma_wait3A_236] : memref<10240x128xf32, #tpu.memory_space<vmem_shared>> -> memref<128x128xf32, #tpu.memory_space<vmem_shared>>
        tpu.wait_dma2 semaphore(%arg20 : memref<!tpu.dma_semaphore, #tpu.memory_space<semaphore_mem>>) src(%arg16 : memref<128x128xf32, #tpu.memory_space<vmem>>) dst(%dma_wait3A_237 : memref<128x128xf32, #tpu.memory_space<vmem_shared>>)
        %lt3A_238 = arith.constant 39 : i32
        %lt3A_239 = arith.cmpi slt, %add3A_59, %lt3A_238 : i32
        %convert_element_type3A_240 = arith.extui %lt3A_239 : i1 to i32
        %cond3A_241 = arith.constant 0 : i32
        %cond3A_242 = arith.cmpi ne, %convert_element_type3A_240, %cond3A_241 : i32
        scf.if %cond3A_242 {
          %dma_wait3A_243 = arith.constant 0 : i32
          %dma_wait3A_244 = tpu.memref_slice %arg4[%dma_wait3A_243] : memref<163840xi32, #tpu.memory_space<hbm>> -> memref<128xi32, #tpu.memory_space<hbm>>
          %dma_wait3A_245 = arith.constant 0 : i32
          %dma_wait3A_246 = tpu.memref_slice %arg4[%dma_wait3A_245] : memref<163840xi32, #tpu.memory_space<hbm>> -> memref<128xi32, #tpu.memory_space<hbm>>
          tpu.wait_dma2 semaphore(%arg22 : memref<!tpu.dma_semaphore, #tpu.memory_space<semaphore_mem>>) src(%dma_wait3A_246 : memref<128xi32, #tpu.memory_space<hbm>>) dst(%arg14 : memref<128xi32, #tpu.memory_space<vmem>>)
          %dma_start3A_247 = arith.constant 0 : i32
          %dma_start3A_248 = arith.constant 0 : i32
          %dma_start3A_249 = tpu.memref_slice %arg3[%dma_start3A_247, %dma_start3A_248] : memref<10000x128xf32, #tpu.memory_space<hbm>> -> memref<10000x128xf32, #tpu.memory_space<hbm>>
          tpu.enqueue_indirect_dma source(%dma_start3A_249 : memref<10000x128xf32, #tpu.memory_space<hbm>>) target(%arg16 : memref<128x128xf32, #tpu.memory_space<vmem>>) offsets(%arg14 : memref<128xi32, #tpu.memory_space<vmem>>) semaphore(%arg18 : memref<!tpu.dma_semaphore, #tpu.memory_space<semaphore_mem>>)
        } else {
        }
      }
      %while3A_56 = arith.constant 1 : i32
      scf.for %while3A_57 = %while3A_54 to %while3A_50 step %while3A_56  : i32 {
        %mul3A_58 = arith.muli %while3A_57, %while3A : i32
        %add3A_59 = arith.addi %while3A_47, %mul3A_58 : i32
        %mul3A_60 = arith.constant 2 : i32
        %mul3A_61 = arith.muli %add3A_59, %mul3A_60 : i32
        %add3A_62 = arith.constant 0 : i32
        %add3A_63 = arith.addi %mul3A_61, %add3A_62 : i32
        %dma_wait3A_64 = arith.constant 0 : i32
        %dma_wait3A_65 = arith.constant 0 : i32
        %dma_wait3A_66 = tpu.memref_slice %arg3[%dma_wait3A_64, %dma_wait3A_65] : memref<10000x128xf32, #tpu.memory_space<hbm>> -> memref<128x128xf32, #tpu.memory_space<hbm>>
        %dma_wait3A_67 = arith.constant 0 : i32
        %dma_wait3A_68 = arith.constant 0 : i32
        %dma_wait3A_69 = tpu.memref_slice %arg3[%dma_wait3A_67, %dma_wait3A_68] : memref<10000x128xf32, #tpu.memory_space<hbm>> -> memref<128x128xf32, #tpu.memory_space<hbm>>
        tpu.wait_dma2 semaphore(%arg17 : memref<!tpu.dma_semaphore, #tpu.memory_space<semaphore_mem>>) src(%dma_wait3A_69 : memref<128x128xf32, #tpu.memory_space<hbm>>) dst(%arg15 : memref<128x128xf32, #tpu.memory_space<vmem>>)
        %get3A = arith.index_cast %add3A_63 : i32 to index
        %get3A_70 = arith.constant 0 : index
        %get3A_71 = tpu.vector_load %arg10[%get3A, %get3A_70] {strides = array<i32>} : memref<80x128xi32, #tpu.memory_space<vmem>>, vector<1x16xi32>,
        %get3A_72 = vector.shape_cast %get3A_71 : vector<1x16xi32> to vector<16xi32>
        %swap3A = arith.constant 0 : index
        %swap3A_73 = tpu.vector_load %arg11[%swap3A] {strides = array<i32>} : memref<128xi32, #tpu.memory_space<vmem>>, vector<16xi32>,
        %swap3A_74 = vector.shape_cast %swap3A_73 : vector<16xi32> to vector<16xi32>
        %swap3A_75 = vector.shape_cast %get3A_72 : vector<16xi32> to vector<16xi32>
        tpu.vector_store %arg11[%swap3A], %swap3A_75 {strides = array<i32>} : memref<128xi32, #tpu.memory_space<vmem>>, vector<16xi32>,
        %get3A_76 = arith.index_cast %add3A_63 : i32 to index
        %get3A_77 = arith.constant 16 : index
        %get3A_78 = tpu.vector_load %arg10[%get3A_76, %get3A_77] {strides = array<i32>} : memref<80x128xi32, #tpu.memory_space<vmem>>, vector<1x16xi32>,
        %get3A_79 = vector.shape_cast %get3A_78 : vector<1x16xi32> to vector<16xi32>
        %swap3A_80 = arith.constant 16 : index
        %swap3A_81 = tpu.vector_load %arg11[%swap3A_80] {strides = array<i32>} : memref<128xi32, #tpu.memory_space<vmem>>, vector<16xi32>,
        %swap3A_82 = vector.shape_cast %swap3A_81 : vector<16xi32> to vector<16xi32>
        %swap3A_83 = vector.shape_cast %get3A_79 : vector<16xi32> to vector<16xi32>
        tpu.vector_store %arg11[%swap3A_80], %swap3A_83 {strides = array<i32>} : memref<128xi32, #tpu.memory_space<vmem>>, vector<16xi32>,
        %get3A_84 = arith.index_cast %add3A_63 : i32 to index
        %get3A_85 = arith.constant 32 : index
        %get3A_86 = tpu.vector_load %arg10[%get3A_84, %get3A_85] {strides = array<i32>} : memref<80x128xi32, #tpu.memory_space<vmem>>, vector<1x16xi32>,
        %get3A_87 = vector.shape_cast %get3A_86 : vector<1x16xi32> to vector<16xi32>
        %swap3A_88 = arith.constant 32 : index
        %swap3A_89 = tpu.vector_load %arg11[%swap3A_88] {strides = array<i32>} : memref<128xi32, #tpu.memory_space<vmem>>, vector<16xi32>,
        %swap3A_90 = vector.shape_cast %swap3A_89 : vector<16xi32> to vector<16xi32>
        %swap3A_91 = vector.shape_cast %get3A_87 : vector<16xi32> to vector<16xi32>
        tpu.vector_store %arg11[%swap3A_88], %swap3A_91 {strides = array<i32>} : memref<128xi32, #tpu.memory_space<vmem>>, vector<16xi32>,
        %get3A_92 = arith.index_cast %add3A_63 : i32 to index
        %get3A_93 = arith.constant 48 : index
        %get3A_94 = tpu.vector_load %arg10[%get3A_92, %get3A_93] {strides = array<i32>} : memref<80x128xi32, #tpu.memory_space<vmem>>, vector<1x16xi32>,
        %get3A_95 = vector.shape_cast %get3A_94 : vector<1x16xi32> to vector<16xi32>
        %swap3A_96 = arith.constant 48 : index
        %swap3A_97 = tpu.vector_load %arg11[%swap3A_96] {strides = array<i32>} : memref<128xi32, #tpu.memory_space<vmem>>, vector<16xi32>,
        %swap3A_98 = vector.shape_cast %swap3A_97 : vector<16xi32> to vector<16xi32>
        %swap3A_99 = vector.shape_cast %get3A_95 : vector<16xi32> to vector<16xi32>
        tpu.vector_store %arg11[%swap3A_96], %swap3A_99 {strides = array<i32>} : memref<128xi32, #tpu.memory_space<vmem>>, vector<16xi32>,
        %get3A_100 = arith.index_cast %add3A_63 : i32 to index
        %get3A_101 = arith.constant 64 : index
        %get3A_102 = tpu.vector_load %arg10[%get3A_100, %get3A_101] {strides = array<i32>} : memref<80x128xi32, #tpu.memory_space<vmem>>, vector<1x16xi32>,
        %get3A_103 = vector.shape_cast %get3A_102 : vector<1x16xi32> to vector<16xi32>
        %swap3A_104 = arith.constant 64 : index
        %swap3A_105 = tpu.vector_load %arg11[%swap3A_104] {strides = array<i32>} : memref<128xi32, #tpu.memory_space<vmem>>, vector<16xi32>,
        %swap3A_106 = vector.shape_cast %swap3A_105 : vector<16xi32> to vector<16xi32>
        %swap3A_107 = vector.shape_cast %get3A_103 : vector<16xi32> to vector<16xi32>
        tpu.vector_store %arg11[%swap3A_104], %swap3A_107 {strides = array<i32>} : memref<128xi32, #tpu.memory_space<vmem>>, vector<16xi32>,
        %get3A_108 = arith.index_cast %add3A_63 : i32 to index
        %get3A_109 = arith.constant 80 : index
        %get3A_110 = tpu.vector_load %arg10[%get3A_108, %get3A_109] {strides = array<i32>} : memref<80x128xi32, #tpu.memory_space<vmem>>, vector<1x16xi32>,
        %get3A_111 = vector.shape_cast %get3A_110 : vector<1x16xi32> to vector<16xi32>
        %swap3A_112 = arith.constant 80 : index
        %swap3A_113 = tpu.vector_load %arg11[%swap3A_112] {strides = array<i32>} : memref<128xi32, #tpu.memory_space<vmem>>, vector<16xi32>,
        %swap3A_114 = vector.shape_cast %swap3A_113 : vector<16xi32> to vector<16xi32>
        %swap3A_115 = vector.shape_cast %get3A_111 : vector<16xi32> to vector<16xi32>
        tpu.vector_store %arg11[%swap3A_112], %swap3A_115 {strides = array<i32>} : memref<128xi32, #tpu.memory_space<vmem>>, vector<16xi32>,
        %get3A_116 = arith.index_cast %add3A_63 : i32 to index
        %get3A_117 = arith.constant 96 : index
        %get3A_118 = tpu.vector_load %arg10[%get3A_116, %get3A_117] {strides = array<i32>} : memref<80x128xi32, #tpu.memory_space<vmem>>, vector<1x16xi32>,
        %get3A_119 = vector.shape_cast %get3A_118 : vector<1x16xi32> to vector<16xi32>
        %swap3A_120 = arith.constant 96 : index
        %swap3A_121 = tpu.vector_load %arg11[%swap3A_120] {strides = array<i32>} : memref<128xi32, #tpu.memory_space<vmem>>, vector<16xi32>,
        %swap3A_122 = vector.shape_cast %swap3A_121 : vector<16xi32> to vector<16xi32>
        %swap3A_123 = vector.shape_cast %get3A_119 : vector<16xi32> to vector<16xi32>
        tpu.vector_store %arg11[%swap3A_120], %swap3A_123 {strides = array<i32>} : memref<128xi32, #tpu.memory_space<vmem>>, vector<16xi32>,
        %get3A_124 = arith.index_cast %add3A_63 : i32 to index
        %get3A_125 = arith.constant 112 : index
        %get3A_126 = tpu.vector_load %arg10[%get3A_124, %get3A_125] {strides = array<i32>} : memref<80x128xi32, #tpu.memory_space<vmem>>, vector<1x16xi32>,
        %get3A_127 = vector.shape_cast %get3A_126 : vector<1x16xi32> to vector<16xi32>
        %swap3A_128 = arith.constant 112 : index
        %swap3A_129 = tpu.vector_load %arg11[%swap3A_128] {strides = array<i32>} : memref<128xi32, #tpu.memory_space<vmem>>, vector<16xi32>,
        %swap3A_130 = vector.shape_cast %swap3A_129 : vector<16xi32> to vector<16xi32>
        %swap3A_131 = vector.shape_cast %get3A_127 : vector<16xi32> to vector<16xi32>
        tpu.vector_store %arg11[%swap3A_128], %swap3A_131 {strides = array<i32>} : memref<128xi32, #tpu.memory_space<vmem>>, vector<16xi32>,
        %dma_start3A_132 = arith.constant 0 : i32
        %dma_start3A_133 = arith.constant 0 : i32
        %dma_start3A_134 = tpu.memref_slice %arg9[%dma_start3A_132, %dma_start3A_133] : memref<10240x128xf32, #tpu.memory_space<vmem_shared>> -> memref<10240x128xf32, #tpu.memory_space<vmem_shared>>
        tpu.enqueue_indirect_dma source(%arg15 : memref<128x128xf32, #tpu.memory_space<vmem>>) target(%dma_start3A_134 : memref<10240x128xf32, #tpu.memory_space<vmem_shared>>) offsets(%arg11 : memref<128xi32, #tpu.memory_space<vmem>>) semaphore(%arg19 : memref<!tpu.dma_semaphore, #tpu.memory_space<semaphore_mem>>) {add = true}
        %lt3A = arith.constant 39 : i32
        %lt3A_135 = arith.cmpi slt, %add3A_59, %lt3A : i32
        %convert_element_type3A_136 = arith.extui %lt3A_135 : i1 to i32
        %cond3A_137 = arith.constant 0 : i32
        %cond3A_138 = arith.cmpi ne, %convert_element_type3A_136, %cond3A_137 : i32
        scf.if %cond3A_138 {
          %add3A_243 = arith.constant 2 : i32
          %add3A_244 = arith.addi %add3A_63, %add3A_243 : i32
          %mul3A_245 = arith.constant 128 : i32
          %mul3A_246 = arith.muli %add3A_244, %mul3A_245 : i32
          %add3A_247 = arith.addi %mul3A_2, %mul3A_246 : i32
          %dma_start3A_248 = tpu.memref_slice %arg4[%add3A_247] : memref<163840xi32, #tpu.memory_space<hbm>> -> memref<128xi32, #tpu.memory_space<hbm>>
          %dma_start3A_249 = tpu.memref_slice %arg4[%add3A_247] : memref<163840xi32, #tpu.memory_space<hbm>> -> memref<128xi32, #tpu.memory_space<hbm>>
          tpu.enqueue_dma source(%dma_start3A_249 : memref<128xi32, #tpu.memory_space<hbm>>) target(%arg13 : memref<128xi32, #tpu.memory_space<vmem>>) target_semaphore(%arg21 : memref<!tpu.dma_semaphore, #tpu.memory_space<semaphore_mem>>)
        } else {
        }
        %mul3A_139 = arith.constant 2 : i32
        %mul3A_140 = arith.muli %add3A_59, %mul3A_139 : i32
        %add3A_141 = arith.constant 1 : i32
        %add3A_142 = arith.addi %mul3A_140, %add3A_141 : i32
        %dma_wait3A_143 = arith.constant 0 : i32
        %dma_wait3A_144 = arith.constant 0 : i32
        %dma_wait3A_145 = tpu.memref_slice %arg3[%dma_wait3A_143, %dma_wait3A_144] : memref<10000x128xf32, #tpu.memory_space<hbm>> -> memref<128x128xf32, #tpu.memory_space<hbm>>
        %dma_wait3A_146 = arith.constant 0 : i32
        %dma_wait3A_147 = arith.constant 0 : i32
        %dma_wait3A_148 = tpu.memref_slice %arg3[%dma_wait3A_146, %dma_wait3A_147] : memref<10000x128xf32, #tpu.memory_space<hbm>> -> memref<128x128xf32, #tpu.memory_space<hbm>>
        tpu.wait_dma2 semaphore(%arg18 : memref<!tpu.dma_semaphore, #tpu.memory_space<semaphore_mem>>) src(%dma_wait3A_148 : memref<128x128xf32, #tpu.memory_space<hbm>>) dst(%arg16 : memref<128x128xf32, #tpu.memory_space<vmem>>)
        %get3A_149 = arith.index_cast %add3A_142 : i32 to index
        %get3A_150 = arith.constant 0 : index
        %get3A_151 = tpu.vector_load %arg10[%get3A_149, %get3A_150] {strides = array<i32>} : memref<80x128xi32, #tpu.memory_space<vmem>>, vector<1x16xi32>,
        %get3A_152 = vector.shape_cast %get3A_151 : vector<1x16xi32> to vector<16xi32>
        %swap3A_153 = arith.constant 0 : index
        %swap3A_154 = tpu.vector_load %arg12[%swap3A_153] {strides = array<i32>} : memref<128xi32, #tpu.memory_space<vmem>>, vector<16xi32>,
        %swap3A_155 = vector.shape_cast %swap3A_154 : vector<16xi32> to vector<16xi32>
        %swap3A_156 = vector.shape_cast %get3A_152 : vector<16xi32> to vector<16xi32>
        tpu.vector_store %arg12[%swap3A_153], %swap3A_156 {strides = array<i32>} : memref<128xi32, #tpu.memory_space<vmem>>, vector<16xi32>,
        %get3A_157 = arith.index_cast %add3A_142 : i32 to index
        %get3A_158 = arith.constant 16 : index
        %get3A_159 = tpu.vector_load %arg10[%get3A_157, %get3A_158] {strides = array<i32>} : memref<80x128xi32, #tpu.memory_space<vmem>>, vector<1x16xi32>,
        %get3A_160 = vector.shape_cast %get3A_159 : vector<1x16xi32> to vector<16xi32>
        %swap3A_161 = arith.constant 16 : index
        %swap3A_162 = tpu.vector_load %arg12[%swap3A_161] {strides = array<i32>} : memref<128xi32, #tpu.memory_space<vmem>>, vector<16xi32>,
        %swap3A_163 = vector.shape_cast %swap3A_162 : vector<16xi32> to vector<16xi32>
        %swap3A_164 = vector.shape_cast %get3A_160 : vector<16xi32> to vector<16xi32>
        tpu.vector_store %arg12[%swap3A_161], %swap3A_164 {strides = array<i32>} : memref<128xi32, #tpu.memory_space<vmem>>, vector<16xi32>,
        %get3A_165 = arith.index_cast %add3A_142 : i32 to index
        %get3A_166 = arith.constant 32 : index
        %get3A_167 = tpu.vector_load %arg10[%get3A_165, %get3A_166] {strides = array<i32>} : memref<80x128xi32, #tpu.memory_space<vmem>>, vector<1x16xi32>,
        %get3A_168 = vector.shape_cast %get3A_167 : vector<1x16xi32> to vector<16xi32>
        %swap3A_169 = arith.constant 32 : index
        %swap3A_170 = tpu.vector_load %arg12[%swap3A_169] {strides = array<i32>} : memref<128xi32, #tpu.memory_space<vmem>>, vector<16xi32>,
        %swap3A_171 = vector.shape_cast %swap3A_170 : vector<16xi32> to vector<16xi32>
        %swap3A_172 = vector.shape_cast %get3A_168 : vector<16xi32> to vector<16xi32>
        tpu.vector_store %arg12[%swap3A_169], %swap3A_172 {strides = array<i32>} : memref<128xi32, #tpu.memory_space<vmem>>, vector<16xi32>,
        %get3A_173 = arith.index_cast %add3A_142 : i32 to index
        %get3A_174 = arith.constant 48 : index
        %get3A_175 = tpu.vector_load %arg10[%get3A_173, %get3A_174] {strides = array<i32>} : memref<80x128xi32, #tpu.memory_space<vmem>>, vector<1x16xi32>,
        %get3A_176 = vector.shape_cast %get3A_175 : vector<1x16xi32> to vector<16xi32>
        %swap3A_177 = arith.constant 48 : index
        %swap3A_178 = tpu.vector_load %arg12[%swap3A_177] {strides = array<i32>} : memref<128xi32, #tpu.memory_space<vmem>>, vector<16xi32>,
        %swap3A_179 = vector.shape_cast %swap3A_178 : vector<16xi32> to vector<16xi32>
        %swap3A_180 = vector.shape_cast %get3A_176 : vector<16xi32> to vector<16xi32>
        tpu.vector_store %arg12[%swap3A_177], %swap3A_180 {strides = array<i32>} : memref<128xi32, #tpu.memory_space<vmem>>, vector<16xi32>,
        %get3A_181 = arith.index_cast %add3A_142 : i32 to index
        %get3A_182 = arith.constant 64 : index
        %get3A_183 = tpu.vector_load %arg10[%get3A_181, %get3A_182] {strides = array<i32>} : memref<80x128xi32, #tpu.memory_space<vmem>>, vector<1x16xi32>,
        %get3A_184 = vector.shape_cast %get3A_183 : vector<1x16xi32> to vector<16xi32>
        %swap3A_185 = arith.constant 64 : index
        %swap3A_186 = tpu.vector_load %arg12[%swap3A_185] {strides = array<i32>} : memref<128xi32, #tpu.memory_space<vmem>>, vector<16xi32>,
        %swap3A_187 = vector.shape_cast %swap3A_186 : vector<16xi32> to vector<16xi32>
        %swap3A_188 = vector.shape_cast %get3A_184 : vector<16xi32> to vector<16xi32>
        tpu.vector_store %arg12[%swap3A_185], %swap3A_188 {strides = array<i32>} : memref<128xi32, #tpu.memory_space<vmem>>, vector<16xi32>,
        %get3A_189 = arith.index_cast %add3A_142 : i32 to index
        %get3A_190 = arith.constant 80 : index
        %get3A_191 = tpu.vector_load %arg10[%get3A_189, %get3A_190] {strides = array<i32>} : memref<80x128xi32, #tpu.memory_space<vmem>>, vector<1x16xi32>,
        %get3A_192 = vector.shape_cast %get3A_191 : vector<1x16xi32> to vector<16xi32>
        %swap3A_193 = arith.constant 80 : index
        %swap3A_194 = tpu.vector_load %arg12[%swap3A_193] {strides = array<i32>} : memref<128xi32, #tpu.memory_space<vmem>>, vector<16xi32>,
        %swap3A_195 = vector.shape_cast %swap3A_194 : vector<16xi32> to vector<16xi32>
        %swap3A_196 = vector.shape_cast %get3A_192 : vector<16xi32> to vector<16xi32>
        tpu.vector_store %arg12[%swap3A_193], %swap3A_196 {strides = array<i32>} : memref<128xi32, #tpu.memory_space<vmem>>, vector<16xi32>,
        %get3A_197 = arith.index_cast %add3A_142 : i32 to index
        %get3A_198 = arith.constant 96 : index
        %get3A_199 = tpu.vector_load %arg10[%get3A_197, %get3A_198] {strides = array<i32>} : memref<80x128xi32, #tpu.memory_space<vmem>>, vector<1x16xi32>,
        %get3A_200 = vector.shape_cast %get3A_199 : vector<1x16xi32> to vector<16xi32>
        %swap3A_201 = arith.constant 96 : index
        %swap3A_202 = tpu.vector_load %arg12[%swap3A_201] {strides = array<i32>} : memref<128xi32, #tpu.memory_space<vmem>>, vector<16xi32>,
        %swap3A_203 = vector.shape_cast %swap3A_202 : vector<16xi32> to vector<16xi32>
        %swap3A_204 = vector.shape_cast %get3A_200 : vector<16xi32> to vector<16xi32>
        tpu.vector_store %arg12[%swap3A_201], %swap3A_204 {strides = array<i32>} : memref<128xi32, #tpu.memory_space<vmem>>, vector<16xi32>,
        %get3A_205 = arith.index_cast %add3A_142 : i32 to index
        %get3A_206 = arith.constant 112 : index
        %get3A_207 = tpu.vector_load %arg10[%get3A_205, %get3A_206] {strides = array<i32>} : memref<80x128xi32, #tpu.memory_space<vmem>>, vector<1x16xi32>,
        %get3A_208 = vector.shape_cast %get3A_207 : vector<1x16xi32> to vector<16xi32>
        %swap3A_209 = arith.constant 112 : index
        %swap3A_210 = tpu.vector_load %arg12[%swap3A_209] {strides = array<i32>} : memref<128xi32, #tpu.memory_space<vmem>>, vector<16xi32>,
        %swap3A_211 = vector.shape_cast %swap3A_210 : vector<16xi32> to vector<16xi32>
        %swap3A_212 = vector.shape_cast %get3A_208 : vector<16xi32> to vector<16xi32>
        tpu.vector_store %arg12[%swap3A_209], %swap3A_212 {strides = array<i32>} : memref<128xi32, #tpu.memory_space<vmem>>, vector<16xi32>,
        %dma_start3A_213 = arith.constant 0 : i32
        %dma_start3A_214 = arith.constant 0 : i32
        %dma_start3A_215 = tpu.memref_slice %arg9[%dma_start3A_213, %dma_start3A_214] : memref<10240x128xf32, #tpu.memory_space<vmem_shared>> -> memref<10240x128xf32, #tpu.memory_space<vmem_shared>>
        tpu.enqueue_indirect_dma source(%arg16 : memref<128x128xf32, #tpu.memory_space<vmem>>) target(%dma_start3A_215 : memref<10240x128xf32, #tpu.memory_space<vmem_shared>>) offsets(%arg12 : memref<128xi32, #tpu.memory_space<vmem>>) semaphore(%arg20 : memref<!tpu.dma_semaphore, #tpu.memory_space<semaphore_mem>>) {add = true}
        %lt3A_216 = arith.constant 39 : i32
        %lt3A_217 = arith.cmpi slt, %add3A_59, %lt3A_216 : i32
        %convert_element_type3A_218 = arith.extui %lt3A_217 : i1 to i32
        %cond3A_219 = arith.constant 0 : i32
        %cond3A_220 = arith.cmpi ne, %convert_element_type3A_218, %cond3A_219 : i32
        scf.if %cond3A_220 {
          %add3A_243 = arith.constant 2 : i32
          %add3A_244 = arith.addi %add3A_142, %add3A_243 : i32
          %mul3A_245 = arith.constant 128 : i32
          %mul3A_246 = arith.muli %add3A_244, %mul3A_245 : i32
          %add3A_247 = arith.addi %mul3A_2, %mul3A_246 : i32
          %dma_start3A_248 = tpu.memref_slice %arg4[%add3A_247] : memref<163840xi32, #tpu.memory_space<hbm>> -> memref<128xi32, #tpu.memory_space<hbm>>
          %dma_start3A_249 = tpu.memref_slice %arg4[%add3A_247] : memref<163840xi32, #tpu.memory_space<hbm>> -> memref<128xi32, #tpu.memory_space<hbm>>
          tpu.enqueue_dma source(%dma_start3A_249 : memref<128xi32, #tpu.memory_space<hbm>>) target(%arg14 : memref<128xi32, #tpu.memory_space<vmem>>) target_semaphore(%arg22 : memref<!tpu.dma_semaphore, #tpu.memory_space<semaphore_mem>>)
        } else {
        }
        %dma_wait3A_221 = arith.constant 0 : i32
        %dma_wait3A_222 = arith.constant 0 : i32
        %dma_wait3A_223 = tpu.memref_slice %arg9[%dma_wait3A_221, %dma_wait3A_222] : memref<10240x128xf32, #tpu.memory_space<vmem_shared>> -> memref<128x128xf32, #tpu.memory_space<vmem_shared>>
        %dma_wait3A_224 = arith.constant 0 : i32
        %dma_wait3A_225 = arith.constant 0 : i32
        %dma_wait3A_226 = tpu.memref_slice %arg9[%dma_wait3A_224, %dma_wait3A_225] : memref<10240x128xf32, #tpu.memory_space<vmem_shared>> -> memref<128x128xf32, #tpu.memory_space<vmem_shared>>
        tpu.wait_dma2 semaphore(%arg19 : memref<!tpu.dma_semaphore, #tpu.memory_space<semaphore_mem>>) src(%arg15 : memref<128x128xf32, #tpu.memory_space<vmem>>) dst(%dma_wait3A_226 : memref<128x128xf32, #tpu.memory_space<vmem_shared>>)
        %lt3A_227 = arith.constant 39 : i32
        %lt3A_228 = arith.cmpi slt, %add3A_59, %lt3A_227 : i32
        %convert_element_type3A_229 = arith.extui %lt3A_228 : i1 to i32
        %cond3A_230 = arith.constant 0 : i32
        %cond3A_231 = arith.cmpi ne, %convert_element_type3A_229, %cond3A_230 : i32
        scf.if %cond3A_231 {
          %dma_wait3A_243 = arith.constant 0 : i32
          %dma_wait3A_244 = tpu.memref_slice %arg4[%dma_wait3A_243] : memref<163840xi32, #tpu.memory_space<hbm>> -> memref<128xi32, #tpu.memory_space<hbm>>
          %dma_wait3A_245 = arith.constant 0 : i32
          %dma_wait3A_246 = tpu.memref_slice %arg4[%dma_wait3A_245] : memref<163840xi32, #tpu.memory_space<hbm>> -> memref<128xi32, #tpu.memory_space<hbm>>
          tpu.wait_dma2 semaphore(%arg21 : memref<!tpu.dma_semaphore, #tpu.memory_space<semaphore_mem>>) src(%dma_wait3A_246 : memref<128xi32, #tpu.memory_space<hbm>>) dst(%arg13 : memref<128xi32, #tpu.memory_space<vmem>>)
          %dma_start3A_247 = arith.constant 0 : i32
          %dma_start3A_248 = arith.constant 0 : i32
          %dma_start3A_249 = tpu.memref_slice %arg3[%dma_start3A_247, %dma_start3A_248] : memref<10000x128xf32, #tpu.memory_space<hbm>> -> memref<10000x128xf32, #tpu.memory_space<hbm>>
          tpu.enqueue_indirect_dma source(%dma_start3A_249 : memref<10000x128xf32, #tpu.memory_space<hbm>>) target(%arg15 : memref<128x128xf32, #tpu.memory_space<vmem>>) offsets(%arg13 : memref<128xi32, #tpu.memory_space<vmem>>) semaphore(%arg17 : memref<!tpu.dma_semaphore, #tpu.memory_space<semaphore_mem>>)
        } else {
        }
        %dma_wait3A_232 = arith.constant 0 : i32
        %dma_wait3A_233 = arith.constant 0 : i32
        %dma_wait3A_234 = tpu.memref_slice %arg9[%dma_wait3A_232, %dma_wait3A_233] : memref<10240x128xf32, #tpu.memory_space<vmem_shared>> -> memref<128x128xf32, #tpu.memory_space<vmem_shared>>
        %dma_wait3A_235 = arith.constant 0 : i32
        %dma_wait3A_236 = arith.constant 0 : i32
        %dma_wait3A_237 = tpu.memref_slice %arg9[%dma_wait3A_235, %dma_wait3A_236] : memref<10240x128xf32, #tpu.memory_space<vmem_shared>> -> memref<128x128xf32, #tpu.memory_space<vmem_shared>>
        tpu.wait_dma2 semaphore(%arg20 : memref<!tpu.dma_semaphore, #tpu.memory_space<semaphore_mem>>) src(%arg16 : memref<128x128xf32, #tpu.memory_space<vmem>>) dst(%dma_wait3A_237 : memref<128x128xf32, #tpu.memory_space<vmem_shared>>)
        %lt3A_238 = arith.constant 39 : i32
        %lt3A_239 = arith.cmpi slt, %add3A_59, %lt3A_238 : i32
        %convert_element_type3A_240 = arith.extui %lt3A_239 : i1 to i32
        %cond3A_241 = arith.constant 0 : i32
        %cond3A_242 = arith.cmpi ne, %convert_element_type3A_240, %cond3A_241 : i32
        scf.if %cond3A_242 {
          %dma_wait3A_243 = arith.constant 0 : i32
          %dma_wait3A_244 = tpu.memref_slice %arg4[%dma_wait3A_243] : memref<163840xi32, #tpu.memory_space<hbm>> -> memref<128xi32, #tpu.memory_space<hbm>>
          %dma_wait3A_245 = arith.constant 0 : i32
          %dma_wait3A_246 = tpu.memref_slice %arg4[%dma_wait3A_245] : memref<163840xi32, #tpu.memory_space<hbm>> -> memref<128xi32, #tpu.memory_space<hbm>>
          tpu.wait_dma2 semaphore(%arg22 : memref<!tpu.dma_semaphore, #tpu.memory_space<semaphore_mem>>) src(%dma_wait3A_246 : memref<128xi32, #tpu.memory_space<hbm>>) dst(%arg14 : memref<128xi32, #tpu.memory_space<vmem>>)
          %dma_start3A_247 = arith.constant 0 : i32
          %dma_start3A_248 = arith.constant 0 : i32
          %dma_start3A_249 = tpu.memref_slice %arg3[%dma_start3A_247, %dma_start3A_248] : memref<10000x128xf32, #tpu.memory_space<hbm>> -> memref<10000x128xf32, #tpu.memory_space<hbm>>
          tpu.enqueue_indirect_dma source(%dma_start3A_249 : memref<10000x128xf32, #tpu.memory_space<hbm>>) target(%arg16 : memref<128x128xf32, #tpu.memory_space<vmem>>) offsets(%arg14 : memref<128xi32, #tpu.memory_space<vmem>>) semaphore(%arg18 : memref<!tpu.dma_semaphore, #tpu.memory_space<semaphore_mem>>)
        } else {
        }
      }
    } else {
    }
    %barrier3A_10 = arith.constant 0 : index
    tpu.barrier barrier_id(%barrier3A_10)
    %eq3A_11 = arith.constant 0 : i32
    %eq3A_12 = arith.cmpi eq, %arg0, %eq3A_11 : i32
    %convert_element_type3A_13 = arith.extui %eq3A_12 : i1 to i32
    %cond3A_14 = arith.constant 0 : i32
    %cond3A_15 = arith.cmpi ne, %convert_element_type3A_13, %cond3A_14 : i32
    scf.if %cond3A_15 {
      "tpu.region"() ({
        %run_scoped3A = tpu.sem_alloc : memref<!tpu.dma_semaphore, #tpu.memory_space<semaphore_mem>>
        %dma_start3A = arith.constant 0 : i32
        %dma_start3A_21 = tpu.memref_slice %arg7[%mul3A_0, %dma_start3A] : memref<10240x128xf32, #tpu.memory_space<hbm>> -> memref<640x128xf32, #tpu.memory_space<hbm>>
        %dma_start3A_22 = arith.constant 0 : i32
        %dma_start3A_23 = tpu.memref_slice %arg9[%mul3A_0, %dma_start3A_22] : memref<10240x128xf32, #tpu.memory_space<vmem_shared>> -> memref<640x128xf32, #tpu.memory_space<vmem_shared>>
        tpu.enqueue_dma source(%dma_start3A_23 : memref<640x128xf32, #tpu.memory_space<vmem_shared>>) target(%dma_start3A_21 : memref<640x128xf32, #tpu.memory_space<hbm>>) target_semaphore(%run_scoped3A : memref<!tpu.dma_semaphore, #tpu.memory_space<semaphore_mem>>)
        %dma_wait3A = arith.constant 0 : i32
        %dma_wait3A_24 = tpu.memref_slice %arg7[%mul3A_0, %dma_wait3A] : memref<10240x128xf32, #tpu.memory_space<hbm>> -> memref<640x128xf32, #tpu.memory_space<hbm>>
        %dma_wait3A_25 = arith.constant 0 : i32
        %dma_wait3A_26 = tpu.memref_slice %arg9[%mul3A_0, %dma_wait3A_25] : memref<10240x128xf32, #tpu.memory_space<vmem_shared>> -> memref<640x128xf32, #tpu.memory_space<vmem_shared>>
        tpu.wait_dma2 semaphore(%run_scoped3A : memref<!tpu.dma_semaphore, #tpu.memory_space<semaphore_mem>>) src(%dma_wait3A_26 : memref<640x128xf32, #tpu.memory_space<vmem_shared>>) dst(%dma_wait3A_24 : memref<640x128xf32, #tpu.memory_space<hbm>>)
        tpu.yield
      }) : () -> ()
    } else {
    }
    %eq3A_16 = arith.constant 1 : i32
    %eq3A_17 = arith.cmpi eq, %arg0, %eq3A_16 : i32
    %convert_element_type3A_18 = arith.extui %eq3A_17 : i1 to i32
    %cond3A_19 = arith.constant 0 : i32
    %cond3A_20 = arith.cmpi ne, %convert_element_type3A_18, %cond3A_19 : i32
    scf.if %cond3A_20 {
      "tpu.region"() ({
        %run_scoped3A = tpu.sem_alloc : memref<!tpu.dma_semaphore, #tpu.memory_space<semaphore_mem>>
        %dma_start3A = arith.constant 0 : i32
        %dma_start3A_21 = tpu.memref_slice %arg8[%mul3A_0, %dma_start3A] : memref<10240x128xf32, #tpu.memory_space<hbm>> -> memref<640x128xf32, #tpu.memory_space<hbm>>
        %dma_start3A_22 = arith.constant 0 : i32
        %dma_start3A_23 = tpu.memref_slice %arg9[%mul3A_0, %dma_start3A_22] : memref<10240x128xf32, #tpu.memory_space<vmem_shared>> -> memref<640x128xf32, #tpu.memory_space<vmem_shared>>
        tpu.enqueue_dma source(%dma_start3A_23 : memref<640x128xf32, #tpu.memory_space<vmem_shared>>) target(%dma_start3A_21 : memref<640x128xf32, #tpu.memory_space<hbm>>) target_semaphore(%run_scoped3A : memref<!tpu.dma_semaphore, #tpu.memory_space<semaphore_mem>>)
        %dma_wait3A = arith.constant 0 : i32
        %dma_wait3A_24 = tpu.memref_slice %arg8[%mul3A_0, %dma_wait3A] : memref<10240x128xf32, #tpu.memory_space<hbm>> -> memref<640x128xf32, #tpu.memory_space<hbm>>
        %dma_wait3A_25 = arith.constant 0 : i32
        %dma_wait3A_26 = tpu.memref_slice %arg9[%mul3A_0, %dma_wait3A_25] : memref<10240x128xf32, #tpu.memory_space<vmem_shared>> -> memref<640x128xf32, #tpu.memory_space<vmem_shared>>
        tpu.wait_dma2 semaphore(%run_scoped3A : memref<!tpu.dma_semaphore, #tpu.memory_space<semaphore_mem>>) src(%dma_wait3A_26 : memref<640x128xf32, #tpu.memory_space<vmem_shared>>) dst(%dma_wait3A_24 : memref<640x128xf32, #tpu.memory_space<hbm>>)
        tpu.yield
      }) : () -> ()
    } else {
    }
    return
  }
}

module attributes {stable_mosaic.version = 14 : i64} {
  func.func @_t1_body(%arg0: i32, %arg1: memref<1000x256xf32, #tpu.memory_space<vmem>>, %arg2: memref<1000x128xf32, #tpu.memory_space<vmem>>, %arg3: memref<1000x128xf32, #tpu.memory_space<vmem>>, %arg4: memref<1000x128xf32, #tpu.memory_space<vmem>>) attributes {dimension_semantics = [#tpu.dimension_semantics<arbitrary>], iteration_bounds = array<i64: 10>, scalar_prefetch = 0 : i64, scratch_operands = 0 : i64, tpu.core_type = #tpu.core_type<tc>, window_params = [{transform_indices = @transform_0, window_bounds = array<i64: 1000, 256>}, {transform_indices = @transform_1, window_bounds = array<i64: 1000, 128>}, {transform_indices = @transform_2, window_bounds = array<i64: 1000, 128>}, {transform_indices = @transform_3, window_bounds = array<i64: 1000, 128>}]} {
    %get3A = arith.constant 0 : index
    %get3A_0 = arith.constant 0 : index
    %get3A_1 = vector.load %arg2[%get3A, %get3A_0] : memref<1000x128xf32, #tpu.memory_space<vmem>>, vector<1000x1xf32>
    %max3A = arith.constant 1.000000e+00 : f32
    %max3A_2 = vector.broadcast %max3A : f32 to vector<1000x1xf32>
    %max3A_3 = arith.maximumf %get3A_1, %max3A_2 : vector<1000x1xf32>
    %rsqrt3A = math.rsqrt %max3A_3 : vector<1000x1xf32>
    %get3A_4 = arith.constant 0 : index
    %get3A_5 = arith.constant 0 : index
    %get3A_6 = vector.load %arg1[%get3A_4, %get3A_5] : memref<1000x256xf32, #tpu.memory_space<vmem>>, vector<1000x256xf32>
    %slice3A = vector.extract_strided_slice %get3A_6 {offsets = [0, 0], sizes = [1000, 128], strides = [1, 1]} : vector<1000x256xf32> to vector<1000x128xf32>
    %mul3A = vector.broadcast %rsqrt3A : vector<1000x1xf32> to vector<1000x128xf32>
    %mul3A_7 = arith.mulf %slice3A, %mul3A : vector<1000x128xf32>
    %swap3A = arith.constant 0 : index
    %swap3A_8 = arith.constant 0 : index
    %swap3A_9 = vector.load %arg3[%swap3A, %swap3A_8] : memref<1000x128xf32, #tpu.memory_space<vmem>>, vector<1000x128xf32>
    tpu.vector_store %arg3[%swap3A, %swap3A_8], %mul3A_7 {strides = array<i32>} : memref<1000x128xf32, #tpu.memory_space<vmem>>, vector<1000x128xf32>,
    %slice3A_10 = vector.extract_strided_slice %get3A_6 {offsets = [0, 128], sizes = [1000, 128], strides = [1, 1]} : vector<1000x256xf32> to vector<1000x128xf32>
    %mul3A_11 = vector.broadcast %rsqrt3A : vector<1000x1xf32> to vector<1000x128xf32>
    %mul3A_12 = arith.mulf %slice3A_10, %mul3A_11 : vector<1000x128xf32>
    %swap3A_13 = arith.constant 0 : index
    %swap3A_14 = arith.constant 0 : index
    %swap3A_15 = vector.load %arg4[%swap3A_13, %swap3A_14] : memref<1000x128xf32, #tpu.memory_space<vmem>>, vector<1000x128xf32>
    tpu.vector_store %arg4[%swap3A_13, %swap3A_14], %mul3A_12 {strides = array<i32>} : memref<1000x128xf32, #tpu.memory_space<vmem>>, vector<1000x128xf32>,
    return
  }
  func.func @transform_0(%arg0: i32) -> (i32, i32) {
    %c0_i32 = arith.constant 0 : i32
    %c0_i32_0 = arith.constant 0 : i32
    return %arg0, %c0_i32 : i32, i32
  }
  func.func @transform_1(%arg0: i32) -> (i32, i32) {
    %c0_i32 = arith.constant 0 : i32
    %c0_i32_0 = arith.constant 0 : i32
    return %arg0, %c0_i32 : i32, i32
  }
  func.func @transform_2(%arg0: i32) -> (i32, i32) {
    %c0_i32 = arith.constant 0 : i32
    %c0_i32_0 = arith.constant 0 : i32
    return %arg0, %c0_i32 : i32, i32
  }
  func.func @transform_3(%arg0: i32) -> (i32, i32) {
    %c0_i32 = arith.constant 0 : i32
    %c0_i32_0 = arith.constant 0 : i32
    return %arg0, %c0_i32 : i32, i32
  }
}

module attributes {stable_mosaic.version = 14 : i64} {
  func.func @_t2_body(%arg0: i32, %arg1: memref<1000x128xf32, #tpu.memory_space<vmem>>, %arg2: memref<1000x128xf32, #tpu.memory_space<vmem>>, %arg3: memref<1000x128xf32, #tpu.memory_space<vmem>>, %arg4: memref<1000x128xf32, #tpu.memory_space<vmem>>, %arg5: memref<256x256xf32, #tpu.memory_space<vmem>>, %arg6: memref<1x256xf32, #tpu.memory_space<vmem>>, %arg7: memref<1000x128xf32, #tpu.memory_space<vmem>>, %arg8: memref<1000x128xf32, #tpu.memory_space<vmem>>) attributes {dimension_semantics = [#tpu.dimension_semantics<arbitrary>], iteration_bounds = array<i64: 10>, scalar_prefetch = 0 : i64, scratch_operands = 0 : i64, tpu.core_type = #tpu.core_type<tc>, window_params = [{transform_indices = @transform_0, window_bounds = array<i64: 1000, 128>}, {transform_indices = @transform_1, window_bounds = array<i64: 1000, 128>}, {transform_indices = @transform_2, window_bounds = array<i64: 1000, 128>}, {transform_indices = @transform_3, window_bounds = array<i64: 1000, 128>}, {pipeline_mode = #tpu.pipeline_mode<synchronous>, transform_indices = @transform_4, window_bounds = array<i64: 256, 256>}, {pipeline_mode = #tpu.pipeline_mode<synchronous>, transform_indices = @transform_5, window_bounds = array<i64: 1, 256>}, {transform_indices = @transform_6, window_bounds = array<i64: 1000, 128>}, {transform_indices = @transform_7, window_bounds = array<i64: 1000, 128>}]} {
    %get3A = arith.constant 0 : index
    %get3A_0 = arith.constant 0 : index
    %get3A_1 = vector.load %arg3[%get3A, %get3A_0] : memref<1000x128xf32, #tpu.memory_space<vmem>>, vector<1000x1xf32>
    %max3A = arith.constant 1.000000e+00 : f32
    %max3A_2 = vector.broadcast %max3A : f32 to vector<1000x1xf32>
    %max3A_3 = arith.maximumf %get3A_1, %max3A_2 : vector<1000x1xf32>
    %rsqrt3A = math.rsqrt %max3A_3 : vector<1000x1xf32>
    %get3A_4 = arith.constant 0 : index
    %get3A_5 = arith.constant 0 : index
    %get3A_6 = vector.load %arg4[%get3A_4, %get3A_5] : memref<1000x128xf32, #tpu.memory_space<vmem>>, vector<1000x1xf32>
    %max3A_7 = arith.constant 1.000000e+00 : f32
    %max3A_8 = vector.broadcast %max3A_7 : f32 to vector<1000x1xf32>
    %max3A_9 = arith.maximumf %get3A_6, %max3A_8 : vector<1000x1xf32>
    %rsqrt3A_10 = math.rsqrt %max3A_9 : vector<1000x1xf32>
    %get3A_11 = arith.constant 0 : index
    %get3A_12 = arith.constant 0 : index
    %get3A_13 = vector.load %arg1[%get3A_11, %get3A_12] : memref<1000x128xf32, #tpu.memory_space<vmem>>, vector<1000x128xf32>
    %mul3A = vector.broadcast %rsqrt3A : vector<1000x1xf32> to vector<1000x128xf32>
    %mul3A_14 = arith.mulf %get3A_13, %mul3A : vector<1000x128xf32>
    %get3A_15 = arith.constant 0 : index
    %get3A_16 = arith.constant 0 : index
    %get3A_17 = vector.load %arg5[%get3A_15, %get3A_16] : memref<256x256xf32, #tpu.memory_space<vmem>>, vector<128x256xf32>
    %dot_general3A = arith.constant dense<0.000000e+00> : vector<1000x256xf32>
    %dot_general3A_18 = tpu.matmul %mul3A_14, %get3A_17, %dot_general3A {dimension_numbers = #tpu.dot_dimension_numbers<[1], [0], [0], [1], [0, 0, 1, 1], [], []>, transpose_lhs_hint = false} : vector<1000x128xf32>, vector<128x256xf32>, vector<1000x256xf32> -> vector<1000x256xf32>
    %get3A_19 = arith.constant 0 : index
    %get3A_20 = arith.constant 0 : index
    %get3A_21 = vector.load %arg2[%get3A_19, %get3A_20] : memref<1000x128xf32, #tpu.memory_space<vmem>>, vector<1000x128xf32>
    %mul3A_22 = vector.broadcast %rsqrt3A : vector<1000x1xf32> to vector<1000x128xf32>
    %mul3A_23 = arith.mulf %get3A_21, %mul3A_22 : vector<1000x128xf32>
    %get3A_24 = arith.constant 128 : index
    %get3A_25 = arith.constant 0 : index
    %get3A_26 = vector.load %arg5[%get3A_24, %get3A_25] : memref<256x256xf32, #tpu.memory_space<vmem>>, vector<128x256xf32>
    %dot_general3A_27 = arith.constant dense<0.000000e+00> : vector<1000x256xf32>
    %dot_general3A_28 = tpu.matmul %mul3A_23, %get3A_26, %dot_general3A_27 {dimension_numbers = #tpu.dot_dimension_numbers<[1], [0], [0], [1], [0, 0, 1, 1], [], []>, transpose_lhs_hint = false} : vector<1000x128xf32>, vector<128x256xf32>, vector<1000x256xf32> -> vector<1000x256xf32>
    %add3A = arith.addf %dot_general3A_18, %dot_general3A_28 : vector<1000x256xf32>
    %get3A_29 = arith.constant 0 : index
    %get3A_30 = arith.constant 0 : index
    %get3A_31 = vector.load %arg6[%get3A_29, %get3A_30] : memref<1x256xf32, #tpu.memory_space<vmem>>, vector<1x256xf32>
    %add3A_32 = vector.broadcast %get3A_31 : vector<1x256xf32> to vector<1000x256xf32>
    %add3A_33 = arith.addf %add3A, %add3A_32 : vector<1000x256xf32>
    %max3A_34 = arith.constant 0.000000e+00 : f32
    %max3A_35 = vector.broadcast %max3A_34 : f32 to vector<1000x256xf32>
    %max3A_36 = arith.maximumf %add3A_33, %max3A_35 : vector<1000x256xf32>
    %mul3A_37 = vector.broadcast %rsqrt3A_10 : vector<1000x1xf32> to vector<1000x256xf32>
    %mul3A_38 = arith.mulf %max3A_36, %mul3A_37 : vector<1000x256xf32>
    %slice3A = vector.extract_strided_slice %mul3A_38 {offsets = [0, 0], sizes = [1000, 128], strides = [1, 1]} : vector<1000x256xf32> to vector<1000x128xf32>
    %swap3A = arith.constant 0 : index
    %swap3A_39 = arith.constant 0 : index
    %swap3A_40 = vector.load %arg7[%swap3A, %swap3A_39] : memref<1000x128xf32, #tpu.memory_space<vmem>>, vector<1000x128xf32>
    tpu.vector_store %arg7[%swap3A, %swap3A_39], %slice3A {strides = array<i32>} : memref<1000x128xf32, #tpu.memory_space<vmem>>, vector<1000x128xf32>,
    %slice3A_41 = vector.extract_strided_slice %mul3A_38 {offsets = [0, 128], sizes = [1000, 128], strides = [1, 1]} : vector<1000x256xf32> to vector<1000x128xf32>
    %swap3A_42 = arith.constant 0 : index
    %swap3A_43 = arith.constant 0 : index
    %swap3A_44 = vector.load %arg8[%swap3A_42, %swap3A_43] : memref<1000x128xf32, #tpu.memory_space<vmem>>, vector<1000x128xf32>
    tpu.vector_store %arg8[%swap3A_42, %swap3A_43], %slice3A_41 {strides = array<i32>} : memref<1000x128xf32, #tpu.memory_space<vmem>>, vector<1000x128xf32>,
    return
  }
  func.func @transform_0(%arg0: i32) -> (i32, i32) {
    %c0_i32 = arith.constant 0 : i32
    %c0_i32_0 = arith.constant 0 : i32
    return %arg0, %c0_i32 : i32, i32
  }
  func.func @transform_1(%arg0: i32) -> (i32, i32) {
    %c0_i32 = arith.constant 0 : i32
    %c0_i32_0 = arith.constant 0 : i32
    return %arg0, %c0_i32 : i32, i32
  }
  func.func @transform_2(%arg0: i32) -> (i32, i32) {
    %c0_i32 = arith.constant 0 : i32
    %c0_i32_0 = arith.constant 0 : i32
    return %arg0, %c0_i32 : i32, i32
  }
  func.func @transform_3(%arg0: i32) -> (i32, i32) {
    %c0_i32 = arith.constant 0 : i32
    %c0_i32_0 = arith.constant 0 : i32
    return %arg0, %c0_i32 : i32, i32
  }
  func.func @transform_4(%arg0: i32) -> (i32, i32) {
    %c0_i32 = arith.constant 0 : i32
    %c0_i32_0 = arith.constant 0 : i32
    %c0_i32_1 = arith.constant 0 : i32
    return %c0_i32, %c0_i32_0 : i32, i32
  }
  func.func @transform_5(%arg0: i32) -> (i32, i32) {
    %c0_i32 = arith.constant 0 : i32
    %c0_i32_0 = arith.constant 0 : i32
    %c0_i32_1 = arith.constant 0 : i32
    return %c0_i32, %c0_i32_0 : i32, i32
  }
  func.func @transform_6(%arg0: i32) -> (i32, i32) {
    %c0_i32 = arith.constant 0 : i32
    %c0_i32_0 = arith.constant 0 : i32
    return %arg0, %c0_i32 : i32, i32
  }
  func.func @transform_7(%arg0: i32) -> (i32, i32) {
    %c0_i32 = arith.constant 0 : i32
    %c0_i32_0 = arith.constant 0 : i32
    return %arg0, %c0_i32 : i32, i32
  }
}

module attributes {stable_mosaic.version = 14 : i64} {
  func.func @_t3_body(%arg0: i32, %arg1: memref<1000x128xf32, #tpu.memory_space<vmem>>, %arg2: memref<1000x128xf32, #tpu.memory_space<vmem>>, %arg3: memref<1000x128xf32, #tpu.memory_space<vmem>>, %arg4: memref<256x256xf32, #tpu.memory_space<vmem>>, %arg5: memref<1x256xf32, #tpu.memory_space<vmem>>, %arg6: memref<1000x256xf32, #tpu.memory_space<vmem>>) attributes {dimension_semantics = [#tpu.dimension_semantics<arbitrary>], iteration_bounds = array<i64: 10>, scalar_prefetch = 0 : i64, scratch_operands = 0 : i64, tpu.core_type = #tpu.core_type<tc>, window_params = [{transform_indices = @transform_0, window_bounds = array<i64: 1000, 128>}, {transform_indices = @transform_1, window_bounds = array<i64: 1000, 128>}, {transform_indices = @transform_2, window_bounds = array<i64: 1000, 128>}, {pipeline_mode = #tpu.pipeline_mode<synchronous>, transform_indices = @transform_3, window_bounds = array<i64: 256, 256>}, {pipeline_mode = #tpu.pipeline_mode<synchronous>, transform_indices = @transform_4, window_bounds = array<i64: 1, 256>}, {transform_indices = @transform_5, window_bounds = array<i64: 1000, 256>}]} {
    %get3A = arith.constant 0 : index
    %get3A_0 = arith.constant 0 : index
    %get3A_1 = vector.load %arg3[%get3A, %get3A_0] : memref<1000x128xf32, #tpu.memory_space<vmem>>, vector<1000x1xf32>
    %max3A = arith.constant 1.000000e+00 : f32
    %max3A_2 = vector.broadcast %max3A : f32 to vector<1000x1xf32>
    %max3A_3 = arith.maximumf %get3A_1, %max3A_2 : vector<1000x1xf32>
    %rsqrt3A = math.rsqrt %max3A_3 : vector<1000x1xf32>
    %get3A_4 = arith.constant 0 : index
    %get3A_5 = arith.constant 0 : index
    %get3A_6 = vector.load %arg1[%get3A_4, %get3A_5] : memref<1000x128xf32, #tpu.memory_space<vmem>>, vector<1000x128xf32>
    %mul3A = vector.broadcast %rsqrt3A : vector<1000x1xf32> to vector<1000x128xf32>
    %mul3A_7 = arith.mulf %get3A_6, %mul3A : vector<1000x128xf32>
    %get3A_8 = arith.constant 0 : index
    %get3A_9 = arith.constant 0 : index
    %get3A_10 = vector.load %arg4[%get3A_8, %get3A_9] : memref<256x256xf32, #tpu.memory_space<vmem>>, vector<128x256xf32>
    %dot_general3A = arith.constant dense<0.000000e+00> : vector<1000x256xf32>
    %dot_general3A_11 = tpu.matmul %mul3A_7, %get3A_10, %dot_general3A {dimension_numbers = #tpu.dot_dimension_numbers<[1], [0], [0], [1], [0, 0, 1, 1], [], []>, transpose_lhs_hint = false} : vector<1000x128xf32>, vector<128x256xf32>, vector<1000x256xf32> -> vector<1000x256xf32>
    %get3A_12 = arith.constant 0 : index
    %get3A_13 = arith.constant 0 : index
    %get3A_14 = vector.load %arg2[%get3A_12, %get3A_13] : memref<1000x128xf32, #tpu.memory_space<vmem>>, vector<1000x128xf32>
    %mul3A_15 = vector.broadcast %rsqrt3A : vector<1000x1xf32> to vector<1000x128xf32>
    %mul3A_16 = arith.mulf %get3A_14, %mul3A_15 : vector<1000x128xf32>
    %get3A_17 = arith.constant 128 : index
    %get3A_18 = arith.constant 0 : index
    %get3A_19 = vector.load %arg4[%get3A_17, %get3A_18] : memref<256x256xf32, #tpu.memory_space<vmem>>, vector<128x256xf32>
    %dot_general3A_20 = arith.constant dense<0.000000e+00> : vector<1000x256xf32>
    %dot_general3A_21 = tpu.matmul %mul3A_16, %get3A_19, %dot_general3A_20 {dimension_numbers = #tpu.dot_dimension_numbers<[1], [0], [0], [1], [0, 0, 1, 1], [], []>, transpose_lhs_hint = false} : vector<1000x128xf32>, vector<128x256xf32>, vector<1000x256xf32> -> vector<1000x256xf32>
    %add3A = arith.addf %dot_general3A_11, %dot_general3A_21 : vector<1000x256xf32>
    %get3A_22 = arith.constant 0 : index
    %get3A_23 = arith.constant 0 : index
    %get3A_24 = vector.load %arg5[%get3A_22, %get3A_23] : memref<1x256xf32, #tpu.memory_space<vmem>>, vector<1x256xf32>
    %add3A_25 = vector.broadcast %get3A_24 : vector<1x256xf32> to vector<1000x256xf32>
    %add3A_26 = arith.addf %add3A, %add3A_25 : vector<1000x256xf32>
    %swap3A = arith.constant 0 : index
    %swap3A_27 = arith.constant 0 : index
    %swap3A_28 = vector.load %arg6[%swap3A, %swap3A_27] : memref<1000x256xf32, #tpu.memory_space<vmem>>, vector<1000x256xf32>
    tpu.vector_store %arg6[%swap3A, %swap3A_27], %add3A_26 {strides = array<i32>} : memref<1000x256xf32, #tpu.memory_space<vmem>>, vector<1000x256xf32>,
    return
  }
  func.func @transform_0(%arg0: i32) -> (i32, i32) {
    %c0_i32 = arith.constant 0 : i32
    %c0_i32_0 = arith.constant 0 : i32
    return %arg0, %c0_i32 : i32, i32
  }
  func.func @transform_1(%arg0: i32) -> (i32, i32) {
    %c0_i32 = arith.constant 0 : i32
    %c0_i32_0 = arith.constant 0 : i32
    return %arg0, %c0_i32 : i32, i32
  }
  func.func @transform_2(%arg0: i32) -> (i32, i32) {
    %c0_i32 = arith.constant 0 : i32
    %c0_i32_0 = arith.constant 0 : i32
    return %arg0, %c0_i32 : i32, i32
  }
  func.func @transform_3(%arg0: i32) -> (i32, i32) {
    %c0_i32 = arith.constant 0 : i32
    %c0_i32_0 = arith.constant 0 : i32
    %c0_i32_1 = arith.constant 0 : i32
    return %c0_i32, %c0_i32_0 : i32, i32
  }
  func.func @transform_4(%arg0: i32) -> (i32, i32) {
    %c0_i32 = arith.constant 0 : i32
    %c0_i32_0 = arith.constant 0 : i32
    %c0_i32_1 = arith.constant 0 : i32
    return %c0_i32, %c0_i32_0 : i32, i32
  }
  func.func @transform_5(%arg0: i32) -> (i32, i32) {
    %c0_i32 = arith.constant 0 : i32
    %c0_i32_0 = arith.constant 0 : i32
    return %arg0, %c0_i32 : i32, i32
  }
}

</mosaic_0001>

<sc_bundles>
// kernel: kernel.11.cloned.1.call-start
scs
__scs_entry_jumppad:
0x0: {  	(pc) =	sbr.rel $0x88, $3  }
0x1: {  	(tag) =	ssettag $0x0;
	lr =	simm.s32 $0x1  }
0x2: {  	[smem:$0x3F9B] =	sst lr;
	_ =	strace $0xD0000000  }
0x3: {  	_ = 	snop  }
0x4: {  	_ = 	snop  }
0x5: {  	_ = 	snop  }
0x6: {  	_ = 	snop  }
0x7: {  	_ = 	snop  }
__scs_overlays_trampoline_lowered:
0x8: {  	[smem:$0x3FAA] =	sst s0  }
0x9: {  	[smem:$0x3FAB] =	sst s1  }
0xa: {  	[smem:$0x3FAC] =	sst s2  }
0xb: {  	[smem:$0x3FAD] =	sst s3  }
0xc: {  	[smem:$0x3FAE] =	sst s4  }
0xd: {  	[smem:$0x3FAF] =	sst s5  }
0xe: {  	[smem:$0x3FB0] =	sst s6  }
0xf: {  	[smem:$0x3FB1] =	sst s7  }
0x10: {  	[smem:$0x3FB2] =	sst s8  }
0x11: {  	[smem:$0x3FB3] =	sst s9;
	s0 =	simm.s32 @!p0 $0x0  }
0x12: {  	s1 =	sld [smem:$0x3F99];
	s0 =	simm.s32 @p0 $0x1  }
0x13: {  	[smem:$0x3FB4] =	sst s0;
	s0 =	simm.s32 @!p1 $0x0  }
0x14: {  	s2 =	sld [smem:$0x3F98];
	s0 =	simm.s32 @p1 $0x1  }
0x15: {  	[smem:$0x3FB5] =	sst s0;
	s0 =	simm.s32 @!p2 $0x0  }
0x16: {  	s3 =	sld [smem:$0x3FDB];
	s0 =	simm.s32 @p2 $0x1  }
0x17: {  	s4 =	simm.s32 $0x1BF5;
	[smem:$0x3FB7] =	sst s0  }
0x18: {  	s0 =	sld [smem:$0x3F9A];
	_ =	swait.ge [sflag:s4], $0x0  }
0x19: {  	s7 =	sld [smem:$0x3F9B]  }
0x1a: {  	s8 =	sadd.s32 $0xFFFFE003, lr  }
0x1b: {  	s9 =	sadd.s32 $0xFFFFFEF7, lr;
	s5 =	simm.s32 $0xFFFFFFFF;
	p2 =	slt.u32 s8, $0xFFFFF086  }
0x1c: {  	p1 =	slt.u32 s9, $0xF7A;
	s5 =	simm.s32 @!p2 $0x0  }
0x1d: {  	s5 =	simm.s32 @p1 $0x1;
	p0 =	seq.s32 s7, s2  }
0x1e: {  	s7 =	smul.u32 @!p0 $0xF7A, s2;
	p2 =	seq.s32 @!p0 s5, $0x0  }
0x1f: {  	s9 =	smul.u32 $0xF7A, s1;
	s8 =	simm.s32 @!p0 $0x1BF5;
	p2 =	por !p2, p0  }
0x20: {  	[sflag:s8] =	ssyncset.s32 @!p0 $0xFFFFF086;
	s6 =	sadd.s32 @!p0 s3, s7;
	s7 =	simm.s32 @!p0 $0x108  }
0x21: {  	s3 =	sadd.s32 s3, s9;
	s6 =	sadd.s32 @!p0 $0x88, s6;
	s7 =	simm.s32 @p2 $0x1082  }
0x22: {  	[simem:s7], [sflag:s8] =	dma.local @!p0 [hbm:s6], $0xF7A  }
0x23: {  	s9 =	sor.u32 $0xD0000000, s2;
	s6 =	simm.s32 $0x108;
	_ =	swait.ge @!p0 [sflag:s8], $0x0  }
0x24: {  	s3 =	sadd.s32 $0x88, s3;
	s6 =	simm.s32 @!p1 $0x1082;
	[sflag:s4] =	ssyncset.s32 $0xFFFFF086  }
0x25: {  	[simem:s6], [sflag:s4] =	dma.local [hbm:s3], $0xF7A  }
0x26: {  	[smem:$0x3F9B] =	sst s1;
	(tag) =	ssettag s2;
	_ =	strace s9  }
0x27: {  	s1 =	sld [smem:$0x3FAB]  }
0x28: {  	s2 =	sld [smem:$0x3FAC]  }
0x29: {  	s4 =	sld [smem:$0x3FAE]  }
0x2a: {  	p0 =	seq.s32 s5, $0x0;
	s5 =	sld [smem:$0x3FAF]  }
0x2b: {  	s6 =	sld [smem:$0x3FB0]  }
0x2c: {  	s7 =	sld [smem:$0x3FB1]  }
0x2d: {  	s3 =	simm.s32 $0x108;
	s8 =	sld [smem:$0x3FB2]  }
0x2e: {  	s3 =	simm.s32 @!p0 $0x1082;
	s9 =	sld [smem:$0x3FB3]  }
0x2f: {  	lr =	sadd.s32 s0, s3;
	s0 =	sld [smem:$0x3FAA]  }
0x30: {  	s3 =	sld [smem:$0x3FAD]  }
0x31: {  	[smem:$0x3FB6] =	sst s10  }
0x32: {  	s10 =	sld [smem:$0x3FB4];
	_ =	sdelay $0x3  }
0x33: {  	p0 =	seq.s32 s10, $0x1;
	s10 =	sld [smem:$0x3FB6];
	_ =	sdelay $0x3  }
0x34: {  	[smem:$0x3FB6] =	sst s10  }
0x35: {  	s10 =	sld [smem:$0x3FB5];
	_ =	sdelay $0x3  }
0x36: {  	p1 =	seq.s32 s10, $0x1;
	s10 =	sld [smem:$0x3FB6];
	_ =	sdelay $0x3  }
0x37: {  	[smem:$0x3FB6] =	sst s10  }
0x38: {  	s10 =	sld [smem:$0x3FB7]  }
0x39: {  	_ = 	snop;
	(pc) =	sbr.ind lr, $3  }
0x3a: {  	_ = 	snop  }
0x3b: {  	_ = 	snop  }
0x3c: {  	p2 =	seq.s32 s10, $0x1;
	s10 =	sld [smem:$0x3FB6]  }
0x3d: {  	_ =	shalt  }
0x3e: {  	_ =	shalt  }
0x3f: {  	_ =	shalt  }
0x40: {  	_ =	shalt  }
0x41: {  	_ =	shalt  }
0x42: {  	_ =	shalt  }
0x43: {  	_ =	shalt  }
0x44: {  	_ =	shalt  }
0x45: {  	_ =	shalt  }
0x46: {  	_ =	shalt  }
0x47: {  	_ =	shalt  }
0x48: {  	_ =	shalt  }
0x49: {  	_ =	shalt  }
0x4a: {  	_ =	shalt  }
0x4b: {  	_ =	shalt  }
0x4c: {  	_ =	shalt  }
0x4d: {  	_ =	shalt  }
0x4e: {  	_ =	shalt  }
0x4f: {  	_ =	shalt  }
0x50: {  	_ =	shalt  }
0x51: {  	_ =	shalt  }
0x52: {  	_ =	shalt  }
0x53: {  	_ =	shalt  }
0x54: {  	_ =	shalt  }
0x55: {  	_ =	shalt  }
0x56: {  	_ =	shalt  }
0x57: {  	_ =	shalt  }
0x58: {  	_ =	shalt  }
0x59: {  	_ =	shalt  }
0x5a: {  	_ =	shalt  }
0x5b: {  	_ =	shalt  }
0x5c: {  	_ =	shalt  }
0x5d: {  	_ =	shalt  }
0x5e: {  	_ =	shalt  }
0x5f: {  	_ =	shalt  }
0x60: {  	_ =	shalt  }
0x61: {  	_ =	shalt  }
0x62: {  	_ =	shalt  }
0x63: {  	_ =	shalt  }
0x64: {  	_ =	shalt  }
0x65: {  	_ =	shalt  }
0x66: {  	_ =	shalt  }
0x67: {  	_ =	shalt  }
0x68: {  	_ =	shalt  }
0x69: {  	_ =	shalt  }
0x6a: {  	_ =	shalt  }
0x6b: {  	_ =	shalt  }
0x6c: {  	_ =	shalt  }
0x6d: {  	_ =	shalt  }
0x6e: {  	_ =	shalt  }
0x6f: {  	_ =	shalt  }
0x70: {  	_ =	shalt  }
0x71: {  	_ =	shalt  }
0x72: {  	_ =	shalt  }
0x73: {  	_ =	shalt  }
0x74: {  	_ =	shalt  }
0x75: {  	_ =	shalt  }
0x76: {  	_ =	shalt  }
0x77: {  	_ =	shalt  }
0x78: {  	_ =	shalt  }
0x79: {  	_ =	shalt  }
0x7a: {  	_ =	shalt  }
0x7b: {  	_ =	shalt  }
0x7c: {  	_ =	shalt  }
0x7d: {  	_ =	shalt  }
0x7e: {  	_ =	shalt  }
0x7f: {  	_ =	shalt  }
0x80: {  	_ =	shalt  }
0x81: {  	_ =	shalt  }
0x82: {  	_ =	shalt  }
0x83: {  	_ =	shalt  }
0x84: {  	_ =	shalt  }
0x85: {  	_ =	shalt  }
0x86: {  	_ =	shalt  }
0x87: {  	_ =	shalt  }
.Lfunc_end0:
.L_simem_size_0:
called_computation.1_lowered:
.L_overlay_start_0:
0x88: {  	s2 =	sld [smem:$0x3FD9]  }
0x89: {  	s3 =	sld [smem:$0x3FFE];
	_ =	sdelay $0x1  }
0x8a: {  	s1 =	srdreg.scid  }
0x8b: {  	s0 =	sand.u32 $0x1, s1  }
0x8c: {  	s17 =	sshll.u32 s0, $0xA;
	s2 =	sadd.s32 s3, s2  }
0x8d: {  	s2 =	sadd.s32 s2, s17  }
0x8e: {  	[smem:$0x3FC2] =	sst s2  }
0x8f: {  	_ = 	snop  }
0x90: {  	s2 =	sld [smem:$0x3FD0];
	(tm) =	ssettm $0x1  }
0x91: {  	s18 =	sld [smem:$0x3FFB];
	_ =	sdelay $0x3  }
0x92: {  	_ =	strace s18  }
0x93: {  	s3 =	sld [smem:$0x3FFC];
	_ =	sdelay $0x3  }
0x94: {  	_ =	strace s3  }
0x95: {  	s3 =	sld [smem:$0x3FFD];
	_ =	sdelay $0x3  }
0x96: {  	_ =	strace s3  }
0x97: {  	_ =	strace $0x8FFFFFFF  }
0x98: {  	s19 =	sld [smem:$0x3FDB];
	_ =	sdelay $0x1  }
0x99: {  	s4 =	simm.s32 $_scs_section_size  }
0x9a: {  	s5 =	simm.s32 $_size__tile_overlayer_lowered;
	s6 =	simm.s32 $_tile_overlayer_lowered  }
0x9b: {  	s22 =	simm.s32 $0x1BFF;
	s21 =	sshll.u32 s6, $0x1;
	s3 =	sadd.s32 s4, s19  }
0x9c: {  	s7 =	simm.s32 $0x0;
	s20 =	sshll.u32 s5, $0x1;
	s5 =	sadd.s32 s21, s3  }
0x9d: {  	[timem:s7], [sflag:s22] =	dma.local [hbm:s5], s20  }
0x9e: {  	_ =	swait.ge [sflag:s22], s20  }
0x9f: {  	s4 =	ssub.s32 $0x0, s20;
	[sflag:s22] =	ssyncset.done $0x0  }
0xa0: {  	[sflag:s22] =	ssyncadd.s32 s4;
	_ =	sdelay $0x1  }
0xa1: {  	s23 =	simm.s32 $0x1B8B  }
0xa2: {  	_ =	swait.ge [sflag:s23], $0x1  }
0xa3: {  	[sflag:s23] =	ssyncset.done $0x0  }
0xa4: {  	s25 =	simm.s32 $0x1B8E;
	s24 =	sld [smem:$0x3FFE];
	[sflag:s23] =	ssyncadd.s32 $0xFFFFFFFF  }
0xa5: {  	s26 =	simm.s32 $execute0_lowered;
	[smem:$0x3FD2] =	sst s25  }
0xa6: {  	s5 =	sshll.u32 s26, $0x1;
	_ =	strace $0x80000049;
	[dreg:$0x1] =	wrdreg $0xFFFFFFFF  }
0xa7: {  	s28 =	simm.s32 $_size_execute0_lowered;
	s3 =	sadd.s32 s3, s5;
	[dreg:$0x0] =	wrdreg $0x0  }
0xa8: {  	s5 =	sshll.u32 s28, $0x1;
	[dreg:$0x2] =	wrdreg s3  }
0xa9: {  	[dreg:$0x3] =	wrdreg s5  }
0xaa: {  	[dreg:$0x4] =	wrdreg $0xC0  }
0xab: {  	_ =	task [dreg:s7], $0x5FFFF  }
0xac: {  	[dreg:$0x1] =	wrdreg $0xFFFFFFFF  }
0xad: {  	[dreg:$0x0] =	wrdreg $0x60  }
0xae: {  	[dreg:$0x2] =	wrdreg s24  }
0xaf: {  	[dreg:$0x3] =	wrdreg s2  }
0xb0: {  	[dreg:$0x4] =	wrdreg $0x0  }
0xb1: {  	[dreg:$0x5] =	wrdreg $0x9  }
0xb2: {  	_ =	task.clear_ibuf [dreg:s7], $0x6FFFF;
	_ =	strace $0x90000049  }
0xb3: {  	s29 =	simm.s32 $0x9;
	_ =	strace $0x8000004B  }
0xb4: {  	_ =	swait.ge [sflag:s29], $0x1  }
0xb5: {  	[sflag:s29] =	ssyncadd.s32 $0xFFFFFFFF  }
0xb6: {  	_ =	strace $0x9000004B  }
0xb7: {  	_ =	sfence  }
0xb8: {  	s30 =	sld [smem:$0x0];
	_ =	sdelay $0x2  }
0xb9: {  	s31 =	sshll.u32 s1, $0xD;
	s1 =	sshrl.u32 s1, $0x2  }
0xba: {  	s3 =	sand.u32 $0x4000, s31;
	s1 =	sadd.s32 s1, s30  }
0xbb: {  	s0 =	sor.u32 s3, s0;
	s1 =	sshll.u32 s1, $0x11  }
0xbc: {  	s0 =	sor.u32 s1, s0  }
0xbd: {  	s0 =	sadd.s32 $0x8F2B, s0  }
0xbe: {  	[sflag:s0] =	ssyncadd.remote.s32 $0x1  }
0xbf: {  	_ =	sfence.sel $0xFFFF  }
0xc0: {  	[dreg:$0x0] =	wrdreg $0xFFFFFFFF;
	(pc) =	sbr.abs _section_cstart, $3  }
0xc1: {  	[dreg:$0x1] =	wrdreg $0xFFFFFFFF  }
0xc2: {  	_ =	task.clear_ibuf [dreg:s7], $0x2FFFF;
	_ =	strace $0x9FFFFFFF  }
0xc3: {  	(tm) =	ssettm $0x7FFFFFFF  }
tec
execute0_lowered:
.L_overlay_start_1:
0x0: {  	(tag) =	ssettag $0x1  }
0x1: {  	s0 =	rddreg [dreg:$0x0]  }
0x2: {  	s2 =	rddreg [dreg:$0x2];
	s4 =	simm.s32 $0x0  }
0x3: {  	s6 =	stileid.u32;
	s1 =	srdreg.scid;
	s17 =	simm.s32 $0x7  }
0x4: {  	s19 =	simm.s32 $0x16900;
	s20 =	simm.s32 $0x16980;
	s21 =	simm.s32 $0x5  }
0x5: {  	s22 =	simm.s32 $0x80;
	s28 =	simm.s32 $0x16800;
	s29 =	simm.s32 $0x2  }
0x6: {  	s30 =	simm.s32 $0x16880;
	s31 =	simm.s32 $0x3;
	[smem:$0x7FF] =	sst s4  }
0x7: {  	s5 =	sadd.s32 $0x60400, s0;
	s8 =	smul.u32 $0x2800, s6;
	s7 =	sadd.s32 $0x87600, s0  }
0x8: {  	s3 =	sadd.s32 $0x3400, s0;
	s1 =	sand.u32 $0x1, s1;
	s11 =	smul.u32 $0x50000, s6  }
0x9: {  	s23 =	sadd.s32 $0xD400, s0;
	s26 =	sshll.u32 s6, $0x6;
	s15 =	smul.u32 $0x500, s6  }
0xa: {  	_ =	strace $0x8000004A;
	s10 =	ssub.s32 $0x2, s1;
	[dreg:$0x5] =	wrdreg s23  }
0xb: {  	p0 =	sne.s32 s1, $0x0;
	s23 =	simm.s32 $0x16A00;
	[dreg:$0x4] =	wrdreg s8  }
0xc: {  	s9 =	sshrl.u32 s8, $0x3;
	s13 =	sshrl.u32 s10, $0x1;
	s25 =	sshrl.u32 s11, $0x2  }
0xd: {  	s15 =	sadd.s32 s15, s3;
	s12 =	sadd.s32 s9, s0;
	s0 =	sadd.s32 $0xAE800, s0  }
.Ltmp0:
0xe: {  	s24 =	ssub.s32 s10, s13;
	s16 =	sadd.s32 s25, s2;
	(pc) =	sbr.rel .LBB2_1-.Ltmp0, $4  }
0xf: {  	s10 =	sor.u32 $0x1C07, s26;
	s25 =	simm.s32 $0x1AA00;
	s26 =	simm.s32 $0x1  }
0x10: {  	[dreg:$0x6] =	wrdreg s0;
	s11 =	sadd.s32 $0x8400, s12;
	s12 =	sadd.s32 s3, s9  }
0x11: {  	s14 =	smax.u32 s24, $0x1;
	s16 =	sshrl.u32 s16, $0x3;
	s24 =	simm.s32 $0x6  }
0x12: {  	s0 =	simm.s32 $0x4;
	s3 =	simm.s32 $0x0;
	s13 =	sadd.s32 $0x10, s12  }
.LBB2_8:
0x13: {  	s1 =	rddreg [dreg:$0x6]  }
.LBB2_9:
0x14: {  	_ =	swait.ge [sflag:s31], $0x4000  }
0x15: {  	[sflag:s31] =	ssyncset.done $0x0  }
0x16: {  	[sflag:s31] =	ssyncadd.s32 $0xFFFFC000  }
0x17: {  	_ =	swait.ge [sflag:s0], $0x4000  }
0x18: {  	s3 =	sadd.s32 $0x1, s3;
	[sflag:s0] =	ssyncset.done $0x0  }
0x19: {  	p1 =	sne.s32 s3, s14;
	s6 =	rddreg [dreg:$0x4];
	[sflag:s0] =	ssyncadd.s32 $0xFFFFC000  }
.Ltmp1:
0x1a: {  	s1 =	sadd.s32 s1, s6;
	[bflag:$0x0] =	sbarrier.arrive $0xFFFF;
	(pc) =	sbr.rel @!p1 .LBB2_10-.Ltmp1, $4  }
0x1b: {  	[hbm:s1], [sflag:s10] =	dma.local [spmem:s16], $0x2800  }
0x1c: {  	_ =	swait.ge [sflag:s17], $0x2800  }
0x1d: {  	[sflag:s17] =	ssyncset.done $0x0  }
0x1e: {  	[sflag:s17] =	ssyncadd.s32 $0xFFFFD800  }
.LBB2_1:
0x1f: {  	s1 =	rddreg [dreg:$0x5]  }
0x20: {  	[spmem:s16], [sflag:s10] =	dma.local [hbm:s1], $0x2800  }
0x21: {  	_ =	swait.ge [sflag:s17], $0x2800  }
0x22: {  	[sflag:s17] =	ssyncset.done $0x0  }
0x23: {  	s18 =	simm.s32 $0x14000;
	[sflag:s17] =	ssyncadd.s32 $0xFFFFD800  }
0x24: {  	[tilespmem:s18], [sflag:$0x7] =	stream.linear.gather [hbm4b:s11+s4], $0x2800, $0x38;
	[tilespmem:$0x1EA00] =	vst v63  }
0x25: {  	_ =	swait.ge [sflag:s17], $0x2800  }
0x26: {  	[sflag:s17] =	ssyncset.done $0x0  }
0x27: {  	[sflag:s17] =	ssyncadd.s32 $0xFFFFD800  }
0x28: {  	[bflag:$0x0] =	sbarrier.arrive $0xFFFF  }
0x29: {  	[tilespmem:s19], [sflag:$0x5] =	stream.linear.gather [hbm4b:s12+s4], $0x80, $0x38;
	[tilespmem:$0x1EA00] =	vst v63  }
.Ltmp2:
0x2a: {  	_ = 	snop;
	(pc) =	sbr.rel @p0 .LBB2_6-.Ltmp2, $4  }
0x2b: {  	[tilespmem:s20], [sflag:$0x6] =	stream.linear.gather [hbm4b:s13+s4], $0x80, $0x38;
	[tilespmem:$0x1EA00] =	vst v63  }
0x2c: {  	_ =	swait.ge [sflag:s21], $0x80  }
0x2d: {  	[sflag:s21] =	ssyncset.done $0x0  }
0x2e: {  	[sflag:s21] =	ssyncadd.s32 $0xFFFFFF80  }
0x2f: {  	[tilespmem:s23], [sflag:$0x1] =	stream.indirect.gather [hbm4b:s5+s22], $0x80, s19, s22, $0xb8;
	[tilespmem:$0x1EA00] =	vst v63  }
0x30: {  	_ =	swait.ge [sflag:s24], $0x80  }
0x31: {  	[sflag:s24] =	ssyncset.done $0x0  }
0x32: {  	s1 =	simm.s32 $0xFFFFFB20;
	s9 =	simm.s32 $0x14080;
	[sflag:s24] =	ssyncadd.s32 $0xFFFFFF80  }
0x33: {  	[tilespmem:s25], [sflag:$0x2] =	stream.indirect.gather [hbm4b:s5+s22], $0x80, s20, s22, $0xb8;
	[tilespmem:$0x1EA00] =	vst v63  }
.LBB2_3:
0x34: {  	_ =	swait.ge [sflag:s26], $0x4000  }
0x35: {  	[sflag:s26] =	ssyncset.done $0x0  }
0x36: {  	[sflag:s26] =	ssyncadd.s32 $0xFFFFC000  }
0x37: {  	v0 =	vld [tilespmem:s9+$0xFFFFFF80];
	_ =	sdelay $0x4  }
0x38: {  	[tilespmem:$0x16800] =	vst v0  }
0x39: {  	v0 =	vld [tilespmem:s9+$0xFFFFFF90];
	_ =	sdelay $0x4  }
0x3a: {  	[tilespmem:$0x16810] =	vst v0  }
0x3b: {  	v0 =	vld [tilespmem:s9+$0xFFFFFFA0];
	_ =	sdelay $0x4  }
0x3c: {  	[tilespmem:$0x16820] =	vst v0  }
0x3d: {  	v0 =	vld [tilespmem:s9+$0xFFFFFFB0];
	_ =	sdelay $0x4  }
0x3e: {  	[tilespmem:$0x16830] =	vst v0  }
0x3f: {  	v0 =	vld [tilespmem:s9+$0xFFFFFFC0];
	_ =	sdelay $0x4  }
0x40: {  	[tilespmem:$0x16840] =	vst v0  }
0x41: {  	v0 =	vld [tilespmem:s9+$0xFFFFFFD0];
	_ =	sdelay $0x4  }
0x42: {  	[tilespmem:$0x16850] =	vst v0  }
0x43: {  	v0 =	vld [tilespmem:s9+$0xFFFFFFE0];
	_ =	sdelay $0x4  }
0x44: {  	[tilespmem:$0x16860] =	vst v0  }
0x45: {  	v0 =	vld [tilespmem:s9+$0xFFFFFFF0];
	_ =	sdelay $0x3  }
0x46: {  	p1 =	seq.s32 s1, $0x0  }
0x47: {  	s18 =	sadd.s32 @!p1 s1, s15;
	[tilespmem:$0x16870] =	vst v0  }
0x48: {  	[spmem:s2] =	stream.indirect.scatter.add.f32 [tilespmem:s23], [sflag:$0x3], $0x80, s28, s22, $0xb8;
	[tilespmem:$0x1EA00] =	vst v63  }
0x49: {  	s6 =	simm.s32 @!p1 $0x0;
	s8 =	simm.s32 @!p1 $0x16900;
	s18 =	sadd.s32 @!p1 $0x500, s18  }
0x4a: {  	[tilespmem:s8], [sflag:$0x5] =	stream.linear.gather @!p1 [hbm4b:s18+s6], $0x80, $0x38;
	[tilespmem:$0x1EA00] =	vst v63  }
0x4b: {  	_ =	swait.ge [sflag:s29], $0x4000  }
0x4c: {  	[sflag:s29] =	ssyncset.done $0x0  }
0x4d: {  	[sflag:s29] =	ssyncadd.s32 $0xFFFFC000  }
0x4e: {  	v63 =	vld [tilespmem:s9+$0x0];
	_ =	sdelay $0x4  }
0x4f: {  	[tilespmem:$0x16880] =	vst v63  }
0x50: {  	v0 =	vld [tilespmem:s9+$0x10];
	_ =	sdelay $0x4  }
0x51: {  	[tilespmem:$0x16890] =	vst v0  }
0x52: {  	v0 =	vld [tilespmem:s9+$0x20];
	_ =	sdelay $0x4  }
0x53: {  	[tilespmem:$0x168A0] =	vst v0  }
0x54: {  	v0 =	vld [tilespmem:s9+$0x30];
	_ =	sdelay $0x4  }
0x55: {  	[tilespmem:$0x168B0] =	vst v0  }
0x56: {  	v0 =	vld [tilespmem:s9+$0x40];
	_ =	sdelay $0x4  }
0x57: {  	[tilespmem:$0x168C0] =	vst v0  }
0x58: {  	v0 =	vld [tilespmem:s9+$0x50];
	_ =	sdelay $0x4  }
0x59: {  	[tilespmem:$0x168D0] =	vst v0  }
0x5a: {  	v0 =	vld [tilespmem:s9+$0x60];
	_ =	sdelay $0x4  }
0x5b: {  	[tilespmem:$0x168E0] =	vst v0  }
0x5c: {  	v0 =	vld [tilespmem:s9+$0x70];
	_ =	sdelay $0x1  }
.Ltmp3:
0x5d: {  	_ = 	snop;
	(pc) =	sbr.rel @p1 .LBB2_4-.Ltmp3, $3  }
0x5e: {  	_ =	sdelay $0x1  }
0x5f: {  	[tilespmem:$0x168F0] =	vst v0  }
0x60: {  	[spmem:s2] =	stream.indirect.scatter.add.f32 [tilespmem:s25], [sflag:$0x4], $0x80, s30, s22, $0xb8;
	[tilespmem:$0x1EA00] =	vst v63  }
0x61: {  	s6 =	sadd.s32 s1, s15  }
0x62: {  	s6 =	sadd.s32 $0x510, s6  }
0x63: {  	[tilespmem:s20], [sflag:$0x6] =	stream.linear.gather [hbm4b:s6+s4], $0x80, $0x38;
	[tilespmem:$0x1EA00] =	vst v63  }
0x64: {  	_ =	swait.ge [sflag:s31], $0x4000  }
0x65: {  	[sflag:s31] =	ssyncset.done $0x0  }
0x66: {  	[sflag:s31] =	ssyncadd.s32 $0xFFFFC000  }
0x67: {  	_ =	swait.ge [sflag:s21], $0x80  }
0x68: {  	[sflag:s21] =	ssyncset.done $0x0  }
0x69: {  	[sflag:s21] =	ssyncadd.s32 $0xFFFFFF80  }
0x6a: {  	[tilespmem:s23], [sflag:$0x1] =	stream.indirect.gather [hbm4b:s5+s22], $0x80, s19, s22, $0xb8;
	[tilespmem:$0x1EA00] =	vst v63  }
0x6b: {  	_ =	swait.ge [sflag:s0], $0x4000  }
0x6c: {  	[sflag:s0] =	ssyncset.done $0x0  }
.Ltmp4:
0x6d: {  	[sflag:s0] =	ssyncadd.s32 $0xFFFFC000;
	(pc) =	sbr.rel .LBB2_3-.Ltmp4, $4  }
0x6e: {  	_ =	swait.ge [sflag:s24], $0x80  }
0x6f: {  	[sflag:s24] =	ssyncset.done $0x0  }
0x70: {  	s1 =	sadd.s32 $0x20, s1;
	s9 =	sadd.s32 $0x100, s9;
	[sflag:s24] =	ssyncadd.s32 $0xFFFFFF80  }
0x71: {  	[tilespmem:s25], [sflag:$0x2] =	stream.indirect.gather [hbm4b:s5+s22], $0x80, s20, s22, $0xb8;
	[tilespmem:$0x1EA00] =	vst v63  }
.LBB2_6:
0x72: {  	[tilespmem:s23], [sflag:$0x1] =	stream.indirect.gather [hbm4b:s7+s22], $0x80, s19, s22, $0xb8;
	[tilespmem:$0x1EA00] =	vst v63  }
0x73: {  	_ =	swait.ge [sflag:s24], $0x80  }
0x74: {  	[sflag:s24] =	ssyncset.done $0x0  }
0x75: {  	s1 =	simm.s32 $0xFFFFFB20;
	s9 =	simm.s32 $0x14080;
	[sflag:s24] =	ssyncadd.s32 $0xFFFFFF80  }
0x76: {  	[tilespmem:s25], [sflag:$0x2] =	stream.indirect.gather [hbm4b:s7+s22], $0x80, s20, s22, $0xb8;
	[tilespmem:$0x1EA00] =	vst v63  }
.LBB2_7:
0x77: {  	_ =	swait.ge [sflag:s26], $0x4000  }
0x78: {  	[sflag:s26] =	ssyncset.done $0x0  }
0x79: {  	[sflag:s26] =	ssyncadd.s32 $0xFFFFC000  }
0x7a: {  	v0 =	vld [tilespmem:s9+$0xFFFFFF80];
	_ =	sdelay $0x4  }
0x7b: {  	[tilespmem:$0x16800] =	vst v0  }
0x7c: {  	v0 =	vld [tilespmem:s9+$0xFFFFFF90];
	_ =	sdelay $0x4  }
0x7d: {  	[tilespmem:$0x16810] =	vst v0  }
0x7e: {  	v0 =	vld [tilespmem:s9+$0xFFFFFFA0];
	_ =	sdelay $0x4  }
0x7f: {  	[tilespmem:$0x16820] =	vst v0  }
0x80: {  	v0 =	vld [tilespmem:s9+$0xFFFFFFB0];
	_ =	sdelay $0x4  }
0x81: {  	[tilespmem:$0x16830] =	vst v0  }
0x82: {  	v0 =	vld [tilespmem:s9+$0xFFFFFFC0];
	_ =	sdelay $0x4  }
0x83: {  	[tilespmem:$0x16840] =	vst v0  }
0x84: {  	v0 =	vld [tilespmem:s9+$0xFFFFFFD0];
	_ =	sdelay $0x4  }
0x85: {  	[tilespmem:$0x16850] =	vst v0  }
0x86: {  	v0 =	vld [tilespmem:s9+$0xFFFFFFE0];
	_ =	sdelay $0x4  }
0x87: {  	[tilespmem:$0x16860] =	vst v0  }
0x88: {  	v0 =	vld [tilespmem:s9+$0xFFFFFFF0];
	_ =	sdelay $0x3  }
0x89: {  	p1 =	seq.s32 s1, $0x0  }
0x8a: {  	s6 =	sadd.s32 @!p1 s1, s15;
	[tilespmem:$0x16870] =	vst v0  }
0x8b: {  	[spmem:s2] =	stream.indirect.scatter.add.f32 [tilespmem:s23], [sflag:$0x3], $0x80, s28, s22, $0xb8;
	[tilespmem:$0x1EA00] =	vst v63  }
0x8c: {  	s8 =	simm.s32 @!p1 $0x0;
	s18 =	simm.s32 @!p1 $0x16900;
	s6 =	sadd.s32 @!p1 $0x500, s6  }
0x8d: {  	[tilespmem:s18], [sflag:$0x5] =	stream.linear.gather @!p1 [hbm4b:s6+s8], $0x80, $0x38;
	[tilespmem:$0x1EA00] =	vst v63  }
0x8e: {  	_ =	swait.ge [sflag:s29], $0x4000  }
0x8f: {  	[sflag:s29] =	ssyncset.done $0x0  }
0x90: {  	[sflag:s29] =	ssyncadd.s32 $0xFFFFC000  }
0x91: {  	v63 =	vld [tilespmem:s9+$0x0];
	_ =	sdelay $0x4  }
0x92: {  	[tilespmem:$0x16880] =	vst v63  }
0x93: {  	v0 =	vld [tilespmem:s9+$0x10];
	_ =	sdelay $0x4  }
0x94: {  	[tilespmem:$0x16890] =	vst v0  }
0x95: {  	v0 =	vld [tilespmem:s9+$0x20];
	_ =	sdelay $0x4  }
0x96: {  	[tilespmem:$0x168A0] =	vst v0  }
0x97: {  	v0 =	vld [tilespmem:s9+$0x30];
	_ =	sdelay $0x4  }
0x98: {  	[tilespmem:$0x168B0] =	vst v0  }
0x99: {  	v0 =	vld [tilespmem:s9+$0x40];
	_ =	sdelay $0x4  }
0x9a: {  	[tilespmem:$0x168C0] =	vst v0  }
0x9b: {  	v0 =	vld [tilespmem:s9+$0x50];
	_ =	sdelay $0x4  }
0x9c: {  	[tilespmem:$0x168D0] =	vst v0  }
0x9d: {  	v0 =	vld [tilespmem:s9+$0x60];
	_ =	sdelay $0x4  }
0x9e: {  	[tilespmem:$0x168E0] =	vst v0  }
0x9f: {  	v0 =	vld [tilespmem:s9+$0x70];
	_ =	sdelay $0x1  }
.Ltmp5:
0xa0: {  	_ = 	snop;
	(pc) =	sbr.rel @p1 .LBB2_8-.Ltmp5, $3  }
0xa1: {  	_ =	sdelay $0x1  }
0xa2: {  	[tilespmem:$0x168F0] =	vst v0  }
0xa3: {  	[spmem:s2] =	stream.indirect.scatter.add.f32 [tilespmem:s25], [sflag:$0x4], $0x80, s30, s22, $0xb8;
	[tilespmem:$0x1EA00] =	vst v63  }
0xa4: {  	s6 =	sadd.s32 s1, s15  }
0xa5: {  	s6 =	sadd.s32 $0x510, s6  }
0xa6: {  	[tilespmem:s20], [sflag:$0x6] =	stream.linear.gather [hbm4b:s6+s4], $0x80, $0x38;
	[tilespmem:$0x1EA00] =	vst v63  }
0xa7: {  	_ =	swait.ge [sflag:s31], $0x4000  }
0xa8: {  	[sflag:s31] =	ssyncset.done $0x0  }
0xa9: {  	[sflag:s31] =	ssyncadd.s32 $0xFFFFC000  }
0xaa: {  	_ =	swait.ge [sflag:s21], $0x80  }
0xab: {  	[sflag:s21] =	ssyncset.done $0x0  }
0xac: {  	[sflag:s21] =	ssyncadd.s32 $0xFFFFFF80  }
0xad: {  	[tilespmem:s23], [sflag:$0x1] =	stream.indirect.gather [hbm4b:s7+s22], $0x80, s19, s22, $0xb8;
	[tilespmem:$0x1EA00] =	vst v63  }
0xae: {  	_ =	swait.ge [sflag:s0], $0x4000  }
0xaf: {  	[sflag:s0] =	ssyncset.done $0x0  }
.Ltmp6:
0xb0: {  	[sflag:s0] =	ssyncadd.s32 $0xFFFFC000;
	(pc) =	sbr.rel .LBB2_7-.Ltmp6, $4  }
0xb1: {  	_ =	swait.ge [sflag:s24], $0x80  }
0xb2: {  	[sflag:s24] =	ssyncset.done $0x0  }
0xb3: {  	s1 =	sadd.s32 $0x20, s1;
	s9 =	sadd.s32 $0x100, s9;
	[sflag:s24] =	ssyncadd.s32 $0xFFFFFF80  }
0xb4: {  	[tilespmem:s25], [sflag:$0x2] =	stream.indirect.gather [hbm4b:s7+s22], $0x80, s20, s22, $0xb8;
	[tilespmem:$0x1EA00] =	vst v63  }
.LBB2_4:
.Ltmp7:
0xb5: {  	(pc) =	sbr.rel .LBB2_9-.Ltmp7, $2  }
0xb6: {  	_ =	sdelay $0x2  }
0xb7: {  	s1 =	rddreg [dreg:$0x1]  }
.LBB2_10:
0xb8: {  	_ =	sfence.sel $0x180000  }
0xb9: {  	[bflag:$0x0] =	sbarrier.arrive $0xFFFF  }
0xba: {  	_ =	strace $0x9000004A  }
0xbb: {  	s0 =	stileid.u32;
	[bflag:$0x2] =	sbarrier.arrive $0xFFFF  }
0xbc: {  	p0 =	sne.s32 s0, $0x0;
	s0 =	rddreg [dreg:$0x3]  }
0xbd: {  	s0 =	sadd.s32 @!p0 $0x100000, s0  }
0xbe: {  	[sflag:s0] =	ssyncadd.tile.s32 @!p0 $0x1;
	_ =	shalt  }
.Lfunc_end2:
_tile_overlayer_lowered:
.L_overlay_start_2:
0xbf: {  	(tag) =	ssettag $0x2  }
0xc0: {  	s0 =	rddreg [dreg:$0x0];
	s2 =	stileid.u32  }
0xc1: {  	s1 =	rddreg [dreg:$0x1];
	p0 =	sne.s32 s2, $0x0  }
0xc2: {  	s3 =	rddreg [dreg:$0x2];
	[bflag:$0x3] =	sbarrier.arrive $0xFFFF;
	s2 =	simm.s32 @!p0 $0x1C07  }
0xc3: {  	[timem:s3], [sflag:s2] =	dma.local @!p0 [hbm:s0], s1  }
0xc4: {  	s0 =	simm.s32 @!p0 $0x7  }
0xc5: {  	_ =	swait.ge @!p0 [sflag:s0], s1  }
0xc6: {  	s1 =	ssub.s32 @!p0 $0x0, s1;
	[sflag:s0] =	ssyncset.done @!p0 $0x0  }
0xc7: {  	[sflag:s0] =	ssyncadd.s32 @!p0 s1  }
0xc8: {  	[bflag:$0x3] =	sbarrier.arrive $0xFFFF  }
0xc9: {  	_ =	shalt  }

// kernel: kernel.14.cloned.1.call-start
scs
__scs_entry_jumppad:
0x0: {  	(pc) =	sbr.rel $0x88, $3  }
0x1: {  	(tag) =	ssettag $0x0;
	lr =	simm.s32 $0x1  }
0x2: {  	[smem:$0x3F9B] =	sst lr;
	_ =	strace $0xD0000000  }
0x3: {  	_ = 	snop  }
0x4: {  	_ = 	snop  }
0x5: {  	_ = 	snop  }
0x6: {  	_ = 	snop  }
0x7: {  	_ = 	snop  }
__scs_overlays_trampoline_lowered:
0x8: {  	[smem:$0x3FAA] =	sst s0  }
0x9: {  	[smem:$0x3FAB] =	sst s1  }
0xa: {  	[smem:$0x3FAC] =	sst s2  }
0xb: {  	[smem:$0x3FAD] =	sst s3  }
0xc: {  	[smem:$0x3FAE] =	sst s4  }
0xd: {  	[smem:$0x3FAF] =	sst s5  }
0xe: {  	[smem:$0x3FB0] =	sst s6  }
0xf: {  	[smem:$0x3FB1] =	sst s7  }
0x10: {  	[smem:$0x3FB2] =	sst s8  }
0x11: {  	[smem:$0x3FB3] =	sst s9;
	s0 =	simm.s32 @!p0 $0x0  }
0x12: {  	s1 =	sld [smem:$0x3F99];
	s0 =	simm.s32 @p0 $0x1  }
0x13: {  	[smem:$0x3FB4] =	sst s0;
	s0 =	simm.s32 @!p1 $0x0  }
0x14: {  	s2 =	sld [smem:$0x3F98];
	s0 =	simm.s32 @p1 $0x1  }
0x15: {  	[smem:$0x3FB5] =	sst s0;
	s0 =	simm.s32 @!p2 $0x0  }
0x16: {  	s3 =	sld [smem:$0x3FDB];
	s0 =	simm.s32 @p2 $0x1  }
0x17: {  	s4 =	simm.s32 $0x1BF5;
	[smem:$0x3FB7] =	sst s0  }
0x18: {  	s0 =	sld [smem:$0x3F9A];
	_ =	swait.ge [sflag:s4], $0x0  }
0x19: {  	s7 =	sld [smem:$0x3F9B]  }
0x1a: {  	s8 =	sadd.s32 $0xFFFFE003, lr  }
0x1b: {  	s9 =	sadd.s32 $0xFFFFFEF7, lr;
	s5 =	simm.s32 $0xFFFFFFFF;
	p2 =	slt.u32 s8, $0xFFFFF086  }
0x1c: {  	p1 =	slt.u32 s9, $0xF7A;
	s5 =	simm.s32 @!p2 $0x0  }
0x1d: {  	s5 =	simm.s32 @p1 $0x1;
	p0 =	seq.s32 s7, s2  }
0x1e: {  	s7 =	smul.u32 @!p0 $0xF7A, s2;
	p2 =	seq.s32 @!p0 s5, $0x0  }
0x1f: {  	s9 =	smul.u32 $0xF7A, s1;
	s8 =	simm.s32 @!p0 $0x1BF5;
	p2 =	por !p2, p0  }
0x20: {  	[sflag:s8] =	ssyncset.s32 @!p0 $0xFFFFF086;
	s6 =	sadd.s32 @!p0 s3, s7;
	s7 =	simm.s32 @!p0 $0x108  }
0x21: {  	s3 =	sadd.s32 s3, s9;
	s6 =	sadd.s32 @!p0 $0x88, s6;
	s7 =	simm.s32 @p2 $0x1082  }
0x22: {  	[simem:s7], [sflag:s8] =	dma.local @!p0 [hbm:s6], $0xF7A  }
0x23: {  	s9 =	sor.u32 $0xD0000000, s2;
	s6 =	simm.s32 $0x108;
	_ =	swait.ge @!p0 [sflag:s8], $0x0  }
0x24: {  	s3 =	sadd.s32 $0x88, s3;
	s6 =	simm.s32 @!p1 $0x1082;
	[sflag:s4] =	ssyncset.s32 $0xFFFFF086  }
0x25: {  	[simem:s6], [sflag:s4] =	dma.local [hbm:s3], $0xF7A  }
0x26: {  	[smem:$0x3F9B] =	sst s1;
	(tag) =	ssettag s2;
	_ =	strace s9  }
0x27: {  	s1 =	sld [smem:$0x3FAB]  }
0x28: {  	s2 =	sld [smem:$0x3FAC]  }
0x29: {  	s4 =	sld [smem:$0x3FAE]  }
0x2a: {  	p0 =	seq.s32 s5, $0x0;
	s5 =	sld [smem:$0x3FAF]  }
0x2b: {  	s6 =	sld [smem:$0x3FB0]  }
0x2c: {  	s7 =	sld [smem:$0x3FB1]  }
0x2d: {  	s3 =	simm.s32 $0x108;
	s8 =	sld [smem:$0x3FB2]  }
0x2e: {  	s3 =	simm.s32 @!p0 $0x1082;
	s9 =	sld [smem:$0x3FB3]  }
0x2f: {  	lr =	sadd.s32 s0, s3;
	s0 =	sld [smem:$0x3FAA]  }
0x30: {  	s3 =	sld [smem:$0x3FAD]  }
0x31: {  	[smem:$0x3FB6] =	sst s10  }
0x32: {  	s10 =	sld [smem:$0x3FB4];
	_ =	sdelay $0x3  }
0x33: {  	p0 =	seq.s32 s10, $0x1;
	s10 =	sld [smem:$0x3FB6];
	_ =	sdelay $0x3  }
0x34: {  	[smem:$0x3FB6] =	sst s10  }
0x35: {  	s10 =	sld [smem:$0x3FB5];
	_ =	sdelay $0x3  }
0x36: {  	p1 =	seq.s32 s10, $0x1;
	s10 =	sld [smem:$0x3FB6];
	_ =	sdelay $0x3  }
0x37: {  	[smem:$0x3FB6] =	sst s10  }
0x38: {  	s10 =	sld [smem:$0x3FB7]  }
0x39: {  	_ = 	snop;
	(pc) =	sbr.ind lr, $3  }
0x3a: {  	_ = 	snop  }
0x3b: {  	_ = 	snop  }
0x3c: {  	p2 =	seq.s32 s10, $0x1;
	s10 =	sld [smem:$0x3FB6]  }
0x3d: {  	_ =	shalt  }
0x3e: {  	_ =	shalt  }
0x3f: {  	_ =	shalt  }
0x40: {  	_ =	shalt  }
0x41: {  	_ =	shalt  }
0x42: {  	_ =	shalt  }
0x43: {  	_ =	shalt  }
0x44: {  	_ =	shalt  }
0x45: {  	_ =	shalt  }
0x46: {  	_ =	shalt  }
0x47: {  	_ =	shalt  }
0x48: {  	_ =	shalt  }
0x49: {  	_ =	shalt  }
0x4a: {  	_ =	shalt  }
0x4b: {  	_ =	shalt  }
0x4c: {  	_ =	shalt  }
0x4d: {  	_ =	shalt  }
0x4e: {  	_ =	shalt  }
0x4f: {  	_ =	shalt  }
0x50: {  	_ =	shalt  }
0x51: {  	_ =	shalt  }
0x52: {  	_ =	shalt  }
0x53: {  	_ =	shalt  }
0x54: {  	_ =	shalt  }
0x55: {  	_ =	shalt  }
0x56: {  	_ =	shalt  }
0x57: {  	_ =	shalt  }
0x58: {  	_ =	shalt  }
0x59: {  	_ =	shalt  }
0x5a: {  	_ =	shalt  }
0x5b: {  	_ =	shalt  }
0x5c: {  	_ =	shalt  }
0x5d: {  	_ =	shalt  }
0x5e: {  	_ =	shalt  }
0x5f: {  	_ =	shalt  }
0x60: {  	_ =	shalt  }
0x61: {  	_ =	shalt  }
0x62: {  	_ =	shalt  }
0x63: {  	_ =	shalt  }
0x64: {  	_ =	shalt  }
0x65: {  	_ =	shalt  }
0x66: {  	_ =	shalt  }
0x67: {  	_ =	shalt  }
0x68: {  	_ =	shalt  }
0x69: {  	_ =	shalt  }
0x6a: {  	_ =	shalt  }
0x6b: {  	_ =	shalt  }
0x6c: {  	_ =	shalt  }
0x6d: {  	_ =	shalt  }
0x6e: {  	_ =	shalt  }
0x6f: {  	_ =	shalt  }
0x70: {  	_ =	shalt  }
0x71: {  	_ =	shalt  }
0x72: {  	_ =	shalt  }
0x73: {  	_ =	shalt  }
0x74: {  	_ =	shalt  }
0x75: {  	_ =	shalt  }
0x76: {  	_ =	shalt  }
0x77: {  	_ =	shalt  }
0x78: {  	_ =	shalt  }
0x79: {  	_ =	shalt  }
0x7a: {  	_ =	shalt  }
0x7b: {  	_ =	shalt  }
0x7c: {  	_ =	shalt  }
0x7d: {  	_ =	shalt  }
0x7e: {  	_ =	shalt  }
0x7f: {  	_ =	shalt  }
0x80: {  	_ =	shalt  }
0x81: {  	_ =	shalt  }
0x82: {  	_ =	shalt  }
0x83: {  	_ =	shalt  }
0x84: {  	_ =	shalt  }
0x85: {  	_ =	shalt  }
0x86: {  	_ =	shalt  }
0x87: {  	_ =	shalt  }
.Lfunc_end0:
.L_simem_size_0:
called_computation.2_lowered:
.L_overlay_start_0:
0x88: {  	s2 =	sld [smem:$0x3FD9]  }
0x89: {  	s3 =	sld [smem:$0x3FFE];
	_ =	sdelay $0x1  }
0x8a: {  	s1 =	srdreg.scid  }
0x8b: {  	s0 =	sand.u32 $0x1, s1  }
0x8c: {  	s17 =	sshll.u32 s0, $0xA;
	s2 =	sadd.s32 s3, s2  }
0x8d: {  	s2 =	sadd.s32 s2, s17  }
0x8e: {  	[smem:$0x3FC2] =	sst s2  }
0x8f: {  	_ = 	snop  }
0x90: {  	s2 =	sld [smem:$0x3FD0];
	(tm) =	ssettm $0x1  }
0x91: {  	s18 =	sld [smem:$0x3FFB];
	_ =	sdelay $0x3  }
0x92: {  	_ =	strace s18  }
0x93: {  	s3 =	sld [smem:$0x3FFC];
	_ =	sdelay $0x3  }
0x94: {  	_ =	strace s3  }
0x95: {  	s3 =	sld [smem:$0x3FFD];
	_ =	sdelay $0x3  }
0x96: {  	_ =	strace s3  }
0x97: {  	_ =	strace $0x8FFFFFFF  }
0x98: {  	s19 =	sld [smem:$0x3FDB];
	_ =	sdelay $0x1  }
0x99: {  	s4 =	simm.s32 $_scs_section_size  }
0x9a: {  	s5 =	simm.s32 $_size__tile_overlayer_lowered;
	s6 =	simm.s32 $_tile_overlayer_lowered  }
0x9b: {  	s22 =	simm.s32 $0x1BFF;
	s21 =	sshll.u32 s6, $0x1;
	s3 =	sadd.s32 s4, s19  }
0x9c: {  	s7 =	simm.s32 $0x0;
	s20 =	sshll.u32 s5, $0x1;
	s5 =	sadd.s32 s21, s3  }
0x9d: {  	[timem:s7], [sflag:s22] =	dma.local [hbm:s5], s20  }
0x9e: {  	_ =	swait.ge [sflag:s22], s20  }
0x9f: {  	s4 =	ssub.s32 $0x0, s20;
	[sflag:s22] =	ssyncset.done $0x0  }
0xa0: {  	[sflag:s22] =	ssyncadd.s32 s4;
	_ =	sdelay $0x1  }
0xa1: {  	s23 =	simm.s32 $0x1B8B  }
0xa2: {  	_ =	swait.ge [sflag:s23], $0x1  }
0xa3: {  	[sflag:s23] =	ssyncset.done $0x0  }
0xa4: {  	s25 =	simm.s32 $0x1B8E;
	s24 =	sld [smem:$0x3FFE];
	[sflag:s23] =	ssyncadd.s32 $0xFFFFFFFF  }
0xa5: {  	s26 =	simm.s32 $execute0_lowered;
	[smem:$0x3FD2] =	sst s25  }
0xa6: {  	s5 =	sshll.u32 s26, $0x1;
	_ =	strace $0x8000004C;
	[dreg:$0x1] =	wrdreg $0xFFFFFFFF  }
0xa7: {  	s28 =	simm.s32 $_size_execute0_lowered;
	s3 =	sadd.s32 s3, s5;
	[dreg:$0x0] =	wrdreg $0x0  }
0xa8: {  	s5 =	sshll.u32 s28, $0x1;
	[dreg:$0x2] =	wrdreg s3  }
0xa9: {  	[dreg:$0x3] =	wrdreg s5  }
0xaa: {  	[dreg:$0x4] =	wrdreg $0xC0  }
0xab: {  	_ =	task [dreg:s7], $0x5FFFF  }
0xac: {  	[dreg:$0x1] =	wrdreg $0xFFFFFFFF  }
0xad: {  	[dreg:$0x0] =	wrdreg $0x60  }
0xae: {  	[dreg:$0x2] =	wrdreg s24  }
0xaf: {  	[dreg:$0x3] =	wrdreg s2  }
0xb0: {  	[dreg:$0x4] =	wrdreg $0x0  }
0xb1: {  	[dreg:$0x5] =	wrdreg $0x9  }
0xb2: {  	_ =	task.clear_ibuf [dreg:s7], $0x6FFFF;
	_ =	strace $0x9000004C  }
0xb3: {  	s29 =	simm.s32 $0x9;
	_ =	strace $0x8000004E  }
0xb4: {  	_ =	swait.ge [sflag:s29], $0x1  }
0xb5: {  	[sflag:s29] =	ssyncadd.s32 $0xFFFFFFFF  }
0xb6: {  	_ =	strace $0x9000004E  }
0xb7: {  	_ =	sfence  }
0xb8: {  	s30 =	sld [smem:$0x0];
	_ =	sdelay $0x2  }
0xb9: {  	s31 =	sshll.u32 s1, $0xD;
	s1 =	sshrl.u32 s1, $0x2  }
0xba: {  	s3 =	sand.u32 $0x4000, s31;
	s1 =	sadd.s32 s1, s30  }
0xbb: {  	s0 =	sor.u32 s3, s0;
	s1 =	sshll.u32 s1, $0x11  }
0xbc: {  	s0 =	sor.u32 s1, s0  }
0xbd: {  	s0 =	sadd.s32 $0x8F2B, s0  }
0xbe: {  	[sflag:s0] =	ssyncadd.remote.s32 $0x1  }
0xbf: {  	_ =	sfence.sel $0xFFFF  }
0xc0: {  	[dreg:$0x0] =	wrdreg $0xFFFFFFFF;
	(pc) =	sbr.abs _section_cstart, $3  }
0xc1: {  	[dreg:$0x1] =	wrdreg $0xFFFFFFFF  }
0xc2: {  	_ =	task.clear_ibuf [dreg:s7], $0x2FFFF;
	_ =	strace $0x9FFFFFFF  }
0xc3: {  	(tm) =	ssettm $0x7FFFFFFF  }
tec
execute0_lowered:
.L_overlay_start_1:
0x0: {  	(tag) =	ssettag $0x1  }
0x1: {  	s0 =	rddreg [dreg:$0x0]  }
0x2: {  	s2 =	rddreg [dreg:$0x2];
	s4 =	simm.s32 $0x0  }
0x3: {  	s6 =	stileid.u32;
	s1 =	srdreg.scid;
	s17 =	simm.s32 $0x7  }
0x4: {  	s19 =	simm.s32 $0x16900;
	s20 =	simm.s32 $0x16980;
	s21 =	simm.s32 $0x5  }
0x5: {  	s22 =	simm.s32 $0x80;
	s28 =	simm.s32 $0x16800;
	s29 =	simm.s32 $0x2  }
0x6: {  	s30 =	simm.s32 $0x16880;
	s31 =	simm.s32 $0x3;
	[smem:$0x7FF] =	sst s4  }
0x7: {  	s5 =	sadd.s32 $0xFC00, s0;
	s8 =	smul.u32 $0x2800, s6;
	s7 =	sadd.s32 $0x60400, s0  }
0x8: {  	s3 =	sadd.s32 $0x3400, s0;
	s1 =	sand.u32 $0x1, s1;
	s11 =	smul.u32 $0x50000, s6  }
0x9: {  	s23 =	sadd.s32 $0xD400, s0;
	s26 =	sshll.u32 s6, $0x6;
	s15 =	smul.u32 $0x500, s6  }
0xa: {  	_ =	strace $0x8000004D;
	s10 =	ssub.s32 $0x2, s1;
	[dreg:$0x5] =	wrdreg s23  }
0xb: {  	p0 =	sne.s32 s1, $0x0;
	s23 =	simm.s32 $0x16A00;
	[dreg:$0x4] =	wrdreg s8  }
0xc: {  	s9 =	sshrl.u32 s8, $0x3;
	s13 =	sshrl.u32 s10, $0x1;
	s25 =	sshrl.u32 s11, $0x2  }
0xd: {  	s15 =	sadd.s32 s15, s3;
	s12 =	sadd.s32 s9, s0;
	s0 =	sadd.s32 $0x87600, s0  }
.Ltmp0:
0xe: {  	s24 =	ssub.s32 s10, s13;
	s16 =	sadd.s32 s25, s2;
	(pc) =	sbr.rel .LBB2_1-.Ltmp0, $4  }
0xf: {  	s10 =	sor.u32 $0x1C07, s26;
	s25 =	simm.s32 $0x1AA00;
	s26 =	simm.s32 $0x1  }
0x10: {  	[dreg:$0x6] =	wrdreg s0;
	s11 =	sadd.s32 $0x8400, s12;
	s12 =	sadd.s32 s3, s9  }
0x11: {  	s14 =	smax.u32 s24, $0x1;
	s16 =	sshrl.u32 s16, $0x3;
	s24 =	simm.s32 $0x6  }
0x12: {  	s0 =	simm.s32 $0x4;
	s3 =	simm.s32 $0x0;
	s13 =	sadd.s32 $0x10, s12  }
.LBB2_8:
0x13: {  	s1 =	rddreg [dreg:$0x6]  }
.LBB2_9:
0x14: {  	_ =	swait.ge [sflag:s31], $0x4000  }
0x15: {  	[sflag:s31] =	ssyncset.done $0x0  }
0x16: {  	[sflag:s31] =	ssyncadd.s32 $0xFFFFC000  }
0x17: {  	_ =	swait.ge [sflag:s0], $0x4000  }
0x18: {  	s3 =	sadd.s32 $0x1, s3;
	[sflag:s0] =	ssyncset.done $0x0  }
0x19: {  	p1 =	sne.s32 s3, s14;
	s6 =	rddreg [dreg:$0x4];
	[sflag:s0] =	ssyncadd.s32 $0xFFFFC000  }
.Ltmp1:
0x1a: {  	s1 =	sadd.s32 s1, s6;
	[bflag:$0x0] =	sbarrier.arrive $0xFFFF;
	(pc) =	sbr.rel @!p1 .LBB2_10-.Ltmp1, $4  }
0x1b: {  	[hbm:s1], [sflag:s10] =	dma.local [spmem:s16], $0x2800  }
0x1c: {  	_ =	swait.ge [sflag:s17], $0x2800  }
0x1d: {  	[sflag:s17] =	ssyncset.done $0x0  }
0x1e: {  	[sflag:s17] =	ssyncadd.s32 $0xFFFFD800  }
.LBB2_1:
0x1f: {  	s1 =	rddreg [dreg:$0x5]  }
0x20: {  	[spmem:s16], [sflag:s10] =	dma.local [hbm:s1], $0x2800  }
0x21: {  	_ =	swait.ge [sflag:s17], $0x2800  }
0x22: {  	[sflag:s17] =	ssyncset.done $0x0  }
0x23: {  	s18 =	simm.s32 $0x14000;
	[sflag:s17] =	ssyncadd.s32 $0xFFFFD800  }
0x24: {  	[tilespmem:s18], [sflag:$0x7] =	stream.linear.gather [hbm4b:s11+s4], $0x2800, $0x38;
	[tilespmem:$0x1EA00] =	vst v63  }
0x25: {  	_ =	swait.ge [sflag:s17], $0x2800  }
0x26: {  	[sflag:s17] =	ssyncset.done $0x0  }
0x27: {  	[sflag:s17] =	ssyncadd.s32 $0xFFFFD800  }
0x28: {  	[bflag:$0x0] =	sbarrier.arrive $0xFFFF  }
0x29: {  	[tilespmem:s19], [sflag:$0x5] =	stream.linear.gather [hbm4b:s12+s4], $0x80, $0x38;
	[tilespmem:$0x1EA00] =	vst v63  }
.Ltmp2:
0x2a: {  	_ = 	snop;
	(pc) =	sbr.rel @p0 .LBB2_6-.Ltmp2, $4  }
0x2b: {  	[tilespmem:s20], [sflag:$0x6] =	stream.linear.gather [hbm4b:s13+s4], $0x80, $0x38;
	[tilespmem:$0x1EA00] =	vst v63  }
0x2c: {  	_ =	swait.ge [sflag:s21], $0x80  }
0x2d: {  	[sflag:s21] =	ssyncset.done $0x0  }
0x2e: {  	[sflag:s21] =	ssyncadd.s32 $0xFFFFFF80  }
0x2f: {  	[tilespmem:s23], [sflag:$0x1] =	stream.indirect.gather [hbm4b:s5+s22], $0x80, s19, s22, $0xb8;
	[tilespmem:$0x1EA00] =	vst v63  }
0x30: {  	_ =	swait.ge [sflag:s24], $0x80  }
0x31: {  	[sflag:s24] =	ssyncset.done $0x0  }
0x32: {  	s1 =	simm.s32 $0xFFFFFB20;
	s9 =	simm.s32 $0x14080;
	[sflag:s24] =	ssyncadd.s32 $0xFFFFFF80  }
0x33: {  	[tilespmem:s25], [sflag:$0x2] =	stream.indirect.gather [hbm4b:s5+s22], $0x80, s20, s22, $0xb8;
	[tilespmem:$0x1EA00] =	vst v63  }
.LBB2_3:
0x34: {  	_ =	swait.ge [sflag:s26], $0x4000  }
0x35: {  	[sflag:s26] =	ssyncset.done $0x0  }
0x36: {  	[sflag:s26] =	ssyncadd.s32 $0xFFFFC000  }
0x37: {  	v0 =	vld [tilespmem:s9+$0xFFFFFF80];
	_ =	sdelay $0x4  }
0x38: {  	[tilespmem:$0x16800] =	vst v0  }
0x39: {  	v0 =	vld [tilespmem:s9+$0xFFFFFF90];
	_ =	sdelay $0x4  }
0x3a: {  	[tilespmem:$0x16810] =	vst v0  }
0x3b: {  	v0 =	vld [tilespmem:s9+$0xFFFFFFA0];
	_ =	sdelay $0x4  }
0x3c: {  	[tilespmem:$0x16820] =	vst v0  }
0x3d: {  	v0 =	vld [tilespmem:s9+$0xFFFFFFB0];
	_ =	sdelay $0x4  }
0x3e: {  	[tilespmem:$0x16830] =	vst v0  }
0x3f: {  	v0 =	vld [tilespmem:s9+$0xFFFFFFC0];
	_ =	sdelay $0x4  }
0x40: {  	[tilespmem:$0x16840] =	vst v0  }
0x41: {  	v0 =	vld [tilespmem:s9+$0xFFFFFFD0];
	_ =	sdelay $0x4  }
0x42: {  	[tilespmem:$0x16850] =	vst v0  }
0x43: {  	v0 =	vld [tilespmem:s9+$0xFFFFFFE0];
	_ =	sdelay $0x4  }
0x44: {  	[tilespmem:$0x16860] =	vst v0  }
0x45: {  	v0 =	vld [tilespmem:s9+$0xFFFFFFF0];
	_ =	sdelay $0x3  }
0x46: {  	p1 =	seq.s32 s1, $0x0  }
0x47: {  	s18 =	sadd.s32 @!p1 s1, s15;
	[tilespmem:$0x16870] =	vst v0  }
0x48: {  	[spmem:s2] =	stream.indirect.scatter.add.f32 [tilespmem:s23], [sflag:$0x3], $0x80, s28, s22, $0xb8;
	[tilespmem:$0x1EA00] =	vst v63  }
0x49: {  	s6 =	simm.s32 @!p1 $0x0;
	s8 =	simm.s32 @!p1 $0x16900;
	s18 =	sadd.s32 @!p1 $0x500, s18  }
0x4a: {  	[tilespmem:s8], [sflag:$0x5] =	stream.linear.gather @!p1 [hbm4b:s18+s6], $0x80, $0x38;
	[tilespmem:$0x1EA00] =	vst v63  }
0x4b: {  	_ =	swait.ge [sflag:s29], $0x4000  }
0x4c: {  	[sflag:s29] =	ssyncset.done $0x0  }
0x4d: {  	[sflag:s29] =	ssyncadd.s32 $0xFFFFC000  }
0x4e: {  	v63 =	vld [tilespmem:s9+$0x0];
	_ =	sdelay $0x4  }
0x4f: {  	[tilespmem:$0x16880] =	vst v63  }
0x50: {  	v0 =	vld [tilespmem:s9+$0x10];
	_ =	sdelay $0x4  }
0x51: {  	[tilespmem:$0x16890] =	vst v0  }
0x52: {  	v0 =	vld [tilespmem:s9+$0x20];
	_ =	sdelay $0x4  }
0x53: {  	[tilespmem:$0x168A0] =	vst v0  }
0x54: {  	v0 =	vld [tilespmem:s9+$0x30];
	_ =	sdelay $0x4  }
0x55: {  	[tilespmem:$0x168B0] =	vst v0  }
0x56: {  	v0 =	vld [tilespmem:s9+$0x40];
	_ =	sdelay $0x4  }
0x57: {  	[tilespmem:$0x168C0] =	vst v0  }
0x58: {  	v0 =	vld [tilespmem:s9+$0x50];
	_ =	sdelay $0x4  }
0x59: {  	[tilespmem:$0x168D0] =	vst v0  }
0x5a: {  	v0 =	vld [tilespmem:s9+$0x60];
	_ =	sdelay $0x4  }
0x5b: {  	[tilespmem:$0x168E0] =	vst v0  }
0x5c: {  	v0 =	vld [tilespmem:s9+$0x70];
	_ =	sdelay $0x1  }
.Ltmp3:
0x5d: {  	_ = 	snop;
	(pc) =	sbr.rel @p1 .LBB2_4-.Ltmp3, $3  }
0x5e: {  	_ =	sdelay $0x1  }
0x5f: {  	[tilespmem:$0x168F0] =	vst v0  }
0x60: {  	[spmem:s2] =	stream.indirect.scatter.add.f32 [tilespmem:s25], [sflag:$0x4], $0x80, s30, s22, $0xb8;
	[tilespmem:$0x1EA00] =	vst v63  }
0x61: {  	s6 =	sadd.s32 s1, s15  }
0x62: {  	s6 =	sadd.s32 $0x510, s6  }
0x63: {  	[tilespmem:s20], [sflag:$0x6] =	stream.linear.gather [hbm4b:s6+s4], $0x80, $0x38;
	[tilespmem:$0x1EA00] =	vst v63  }
0x64: {  	_ =	swait.ge [sflag:s31], $0x4000  }
0x65: {  	[sflag:s31] =	ssyncset.done $0x0  }
0x66: {  	[sflag:s31] =	ssyncadd.s32 $0xFFFFC000  }
0x67: {  	_ =	swait.ge [sflag:s21], $0x80  }
0x68: {  	[sflag:s21] =	ssyncset.done $0x0  }
0x69: {  	[sflag:s21] =	ssyncadd.s32 $0xFFFFFF80  }
0x6a: {  	[tilespmem:s23], [sflag:$0x1] =	stream.indirect.gather [hbm4b:s5+s22], $0x80, s19, s22, $0xb8;
	[tilespmem:$0x1EA00] =	vst v63  }
0x6b: {  	_ =	swait.ge [sflag:s0], $0x4000  }
0x6c: {  	[sflag:s0] =	ssyncset.done $0x0  }
.Ltmp4:
0x6d: {  	[sflag:s0] =	ssyncadd.s32 $0xFFFFC000;
	(pc) =	sbr.rel .LBB2_3-.Ltmp4, $4  }
0x6e: {  	_ =	swait.ge [sflag:s24], $0x80  }
0x6f: {  	[sflag:s24] =	ssyncset.done $0x0  }
0x70: {  	s1 =	sadd.s32 $0x20, s1;
	s9 =	sadd.s32 $0x100, s9;
	[sflag:s24] =	ssyncadd.s32 $0xFFFFFF80  }
0x71: {  	[tilespmem:s25], [sflag:$0x2] =	stream.indirect.gather [hbm4b:s5+s22], $0x80, s20, s22, $0xb8;
	[tilespmem:$0x1EA00] =	vst v63  }
.LBB2_6:
0x72: {  	[tilespmem:s23], [sflag:$0x1] =	stream.indirect.gather [hbm4b:s7+s22], $0x80, s19, s22, $0xb8;
	[tilespmem:$0x1EA00] =	vst v63  }
0x73: {  	_ =	swait.ge [sflag:s24], $0x80  }
0x74: {  	[sflag:s24] =	ssyncset.done $0x0  }
0x75: {  	s1 =	simm.s32 $0xFFFFFB20;
	s9 =	simm.s32 $0x14080;
	[sflag:s24] =	ssyncadd.s32 $0xFFFFFF80  }
0x76: {  	[tilespmem:s25], [sflag:$0x2] =	stream.indirect.gather [hbm4b:s7+s22], $0x80, s20, s22, $0xb8;
	[tilespmem:$0x1EA00] =	vst v63  }
.LBB2_7:
0x77: {  	_ =	swait.ge [sflag:s26], $0x4000  }
0x78: {  	[sflag:s26] =	ssyncset.done $0x0  }
0x79: {  	[sflag:s26] =	ssyncadd.s32 $0xFFFFC000  }
0x7a: {  	v0 =	vld [tilespmem:s9+$0xFFFFFF80];
	_ =	sdelay $0x4  }
0x7b: {  	[tilespmem:$0x16800] =	vst v0  }
0x7c: {  	v0 =	vld [tilespmem:s9+$0xFFFFFF90];
	_ =	sdelay $0x4  }
0x7d: {  	[tilespmem:$0x16810] =	vst v0  }
0x7e: {  	v0 =	vld [tilespmem:s9+$0xFFFFFFA0];
	_ =	sdelay $0x4  }
0x7f: {  	[tilespmem:$0x16820] =	vst v0  }
0x80: {  	v0 =	vld [tilespmem:s9+$0xFFFFFFB0];
	_ =	sdelay $0x4  }
0x81: {  	[tilespmem:$0x16830] =	vst v0  }
0x82: {  	v0 =	vld [tilespmem:s9+$0xFFFFFFC0];
	_ =	sdelay $0x4  }
0x83: {  	[tilespmem:$0x16840] =	vst v0  }
0x84: {  	v0 =	vld [tilespmem:s9+$0xFFFFFFD0];
	_ =	sdelay $0x4  }
0x85: {  	[tilespmem:$0x16850] =	vst v0  }
0x86: {  	v0 =	vld [tilespmem:s9+$0xFFFFFFE0];
	_ =	sdelay $0x4  }
0x87: {  	[tilespmem:$0x16860] =	vst v0  }
0x88: {  	v0 =	vld [tilespmem:s9+$0xFFFFFFF0];
	_ =	sdelay $0x3  }
0x89: {  	p1 =	seq.s32 s1, $0x0  }
0x8a: {  	s6 =	sadd.s32 @!p1 s1, s15;
	[tilespmem:$0x16870] =	vst v0  }
0x8b: {  	[spmem:s2] =	stream.indirect.scatter.add.f32 [tilespmem:s23], [sflag:$0x3], $0x80, s28, s22, $0xb8;
	[tilespmem:$0x1EA00] =	vst v63  }
0x8c: {  	s8 =	simm.s32 @!p1 $0x0;
	s18 =	simm.s32 @!p1 $0x16900;
	s6 =	sadd.s32 @!p1 $0x500, s6  }
0x8d: {  	[tilespmem:s18], [sflag:$0x5] =	stream.linear.gather @!p1 [hbm4b:s6+s8], $0x80, $0x38;
	[tilespmem:$0x1EA00] =	vst v63  }
0x8e: {  	_ =	swait.ge [sflag:s29], $0x4000  }
0x8f: {  	[sflag:s29] =	ssyncset.done $0x0  }
0x90: {  	[sflag:s29] =	ssyncadd.s32 $0xFFFFC000  }
0x91: {  	v63 =	vld [tilespmem:s9+$0x0];
	_ =	sdelay $0x4  }
0x92: {  	[tilespmem:$0x16880] =	vst v63  }
0x93: {  	v0 =	vld [tilespmem:s9+$0x10];
	_ =	sdelay $0x4  }
0x94: {  	[tilespmem:$0x16890] =	vst v0  }
0x95: {  	v0 =	vld [tilespmem:s9+$0x20];
	_ =	sdelay $0x4  }
0x96: {  	[tilespmem:$0x168A0] =	vst v0  }
0x97: {  	v0 =	vld [tilespmem:s9+$0x30];
	_ =	sdelay $0x4  }
0x98: {  	[tilespmem:$0x168B0] =	vst v0  }
0x99: {  	v0 =	vld [tilespmem:s9+$0x40];
	_ =	sdelay $0x4  }
0x9a: {  	[tilespmem:$0x168C0] =	vst v0  }
0x9b: {  	v0 =	vld [tilespmem:s9+$0x50];
	_ =	sdelay $0x4  }
0x9c: {  	[tilespmem:$0x168D0] =	vst v0  }
0x9d: {  	v0 =	vld [tilespmem:s9+$0x60];
	_ =	sdelay $0x4  }
0x9e: {  	[tilespmem:$0x168E0] =	vst v0  }
0x9f: {  	v0 =	vld [tilespmem:s9+$0x70];
	_ =	sdelay $0x1  }
.Ltmp5:
0xa0: {  	_ = 	snop;
	(pc) =	sbr.rel @p1 .LBB2_8-.Ltmp5, $3  }
0xa1: {  	_ =	sdelay $0x1  }
0xa2: {  	[tilespmem:$0x168F0] =	vst v0  }
0xa3: {  	[spmem:s2] =	stream.indirect.scatter.add.f32 [tilespmem:s25], [sflag:$0x4], $0x80, s30, s22, $0xb8;
	[tilespmem:$0x1EA00] =	vst v63  }
0xa4: {  	s6 =	sadd.s32 s1, s15  }
0xa5: {  	s6 =	sadd.s32 $0x510, s6  }
0xa6: {  	[tilespmem:s20], [sflag:$0x6] =	stream.linear.gather [hbm4b:s6+s4], $0x80, $0x38;
	[tilespmem:$0x1EA00] =	vst v63  }
0xa7: {  	_ =	swait.ge [sflag:s31], $0x4000  }
0xa8: {  	[sflag:s31] =	ssyncset.done $0x0  }
0xa9: {  	[sflag:s31] =	ssyncadd.s32 $0xFFFFC000  }
0xaa: {  	_ =	swait.ge [sflag:s21], $0x80  }
0xab: {  	[sflag:s21] =	ssyncset.done $0x0  }
0xac: {  	[sflag:s21] =	ssyncadd.s32 $0xFFFFFF80  }
0xad: {  	[tilespmem:s23], [sflag:$0x1] =	stream.indirect.gather [hbm4b:s7+s22], $0x80, s19, s22, $0xb8;
	[tilespmem:$0x1EA00] =	vst v63  }
0xae: {  	_ =	swait.ge [sflag:s0], $0x4000  }
0xaf: {  	[sflag:s0] =	ssyncset.done $0x0  }
.Ltmp6:
0xb0: {  	[sflag:s0] =	ssyncadd.s32 $0xFFFFC000;
	(pc) =	sbr.rel .LBB2_7-.Ltmp6, $4  }
0xb1: {  	_ =	swait.ge [sflag:s24], $0x80  }
0xb2: {  	[sflag:s24] =	ssyncset.done $0x0  }
0xb3: {  	s1 =	sadd.s32 $0x20, s1;
	s9 =	sadd.s32 $0x100, s9;
	[sflag:s24] =	ssyncadd.s32 $0xFFFFFF80  }
0xb4: {  	[tilespmem:s25], [sflag:$0x2] =	stream.indirect.gather [hbm4b:s7+s22], $0x80, s20, s22, $0xb8;
	[tilespmem:$0x1EA00] =	vst v63  }
.LBB2_4:
.Ltmp7:
0xb5: {  	(pc) =	sbr.rel .LBB2_9-.Ltmp7, $2  }
0xb6: {  	_ =	sdelay $0x2  }
0xb7: {  	s1 =	rddreg [dreg:$0x1]  }
.LBB2_10:
0xb8: {  	_ =	sfence.sel $0x180000  }
0xb9: {  	[bflag:$0x0] =	sbarrier.arrive $0xFFFF  }
0xba: {  	_ =	strace $0x9000004D  }
0xbb: {  	s0 =	stileid.u32;
	[bflag:$0x2] =	sbarrier.arrive $0xFFFF  }
0xbc: {  	p0 =	sne.s32 s0, $0x0;
	s0 =	rddreg [dreg:$0x3]  }
0xbd: {  	s0 =	sadd.s32 @!p0 $0x100000, s0  }
0xbe: {  	[sflag:s0] =	ssyncadd.tile.s32 @!p0 $0x1;
	_ =	shalt  }
.Lfunc_end2:
_tile_overlayer_lowered:
.L_overlay_start_2:
0xbf: {  	(tag) =	ssettag $0x2  }
0xc0: {  	s0 =	rddreg [dreg:$0x0];
	s2 =	stileid.u32  }
0xc1: {  	s1 =	rddreg [dreg:$0x1];
	p0 =	sne.s32 s2, $0x0  }
0xc2: {  	s3 =	rddreg [dreg:$0x2];
	[bflag:$0x3] =	sbarrier.arrive $0xFFFF;
	s2 =	simm.s32 @!p0 $0x1C07  }
0xc3: {  	[timem:s3], [sflag:s2] =	dma.local @!p0 [hbm:s0], s1  }
0xc4: {  	s0 =	simm.s32 @!p0 $0x7  }
0xc5: {  	_ =	swait.ge @!p0 [sflag:s0], s1  }
0xc6: {  	s1 =	ssub.s32 @!p0 $0x0, s1;
	[sflag:s0] =	ssyncset.done @!p0 $0x0  }
0xc7: {  	[sflag:s0] =	ssyncadd.s32 @!p0 s1  }
0xc8: {  	[bflag:$0x3] =	sbarrier.arrive $0xFFFF  }
0xc9: {  	_ =	shalt  }

// kernel: kernel.8.cloned.1.call-start
scs
__scs_entry_jumppad:
0x0: {  	(pc) =	sbr.rel $0x88, $3  }
0x1: {  	(tag) =	ssettag $0x0;
	lr =	simm.s32 $0x1  }
0x2: {  	[smem:$0x3F9B] =	sst lr;
	_ =	strace $0xD0000000  }
0x3: {  	_ = 	snop  }
0x4: {  	_ = 	snop  }
0x5: {  	_ = 	snop  }
0x6: {  	_ = 	snop  }
0x7: {  	_ = 	snop  }
__scs_overlays_trampoline_lowered:
0x8: {  	[smem:$0x3FAA] =	sst s0  }
0x9: {  	[smem:$0x3FAB] =	sst s1  }
0xa: {  	[smem:$0x3FAC] =	sst s2  }
0xb: {  	[smem:$0x3FAD] =	sst s3  }
0xc: {  	[smem:$0x3FAE] =	sst s4  }
0xd: {  	[smem:$0x3FAF] =	sst s5  }
0xe: {  	[smem:$0x3FB0] =	sst s6  }
0xf: {  	[smem:$0x3FB1] =	sst s7  }
0x10: {  	[smem:$0x3FB2] =	sst s8  }
0x11: {  	[smem:$0x3FB3] =	sst s9;
	s0 =	simm.s32 @!p0 $0x0  }
0x12: {  	s1 =	sld [smem:$0x3F99];
	s0 =	simm.s32 @p0 $0x1  }
0x13: {  	[smem:$0x3FB4] =	sst s0;
	s0 =	simm.s32 @!p1 $0x0  }
0x14: {  	s2 =	sld [smem:$0x3F98];
	s0 =	simm.s32 @p1 $0x1  }
0x15: {  	[smem:$0x3FB5] =	sst s0;
	s0 =	simm.s32 @!p2 $0x0  }
0x16: {  	s3 =	sld [smem:$0x3FDB];
	s0 =	simm.s32 @p2 $0x1  }
0x17: {  	s4 =	simm.s32 $0x1BF5;
	[smem:$0x3FB7] =	sst s0  }
0x18: {  	s0 =	sld [smem:$0x3F9A];
	_ =	swait.ge [sflag:s4], $0x0  }
0x19: {  	s7 =	sld [smem:$0x3F9B]  }
0x1a: {  	s8 =	sadd.s32 $0xFFFFE003, lr  }
0x1b: {  	s9 =	sadd.s32 $0xFFFFFEF7, lr;
	s5 =	simm.s32 $0xFFFFFFFF;
	p2 =	slt.u32 s8, $0xFFFFF086  }
0x1c: {  	p1 =	slt.u32 s9, $0xF7A;
	s5 =	simm.s32 @!p2 $0x0  }
0x1d: {  	s5 =	simm.s32 @p1 $0x1;
	p0 =	seq.s32 s7, s2  }
0x1e: {  	s7 =	smul.u32 @!p0 $0xF7A, s2;
	p2 =	seq.s32 @!p0 s5, $0x0  }
0x1f: {  	s9 =	smul.u32 $0xF7A, s1;
	s8 =	simm.s32 @!p0 $0x1BF5;
	p2 =	por !p2, p0  }
0x20: {  	[sflag:s8] =	ssyncset.s32 @!p0 $0xFFFFF086;
	s6 =	sadd.s32 @!p0 s3, s7;
	s7 =	simm.s32 @!p0 $0x108  }
0x21: {  	s3 =	sadd.s32 s3, s9;
	s6 =	sadd.s32 @!p0 $0x88, s6;
	s7 =	simm.s32 @p2 $0x1082  }
0x22: {  	[simem:s7], [sflag:s8] =	dma.local @!p0 [hbm:s6], $0xF7A  }
0x23: {  	s9 =	sor.u32 $0xD0000000, s2;
	s6 =	simm.s32 $0x108;
	_ =	swait.ge @!p0 [sflag:s8], $0x0  }
0x24: {  	s3 =	sadd.s32 $0x88, s3;
	s6 =	simm.s32 @!p1 $0x1082;
	[sflag:s4] =	ssyncset.s32 $0xFFFFF086  }
0x25: {  	[simem:s6], [sflag:s4] =	dma.local [hbm:s3], $0xF7A  }
0x26: {  	[smem:$0x3F9B] =	sst s1;
	(tag) =	ssettag s2;
	_ =	strace s9  }
0x27: {  	s1 =	sld [smem:$0x3FAB]  }
0x28: {  	s2 =	sld [smem:$0x3FAC]  }
0x29: {  	s4 =	sld [smem:$0x3FAE]  }
0x2a: {  	p0 =	seq.s32 s5, $0x0;
	s5 =	sld [smem:$0x3FAF]  }
0x2b: {  	s6 =	sld [smem:$0x3FB0]  }
0x2c: {  	s7 =	sld [smem:$0x3FB1]  }
0x2d: {  	s3 =	simm.s32 $0x108;
	s8 =	sld [smem:$0x3FB2]  }
0x2e: {  	s3 =	simm.s32 @!p0 $0x1082;
	s9 =	sld [smem:$0x3FB3]  }
0x2f: {  	lr =	sadd.s32 s0, s3;
	s0 =	sld [smem:$0x3FAA]  }
0x30: {  	s3 =	sld [smem:$0x3FAD]  }
0x31: {  	[smem:$0x3FB6] =	sst s10  }
0x32: {  	s10 =	sld [smem:$0x3FB4];
	_ =	sdelay $0x3  }
0x33: {  	p0 =	seq.s32 s10, $0x1;
	s10 =	sld [smem:$0x3FB6];
	_ =	sdelay $0x3  }
0x34: {  	[smem:$0x3FB6] =	sst s10  }
0x35: {  	s10 =	sld [smem:$0x3FB5];
	_ =	sdelay $0x3  }
0x36: {  	p1 =	seq.s32 s10, $0x1;
	s10 =	sld [smem:$0x3FB6];
	_ =	sdelay $0x3  }
0x37: {  	[smem:$0x3FB6] =	sst s10  }
0x38: {  	s10 =	sld [smem:$0x3FB7]  }
0x39: {  	_ = 	snop;
	(pc) =	sbr.ind lr, $3  }
0x3a: {  	_ = 	snop  }
0x3b: {  	_ = 	snop  }
0x3c: {  	p2 =	seq.s32 s10, $0x1;
	s10 =	sld [smem:$0x3FB6]  }
0x3d: {  	_ =	shalt  }
0x3e: {  	_ =	shalt  }
0x3f: {  	_ =	shalt  }
0x40: {  	_ =	shalt  }
0x41: {  	_ =	shalt  }
0x42: {  	_ =	shalt  }
0x43: {  	_ =	shalt  }
0x44: {  	_ =	shalt  }
0x45: {  	_ =	shalt  }
0x46: {  	_ =	shalt  }
0x47: {  	_ =	shalt  }
0x48: {  	_ =	shalt  }
0x49: {  	_ =	shalt  }
0x4a: {  	_ =	shalt  }
0x4b: {  	_ =	shalt  }
0x4c: {  	_ =	shalt  }
0x4d: {  	_ =	shalt  }
0x4e: {  	_ =	shalt  }
0x4f: {  	_ =	shalt  }
0x50: {  	_ =	shalt  }
0x51: {  	_ =	shalt  }
0x52: {  	_ =	shalt  }
0x53: {  	_ =	shalt  }
0x54: {  	_ =	shalt  }
0x55: {  	_ =	shalt  }
0x56: {  	_ =	shalt  }
0x57: {  	_ =	shalt  }
0x58: {  	_ =	shalt  }
0x59: {  	_ =	shalt  }
0x5a: {  	_ =	shalt  }
0x5b: {  	_ =	shalt  }
0x5c: {  	_ =	shalt  }
0x5d: {  	_ =	shalt  }
0x5e: {  	_ =	shalt  }
0x5f: {  	_ =	shalt  }
0x60: {  	_ =	shalt  }
0x61: {  	_ =	shalt  }
0x62: {  	_ =	shalt  }
0x63: {  	_ =	shalt  }
0x64: {  	_ =	shalt  }
0x65: {  	_ =	shalt  }
0x66: {  	_ =	shalt  }
0x67: {  	_ =	shalt  }
0x68: {  	_ =	shalt  }
0x69: {  	_ =	shalt  }
0x6a: {  	_ =	shalt  }
0x6b: {  	_ =	shalt  }
0x6c: {  	_ =	shalt  }
0x6d: {  	_ =	shalt  }
0x6e: {  	_ =	shalt  }
0x6f: {  	_ =	shalt  }
0x70: {  	_ =	shalt  }
0x71: {  	_ =	shalt  }
0x72: {  	_ =	shalt  }
0x73: {  	_ =	shalt  }
0x74: {  	_ =	shalt  }
0x75: {  	_ =	shalt  }
0x76: {  	_ =	shalt  }
0x77: {  	_ =	shalt  }
0x78: {  	_ =	shalt  }
0x79: {  	_ =	shalt  }
0x7a: {  	_ =	shalt  }
0x7b: {  	_ =	shalt  }
0x7c: {  	_ =	shalt  }
0x7d: {  	_ =	shalt  }
0x7e: {  	_ =	shalt  }
0x7f: {  	_ =	shalt  }
0x80: {  	_ =	shalt  }
0x81: {  	_ =	shalt  }
0x82: {  	_ =	shalt  }
0x83: {  	_ =	shalt  }
0x84: {  	_ =	shalt  }
0x85: {  	_ =	shalt  }
0x86: {  	_ =	shalt  }
0x87: {  	_ =	shalt  }
.Lfunc_end0:
.L_simem_size_0:
called_computation_lowered:
.L_overlay_start_0:
0x88: {  	s2 =	sld [smem:$0x3FD9]  }
0x89: {  	s3 =	sld [smem:$0x3FFE];
	_ =	sdelay $0x1  }
0x8a: {  	s1 =	srdreg.scid  }
0x8b: {  	s0 =	sand.u32 $0x1, s1  }
0x8c: {  	s17 =	sshll.u32 s0, $0xA;
	s2 =	sadd.s32 s3, s2  }
0x8d: {  	s2 =	sadd.s32 s2, s17  }
0x8e: {  	[smem:$0x3FC2] =	sst s2  }
0x8f: {  	_ = 	snop  }
0x90: {  	s2 =	sld [smem:$0x3FD0];
	(tm) =	ssettm $0x1  }
0x91: {  	s18 =	sld [smem:$0x3FFB];
	_ =	sdelay $0x3  }
0x92: {  	_ =	strace s18  }
0x93: {  	s3 =	sld [smem:$0x3FFC];
	_ =	sdelay $0x3  }
0x94: {  	_ =	strace s3  }
0x95: {  	s3 =	sld [smem:$0x3FFD];
	_ =	sdelay $0x3  }
0x96: {  	_ =	strace s3  }
0x97: {  	_ =	strace $0x8FFFFFFF  }
0x98: {  	s19 =	sld [smem:$0x3FDB];
	_ =	sdelay $0x1  }
0x99: {  	s4 =	simm.s32 $_scs_section_size  }
0x9a: {  	s5 =	simm.s32 $_size__tile_overlayer_lowered;
	s6 =	simm.s32 $_tile_overlayer_lowered  }
0x9b: {  	s22 =	simm.s32 $0x1BFF;
	s21 =	sshll.u32 s6, $0x1;
	s3 =	sadd.s32 s4, s19  }
0x9c: {  	s7 =	simm.s32 $0x0;
	s20 =	sshll.u32 s5, $0x1;
	s5 =	sadd.s32 s21, s3  }
0x9d: {  	[timem:s7], [sflag:s22] =	dma.local [hbm:s5], s20  }
0x9e: {  	_ =	swait.ge [sflag:s22], s20  }
0x9f: {  	s4 =	ssub.s32 $0x0, s20;
	[sflag:s22] =	ssyncset.done $0x0  }
0xa0: {  	[sflag:s22] =	ssyncadd.s32 s4;
	_ =	sdelay $0x1  }
0xa1: {  	s23 =	simm.s32 $0x1B8B  }
0xa2: {  	_ =	swait.ge [sflag:s23], $0x1  }
0xa3: {  	[sflag:s23] =	ssyncset.done $0x0  }
0xa4: {  	s25 =	simm.s32 $0x1B8E;
	s24 =	sld [smem:$0x3FFE];
	[sflag:s23] =	ssyncadd.s32 $0xFFFFFFFF  }
0xa5: {  	s26 =	simm.s32 $execute0_lowered;
	[smem:$0x3FD2] =	sst s25  }
0xa6: {  	s5 =	sshll.u32 s26, $0x1;
	_ =	strace $0x80000046;
	[dreg:$0x1] =	wrdreg $0xFFFFFFFF  }
0xa7: {  	s28 =	simm.s32 $_size_execute0_lowered;
	s3 =	sadd.s32 s3, s5;
	[dreg:$0x0] =	wrdreg $0x0  }
0xa8: {  	s5 =	sshll.u32 s28, $0x1;
	[dreg:$0x2] =	wrdreg s3  }
0xa9: {  	[dreg:$0x3] =	wrdreg s5  }
0xaa: {  	[dreg:$0x4] =	wrdreg $0xC0  }
0xab: {  	_ =	task [dreg:s7], $0x5FFFF  }
0xac: {  	[dreg:$0x1] =	wrdreg $0xFFFFFFFF  }
0xad: {  	[dreg:$0x0] =	wrdreg $0x60  }
0xae: {  	[dreg:$0x2] =	wrdreg s2  }
0xaf: {  	[dreg:$0x3] =	wrdreg s24  }
0xb0: {  	[dreg:$0x4] =	wrdreg $0x0  }
0xb1: {  	[dreg:$0x5] =	wrdreg $0x9  }
0xb2: {  	_ =	task.clear_ibuf [dreg:s7], $0x6FFFF;
	_ =	strace $0x90000046  }
0xb3: {  	s29 =	simm.s32 $0x9;
	_ =	strace $0x80000048  }
0xb4: {  	_ =	swait.ge [sflag:s29], $0x1  }
0xb5: {  	[sflag:s29] =	ssyncadd.s32 $0xFFFFFFFF  }
0xb6: {  	_ =	strace $0x90000048  }
0xb7: {  	_ =	sfence  }
0xb8: {  	s30 =	sld [smem:$0x0];
	_ =	sdelay $0x2  }
0xb9: {  	s31 =	sshll.u32 s1, $0xD;
	s1 =	sshrl.u32 s1, $0x2  }
0xba: {  	s3 =	sand.u32 $0x4000, s31;
	s1 =	sadd.s32 s1, s30  }
0xbb: {  	s0 =	sor.u32 s3, s0;
	s1 =	sshll.u32 s1, $0x11  }
0xbc: {  	s0 =	sor.u32 s1, s0  }
0xbd: {  	s0 =	sadd.s32 $0x8F2B, s0  }
0xbe: {  	[sflag:s0] =	ssyncadd.remote.s32 $0x1  }
0xbf: {  	_ =	sfence.sel $0xFFFF  }
0xc0: {  	[dreg:$0x0] =	wrdreg $0xFFFFFFFF;
	(pc) =	sbr.abs _section_cstart, $3  }
0xc1: {  	[dreg:$0x1] =	wrdreg $0xFFFFFFFF  }
0xc2: {  	_ =	task.clear_ibuf [dreg:s7], $0x2FFFF;
	_ =	strace $0x9FFFFFFF  }
0xc3: {  	(tm) =	ssettm $0x7FFFFFFF  }
tec
execute0_lowered:
.L_overlay_start_1:
0x0: {  	(tag) =	ssettag $0x1  }
0x1: {  	s8 =	rddreg [dreg:$0x0]  }
0x2: {  	s6 =	rddreg [dreg:$0x1]  }
0x3: {  	s1 =	rddreg [dreg:$0x2]  }
0x4: {  	s0 =	rddreg [dreg:$0x3];
	s2 =	simm.s32 $0x0  }
0x5: {  	s4 =	srdreg.scid;
	s3 =	stileid.u32;
	s16 =	simm.s32 $0x16880  }
0x6: {  	s17 =	simm.s32 $0x1;
	s18 =	simm.s32 $0x2;
	s19 =	simm.s32 $0x0  }
0x7: {  	[smem:$0x7FF] =	sst s2;
	s9 =	sadd.s32 $0x8400, s6;
	s7 =	sand.u32 $0x1, s4  }
0x8: {  	s4 =	sadd.s32 $0xD400, s6;
	s11 =	smul.u32 $0x50000, s3;
	s5 =	sadd.s32 $0xFC00, s6  }
0x9: {  	s12 =	sadd.s32 $0x10400, s6;
	s14 =	sadd.s32 $0x38400, s6;
	s31 =	smul.u32 $0x500, s3  }
0xa: {  	s30 =	sshll.u32 s3, $0x6;
	s15 =	smul.u32 $0x2800, s3;
	_ =	strace $0x80000047  }
0xb: {  	s10 =	ssub.s32 $0x2, s7;
	s6 =	sor.u32 $0x1C03, s30;
	p0 =	seq.s32 s7, $0x0  }
0xc: {  	s13 =	sshrl.u32 s10, $0x1;
	s29 =	sshrl.u32 s11, $0x2;
	s9 =	smov.u32 @p0 s8  }
0xd: {  	s14 =	smov.u32 @p0 s12;
	s12 =	simm.s32 $0x16900;
	s10 =	ssub.s32 s10, s13  }
0xe: {  	s11 =	sadd.s32 s29, s1;
	s8 =	sadd.s32 s9, s31;
	s9 =	sadd.s32 s14, s15  }
0xf: {  	s13 =	simm.s32 $0x14000;
	s14 =	simm.s32 $0x80;
	s15 =	simm.s32 $0x16800  }
0x10: {  	s7 =	smax.u32 s10, $0x1;
	s10 =	sshrl.u32 s11, $0x3;
	s11 =	simm.s32 $0x3  }
.LBB2_1:
0x11: {  	[spmem:s10], [sflag:s6] =	dma.local [hbm:s4], $0x2800  }
0x12: {  	_ =	swait.ge [sflag:s11], $0x2800  }
0x13: {  	[sflag:s11] =	ssyncset.done $0x0  }
0x14: {  	[sflag:s11] =	ssyncadd.s32 $0xFFFFD800  }
0x15: {  	[tilespmem:s12], [sflag:$0x3] =	stream.linear.gather [hbm4b:s5+s2], $0x4000, $0x38;
	[tilespmem:$0x1A900] =	vst v63  }
0x16: {  	_ =	swait.ge [sflag:s11], $0x4000  }
0x17: {  	[sflag:s11] =	ssyncset.done $0x0  }
0x18: {  	[sflag:s11] =	ssyncadd.s32 $0xFFFFC000  }
0x19: {  	[tilespmem:s13], [sflag:$0x3] =	stream.linear.gather [hbm4b:s8+s2], $0x2800, $0x38;
	[tilespmem:$0x1A900] =	vst v63  }
0x1a: {  	_ =	swait.ge [sflag:s11], $0x2800  }
0x1b: {  	[sflag:s11] =	ssyncset.done $0x0  }
0x1c: {  	[sflag:s11] =	ssyncadd.s32 $0xFFFFD800  }
0x1d: {  	[bflag:$0x0] =	sbarrier.arrive $0xFFFF  }
0x1e: {  	v0 =	vld [tilespmem:$0x14000]  }
0x1f: {  	v1 =	vld [tilespmem:$0x14010]  }
0x20: {  	v2 =	vld [tilespmem:$0x14020]  }
0x21: {  	v3 =	vld [tilespmem:$0x14030]  }
0x22: {  	v4 =	vld [tilespmem:$0x14040]  }
0x23: {  	v51 =	vld [tilespmem:$0x14050];
	[tilespmem:$0x16800] =	vst v0  }
0x24: {  	v52 =	vld [tilespmem:$0x14060];
	[tilespmem:$0x16810] =	vst v1  }
0x25: {  	v53 =	vld [tilespmem:$0x14070];
	[tilespmem:$0x16820] =	vst v2  }
0x26: {  	[tilespmem:$0x16830] =	vst v3  }
0x27: {  	[tilespmem:$0x16840] =	vst v4  }
0x28: {  	[tilespmem:$0x16850] =	vst v51  }
0x29: {  	[tilespmem:$0x16860] =	vst v52  }
0x2a: {  	[tilespmem:$0x16870] =	vst v53  }
0x2b: {  	[spmem:s1] =	stream.indirect.scatter.add.f32 [tilespmem:s12], [sflag:$0x1], $0x80, s15, s14, $0xb8;
	[tilespmem:$0x1A900] =	vst v63  }
0x2c: {  	v54 =	vld [tilespmem:$0x14080]  }
0x2d: {  	v55 =	vld [tilespmem:$0x14090]  }
0x2e: {  	v56 =	vld [tilespmem:$0x140A0]  }
0x2f: {  	v57 =	vld [tilespmem:$0x140B0]  }
0x30: {  	v58 =	vld [tilespmem:$0x140C0]  }
0x31: {  	v59 =	vld [tilespmem:$0x140D0];
	[tilespmem:$0x16880] =	vst v54  }
0x32: {  	v60 =	vld [tilespmem:$0x140E0];
	[tilespmem:$0x16890] =	vst v55  }
0x33: {  	v61 =	vld [tilespmem:$0x140F0];
	[tilespmem:$0x168A0] =	vst v56  }
0x34: {  	[tilespmem:$0x168B0] =	vst v57  }
0x35: {  	[tilespmem:$0x168C0] =	vst v58  }
0x36: {  	[tilespmem:$0x168D0] =	vst v59  }
0x37: {  	[tilespmem:$0x168E0] =	vst v60  }
0x38: {  	[tilespmem:$0x168F0] =	vst v61  }
0x39: {  	[spmem:s1] =	stream.indirect.scatter.add.f32 [tilespmem:s12], [sflag:$0x2], $0x80, s16, s14, $0xb8;
	[tilespmem:$0x1A900] =	vst v63  }
0x3a: {  	_ =	swait.ge [sflag:s17], $0x4000  }
0x3b: {  	[sflag:s17] =	ssyncset.done $0x0  }
0x3c: {  	s20 =	simm.s32 $0x1F0;
	[sflag:s17] =	ssyncadd.s32 $0xFFFFC000  }
0x3d: {  	v62 =	vld [tilespmem:s20+$0x13F10];
	_ =	sdelay $0x4  }
0x3e: {  	[tilespmem:$0x16800] =	vst v62  }
0x3f: {  	v0 =	vld [tilespmem:s20+$0x13F20];
	_ =	sdelay $0x4  }
0x40: {  	[tilespmem:$0x16810] =	vst v0  }
0x41: {  	v0 =	vld [tilespmem:s20+$0x13F30];
	_ =	sdelay $0x4  }
0x42: {  	[tilespmem:$0x16820] =	vst v0  }
0x43: {  	v0 =	vld [tilespmem:s20+$0x13F40];
	_ =	sdelay $0x4  }
0x44: {  	[tilespmem:$0x16830] =	vst v0  }
0x45: {  	v0 =	vld [tilespmem:s20+$0x13F50];
	_ =	sdelay $0x4  }
0x46: {  	[tilespmem:$0x16840] =	vst v0  }
0x47: {  	v0 =	vld [tilespmem:s20+$0x13F60];
	_ =	sdelay $0x4  }
0x48: {  	[tilespmem:$0x16850] =	vst v0  }
0x49: {  	v0 =	vld [tilespmem:s20+$0x13F70];
	_ =	sdelay $0x4  }
0x4a: {  	[tilespmem:$0x16860] =	vst v0  }
0x4b: {  	v0 =	vld [tilespmem:s20+$0x13F80];
	_ =	sdelay $0x4  }
0x4c: {  	[tilespmem:$0x16870] =	vst v0  }
0x4d: {  	[spmem:s1] =	stream.indirect.scatter.add.f32 [tilespmem:s12], [sflag:$0x1], $0x80, s15, s14, $0xb8;
	[tilespmem:$0x1A900] =	vst v63  }
0x4e: {  	_ =	swait.ge [sflag:s18], $0x4000  }
0x4f: {  	[sflag:s18] =	ssyncset.done $0x0  }
0x50: {  	[sflag:s18] =	ssyncadd.s32 $0xFFFFC000  }
0x51: {  	v63 =	vld [tilespmem:s20+$0x13F90];
	_ =	sdelay $0x4  }
0x52: {  	[tilespmem:$0x16880] =	vst v63  }
0x53: {  	v0 =	vld [tilespmem:s20+$0x13FA0];
	_ =	sdelay $0x4  }
0x54: {  	[tilespmem:$0x16890] =	vst v0  }
0x55: {  	v0 =	vld [tilespmem:s20+$0x13FB0];
	_ =	sdelay $0x4  }
0x56: {  	[tilespmem:$0x168A0] =	vst v0  }
0x57: {  	v0 =	vld [tilespmem:s20+$0x13FC0];
	_ =	sdelay $0x4  }
0x58: {  	[tilespmem:$0x168B0] =	vst v0  }
0x59: {  	v0 =	vld [tilespmem:s20+$0x13FD0];
	_ =	sdelay $0x4  }
0x5a: {  	[tilespmem:$0x168C0] =	vst v0  }
0x5b: {  	v0 =	vld [tilespmem:s20+$0x13FE0];
	_ =	sdelay $0x4  }
0x5c: {  	[tilespmem:$0x168D0] =	vst v0  }
0x5d: {  	v0 =	vld [tilespmem:s20+$0x13FF0];
	_ =	sdelay $0x4  }
0x5e: {  	[tilespmem:$0x168E0] =	vst v0  }
0x5f: {  	v0 =	vld [tilespmem:s20+$0x14000];
	_ =	sdelay $0x4  }
0x60: {  	s20 =	simm.s32 $0xBC0;
	[tilespmem:$0x168F0] =	vst v0  }
.LBB2_2:
0x61: {  	[spmem:s1] =	stream.indirect.scatter.add.f32 [tilespmem:s12], [sflag:$0x2], $0x80, s16, s14, $0xb8;
	[tilespmem:$0x1A900] =	vst v63  }
0x62: {  	s21 =	smov.u32 s20  }
0x63: {  	p0 =	sne.s32 s20, $0x9FC0;
	s20 =	sadd.s32 $0x400, s20;
	_ =	swait.ge [sflag:s17], $0x4000  }
0x64: {  	[sflag:s17] =	ssyncset.done $0x0  }
0x65: {  	s21 =	sshra.s32 s21, $0x2;
	[sflag:s17] =	ssyncadd.s32 $0xFFFFC000  }
0x66: {  	v0 =	vld [tilespmem:s21+$0x13F10];
	_ =	sdelay $0x4  }
0x67: {  	[tilespmem:$0x16800] =	vst v0  }
0x68: {  	v0 =	vld [tilespmem:s21+$0x13F20];
	_ =	sdelay $0x4  }
0x69: {  	[tilespmem:$0x16810] =	vst v0  }
0x6a: {  	v0 =	vld [tilespmem:s21+$0x13F30];
	_ =	sdelay $0x4  }
0x6b: {  	[tilespmem:$0x16820] =	vst v0  }
0x6c: {  	v0 =	vld [tilespmem:s21+$0x13F40];
	_ =	sdelay $0x4  }
0x6d: {  	[tilespmem:$0x16830] =	vst v0  }
0x6e: {  	v0 =	vld [tilespmem:s21+$0x13F50];
	_ =	sdelay $0x4  }
0x6f: {  	[tilespmem:$0x16840] =	vst v0  }
0x70: {  	v0 =	vld [tilespmem:s21+$0x13F60];
	_ =	sdelay $0x4  }
0x71: {  	[tilespmem:$0x16850] =	vst v0  }
0x72: {  	v0 =	vld [tilespmem:s21+$0x13F70];
	_ =	sdelay $0x4  }
0x73: {  	[tilespmem:$0x16860] =	vst v0  }
0x74: {  	v0 =	vld [tilespmem:s21+$0x13F80];
	_ =	sdelay $0x4  }
0x75: {  	[tilespmem:$0x16870] =	vst v0  }
0x76: {  	[spmem:s1] =	stream.indirect.scatter.add.f32 [tilespmem:s12], [sflag:$0x1], $0x80, s15, s14, $0xb8;
	[tilespmem:$0x1A900] =	vst v63  }
0x77: {  	_ =	swait.ge [sflag:s18], $0x4000  }
0x78: {  	[sflag:s18] =	ssyncset.done $0x0  }
0x79: {  	[sflag:s18] =	ssyncadd.s32 $0xFFFFC000  }
0x7a: {  	v0 =	vld [tilespmem:s21+$0x13F90];
	_ =	sdelay $0x4  }
0x7b: {  	[tilespmem:$0x16880] =	vst v0  }
0x7c: {  	v0 =	vld [tilespmem:s21+$0x13FA0];
	_ =	sdelay $0x4  }
0x7d: {  	[tilespmem:$0x16890] =	vst v0  }
0x7e: {  	v0 =	vld [tilespmem:s21+$0x13FB0];
	_ =	sdelay $0x4  }
0x7f: {  	[tilespmem:$0x168A0] =	vst v0  }
0x80: {  	v0 =	vld [tilespmem:s21+$0x13FC0];
	_ =	sdelay $0x4  }
0x81: {  	[tilespmem:$0x168B0] =	vst v0  }
0x82: {  	v0 =	vld [tilespmem:s21+$0x13FD0];
	_ =	sdelay $0x4  }
0x83: {  	[tilespmem:$0x168C0] =	vst v0  }
0x84: {  	v0 =	vld [tilespmem:s21+$0x13FE0];
	_ =	sdelay $0x4  }
0x85: {  	[tilespmem:$0x168D0] =	vst v0  }
0x86: {  	v0 =	vld [tilespmem:s21+$0x13FF0];
	_ =	sdelay $0x4  }
0x87: {  	[tilespmem:$0x168E0] =	vst v0  }
0x88: {  	v0 =	vld [tilespmem:s21+$0x14000]  }
.Ltmp0:
0x89: {  	(pc) =	sbr.rel @p0 .LBB2_2-.Ltmp0, $2  }
0x8a: {  	_ =	sdelay $0x2  }
0x8b: {  	[tilespmem:$0x168F0] =	vst v0  }
0x8c: {  	[spmem:s1] =	stream.indirect.scatter.add.f32 [tilespmem:s12], [sflag:$0x2], $0x80, s16, s14, $0xb8;
	[tilespmem:$0x1A900] =	vst v63  }
0x8d: {  	_ =	swait.ge [sflag:s17], $0x4000  }
0x8e: {  	[sflag:s17] =	ssyncset.done $0x0  }
0x8f: {  	[sflag:s17] =	ssyncadd.s32 $0xFFFFC000  }
0x90: {  	_ =	swait.ge [sflag:s18], $0x4000  }
0x91: {  	s19 =	sadd.s32 $0x1, s19;
	[sflag:s18] =	ssyncset.done $0x0  }
0x92: {  	p0 =	sne.s32 s19, s7;
	[sflag:s18] =	ssyncadd.s32 $0xFFFFC000  }
.Ltmp1:
0x93: {  	[bflag:$0x0] =	sbarrier.arrive $0xFFFF;
	(pc) =	sbr.rel @p0 .LBB2_1-.Ltmp1, $4  }
0x94: {  	[hbm:s9], [sflag:s6] =	dma.local [spmem:s10], $0x2800  }
0x95: {  	_ =	swait.ge [sflag:s11], $0x2800  }
0x96: {  	[sflag:s11] =	ssyncset.done $0x0  }
0x97: {  	[sflag:s11] =	ssyncadd.s32 $0xFFFFD800  }
0x98: {  	_ =	sfence.sel $0x180000  }
0x99: {  	[bflag:$0x0] =	sbarrier.arrive $0xFFFF  }
0x9a: {  	p0 =	sne.s32 s3, $0x0;
	_ =	strace $0x90000047  }
0x9b: {  	s0 =	sadd.s32 @!p0 $0x100000, s0;
	[bflag:$0x2] =	sbarrier.arrive $0xFFFF  }
0x9c: {  	[sflag:s0] =	ssyncadd.tile.s32 @!p0 $0x1;
	_ =	shalt  }
.Lfunc_end2:
_tile_overlayer_lowered:
.L_overlay_start_2:
0x9d: {  	(tag) =	ssettag $0x2  }
0x9e: {  	s0 =	rddreg [dreg:$0x0];
	s2 =	stileid.u32  }
0x9f: {  	s1 =	rddreg [dreg:$0x1];
	p0 =	sne.s32 s2, $0x0  }
0xa0: {  	s3 =	rddreg [dreg:$0x2];
	[bflag:$0x3] =	sbarrier.arrive $0xFFFF;
	s2 =	simm.s32 @!p0 $0x1C03  }
0xa1: {  	[timem:s3], [sflag:s2] =	dma.local @!p0 [hbm:s0], s1  }
0xa2: {  	s0 =	simm.s32 @!p0 $0x3  }
0xa3: {  	_ =	swait.ge @!p0 [sflag:s0], s1  }
0xa4: {  	s1 =	ssub.s32 @!p0 $0x0, s1;
	[sflag:s0] =	ssyncset.done @!p0 $0x0  }
0xa5: {  	[sflag:s0] =	ssyncadd.s32 @!p0 s1  }
0xa6: {  	[bflag:$0x3] =	sbarrier.arrive $0xFFFF  }
0xa7: {  	_ =	shalt  }

</sc_bundles>
